<compile_context>
chip_gen: v7x
topology: tpu7x:2x2x1
jax: 0.10.2.dev20260603
libtpu: 0.0.44.dev20260713+nightly
codegen_flags: <defaults>
</compile_context>

<pallas_src>
import functools

import jax
import jax.numpy as jnp
from jax import lax
from jax.experimental import pallas as pl
from jax.experimental.pallas import tpu as pltpu
from jax.experimental.pallas import tpu_sc as plsc

N = 10000
D = 128
NC = 2
NS = 16
NW = NC * NS
K = 128
G = 8
RPAD = 10112
DUMMY = N

def _mesh():
    return plsc.VectorSubcoreMesh(core_axis_name="c", subcore_axis_name="s")


def _agg_body(ng, want_cnt, *refs):
    if want_cnt:
        (feat, srcw, dstw, zrows, zcnt1, ones_hbm, out_acc, out_c0, out_c1,
         sb0, db0, sb1, db1, ra, rb, ones_v, bounce,
         sga, sgb, sst, sd, acc, cnt1) = refs
    else:
        (feat, srcw, dstw, zrows, out_acc,
         sb0, db0, sb1, db1, ra, rb, sga, sgb, sst, acc) = refs
    c = lax.axis_index("c")
    s = lax.axis_index("s")
    wid = c * NS + s

    zn = RPAD // NS
    z0 = s * zn
    pltpu.sync_copy(zrows, ra)
    for piece in range(4):
        pltpu.sync_copy(ra, acc.at[pl.ds(z0 + piece * K, K)])
    pltpu.sync_copy(ra.at[pl.ds(0, zn - 4 * K)],
                    acc.at[pl.ds(z0 + 4 * K, zn - 4 * K)])
    if want_cnt:
        pltpu.sync_copy(zcnt1, bounce)
        pltpu.sync_copy(bounce, cnt1.at[pl.ds(z0, zn)])
        pltpu.sync_copy(ones_hbm, ones_v)

    pltpu.sync_copy(srcw.at[wid, 0], sb0)
    pltpu.sync_copy(dstw.at[wid, 0], db0)
    plsc.subcore_barrier()
    pltpu.async_copy(feat.at[sb0.at[0]], ra, sga)

    def run_group(gp, sb, db, sb_nxt, db_nxt, second):
        for j in range(G):
            buf, sem = (ra, sga) if j % 2 == 0 else (rb, sgb)
            obuf, osem = (rb, sgb) if j % 2 == 0 else (ra, sga)
            if j < G - 1:
                pltpu.async_copy(feat.at[sb.at[j + 1]], obuf, osem)
            elif not second:
                pltpu.make_async_copy(srcw.at[wid, 0], sb_nxt, sst).wait()
                pltpu.make_async_copy(dstw.at[wid, 0], db_nxt, sst).wait()
                pltpu.async_copy(feat.at[sb_nxt.at[0]], obuf, osem)
            else:

                @pl.when(gp < ng // 2 - 1)
                def _():
                    pltpu.make_async_copy(srcw.at[wid, 0], sb_nxt, sst).wait()
                    pltpu.make_async_copy(dstw.at[wid, 0], db_nxt, sst).wait()
                    pltpu.async_copy(feat.at[sb_nxt.at[0]], obuf, osem)

            if want_cnt:
                pltpu.async_copy(ones_v, cnt1.at[db.at[j]], sd, add=True)
            pltpu.make_async_copy(feat.at[sb.at[j]], buf, sem).wait()
            pltpu.sync_copy(buf, acc.at[db.at[j]], add=True)
        if want_cnt:
            for j in range(G):
                pltpu.make_async_copy(ones_v, cnt1.at[db.at[j]], sd).wait()

    def pair(gp, carry):
        g0 = 2 * gp
        pltpu.async_copy(srcw.at[wid, g0 + 1], sb1, sst)
        pltpu.async_copy(dstw.at[wid, g0 + 1], db1, sst)
        run_group(gp, sb0, db0, sb1, db1, second=False)

        @pl.when(gp < ng // 2 - 1)
        def _():
            pltpu.async_copy(srcw.at[wid, g0 + 2], sb0, sst)
            pltpu.async_copy(dstw.at[wid, g0 + 2], db0, sst)

        run_group(gp, sb1, db1, sb0, db0, second=True)
        return carry

    lax.fori_loop(0, ng // 2, pair, 0)
    plsc.subcore_barrier()

    rn = RPAD // NS
    r0 = s * rn
    pltpu.sync_copy(acc.at[pl.ds(r0, rn)], out_acc.at[c, pl.ds(r0, rn)])
    if want_cnt:
        pltpu.sync_copy(cnt1.at[pl.ds(r0, rn)], bounce)

        @pl.when(c == 0)
        def _():
            pltpu.sync_copy(bounce, out_c0.at[pl.ds(r0, rn)])

        @pl.when(c == 1)
        def _():
            pltpu.sync_copy(bounce, out_c1.at[pl.ds(r0, rn)])


_agg_cache = {}


def _make_agg(ng, want_cnt):
    key = (ng, want_cnt)
    if key in _agg_cache:
        return _agg_cache[key]
    outs = jax.ShapeDtypeStruct((NC, RPAD, D), jnp.float32)
    scratch = [
        pltpu.VMEM((G, K), jnp.int32),
        pltpu.VMEM((G, K), jnp.int32),
        pltpu.VMEM((G, K), jnp.int32),
        pltpu.VMEM((G, K), jnp.int32),
        pltpu.VMEM((K, D), jnp.float32),
        pltpu.VMEM((K, D), jnp.float32),
    ]
    if want_cnt:
        outs = (outs,
                jax.ShapeDtypeStruct((RPAD,), jnp.float32),
                jax.ShapeDtypeStruct((RPAD,), jnp.float32))
        scratch += [
            pltpu.VMEM((K,), jnp.float32),
            pltpu.VMEM((RPAD // NS,), jnp.float32),
        ]
    scratch += [
        pltpu.SemaphoreType.DMA,
        pltpu.SemaphoreType.DMA,
        pltpu.SemaphoreType.DMA,
    ]
    if want_cnt:
        scratch.append(pltpu.SemaphoreType.DMA)
    scratch.append(pltpu.VMEM_SHARED((RPAD, D), jnp.float32))
    if want_cnt:
        scratch.append(pltpu.VMEM_SHARED((RPAD,), jnp.float32))
    _agg_cache[key] = pl.kernel(
        functools.partial(_agg_body, ng, want_cnt),
        out_type=outs,
        mesh=_mesh(),
        scratch_types=scratch,
    )
    return _agg_cache[key]


def _dense_body(relu, a0, a1, c_ref, x_ref, wl, bl, wr, o_ref):
    agg = a0[0] + a1[0]
    cnt = c_ref[...]
    mean = agg / jnp.maximum(cnt, 1.0)
    acc = lax.dot_general(mean, wl[...], (((1,), (1,)), ((), ())),
                          precision=lax.Precision.HIGHEST)
    acc += lax.dot_general(x_ref[...], wr[...], (((1,), (1,)), ((), ())),
                           precision=lax.Precision.HIGHEST)
    acc += bl[...]
    o_ref[...] = jnp.maximum(acc, 0.0) if relu else acc


def _dense_layer(aggp, cntp, x, wl, bl, wr, relu):
    bm = 2000
    grid = (N // bm,)
    return pl.pallas_call(
        functools.partial(_dense_body, relu),
        grid=grid,
        in_specs=[
            pl.BlockSpec((1, bm, D), lambda i: (0, i, 0)),
            pl.BlockSpec((1, bm, D), lambda i: (1, i, 0)),
            pl.BlockSpec((bm, 1), lambda i: (i, 0)),
            pl.BlockSpec((bm, D), lambda i: (i, 0)),
            pl.BlockSpec((D, D), lambda i: (0, 0)),
            pl.BlockSpec((1, D), lambda i: (0, 0)),
            pl.BlockSpec((D, D), lambda i: (0, 0)),
        ],
        out_specs=pl.BlockSpec((bm, D), lambda i: (i, 0)),
        out_shape=jax.ShapeDtypeStruct((N, D), jnp.float32),
    )(aggp, aggp, cntp, x, wl, bl.reshape(1, D), wr)


def kernel(x, edge_index, Wl1, bl1, Wr1, Wl2, bl2, Wr2):
    e = edge_index.shape[1]
    ei = edge_index.astype(jnp.int32)
    nchunks = -(-e // (NW * K))
    nchunks = -(-nchunks // (2 * G)) * (2 * G)
    ng = nchunks // G
    epad = NW * nchunks * K
    npd = epad - e
    padsrc = jnp.arange(npd, dtype=jnp.int32) % N
    paddst = DUMMY + jnp.arange(npd, dtype=jnp.int32) % (RPAD - N)
    eiw = jnp.concatenate([ei, jnp.stack([padsrc, paddst])],
                          axis=1).reshape(2, NW, ng, G, K)
    srcw = eiw[0]
    dstw = eiw[1]

    zrows = jnp.zeros((K, D), jnp.float32)
    zcnt1 = jnp.zeros((RPAD // NS,), jnp.float32)
    ones = jnp.ones((K,), jnp.float32)

    aggp1, cnt0, cnt1 = _make_agg(ng, True)(x, srcw, dstw, zrows, zcnt1, ones)
    cntp = (cnt0 + cnt1).reshape(RPAD, 1)
    h = _dense_layer(aggp1, cntp, x, Wl1, bl1, Wr1, relu=True)
    aggp2 = _make_agg(ng, False)(h, srcw, dstw, zrows)
    out = _dense_layer(aggp2, cntp, h, Wl2, bl2, Wr2, relu=False)
    return out

# --- scband reference (transcript-rebuilt; emitter-appended) ---
"""Pipeline reference for scband-sageencoder-64854006170164 (READ-ONLY COPY).

The authoritative reference and input builder live on the scoring server;
editing this copy changes nothing except your own understanding.
"""

import jax, jax.numpy as jnp
import numpy as np

N_NODES = 10000
N_EDGES = 320000
D_IN = 128
D_HID = 128
D_OUT = 128


def setup_inputs(seed: int = 0) -> dict:
    key = jax.random.key(seed)
    ks = jax.random.split(key, 8)
    x = jax.random.normal(ks[0], (N_NODES, D_IN), dtype=jnp.float32)
    edge_index = jax.random.randint(ks[1], (2, N_EDGES), 0, N_NODES, dtype=jnp.int64)
    # SAGEConv params: lin_l acts on aggregated neighbor features (with bias),
    # lin_r acts on root features (no bias), matching torch_geometric defaults.
    s1 = 1.0 / np.sqrt(D_IN)
    s2 = 1.0 / np.sqrt(D_HID)
    Wl1 = jax.random.uniform(ks[2], (D_HID, D_IN), minval=-s1, maxval=s1, dtype=jnp.float32)
    bl1 = jnp.zeros((D_HID,), dtype=jnp.float32)
    Wr1 = jax.random.uniform(ks[3], (D_HID, D_IN), minval=-s1, maxval=s1, dtype=jnp.float32)
    Wl2 = jax.random.uniform(ks[4], (D_OUT, D_HID), minval=-s2, maxval=s2, dtype=jnp.float32)
    bl2 = jnp.zeros((D_OUT,), dtype=jnp.float32)
    Wr2 = jax.random.uniform(ks[5], (D_OUT, D_HID), minval=-s2, maxval=s2, dtype=jnp.float32)
    return {"x": x, "edge_index": edge_index, "Wl1": Wl1, "bl1": bl1, "Wr1": Wr1,
            "Wl2": Wl2, "bl2": bl2, "Wr2": Wr2}


def _sage_conv(x, edge_index, Wl, bl, Wr):
    src = edge_index[0]
    dst = edge_index[1]
    msgs = jnp.take(x, src, axis=0)                       # gather [E, d]
    agg = jax.ops.segment_sum(msgs, dst, num_segments=x.shape[0])  # scatter-add
    ones = jnp.ones((edge_index.shape[1],), dtype=x.dtype)
    cnt = jax.ops.segment_sum(ones, dst, num_segments=x.shape[0])
    mean = agg / jnp.clip(cnt, 1.0, None)[:, None]        # mean aggregation
    return mean @ Wl.T + bl + x @ Wr.T


def reference(x, edge_index, Wl1, bl1, Wr1, Wl2, bl2, Wr2):
    h = _sage_conv(x, edge_index, Wl1, bl1, Wr1)
    h = jax.nn.relu(h)
    out = _sage_conv(h, edge_index, Wl2, bl2, Wr2)
    return out

if __name__ == "__main__":
    import jax
    _d = setup_inputs()
    print(jax.jit(kernel)(*tuple(_d.values())))

</pallas_src>

<mosaic_0001>
#map = affine_map<(d0, d1) -> (0, 0)>
#map1 = affine_map<(d0, d1) -> (0, 0, 0, 0)>
#map2 = affine_map<(d0, d1) -> (0, 0, 0)>
module attributes {stable_mosaic.version = 14 : i64} {
  func.func @_agg_body(%arg0: i32, %arg1: i32, %arg2: memref<10000x128xf32, #tpu.memory_space<hbm>>, %arg3: memref<32x10x8x128xi32, #tpu.memory_space<hbm>>, %arg4: memref<32x10x8x128xi32, #tpu.memory_space<hbm>>, %arg5: memref<128x128xf32, #tpu.memory_space<hbm>>, %arg6: memref<2x10112x128xf32, #tpu.memory_space<hbm>>, %arg7: memref<8x128xi32, #tpu.memory_space<vmem>>, %arg8: memref<8x128xi32, #tpu.memory_space<vmem>>, %arg9: memref<8x128xi32, #tpu.memory_space<vmem>>, %arg10: memref<8x128xi32, #tpu.memory_space<vmem>>, %arg11: memref<128x128xf32, #tpu.memory_space<vmem>>, %arg12: memref<128x128xf32, #tpu.memory_space<vmem>>, %arg13: memref<!tpu.dma_semaphore, #tpu.memory_space<semaphore_mem>>, %arg14: memref<!tpu.dma_semaphore, #tpu.memory_space<semaphore_mem>>, %arg15: memref<!tpu.dma_semaphore, #tpu.memory_space<semaphore_mem>>, %arg16: memref<10112x128xf32, #tpu.memory_space<vmem_shared>>) attributes {dimension_semantics = [#tpu.dimension_semantics<core_parallel>, #tpu.dimension_semantics<subcore_parallel>], iteration_bounds = array<i64: 2, 16>, scalar_prefetch = 0 : i64, scratch_operands = 10 : i64, tpu.core_type = #tpu.core_type<sc_vector_subcore>, window_params = [{transform_indices = #map}, {transform_indices = #map1}, {transform_indices = #map1}, {transform_indices = #map}, {transform_indices = #map2}]} {
    %mul3A = arith.constant 16 : i32
    %mul3A_0 = arith.muli %arg0, %mul3A : i32
    %add3A = arith.addi %mul3A_0, %arg1 : i32
    %mul3A_1 = arith.constant 632 : i32
    %mul3A_2 = arith.muli %arg1, %mul3A_1 : i32
    "tpu.region"() ({
      %run_scoped3A_28 = tpu.sem_alloc : memref<!tpu.dma_semaphore, #tpu.memory_space<semaphore_mem>>
      tpu.enqueue_dma source(%arg5 : memref<128x128xf32, #tpu.memory_space<hbm>>) target(%arg11 : memref<128x128xf32, #tpu.memory_space<vmem>>) target_semaphore(%run_scoped3A_28 : memref<!tpu.dma_semaphore, #tpu.memory_space<semaphore_mem>>)
      tpu.wait_dma2 semaphore(%run_scoped3A_28 : memref<!tpu.dma_semaphore, #tpu.memory_space<semaphore_mem>>) src(%arg5 : memref<128x128xf32, #tpu.memory_space<hbm>>) dst(%arg11 : memref<128x128xf32, #tpu.memory_space<vmem>>)
      tpu.yield
    }) : () -> ()
    %add3A_3 = arith.constant 0 : i32
    %add3A_4 = arith.addi %mul3A_2, %add3A_3 : i32
    "tpu.region"() ({
      %run_scoped3A_28 = tpu.sem_alloc : memref<!tpu.dma_semaphore, #tpu.memory_space<semaphore_mem>>
      %dma_start3A_29 = arith.constant 0 : i32
      %dma_start3A_30 = tpu.memref_slice %arg16[%add3A_4, %dma_start3A_29] : memref<10112x128xf32, #tpu.memory_space<vmem_shared>> -> memref<128x128xf32, #tpu.memory_space<vmem_shared>>
      %dma_start3A_31 = arith.constant 0 : i32
      %dma_start3A_32 = tpu.memref_slice %arg16[%add3A_4, %dma_start3A_31] : memref<10112x128xf32, #tpu.memory_space<vmem_shared>> -> memref<128x128xf32, #tpu.memory_space<vmem_shared>>
      tpu.enqueue_dma source(%arg11 : memref<128x128xf32, #tpu.memory_space<vmem>>) target(%dma_start3A_32 : memref<128x128xf32, #tpu.memory_space<vmem_shared>>) target_semaphore(%run_scoped3A_28 : memref<!tpu.dma_semaphore, #tpu.memory_space<semaphore_mem>>)
      %dma_wait3A = arith.constant 0 : i32
      %dma_wait3A_33 = tpu.memref_slice %arg16[%add3A_4, %dma_wait3A] : memref<10112x128xf32, #tpu.memory_space<vmem_shared>> -> memref<128x128xf32, #tpu.memory_space<vmem_shared>>
      %dma_wait3A_34 = arith.constant 0 : i32
      %dma_wait3A_35 = tpu.memref_slice %arg16[%add3A_4, %dma_wait3A_34] : memref<10112x128xf32, #tpu.memory_space<vmem_shared>> -> memref<128x128xf32, #tpu.memory_space<vmem_shared>>
      tpu.wait_dma2 semaphore(%run_scoped3A_28 : memref<!tpu.dma_semaphore, #tpu.memory_space<semaphore_mem>>) src(%arg11 : memref<128x128xf32, #tpu.memory_space<vmem>>) dst(%dma_wait3A_35 : memref<128x128xf32, #tpu.memory_space<vmem_shared>>)
      tpu.yield
    }) : () -> ()
    %add3A_5 = arith.constant 128 : i32
    %add3A_6 = arith.addi %mul3A_2, %add3A_5 : i32
    "tpu.region"() ({
      %run_scoped3A_28 = tpu.sem_alloc : memref<!tpu.dma_semaphore, #tpu.memory_space<semaphore_mem>>
      %dma_start3A_29 = arith.constant 0 : i32
      %dma_start3A_30 = tpu.memref_slice %arg16[%add3A_6, %dma_start3A_29] : memref<10112x128xf32, #tpu.memory_space<vmem_shared>> -> memref<128x128xf32, #tpu.memory_space<vmem_shared>>
      %dma_start3A_31 = arith.constant 0 : i32
      %dma_start3A_32 = tpu.memref_slice %arg16[%add3A_6, %dma_start3A_31] : memref<10112x128xf32, #tpu.memory_space<vmem_shared>> -> memref<128x128xf32, #tpu.memory_space<vmem_shared>>
      tpu.enqueue_dma source(%arg11 : memref<128x128xf32, #tpu.memory_space<vmem>>) target(%dma_start3A_32 : memref<128x128xf32, #tpu.memory_space<vmem_shared>>) target_semaphore(%run_scoped3A_28 : memref<!tpu.dma_semaphore, #tpu.memory_space<semaphore_mem>>)
      %dma_wait3A = arith.constant 0 : i32
      %dma_wait3A_33 = tpu.memref_slice %arg16[%add3A_6, %dma_wait3A] : memref<10112x128xf32, #tpu.memory_space<vmem_shared>> -> memref<128x128xf32, #tpu.memory_space<vmem_shared>>
      %dma_wait3A_34 = arith.constant 0 : i32
      %dma_wait3A_35 = tpu.memref_slice %arg16[%add3A_6, %dma_wait3A_34] : memref<10112x128xf32, #tpu.memory_space<vmem_shared>> -> memref<128x128xf32, #tpu.memory_space<vmem_shared>>
      tpu.wait_dma2 semaphore(%run_scoped3A_28 : memref<!tpu.dma_semaphore, #tpu.memory_space<semaphore_mem>>) src(%arg11 : memref<128x128xf32, #tpu.memory_space<vmem>>) dst(%dma_wait3A_35 : memref<128x128xf32, #tpu.memory_space<vmem_shared>>)
      tpu.yield
    }) : () -> ()
    %add3A_7 = arith.constant 256 : i32
    %add3A_8 = arith.addi %mul3A_2, %add3A_7 : i32
    "tpu.region"() ({
      %run_scoped3A_28 = tpu.sem_alloc : memref<!tpu.dma_semaphore, #tpu.memory_space<semaphore_mem>>
      %dma_start3A_29 = arith.constant 0 : i32
      %dma_start3A_30 = tpu.memref_slice %arg16[%add3A_8, %dma_start3A_29] : memref<10112x128xf32, #tpu.memory_space<vmem_shared>> -> memref<128x128xf32, #tpu.memory_space<vmem_shared>>
      %dma_start3A_31 = arith.constant 0 : i32
      %dma_start3A_32 = tpu.memref_slice %arg16[%add3A_8, %dma_start3A_31] : memref<10112x128xf32, #tpu.memory_space<vmem_shared>> -> memref<128x128xf32, #tpu.memory_space<vmem_shared>>
      tpu.enqueue_dma source(%arg11 : memref<128x128xf32, #tpu.memory_space<vmem>>) target(%dma_start3A_32 : memref<128x128xf32, #tpu.memory_space<vmem_shared>>) target_semaphore(%run_scoped3A_28 : memref<!tpu.dma_semaphore, #tpu.memory_space<semaphore_mem>>)
      %dma_wait3A = arith.constant 0 : i32
      %dma_wait3A_33 = tpu.memref_slice %arg16[%add3A_8, %dma_wait3A] : memref<10112x128xf32, #tpu.memory_space<vmem_shared>> -> memref<128x128xf32, #tpu.memory_space<vmem_shared>>
      %dma_wait3A_34 = arith.constant 0 : i32
      %dma_wait3A_35 = tpu.memref_slice %arg16[%add3A_8, %dma_wait3A_34] : memref<10112x128xf32, #tpu.memory_space<vmem_shared>> -> memref<128x128xf32, #tpu.memory_space<vmem_shared>>
      tpu.wait_dma2 semaphore(%run_scoped3A_28 : memref<!tpu.dma_semaphore, #tpu.memory_space<semaphore_mem>>) src(%arg11 : memref<128x128xf32, #tpu.memory_space<vmem>>) dst(%dma_wait3A_35 : memref<128x128xf32, #tpu.memory_space<vmem_shared>>)
      tpu.yield
    }) : () -> ()
    %add3A_9 = arith.constant 384 : i32
    %add3A_10 = arith.addi %mul3A_2, %add3A_9 : i32
    "tpu.region"() ({
      %run_scoped3A_28 = tpu.sem_alloc : memref<!tpu.dma_semaphore, #tpu.memory_space<semaphore_mem>>
      %dma_start3A_29 = arith.constant 0 : i32
      %dma_start3A_30 = tpu.memref_slice %arg16[%add3A_10, %dma_start3A_29] : memref<10112x128xf32, #tpu.memory_space<vmem_shared>> -> memref<128x128xf32, #tpu.memory_space<vmem_shared>>
      %dma_start3A_31 = arith.constant 0 : i32
      %dma_start3A_32 = tpu.memref_slice %arg16[%add3A_10, %dma_start3A_31] : memref<10112x128xf32, #tpu.memory_space<vmem_shared>> -> memref<128x128xf32, #tpu.memory_space<vmem_shared>>
      tpu.enqueue_dma source(%arg11 : memref<128x128xf32, #tpu.memory_space<vmem>>) target(%dma_start3A_32 : memref<128x128xf32, #tpu.memory_space<vmem_shared>>) target_semaphore(%run_scoped3A_28 : memref<!tpu.dma_semaphore, #tpu.memory_space<semaphore_mem>>)
      %dma_wait3A = arith.constant 0 : i32
      %dma_wait3A_33 = tpu.memref_slice %arg16[%add3A_10, %dma_wait3A] : memref<10112x128xf32, #tpu.memory_space<vmem_shared>> -> memref<128x128xf32, #tpu.memory_space<vmem_shared>>
      %dma_wait3A_34 = arith.constant 0 : i32
      %dma_wait3A_35 = tpu.memref_slice %arg16[%add3A_10, %dma_wait3A_34] : memref<10112x128xf32, #tpu.memory_space<vmem_shared>> -> memref<128x128xf32, #tpu.memory_space<vmem_shared>>
      tpu.wait_dma2 semaphore(%run_scoped3A_28 : memref<!tpu.dma_semaphore, #tpu.memory_space<semaphore_mem>>) src(%arg11 : memref<128x128xf32, #tpu.memory_space<vmem>>) dst(%dma_wait3A_35 : memref<128x128xf32, #tpu.memory_space<vmem_shared>>)
      tpu.yield
    }) : () -> ()
    %add3A_11 = arith.constant 512 : i32
    %add3A_12 = arith.addi %mul3A_2, %add3A_11 : i32
    "tpu.region"() ({
      %run_scoped3A_28 = tpu.sem_alloc : memref<!tpu.dma_semaphore, #tpu.memory_space<semaphore_mem>>
      %dma_start3A_29 = arith.constant 0 : i32
      %dma_start3A_30 = arith.constant 0 : i32
      %dma_start3A_31 = tpu.memref_slice %arg11[%dma_start3A_29, %dma_start3A_30] : memref<128x128xf32, #tpu.memory_space<vmem>> -> memref<120x128xf32, #tpu.memory_space<vmem>>
      %dma_start3A_32 = arith.constant 0 : i32
      %dma_start3A_33 = tpu.memref_slice %arg16[%add3A_12, %dma_start3A_32] : memref<10112x128xf32, #tpu.memory_space<vmem_shared>> -> memref<120x128xf32, #tpu.memory_space<vmem_shared>>
      %dma_start3A_34 = arith.constant 0 : i32
      %dma_start3A_35 = tpu.memref_slice %arg16[%add3A_12, %dma_start3A_34] : memref<10112x128xf32, #tpu.memory_space<vmem_shared>> -> memref<120x128xf32, #tpu.memory_space<vmem_shared>>
      %dma_start3A_36 = arith.constant 0 : i32
      %dma_start3A_37 = arith.constant 0 : i32
      %dma_start3A_38 = tpu.memref_slice %arg11[%dma_start3A_36, %dma_start3A_37] : memref<128x128xf32, #tpu.memory_space<vmem>> -> memref<120x128xf32, #tpu.memory_space<vmem>>
      tpu.enqueue_dma source(%dma_start3A_38 : memref<120x128xf32, #tpu.memory_space<vmem>>) target(%dma_start3A_35 : memref<120x128xf32, #tpu.memory_space<vmem_shared>>) target_semaphore(%run_scoped3A_28 : memref<!tpu.dma_semaphore, #tpu.memory_space<semaphore_mem>>)
      %dma_wait3A = arith.constant 0 : i32
      %dma_wait3A_39 = arith.constant 0 : i32
      %dma_wait3A_40 = tpu.memref_slice %arg11[%dma_wait3A, %dma_wait3A_39] : memref<128x128xf32, #tpu.memory_space<vmem>> -> memref<120x128xf32, #tpu.memory_space<vmem>>
      %dma_wait3A_41 = arith.constant 0 : i32
      %dma_wait3A_42 = tpu.memref_slice %arg16[%add3A_12, %dma_wait3A_41] : memref<10112x128xf32, #tpu.memory_space<vmem_shared>> -> memref<120x128xf32, #tpu.memory_space<vmem_shared>>
      %dma_wait3A_43 = arith.constant 0 : i32
      %dma_wait3A_44 = tpu.memref_slice %arg16[%add3A_12, %dma_wait3A_43] : memref<10112x128xf32, #tpu.memory_space<vmem_shared>> -> memref<120x128xf32, #tpu.memory_space<vmem_shared>>
      %dma_wait3A_45 = arith.constant 0 : i32
      %dma_wait3A_46 = arith.constant 0 : i32
      %dma_wait3A_47 = tpu.memref_slice %arg11[%dma_wait3A_45, %dma_wait3A_46] : memref<128x128xf32, #tpu.memory_space<vmem>> -> memref<120x128xf32, #tpu.memory_space<vmem>>
      tpu.wait_dma2 semaphore(%run_scoped3A_28 : memref<!tpu.dma_semaphore, #tpu.memory_space<semaphore_mem>>) src(%dma_wait3A_47 : memref<120x128xf32, #tpu.memory_space<vmem>>) dst(%dma_wait3A_44 : memref<120x128xf32, #tpu.memory_space<vmem_shared>>)
      tpu.yield
    }) : () -> ()
    %run_scoped3A = arith.constant 0 : i32
    "tpu.region"() ({
      %run_scoped3A_28 = tpu.sem_alloc : memref<!tpu.dma_semaphore, #tpu.memory_space<semaphore_mem>>
      %dma_start3A_29 = arith.constant 0 : i32
      %dma_start3A_30 = arith.constant 0 : i32
      %dma_start3A_31 = tpu.memref_slice %arg3[%add3A, %run_scoped3A, %dma_start3A_29, %dma_start3A_30] : memref<32x10x8x128xi32, #tpu.memory_space<hbm>> -> memref<1x1x8x128xi32, #tpu.memory_space<hbm>>
      %dma_start3A_32 = tpu.memref_squeeze %dma_start3A_31 : memref<1x1x8x128xi32, #tpu.memory_space<hbm>> -> memref<8x128xi32, #tpu.memory_space<hbm>>
      %dma_start3A_33 = arith.constant 0 : i32
      %dma_start3A_34 = arith.constant 0 : i32
      %dma_start3A_35 = tpu.memref_slice %arg3[%add3A, %run_scoped3A, %dma_start3A_33, %dma_start3A_34] : memref<32x10x8x128xi32, #tpu.memory_space<hbm>> -> memref<1x1x8x128xi32, #tpu.memory_space<hbm>>
      %dma_start3A_36 = tpu.memref_squeeze %dma_start3A_35 : memref<1x1x8x128xi32, #tpu.memory_space<hbm>> -> memref<8x128xi32, #tpu.memory_space<hbm>>
      tpu.enqueue_dma source(%dma_start3A_36 : memref<8x128xi32, #tpu.memory_space<hbm>>) target(%arg7 : memref<8x128xi32, #tpu.memory_space<vmem>>) target_semaphore(%run_scoped3A_28 : memref<!tpu.dma_semaphore, #tpu.memory_space<semaphore_mem>>)
      %dma_wait3A = arith.constant 0 : i32
      %dma_wait3A_37 = arith.constant 0 : i32
      %dma_wait3A_38 = tpu.memref_slice %arg3[%add3A, %run_scoped3A, %dma_wait3A, %dma_wait3A_37] : memref<32x10x8x128xi32, #tpu.memory_space<hbm>> -> memref<1x1x8x128xi32, #tpu.memory_space<hbm>>
      %dma_wait3A_39 = tpu.memref_squeeze %dma_wait3A_38 : memref<1x1x8x128xi32, #tpu.memory_space<hbm>> -> memref<8x128xi32, #tpu.memory_space<hbm>>
      %dma_wait3A_40 = arith.constant 0 : i32
      %dma_wait3A_41 = arith.constant 0 : i32
      %dma_wait3A_42 = tpu.memref_slice %arg3[%add3A, %run_scoped3A, %dma_wait3A_40, %dma_wait3A_41] : memref<32x10x8x128xi32, #tpu.memory_space<hbm>> -> memref<1x1x8x128xi32, #tpu.memory_space<hbm>>
      %dma_wait3A_43 = tpu.memref_squeeze %dma_wait3A_42 : memref<1x1x8x128xi32, #tpu.memory_space<hbm>> -> memref<8x128xi32, #tpu.memory_space<hbm>>
      tpu.wait_dma2 semaphore(%run_scoped3A_28 : memref<!tpu.dma_semaphore, #tpu.memory_space<semaphore_mem>>) src(%dma_wait3A_43 : memref<8x128xi32, #tpu.memory_space<hbm>>) dst(%arg7 : memref<8x128xi32, #tpu.memory_space<vmem>>)
      tpu.yield
    }) : () -> ()
    %run_scoped3A_13 = arith.constant 0 : i32
    "tpu.region"() ({
      %run_scoped3A_28 = tpu.sem_alloc : memref<!tpu.dma_semaphore, #tpu.memory_space<semaphore_mem>>
      %dma_start3A_29 = arith.constant 0 : i32
      %dma_start3A_30 = arith.constant 0 : i32
      %dma_start3A_31 = tpu.memref_slice %arg4[%add3A, %run_scoped3A_13, %dma_start3A_29, %dma_start3A_30] : memref<32x10x8x128xi32, #tpu.memory_space<hbm>> -> memref<1x1x8x128xi32, #tpu.memory_space<hbm>>
      %dma_start3A_32 = tpu.memref_squeeze %dma_start3A_31 : memref<1x1x8x128xi32, #tpu.memory_space<hbm>> -> memref<8x128xi32, #tpu.memory_space<hbm>>
      %dma_start3A_33 = arith.constant 0 : i32
      %dma_start3A_34 = arith.constant 0 : i32
      %dma_start3A_35 = tpu.memref_slice %arg4[%add3A, %run_scoped3A_13, %dma_start3A_33, %dma_start3A_34] : memref<32x10x8x128xi32, #tpu.memory_space<hbm>> -> memref<1x1x8x128xi32, #tpu.memory_space<hbm>>
      %dma_start3A_36 = tpu.memref_squeeze %dma_start3A_35 : memref<1x1x8x128xi32, #tpu.memory_space<hbm>> -> memref<8x128xi32, #tpu.memory_space<hbm>>
      tpu.enqueue_dma source(%dma_start3A_36 : memref<8x128xi32, #tpu.memory_space<hbm>>) target(%arg8 : memref<8x128xi32, #tpu.memory_space<vmem>>) target_semaphore(%run_scoped3A_28 : memref<!tpu.dma_semaphore, #tpu.memory_space<semaphore_mem>>)
      %dma_wait3A = arith.constant 0 : i32
      %dma_wait3A_37 = arith.constant 0 : i32
      %dma_wait3A_38 = tpu.memref_slice %arg4[%add3A, %run_scoped3A_13, %dma_wait3A, %dma_wait3A_37] : memref<32x10x8x128xi32, #tpu.memory_space<hbm>> -> memref<1x1x8x128xi32, #tpu.memory_space<hbm>>
      %dma_wait3A_39 = tpu.memref_squeeze %dma_wait3A_38 : memref<1x1x8x128xi32, #tpu.memory_space<hbm>> -> memref<8x128xi32, #tpu.memory_space<hbm>>
      %dma_wait3A_40 = arith.constant 0 : i32
      %dma_wait3A_41 = arith.constant 0 : i32
      %dma_wait3A_42 = tpu.memref_slice %arg4[%add3A, %run_scoped3A_13, %dma_wait3A_40, %dma_wait3A_41] : memref<32x10x8x128xi32, #tpu.memory_space<hbm>> -> memref<1x1x8x128xi32, #tpu.memory_space<hbm>>
      %dma_wait3A_43 = tpu.memref_squeeze %dma_wait3A_42 : memref<1x1x8x128xi32, #tpu.memory_space<hbm>> -> memref<8x128xi32, #tpu.memory_space<hbm>>
      tpu.wait_dma2 semaphore(%run_scoped3A_28 : memref<!tpu.dma_semaphore, #tpu.memory_space<semaphore_mem>>) src(%dma_wait3A_43 : memref<8x128xi32, #tpu.memory_space<hbm>>) dst(%arg8 : memref<8x128xi32, #tpu.memory_space<vmem>>)
      tpu.yield
    }) : () -> ()
    %barrier3A = arith.constant 0 : index
    tpu.barrier barrier_id(%barrier3A)
    %dma_start3A = arith.constant 0 : i32
    %dma_start3A_14 = arith.constant 0 : i32
    %dma_start3A_15 = tpu.memref_slice %arg7[%dma_start3A, %dma_start3A_14] : memref<8x128xi32, #tpu.memory_space<vmem>> -> memref<1x128xi32, #tpu.memory_space<vmem>>
    %dma_start3A_16 = tpu.memref_squeeze %dma_start3A_15 : memref<1x128xi32, #tpu.memory_space<vmem>> -> memref<128xi32, #tpu.memory_space<vmem>>
    %dma_start3A_17 = arith.constant 0 : i32
    %dma_start3A_18 = arith.constant 0 : i32
    %dma_start3A_19 = tpu.memref_slice %arg2[%dma_start3A_17, %dma_start3A_18] : memref<10000x128xf32, #tpu.memory_space<hbm>> -> memref<10000x128xf32, #tpu.memory_space<hbm>>
    tpu.enqueue_indirect_dma source(%dma_start3A_19 : memref<10000x128xf32, #tpu.memory_space<hbm>>) target(%arg11 : memref<128x128xf32, #tpu.memory_space<vmem>>) offsets(%dma_start3A_16 : memref<128xi32, #tpu.memory_space<vmem>>) semaphore(%arg13 : memref<!tpu.dma_semaphore, #tpu.memory_space<semaphore_mem>>)
    %scan3A = arith.constant 0 : i32
    %scan3A_20 = arith.constant 0 : i32
    %scan3A_21 = arith.constant 5 : i32
    %scan3A_22 = arith.addi %scan3A_20, %scan3A_21 : i32
    %scan3A_23 = arith.constant 1 : i32
    scf.for %scan3A_28 = %scan3A_20 to %scan3A_22 step %scan3A_23  : i32 {
      %mul3A_29 = arith.constant 2 : i32
      %mul3A_30 = arith.muli %mul3A_29, %scan3A_28 : i32
      %add3A_31 = arith.constant 1 : i32
      %add3A_32 = arith.addi %mul3A_30, %add3A_31 : i32
      %dma_start3A_33 = arith.constant 0 : i32
      %dma_start3A_34 = arith.constant 0 : i32
      %dma_start3A_35 = tpu.memref_slice %arg3[%add3A, %add3A_32, %dma_start3A_33, %dma_start3A_34] : memref<32x10x8x128xi32, #tpu.memory_space<hbm>> -> memref<1x1x8x128xi32, #tpu.memory_space<hbm>>
      %dma_start3A_36 = tpu.memref_squeeze %dma_start3A_35 : memref<1x1x8x128xi32, #tpu.memory_space<hbm>> -> memref<8x128xi32, #tpu.memory_space<hbm>>
      %dma_start3A_37 = arith.constant 0 : i32
      %dma_start3A_38 = arith.constant 0 : i32
      %dma_start3A_39 = tpu.memref_slice %arg3[%add3A, %add3A_32, %dma_start3A_37, %dma_start3A_38] : memref<32x10x8x128xi32, #tpu.memory_space<hbm>> -> memref<1x1x8x128xi32, #tpu.memory_space<hbm>>
      %dma_start3A_40 = tpu.memref_squeeze %dma_start3A_39 : memref<1x1x8x128xi32, #tpu.memory_space<hbm>> -> memref<8x128xi32, #tpu.memory_space<hbm>>
      tpu.enqueue_dma source(%dma_start3A_40 : memref<8x128xi32, #tpu.memory_space<hbm>>) target(%arg9 : memref<8x128xi32, #tpu.memory_space<vmem>>) target_semaphore(%arg15 : memref<!tpu.dma_semaphore, #tpu.memory_space<semaphore_mem>>)
      %add3A_41 = arith.constant 1 : i32
      %add3A_42 = arith.addi %mul3A_30, %add3A_41 : i32
      %dma_start3A_43 = arith.constant 0 : i32
      %dma_start3A_44 = arith.constant 0 : i32
      %dma_start3A_45 = tpu.memref_slice %arg4[%add3A, %add3A_42, %dma_start3A_43, %dma_start3A_44] : memref<32x10x8x128xi32, #tpu.memory_space<hbm>> -> memref<1x1x8x128xi32, #tpu.memory_space<hbm>>
      %dma_start3A_46 = tpu.memref_squeeze %dma_start3A_45 : memref<1x1x8x128xi32, #tpu.memory_space<hbm>> -> memref<8x128xi32, #tpu.memory_space<hbm>>
      %dma_start3A_47 = arith.constant 0 : i32
      %dma_start3A_48 = arith.constant 0 : i32
      %dma_start3A_49 = tpu.memref_slice %arg4[%add3A, %add3A_42, %dma_start3A_47, %dma_start3A_48] : memref<32x10x8x128xi32, #tpu.memory_space<hbm>> -> memref<1x1x8x128xi32, #tpu.memory_space<hbm>>
      %dma_start3A_50 = tpu.memref_squeeze %dma_start3A_49 : memref<1x1x8x128xi32, #tpu.memory_space<hbm>> -> memref<8x128xi32, #tpu.memory_space<hbm>>
      tpu.enqueue_dma source(%dma_start3A_50 : memref<8x128xi32, #tpu.memory_space<hbm>>) target(%arg10 : memref<8x128xi32, #tpu.memory_space<vmem>>) target_semaphore(%arg15 : memref<!tpu.dma_semaphore, #tpu.memory_space<semaphore_mem>>)
      %dma_start3A_51 = arith.constant 1 : i32
      %dma_start3A_52 = arith.constant 0 : i32
      %dma_start3A_53 = tpu.memref_slice %arg7[%dma_start3A_51, %dma_start3A_52] : memref<8x128xi32, #tpu.memory_space<vmem>> -> memref<1x128xi32, #tpu.memory_space<vmem>>
      %dma_start3A_54 = tpu.memref_squeeze %dma_start3A_53 : memref<1x128xi32, #tpu.memory_space<vmem>> -> memref<128xi32, #tpu.memory_space<vmem>>
      %dma_start3A_55 = arith.constant 0 : i32
      %dma_start3A_56 = arith.constant 0 : i32
      %dma_start3A_57 = tpu.memref_slice %arg2[%dma_start3A_55, %dma_start3A_56] : memref<10000x128xf32, #tpu.memory_space<hbm>> -> memref<10000x128xf32, #tpu.memory_space<hbm>>
      tpu.enqueue_indirect_dma source(%dma_start3A_57 : memref<10000x128xf32, #tpu.memory_space<hbm>>) target(%arg12 : memref<128x128xf32, #tpu.memory_space<vmem>>) offsets(%dma_start3A_54 : memref<128xi32, #tpu.memory_space<vmem>>) semaphore(%arg14 : memref<!tpu.dma_semaphore, #tpu.memory_space<semaphore_mem>>)
      %dma_wait3A = arith.constant 0 : i32
      %dma_wait3A_58 = arith.constant 0 : i32
      %dma_wait3A_59 = tpu.memref_slice %arg7[%dma_wait3A, %dma_wait3A_58] : memref<8x128xi32, #tpu.memory_space<vmem>> -> memref<1x128xi32, #tpu.memory_space<vmem>>
      %dma_wait3A_60 = tpu.memref_squeeze %dma_wait3A_59 : memref<1x128xi32, #tpu.memory_space<vmem>> -> memref<128xi32, #tpu.memory_space<vmem>>
      %dma_wait3A_61 = arith.constant 0 : i32
      %dma_wait3A_62 = arith.constant 0 : i32
      %dma_wait3A_63 = tpu.memref_slice %arg2[%dma_wait3A_61, %dma_wait3A_62] : memref<10000x128xf32, #tpu.memory_space<hbm>> -> memref<10000x128xf32, #tpu.memory_space<hbm>>
      tpu.wait_indirect_dma semaphore(%arg13 : memref<!tpu.dma_semaphore, #tpu.memory_space<semaphore_mem>>) src(%dma_wait3A_63 : memref<10000x128xf32, #tpu.memory_space<hbm>>) dst(%arg11 : memref<128x128xf32, #tpu.memory_space<vmem>>)
      %run_scoped3A_64 = arith.constant 0 : i32
      "tpu.region"() ({
        %run_scoped3A_308 = tpu.sem_alloc : memref<!tpu.dma_semaphore, #tpu.memory_space<semaphore_mem>>
        %dma_start3A_309 = arith.constant 0 : i32
        %dma_start3A_310 = tpu.memref_slice %arg8[%run_scoped3A_64, %dma_start3A_309] : memref<8x128xi32, #tpu.memory_space<vmem>> -> memref<1x128xi32, #tpu.memory_space<vmem>>
        %dma_start3A_311 = tpu.memref_squeeze %dma_start3A_310 : memref<1x128xi32, #tpu.memory_space<vmem>> -> memref<128xi32, #tpu.memory_space<vmem>>
        %dma_start3A_312 = arith.constant 0 : i32
        %dma_start3A_313 = arith.constant 0 : i32
        %dma_start3A_314 = tpu.memref_slice %arg16[%dma_start3A_312, %dma_start3A_313] : memref<10112x128xf32, #tpu.memory_space<vmem_shared>> -> memref<10112x128xf32, #tpu.memory_space<vmem_shared>>
        tpu.enqueue_indirect_dma source(%arg11 : memref<128x128xf32, #tpu.memory_space<vmem>>) target(%dma_start3A_314 : memref<10112x128xf32, #tpu.memory_space<vmem_shared>>) offsets(%dma_start3A_311 : memref<128xi32, #tpu.memory_space<vmem>>) semaphore(%run_scoped3A_308 : memref<!tpu.dma_semaphore, #tpu.memory_space<semaphore_mem>>) {add = true}
        %dma_wait3A_315 = arith.constant 0 : i32
        %dma_wait3A_316 = tpu.memref_slice %arg8[%run_scoped3A_64, %dma_wait3A_315] : memref<8x128xi32, #tpu.memory_space<vmem>> -> memref<1x128xi32, #tpu.memory_space<vmem>>
        %dma_wait3A_317 = tpu.memref_squeeze %dma_wait3A_316 : memref<1x128xi32, #tpu.memory_space<vmem>> -> memref<128xi32, #tpu.memory_space<vmem>>
        %dma_wait3A_318 = arith.constant 0 : i32
        %dma_wait3A_319 = arith.constant 0 : i32
        %dma_wait3A_320 = tpu.memref_slice %arg16[%dma_wait3A_318, %dma_wait3A_319] : memref<10112x128xf32, #tpu.memory_space<vmem_shared>> -> memref<10112x128xf32, #tpu.memory_space<vmem_shared>>
        tpu.wait_indirect_dma semaphore(%run_scoped3A_308 : memref<!tpu.dma_semaphore, #tpu.memory_space<semaphore_mem>>) src(%arg11 : memref<128x128xf32, #tpu.memory_space<vmem>>) dst(%dma_wait3A_320 : memref<10112x128xf32, #tpu.memory_space<vmem_shared>>)
        tpu.yield
      }) : () -> ()
      %dma_start3A_65 = arith.constant 2 : i32
      %dma_start3A_66 = arith.constant 0 : i32
      %dma_start3A_67 = tpu.memref_slice %arg7[%dma_start3A_65, %dma_start3A_66] : memref<8x128xi32, #tpu.memory_space<vmem>> -> memref<1x128xi32, #tpu.memory_space<vmem>>
      %dma_start3A_68 = tpu.memref_squeeze %dma_start3A_67 : memref<1x128xi32, #tpu.memory_space<vmem>> -> memref<128xi32, #tpu.memory_space<vmem>>
      %dma_start3A_69 = arith.constant 0 : i32
      %dma_start3A_70 = arith.constant 0 : i32
      %dma_start3A_71 = tpu.memref_slice %arg2[%dma_start3A_69, %dma_start3A_70] : memref<10000x128xf32, #tpu.memory_space<hbm>> -> memref<10000x128xf32, #tpu.memory_space<hbm>>
      tpu.enqueue_indirect_dma source(%dma_start3A_71 : memref<10000x128xf32, #tpu.memory_space<hbm>>) target(%arg11 : memref<128x128xf32, #tpu.memory_space<vmem>>) offsets(%dma_start3A_68 : memref<128xi32, #tpu.memory_space<vmem>>) semaphore(%arg13 : memref<!tpu.dma_semaphore, #tpu.memory_space<semaphore_mem>>)
      %dma_wait3A_72 = arith.constant 1 : i32
      %dma_wait3A_73 = arith.constant 0 : i32
      %dma_wait3A_74 = tpu.memref_slice %arg7[%dma_wait3A_72, %dma_wait3A_73] : memref<8x128xi32, #tpu.memory_space<vmem>> -> memref<1x128xi32, #tpu.memory_space<vmem>>
      %dma_wait3A_75 = tpu.memref_squeeze %dma_wait3A_74 : memref<1x128xi32, #tpu.memory_space<vmem>> -> memref<128xi32, #tpu.memory_space<vmem>>
      %dma_wait3A_76 = arith.constant 0 : i32
      %dma_wait3A_77 = arith.constant 0 : i32
      %dma_wait3A_78 = tpu.memref_slice %arg2[%dma_wait3A_76, %dma_wait3A_77] : memref<10000x128xf32, #tpu.memory_space<hbm>> -> memref<10000x128xf32, #tpu.memory_space<hbm>>
      tpu.wait_indirect_dma semaphore(%arg14 : memref<!tpu.dma_semaphore, #tpu.memory_space<semaphore_mem>>) src(%dma_wait3A_78 : memref<10000x128xf32, #tpu.memory_space<hbm>>) dst(%arg12 : memref<128x128xf32, #tpu.memory_space<vmem>>)
      %run_scoped3A_79 = arith.constant 1 : i32
      "tpu.region"() ({
        %run_scoped3A_308 = tpu.sem_alloc : memref<!tpu.dma_semaphore, #tpu.memory_space<semaphore_mem>>
        %dma_start3A_309 = arith.constant 0 : i32
        %dma_start3A_310 = tpu.memref_slice %arg8[%run_scoped3A_79, %dma_start3A_309] : memref<8x128xi32, #tpu.memory_space<vmem>> -> memref<1x128xi32, #tpu.memory_space<vmem>>
        %dma_start3A_311 = tpu.memref_squeeze %dma_start3A_310 : memref<1x128xi32, #tpu.memory_space<vmem>> -> memref<128xi32, #tpu.memory_space<vmem>>
        %dma_start3A_312 = arith.constant 0 : i32
        %dma_start3A_313 = arith.constant 0 : i32
        %dma_start3A_314 = tpu.memref_slice %arg16[%dma_start3A_312, %dma_start3A_313] : memref<10112x128xf32, #tpu.memory_space<vmem_shared>> -> memref<10112x128xf32, #tpu.memory_space<vmem_shared>>
        tpu.enqueue_indirect_dma source(%arg12 : memref<128x128xf32, #tpu.memory_space<vmem>>) target(%dma_start3A_314 : memref<10112x128xf32, #tpu.memory_space<vmem_shared>>) offsets(%dma_start3A_311 : memref<128xi32, #tpu.memory_space<vmem>>) semaphore(%run_scoped3A_308 : memref<!tpu.dma_semaphore, #tpu.memory_space<semaphore_mem>>) {add = true}
        %dma_wait3A_315 = arith.constant 0 : i32
        %dma_wait3A_316 = tpu.memref_slice %arg8[%run_scoped3A_79, %dma_wait3A_315] : memref<8x128xi32, #tpu.memory_space<vmem>> -> memref<1x128xi32, #tpu.memory_space<vmem>>
        %dma_wait3A_317 = tpu.memref_squeeze %dma_wait3A_316 : memref<1x128xi32, #tpu.memory_space<vmem>> -> memref<128xi32, #tpu.memory_space<vmem>>
        %dma_wait3A_318 = arith.constant 0 : i32
        %dma_wait3A_319 = arith.constant 0 : i32
        %dma_wait3A_320 = tpu.memref_slice %arg16[%dma_wait3A_318, %dma_wait3A_319] : memref<10112x128xf32, #tpu.memory_space<vmem_shared>> -> memref<10112x128xf32, #tpu.memory_space<vmem_shared>>
        tpu.wait_indirect_dma semaphore(%run_scoped3A_308 : memref<!tpu.dma_semaphore, #tpu.memory_space<semaphore_mem>>) src(%arg12 : memref<128x128xf32, #tpu.memory_space<vmem>>) dst(%dma_wait3A_320 : memref<10112x128xf32, #tpu.memory_space<vmem_shared>>)
        tpu.yield
      }) : () -> ()
      %dma_start3A_80 = arith.constant 3 : i32
      %dma_start3A_81 = arith.constant 0 : i32
      %dma_start3A_82 = tpu.memref_slice %arg7[%dma_start3A_80, %dma_start3A_81] : memref<8x128xi32, #tpu.memory_space<vmem>> -> memref<1x128xi32, #tpu.memory_space<vmem>>
      %dma_start3A_83 = tpu.memref_squeeze %dma_start3A_82 : memref<1x128xi32, #tpu.memory_space<vmem>> -> memref<128xi32, #tpu.memory_space<vmem>>
      %dma_start3A_84 = arith.constant 0 : i32
      %dma_start3A_85 = arith.constant 0 : i32
      %dma_start3A_86 = tpu.memref_slice %arg2[%dma_start3A_84, %dma_start3A_85] : memref<10000x128xf32, #tpu.memory_space<hbm>> -> memref<10000x128xf32, #tpu.memory_space<hbm>>
      tpu.enqueue_indirect_dma source(%dma_start3A_86 : memref<10000x128xf32, #tpu.memory_space<hbm>>) target(%arg12 : memref<128x128xf32, #tpu.memory_space<vmem>>) offsets(%dma_start3A_83 : memref<128xi32, #tpu.memory_space<vmem>>) semaphore(%arg14 : memref<!tpu.dma_semaphore, #tpu.memory_space<semaphore_mem>>)
      %dma_wait3A_87 = arith.constant 2 : i32
      %dma_wait3A_88 = arith.constant 0 : i32
      %dma_wait3A_89 = tpu.memref_slice %arg7[%dma_wait3A_87, %dma_wait3A_88] : memref<8x128xi32, #tpu.memory_space<vmem>> -> memref<1x128xi32, #tpu.memory_space<vmem>>
      %dma_wait3A_90 = tpu.memref_squeeze %dma_wait3A_89 : memref<1x128xi32, #tpu.memory_space<vmem>> -> memref<128xi32, #tpu.memory_space<vmem>>
      %dma_wait3A_91 = arith.constant 0 : i32
      %dma_wait3A_92 = arith.constant 0 : i32
      %dma_wait3A_93 = tpu.memref_slice %arg2[%dma_wait3A_91, %dma_wait3A_92] : memref<10000x128xf32, #tpu.memory_space<hbm>> -> memref<10000x128xf32, #tpu.memory_space<hbm>>
      tpu.wait_indirect_dma semaphore(%arg13 : memref<!tpu.dma_semaphore, #tpu.memory_space<semaphore_mem>>) src(%dma_wait3A_93 : memref<10000x128xf32, #tpu.memory_space<hbm>>) dst(%arg11 : memref<128x128xf32, #tpu.memory_space<vmem>>)
      %run_scoped3A_94 = arith.constant 2 : i32
      "tpu.region"() ({
        %run_scoped3A_308 = tpu.sem_alloc : memref<!tpu.dma_semaphore, #tpu.memory_space<semaphore_mem>>
        %dma_start3A_309 = arith.constant 0 : i32
        %dma_start3A_310 = tpu.memref_slice %arg8[%run_scoped3A_94, %dma_start3A_309] : memref<8x128xi32, #tpu.memory_space<vmem>> -> memref<1x128xi32, #tpu.memory_space<vmem>>
        %dma_start3A_311 = tpu.memref_squeeze %dma_start3A_310 : memref<1x128xi32, #tpu.memory_space<vmem>> -> memref<128xi32, #tpu.memory_space<vmem>>
        %dma_start3A_312 = arith.constant 0 : i32
        %dma_start3A_313 = arith.constant 0 : i32
        %dma_start3A_314 = tpu.memref_slice %arg16[%dma_start3A_312, %dma_start3A_313] : memref<10112x128xf32, #tpu.memory_space<vmem_shared>> -> memref<10112x128xf32, #tpu.memory_space<vmem_shared>>
        tpu.enqueue_indirect_dma source(%arg11 : memref<128x128xf32, #tpu.memory_space<vmem>>) target(%dma_start3A_314 : memref<10112x128xf32, #tpu.memory_space<vmem_shared>>) offsets(%dma_start3A_311 : memref<128xi32, #tpu.memory_space<vmem>>) semaphore(%run_scoped3A_308 : memref<!tpu.dma_semaphore, #tpu.memory_space<semaphore_mem>>) {add = true}
        %dma_wait3A_315 = arith.constant 0 : i32
        %dma_wait3A_316 = tpu.memref_slice %arg8[%run_scoped3A_94, %dma_wait3A_315] : memref<8x128xi32, #tpu.memory_space<vmem>> -> memref<1x128xi32, #tpu.memory_space<vmem>>
        %dma_wait3A_317 = tpu.memref_squeeze %dma_wait3A_316 : memref<1x128xi32, #tpu.memory_space<vmem>> -> memref<128xi32, #tpu.memory_space<vmem>>
        %dma_wait3A_318 = arith.constant 0 : i32
        %dma_wait3A_319 = arith.constant 0 : i32
        %dma_wait3A_320 = tpu.memref_slice %arg16[%dma_wait3A_318, %dma_wait3A_319] : memref<10112x128xf32, #tpu.memory_space<vmem_shared>> -> memref<10112x128xf32, #tpu.memory_space<vmem_shared>>
        tpu.wait_indirect_dma semaphore(%run_scoped3A_308 : memref<!tpu.dma_semaphore, #tpu.memory_space<semaphore_mem>>) src(%arg11 : memref<128x128xf32, #tpu.memory_space<vmem>>) dst(%dma_wait3A_320 : memref<10112x128xf32, #tpu.memory_space<vmem_shared>>)
        tpu.yield
      }) : () -> ()
      %dma_start3A_95 = arith.constant 4 : i32
      %dma_start3A_96 = arith.constant 0 : i32
      %dma_start3A_97 = tpu.memref_slice %arg7[%dma_start3A_95, %dma_start3A_96] : memref<8x128xi32, #tpu.memory_space<vmem>> -> memref<1x128xi32, #tpu.memory_space<vmem>>
      %dma_start3A_98 = tpu.memref_squeeze %dma_start3A_97 : memref<1x128xi32, #tpu.memory_space<vmem>> -> memref<128xi32, #tpu.memory_space<vmem>>
      %dma_start3A_99 = arith.constant 0 : i32
      %dma_start3A_100 = arith.constant 0 : i32
      %dma_start3A_101 = tpu.memref_slice %arg2[%dma_start3A_99, %dma_start3A_100] : memref<10000x128xf32, #tpu.memory_space<hbm>> -> memref<10000x128xf32, #tpu.memory_space<hbm>>
      tpu.enqueue_indirect_dma source(%dma_start3A_101 : memref<10000x128xf32, #tpu.memory_space<hbm>>) target(%arg11 : memref<128x128xf32, #tpu.memory_space<vmem>>) offsets(%dma_start3A_98 : memref<128xi32, #tpu.memory_space<vmem>>) semaphore(%arg13 : memref<!tpu.dma_semaphore, #tpu.memory_space<semaphore_mem>>)
      %dma_wait3A_102 = arith.constant 3 : i32
      %dma_wait3A_103 = arith.constant 0 : i32
      %dma_wait3A_104 = tpu.memref_slice %arg7[%dma_wait3A_102, %dma_wait3A_103] : memref<8x128xi32, #tpu.memory_space<vmem>> -> memref<1x128xi32, #tpu.memory_space<vmem>>
      %dma_wait3A_105 = tpu.memref_squeeze %dma_wait3A_104 : memref<1x128xi32, #tpu.memory_space<vmem>> -> memref<128xi32, #tpu.memory_space<vmem>>
      %dma_wait3A_106 = arith.constant 0 : i32
      %dma_wait3A_107 = arith.constant 0 : i32
      %dma_wait3A_108 = tpu.memref_slice %arg2[%dma_wait3A_106, %dma_wait3A_107] : memref<10000x128xf32, #tpu.memory_space<hbm>> -> memref<10000x128xf32, #tpu.memory_space<hbm>>
      tpu.wait_indirect_dma semaphore(%arg14 : memref<!tpu.dma_semaphore, #tpu.memory_space<semaphore_mem>>) src(%dma_wait3A_108 : memref<10000x128xf32, #tpu.memory_space<hbm>>) dst(%arg12 : memref<128x128xf32, #tpu.memory_space<vmem>>)
      %run_scoped3A_109 = arith.constant 3 : i32
      "tpu.region"() ({
        %run_scoped3A_308 = tpu.sem_alloc : memref<!tpu.dma_semaphore, #tpu.memory_space<semaphore_mem>>
        %dma_start3A_309 = arith.constant 0 : i32
        %dma_start3A_310 = tpu.memref_slice %arg8[%run_scoped3A_109, %dma_start3A_309] : memref<8x128xi32, #tpu.memory_space<vmem>> -> memref<1x128xi32, #tpu.memory_space<vmem>>
        %dma_start3A_311 = tpu.memref_squeeze %dma_start3A_310 : memref<1x128xi32, #tpu.memory_space<vmem>> -> memref<128xi32, #tpu.memory_space<vmem>>
        %dma_start3A_312 = arith.constant 0 : i32
        %dma_start3A_313 = arith.constant 0 : i32
        %dma_start3A_314 = tpu.memref_slice %arg16[%dma_start3A_312, %dma_start3A_313] : memref<10112x128xf32, #tpu.memory_space<vmem_shared>> -> memref<10112x128xf32, #tpu.memory_space<vmem_shared>>
        tpu.enqueue_indirect_dma source(%arg12 : memref<128x128xf32, #tpu.memory_space<vmem>>) target(%dma_start3A_314 : memref<10112x128xf32, #tpu.memory_space<vmem_shared>>) offsets(%dma_start3A_311 : memref<128xi32, #tpu.memory_space<vmem>>) semaphore(%run_scoped3A_308 : memref<!tpu.dma_semaphore, #tpu.memory_space<semaphore_mem>>) {add = true}
        %dma_wait3A_315 = arith.constant 0 : i32
        %dma_wait3A_316 = tpu.memref_slice %arg8[%run_scoped3A_109, %dma_wait3A_315] : memref<8x128xi32, #tpu.memory_space<vmem>> -> memref<1x128xi32, #tpu.memory_space<vmem>>
        %dma_wait3A_317 = tpu.memref_squeeze %dma_wait3A_316 : memref<1x128xi32, #tpu.memory_space<vmem>> -> memref<128xi32, #tpu.memory_space<vmem>>
        %dma_wait3A_318 = arith.constant 0 : i32
        %dma_wait3A_319 = arith.constant 0 : i32
        %dma_wait3A_320 = tpu.memref_slice %arg16[%dma_wait3A_318, %dma_wait3A_319] : memref<10112x128xf32, #tpu.memory_space<vmem_shared>> -> memref<10112x128xf32, #tpu.memory_space<vmem_shared>>
        tpu.wait_indirect_dma semaphore(%run_scoped3A_308 : memref<!tpu.dma_semaphore, #tpu.memory_space<semaphore_mem>>) src(%arg12 : memref<128x128xf32, #tpu.memory_space<vmem>>) dst(%dma_wait3A_320 : memref<10112x128xf32, #tpu.memory_space<vmem_shared>>)
        tpu.yield
      }) : () -> ()
      %dma_start3A_110 = arith.constant 5 : i32
      %dma_start3A_111 = arith.constant 0 : i32
      %dma_start3A_112 = tpu.memref_slice %arg7[%dma_start3A_110, %dma_start3A_111] : memref<8x128xi32, #tpu.memory_space<vmem>> -> memref<1x128xi32, #tpu.memory_space<vmem>>
      %dma_start3A_113 = tpu.memref_squeeze %dma_start3A_112 : memref<1x128xi32, #tpu.memory_space<vmem>> -> memref<128xi32, #tpu.memory_space<vmem>>
      %dma_start3A_114 = arith.constant 0 : i32
      %dma_start3A_115 = arith.constant 0 : i32
      %dma_start3A_116 = tpu.memref_slice %arg2[%dma_start3A_114, %dma_start3A_115] : memref<10000x128xf32, #tpu.memory_space<hbm>> -> memref<10000x128xf32, #tpu.memory_space<hbm>>
      tpu.enqueue_indirect_dma source(%dma_start3A_116 : memref<10000x128xf32, #tpu.memory_space<hbm>>) target(%arg12 : memref<128x128xf32, #tpu.memory_space<vmem>>) offsets(%dma_start3A_113 : memref<128xi32, #tpu.memory_space<vmem>>) semaphore(%arg14 : memref<!tpu.dma_semaphore, #tpu.memory_space<semaphore_mem>>)
      %dma_wait3A_117 = arith.constant 4 : i32
      %dma_wait3A_118 = arith.constant 0 : i32
      %dma_wait3A_119 = tpu.memref_slice %arg7[%dma_wait3A_117, %dma_wait3A_118] : memref<8x128xi32, #tpu.memory_space<vmem>> -> memref<1x128xi32, #tpu.memory_space<vmem>>
      %dma_wait3A_120 = tpu.memref_squeeze %dma_wait3A_119 : memref<1x128xi32, #tpu.memory_space<vmem>> -> memref<128xi32, #tpu.memory_space<vmem>>
      %dma_wait3A_121 = arith.constant 0 : i32
      %dma_wait3A_122 = arith.constant 0 : i32
      %dma_wait3A_123 = tpu.memref_slice %arg2[%dma_wait3A_121, %dma_wait3A_122] : memref<10000x128xf32, #tpu.memory_space<hbm>> -> memref<10000x128xf32, #tpu.memory_space<hbm>>
      tpu.wait_indirect_dma semaphore(%arg13 : memref<!tpu.dma_semaphore, #tpu.memory_space<semaphore_mem>>) src(%dma_wait3A_123 : memref<10000x128xf32, #tpu.memory_space<hbm>>) dst(%arg11 : memref<128x128xf32, #tpu.memory_space<vmem>>)
      %run_scoped3A_124 = arith.constant 4 : i32
      "tpu.region"() ({
        %run_scoped3A_308 = tpu.sem_alloc : memref<!tpu.dma_semaphore, #tpu.memory_space<semaphore_mem>>
        %dma_start3A_309 = arith.constant 0 : i32
        %dma_start3A_310 = tpu.memref_slice %arg8[%run_scoped3A_124, %dma_start3A_309] : memref<8x128xi32, #tpu.memory_space<vmem>> -> memref<1x128xi32, #tpu.memory_space<vmem>>
        %dma_start3A_311 = tpu.memref_squeeze %dma_start3A_310 : memref<1x128xi32, #tpu.memory_space<vmem>> -> memref<128xi32, #tpu.memory_space<vmem>>
        %dma_start3A_312 = arith.constant 0 : i32
        %dma_start3A_313 = arith.constant 0 : i32
        %dma_start3A_314 = tpu.memref_slice %arg16[%dma_start3A_312, %dma_start3A_313] : memref<10112x128xf32, #tpu.memory_space<vmem_shared>> -> memref<10112x128xf32, #tpu.memory_space<vmem_shared>>
        tpu.enqueue_indirect_dma source(%arg11 : memref<128x128xf32, #tpu.memory_space<vmem>>) target(%dma_start3A_314 : memref<10112x128xf32, #tpu.memory_space<vmem_shared>>) offsets(%dma_start3A_311 : memref<128xi32, #tpu.memory_space<vmem>>) semaphore(%run_scoped3A_308 : memref<!tpu.dma_semaphore, #tpu.memory_space<semaphore_mem>>) {add = true}
        %dma_wait3A_315 = arith.constant 0 : i32
        %dma_wait3A_316 = tpu.memref_slice %arg8[%run_scoped3A_124, %dma_wait3A_315] : memref<8x128xi32, #tpu.memory_space<vmem>> -> memref<1x128xi32, #tpu.memory_space<vmem>>
        %dma_wait3A_317 = tpu.memref_squeeze %dma_wait3A_316 : memref<1x128xi32, #tpu.memory_space<vmem>> -> memref<128xi32, #tpu.memory_space<vmem>>
        %dma_wait3A_318 = arith.constant 0 : i32
        %dma_wait3A_319 = arith.constant 0 : i32
        %dma_wait3A_320 = tpu.memref_slice %arg16[%dma_wait3A_318, %dma_wait3A_319] : memref<10112x128xf32, #tpu.memory_space<vmem_shared>> -> memref<10112x128xf32, #tpu.memory_space<vmem_shared>>
        tpu.wait_indirect_dma semaphore(%run_scoped3A_308 : memref<!tpu.dma_semaphore, #tpu.memory_space<semaphore_mem>>) src(%arg11 : memref<128x128xf32, #tpu.memory_space<vmem>>) dst(%dma_wait3A_320 : memref<10112x128xf32, #tpu.memory_space<vmem_shared>>)
        tpu.yield
      }) : () -> ()
      %dma_start3A_125 = arith.constant 6 : i32
      %dma_start3A_126 = arith.constant 0 : i32
      %dma_start3A_127 = tpu.memref_slice %arg7[%dma_start3A_125, %dma_start3A_126] : memref<8x128xi32, #tpu.memory_space<vmem>> -> memref<1x128xi32, #tpu.memory_space<vmem>>
      %dma_start3A_128 = tpu.memref_squeeze %dma_start3A_127 : memref<1x128xi32, #tpu.memory_space<vmem>> -> memref<128xi32, #tpu.memory_space<vmem>>
      %dma_start3A_129 = arith.constant 0 : i32
      %dma_start3A_130 = arith.constant 0 : i32
      %dma_start3A_131 = tpu.memref_slice %arg2[%dma_start3A_129, %dma_start3A_130] : memref<10000x128xf32, #tpu.memory_space<hbm>> -> memref<10000x128xf32, #tpu.memory_space<hbm>>
      tpu.enqueue_indirect_dma source(%dma_start3A_131 : memref<10000x128xf32, #tpu.memory_space<hbm>>) target(%arg11 : memref<128x128xf32, #tpu.memory_space<vmem>>) offsets(%dma_start3A_128 : memref<128xi32, #tpu.memory_space<vmem>>) semaphore(%arg13 : memref<!tpu.dma_semaphore, #tpu.memory_space<semaphore_mem>>)
      %dma_wait3A_132 = arith.constant 5 : i32
      %dma_wait3A_133 = arith.constant 0 : i32
      %dma_wait3A_134 = tpu.memref_slice %arg7[%dma_wait3A_132, %dma_wait3A_133] : memref<8x128xi32, #tpu.memory_space<vmem>> -> memref<1x128xi32, #tpu.memory_space<vmem>>
      %dma_wait3A_135 = tpu.memref_squeeze %dma_wait3A_134 : memref<1x128xi32, #tpu.memory_space<vmem>> -> memref<128xi32, #tpu.memory_space<vmem>>
      %dma_wait3A_136 = arith.constant 0 : i32
      %dma_wait3A_137 = arith.constant 0 : i32
      %dma_wait3A_138 = tpu.memref_slice %arg2[%dma_wait3A_136, %dma_wait3A_137] : memref<10000x128xf32, #tpu.memory_space<hbm>> -> memref<10000x128xf32, #tpu.memory_space<hbm>>
      tpu.wait_indirect_dma semaphore(%arg14 : memref<!tpu.dma_semaphore, #tpu.memory_space<semaphore_mem>>) src(%dma_wait3A_138 : memref<10000x128xf32, #tpu.memory_space<hbm>>) dst(%arg12 : memref<128x128xf32, #tpu.memory_space<vmem>>)
      %run_scoped3A_139 = arith.constant 5 : i32
      "tpu.region"() ({
        %run_scoped3A_308 = tpu.sem_alloc : memref<!tpu.dma_semaphore, #tpu.memory_space<semaphore_mem>>
        %dma_start3A_309 = arith.constant 0 : i32
        %dma_start3A_310 = tpu.memref_slice %arg8[%run_scoped3A_139, %dma_start3A_309] : memref<8x128xi32, #tpu.memory_space<vmem>> -> memref<1x128xi32, #tpu.memory_space<vmem>>
        %dma_start3A_311 = tpu.memref_squeeze %dma_start3A_310 : memref<1x128xi32, #tpu.memory_space<vmem>> -> memref<128xi32, #tpu.memory_space<vmem>>
        %dma_start3A_312 = arith.constant 0 : i32
        %dma_start3A_313 = arith.constant 0 : i32
        %dma_start3A_314 = tpu.memref_slice %arg16[%dma_start3A_312, %dma_start3A_313] : memref<10112x128xf32, #tpu.memory_space<vmem_shared>> -> memref<10112x128xf32, #tpu.memory_space<vmem_shared>>
        tpu.enqueue_indirect_dma source(%arg12 : memref<128x128xf32, #tpu.memory_space<vmem>>) target(%dma_start3A_314 : memref<10112x128xf32, #tpu.memory_space<vmem_shared>>) offsets(%dma_start3A_311 : memref<128xi32, #tpu.memory_space<vmem>>) semaphore(%run_scoped3A_308 : memref<!tpu.dma_semaphore, #tpu.memory_space<semaphore_mem>>) {add = true}
        %dma_wait3A_315 = arith.constant 0 : i32
        %dma_wait3A_316 = tpu.memref_slice %arg8[%run_scoped3A_139, %dma_wait3A_315] : memref<8x128xi32, #tpu.memory_space<vmem>> -> memref<1x128xi32, #tpu.memory_space<vmem>>
        %dma_wait3A_317 = tpu.memref_squeeze %dma_wait3A_316 : memref<1x128xi32, #tpu.memory_space<vmem>> -> memref<128xi32, #tpu.memory_space<vmem>>
        %dma_wait3A_318 = arith.constant 0 : i32
        %dma_wait3A_319 = arith.constant 0 : i32
        %dma_wait3A_320 = tpu.memref_slice %arg16[%dma_wait3A_318, %dma_wait3A_319] : memref<10112x128xf32, #tpu.memory_space<vmem_shared>> -> memref<10112x128xf32, #tpu.memory_space<vmem_shared>>
        tpu.wait_indirect_dma semaphore(%run_scoped3A_308 : memref<!tpu.dma_semaphore, #tpu.memory_space<semaphore_mem>>) src(%arg12 : memref<128x128xf32, #tpu.memory_space<vmem>>) dst(%dma_wait3A_320 : memref<10112x128xf32, #tpu.memory_space<vmem_shared>>)
        tpu.yield
      }) : () -> ()
      %dma_start3A_140 = arith.constant 7 : i32
      %dma_start3A_141 = arith.constant 0 : i32
      %dma_start3A_142 = tpu.memref_slice %arg7[%dma_start3A_140, %dma_start3A_141] : memref<8x128xi32, #tpu.memory_space<vmem>> -> memref<1x128xi32, #tpu.memory_space<vmem>>
      %dma_start3A_143 = tpu.memref_squeeze %dma_start3A_142 : memref<1x128xi32, #tpu.memory_space<vmem>> -> memref<128xi32, #tpu.memory_space<vmem>>
      %dma_start3A_144 = arith.constant 0 : i32
      %dma_start3A_145 = arith.constant 0 : i32
      %dma_start3A_146 = tpu.memref_slice %arg2[%dma_start3A_144, %dma_start3A_145] : memref<10000x128xf32, #tpu.memory_space<hbm>> -> memref<10000x128xf32, #tpu.memory_space<hbm>>
      tpu.enqueue_indirect_dma source(%dma_start3A_146 : memref<10000x128xf32, #tpu.memory_space<hbm>>) target(%arg12 : memref<128x128xf32, #tpu.memory_space<vmem>>) offsets(%dma_start3A_143 : memref<128xi32, #tpu.memory_space<vmem>>) semaphore(%arg14 : memref<!tpu.dma_semaphore, #tpu.memory_space<semaphore_mem>>)
      %dma_wait3A_147 = arith.constant 6 : i32
      %dma_wait3A_148 = arith.constant 0 : i32
      %dma_wait3A_149 = tpu.memref_slice %arg7[%dma_wait3A_147, %dma_wait3A_148] : memref<8x128xi32, #tpu.memory_space<vmem>> -> memref<1x128xi32, #tpu.memory_space<vmem>>
      %dma_wait3A_150 = tpu.memref_squeeze %dma_wait3A_149 : memref<1x128xi32, #tpu.memory_space<vmem>> -> memref<128xi32, #tpu.memory_space<vmem>>
      %dma_wait3A_151 = arith.constant 0 : i32
      %dma_wait3A_152 = arith.constant 0 : i32
      %dma_wait3A_153 = tpu.memref_slice %arg2[%dma_wait3A_151, %dma_wait3A_152] : memref<10000x128xf32, #tpu.memory_space<hbm>> -> memref<10000x128xf32, #tpu.memory_space<hbm>>
      tpu.wait_indirect_dma semaphore(%arg13 : memref<!tpu.dma_semaphore, #tpu.memory_space<semaphore_mem>>) src(%dma_wait3A_153 : memref<10000x128xf32, #tpu.memory_space<hbm>>) dst(%arg11 : memref<128x128xf32, #tpu.memory_space<vmem>>)
      %run_scoped3A_154 = arith.constant 6 : i32
      "tpu.region"() ({
        %run_scoped3A_308 = tpu.sem_alloc : memref<!tpu.dma_semaphore, #tpu.memory_space<semaphore_mem>>
        %dma_start3A_309 = arith.constant 0 : i32
        %dma_start3A_310 = tpu.memref_slice %arg8[%run_scoped3A_154, %dma_start3A_309] : memref<8x128xi32, #tpu.memory_space<vmem>> -> memref<1x128xi32, #tpu.memory_space<vmem>>
        %dma_start3A_311 = tpu.memref_squeeze %dma_start3A_310 : memref<1x128xi32, #tpu.memory_space<vmem>> -> memref<128xi32, #tpu.memory_space<vmem>>
        %dma_start3A_312 = arith.constant 0 : i32
        %dma_start3A_313 = arith.constant 0 : i32
        %dma_start3A_314 = tpu.memref_slice %arg16[%dma_start3A_312, %dma_start3A_313] : memref<10112x128xf32, #tpu.memory_space<vmem_shared>> -> memref<10112x128xf32, #tpu.memory_space<vmem_shared>>
        tpu.enqueue_indirect_dma source(%arg11 : memref<128x128xf32, #tpu.memory_space<vmem>>) target(%dma_start3A_314 : memref<10112x128xf32, #tpu.memory_space<vmem_shared>>) offsets(%dma_start3A_311 : memref<128xi32, #tpu.memory_space<vmem>>) semaphore(%run_scoped3A_308 : memref<!tpu.dma_semaphore, #tpu.memory_space<semaphore_mem>>) {add = true}
        %dma_wait3A_315 = arith.constant 0 : i32
        %dma_wait3A_316 = tpu.memref_slice %arg8[%run_scoped3A_154, %dma_wait3A_315] : memref<8x128xi32, #tpu.memory_space<vmem>> -> memref<1x128xi32, #tpu.memory_space<vmem>>
        %dma_wait3A_317 = tpu.memref_squeeze %dma_wait3A_316 : memref<1x128xi32, #tpu.memory_space<vmem>> -> memref<128xi32, #tpu.memory_space<vmem>>
        %dma_wait3A_318 = arith.constant 0 : i32
        %dma_wait3A_319 = arith.constant 0 : i32
        %dma_wait3A_320 = tpu.memref_slice %arg16[%dma_wait3A_318, %dma_wait3A_319] : memref<10112x128xf32, #tpu.memory_space<vmem_shared>> -> memref<10112x128xf32, #tpu.memory_space<vmem_shared>>
        tpu.wait_indirect_dma semaphore(%run_scoped3A_308 : memref<!tpu.dma_semaphore, #tpu.memory_space<semaphore_mem>>) src(%arg11 : memref<128x128xf32, #tpu.memory_space<vmem>>) dst(%dma_wait3A_320 : memref<10112x128xf32, #tpu.memory_space<vmem_shared>>)
        tpu.yield
      }) : () -> ()
      %dma_wait3A_155 = arith.constant 0 : i32
      %dma_wait3A_156 = arith.constant 0 : i32
      %dma_wait3A_157 = arith.constant 0 : i32
      %dma_wait3A_158 = tpu.memref_slice %arg3[%add3A, %dma_wait3A_155, %dma_wait3A_156, %dma_wait3A_157] : memref<32x10x8x128xi32, #tpu.memory_space<hbm>> -> memref<1x1x8x128xi32, #tpu.memory_space<hbm>>
      %dma_wait3A_159 = tpu.memref_squeeze %dma_wait3A_158 : memref<1x1x8x128xi32, #tpu.memory_space<hbm>> -> memref<8x128xi32, #tpu.memory_space<hbm>>
      %dma_wait3A_160 = arith.constant 0 : i32
      %dma_wait3A_161 = arith.constant 0 : i32
      %dma_wait3A_162 = tpu.memref_slice %arg3[%add3A, %dma_wait3A_155, %dma_wait3A_160, %dma_wait3A_161] : memref<32x10x8x128xi32, #tpu.memory_space<hbm>> -> memref<1x1x8x128xi32, #tpu.memory_space<hbm>>
      %dma_wait3A_163 = tpu.memref_squeeze %dma_wait3A_162 : memref<1x1x8x128xi32, #tpu.memory_space<hbm>> -> memref<8x128xi32, #tpu.memory_space<hbm>>
      tpu.wait_dma2 semaphore(%arg15 : memref<!tpu.dma_semaphore, #tpu.memory_space<semaphore_mem>>) src(%dma_wait3A_163 : memref<8x128xi32, #tpu.memory_space<hbm>>) dst(%arg9 : memref<8x128xi32, #tpu.memory_space<vmem>>)
      %dma_wait3A_164 = arith.constant 0 : i32
      %dma_wait3A_165 = arith.constant 0 : i32
      %dma_wait3A_166 = arith.constant 0 : i32
      %dma_wait3A_167 = tpu.memref_slice %arg4[%add3A, %dma_wait3A_164, %dma_wait3A_165, %dma_wait3A_166] : memref<32x10x8x128xi32, #tpu.memory_space<hbm>> -> memref<1x1x8x128xi32, #tpu.memory_space<hbm>>
      %dma_wait3A_168 = tpu.memref_squeeze %dma_wait3A_167 : memref<1x1x8x128xi32, #tpu.memory_space<hbm>> -> memref<8x128xi32, #tpu.memory_space<hbm>>
      %dma_wait3A_169 = arith.constant 0 : i32
      %dma_wait3A_170 = arith.constant 0 : i32
      %dma_wait3A_171 = tpu.memref_slice %arg4[%add3A, %dma_wait3A_164, %dma_wait3A_169, %dma_wait3A_170] : memref<32x10x8x128xi32, #tpu.memory_space<hbm>> -> memref<1x1x8x128xi32, #tpu.memory_space<hbm>>
      %dma_wait3A_172 = tpu.memref_squeeze %dma_wait3A_171 : memref<1x1x8x128xi32, #tpu.memory_space<hbm>> -> memref<8x128xi32, #tpu.memory_space<hbm>>
      tpu.wait_dma2 semaphore(%arg15 : memref<!tpu.dma_semaphore, #tpu.memory_space<semaphore_mem>>) src(%dma_wait3A_172 : memref<8x128xi32, #tpu.memory_space<hbm>>) dst(%arg10 : memref<8x128xi32, #tpu.memory_space<vmem>>)
      %dma_start3A_173 = arith.constant 0 : i32
      %dma_start3A_174 = arith.constant 0 : i32
      %dma_start3A_175 = tpu.memref_slice %arg9[%dma_start3A_173, %dma_start3A_174] : memref<8x128xi32, #tpu.memory_space<vmem>> -> memref<1x128xi32, #tpu.memory_space<vmem>>
      %dma_start3A_176 = tpu.memref_squeeze %dma_start3A_175 : memref<1x128xi32, #tpu.memory_space<vmem>> -> memref<128xi32, #tpu.memory_space<vmem>>
      %dma_start3A_177 = arith.constant 0 : i32
      %dma_start3A_178 = arith.constant 0 : i32
      %dma_start3A_179 = tpu.memref_slice %arg2[%dma_start3A_177, %dma_start3A_178] : memref<10000x128xf32, #tpu.memory_space<hbm>> -> memref<10000x128xf32, #tpu.memory_space<hbm>>
      tpu.enqueue_indirect_dma source(%dma_start3A_179 : memref<10000x128xf32, #tpu.memory_space<hbm>>) target(%arg11 : memref<128x128xf32, #tpu.memory_space<vmem>>) offsets(%dma_start3A_176 : memref<128xi32, #tpu.memory_space<vmem>>) semaphore(%arg13 : memref<!tpu.dma_semaphore, #tpu.memory_space<semaphore_mem>>)
      %dma_wait3A_180 = arith.constant 7 : i32
      %dma_wait3A_181 = arith.constant 0 : i32
      %dma_wait3A_182 = tpu.memref_slice %arg7[%dma_wait3A_180, %dma_wait3A_181] : memref<8x128xi32, #tpu.memory_space<vmem>> -> memref<1x128xi32, #tpu.memory_space<vmem>>
      %dma_wait3A_183 = tpu.memref_squeeze %dma_wait3A_182 : memref<1x128xi32, #tpu.memory_space<vmem>> -> memref<128xi32, #tpu.memory_space<vmem>>
      %dma_wait3A_184 = arith.constant 0 : i32
      %dma_wait3A_185 = arith.constant 0 : i32
      %dma_wait3A_186 = tpu.memref_slice %arg2[%dma_wait3A_184, %dma_wait3A_185] : memref<10000x128xf32, #tpu.memory_space<hbm>> -> memref<10000x128xf32, #tpu.memory_space<hbm>>
      tpu.wait_indirect_dma semaphore(%arg14 : memref<!tpu.dma_semaphore, #tpu.memory_space<semaphore_mem>>) src(%dma_wait3A_186 : memref<10000x128xf32, #tpu.memory_space<hbm>>) dst(%arg12 : memref<128x128xf32, #tpu.memory_space<vmem>>)
      %run_scoped3A_187 = arith.constant 7 : i32
      "tpu.region"() ({
        %run_scoped3A_308 = tpu.sem_alloc : memref<!tpu.dma_semaphore, #tpu.memory_space<semaphore_mem>>
        %dma_start3A_309 = arith.constant 0 : i32
        %dma_start3A_310 = tpu.memref_slice %arg8[%run_scoped3A_187, %dma_start3A_309] : memref<8x128xi32, #tpu.memory_space<vmem>> -> memref<1x128xi32, #tpu.memory_space<vmem>>
        %dma_start3A_311 = tpu.memref_squeeze %dma_start3A_310 : memref<1x128xi32, #tpu.memory_space<vmem>> -> memref<128xi32, #tpu.memory_space<vmem>>
        %dma_start3A_312 = arith.constant 0 : i32
        %dma_start3A_313 = arith.constant 0 : i32
        %dma_start3A_314 = tpu.memref_slice %arg16[%dma_start3A_312, %dma_start3A_313] : memref<10112x128xf32, #tpu.memory_space<vmem_shared>> -> memref<10112x128xf32, #tpu.memory_space<vmem_shared>>
        tpu.enqueue_indirect_dma source(%arg12 : memref<128x128xf32, #tpu.memory_space<vmem>>) target(%dma_start3A_314 : memref<10112x128xf32, #tpu.memory_space<vmem_shared>>) offsets(%dma_start3A_311 : memref<128xi32, #tpu.memory_space<vmem>>) semaphore(%run_scoped3A_308 : memref<!tpu.dma_semaphore, #tpu.memory_space<semaphore_mem>>) {add = true}
        %dma_wait3A_315 = arith.constant 0 : i32
        %dma_wait3A_316 = tpu.memref_slice %arg8[%run_scoped3A_187, %dma_wait3A_315] : memref<8x128xi32, #tpu.memory_space<vmem>> -> memref<1x128xi32, #tpu.memory_space<vmem>>
        %dma_wait3A_317 = tpu.memref_squeeze %dma_wait3A_316 : memref<1x128xi32, #tpu.memory_space<vmem>> -> memref<128xi32, #tpu.memory_space<vmem>>
        %dma_wait3A_318 = arith.constant 0 : i32
        %dma_wait3A_319 = arith.constant 0 : i32
        %dma_wait3A_320 = tpu.memref_slice %arg16[%dma_wait3A_318, %dma_wait3A_319] : memref<10112x128xf32, #tpu.memory_space<vmem_shared>> -> memref<10112x128xf32, #tpu.memory_space<vmem_shared>>
        tpu.wait_indirect_dma semaphore(%run_scoped3A_308 : memref<!tpu.dma_semaphore, #tpu.memory_space<semaphore_mem>>) src(%arg12 : memref<128x128xf32, #tpu.memory_space<vmem>>) dst(%dma_wait3A_320 : memref<10112x128xf32, #tpu.memory_space<vmem_shared>>)
        tpu.yield
      }) : () -> ()
      %lt3A = arith.constant 4 : i32
      %lt3A_188 = arith.cmpi slt, %scan3A_28, %lt3A : i32
      %convert_element_type3A = arith.extui %lt3A_188 : i1 to i32
      %cond3A = arith.constant 0 : i32
      %cond3A_189 = arith.cmpi ne, %convert_element_type3A, %cond3A : i32
      scf.if %cond3A_189 {
        %add3A_308 = arith.constant 2 : i32
        %add3A_309 = arith.addi %mul3A_30, %add3A_308 : i32
        %dma_start3A_310 = arith.constant 0 : i32
        %dma_start3A_311 = arith.constant 0 : i32
        %dma_start3A_312 = tpu.memref_slice %arg3[%add3A, %add3A_309, %dma_start3A_310, %dma_start3A_311] : memref<32x10x8x128xi32, #tpu.memory_space<hbm>> -> memref<1x1x8x128xi32, #tpu.memory_space<hbm>>
        %dma_start3A_313 = tpu.memref_squeeze %dma_start3A_312 : memref<1x1x8x128xi32, #tpu.memory_space<hbm>> -> memref<8x128xi32, #tpu.memory_space<hbm>>
        %dma_start3A_314 = arith.constant 0 : i32
        %dma_start3A_315 = arith.constant 0 : i32
        %dma_start3A_316 = tpu.memref_slice %arg3[%add3A, %add3A_309, %dma_start3A_314, %dma_start3A_315] : memref<32x10x8x128xi32, #tpu.memory_space<hbm>> -> memref<1x1x8x128xi32, #tpu.memory_space<hbm>>
        %dma_start3A_317 = tpu.memref_squeeze %dma_start3A_316 : memref<1x1x8x128xi32, #tpu.memory_space<hbm>> -> memref<8x128xi32, #tpu.memory_space<hbm>>
        tpu.enqueue_dma source(%dma_start3A_317 : memref<8x128xi32, #tpu.memory_space<hbm>>) target(%arg7 : memref<8x128xi32, #tpu.memory_space<vmem>>) target_semaphore(%arg15 : memref<!tpu.dma_semaphore, #tpu.memory_space<semaphore_mem>>)
        %add3A_318 = arith.constant 2 : i32
        %add3A_319 = arith.addi %mul3A_30, %add3A_318 : i32
        %dma_start3A_320 = arith.constant 0 : i32
        %dma_start3A_321 = arith.constant 0 : i32
        %dma_start3A_322 = tpu.memref_slice %arg4[%add3A, %add3A_319, %dma_start3A_320, %dma_start3A_321] : memref<32x10x8x128xi32, #tpu.memory_space<hbm>> -> memref<1x1x8x128xi32, #tpu.memory_space<hbm>>
        %dma_start3A_323 = tpu.memref_squeeze %dma_start3A_322 : memref<1x1x8x128xi32, #tpu.memory_space<hbm>> -> memref<8x128xi32, #tpu.memory_space<hbm>>
        %dma_start3A_324 = arith.constant 0 : i32
        %dma_start3A_325 = arith.constant 0 : i32
        %dma_start3A_326 = tpu.memref_slice %arg4[%add3A, %add3A_319, %dma_start3A_324, %dma_start3A_325] : memref<32x10x8x128xi32, #tpu.memory_space<hbm>> -> memref<1x1x8x128xi32, #tpu.memory_space<hbm>>
        %dma_start3A_327 = tpu.memref_squeeze %dma_start3A_326 : memref<1x1x8x128xi32, #tpu.memory_space<hbm>> -> memref<8x128xi32, #tpu.memory_space<hbm>>
        tpu.enqueue_dma source(%dma_start3A_327 : memref<8x128xi32, #tpu.memory_space<hbm>>) target(%arg8 : memref<8x128xi32, #tpu.memory_space<vmem>>) target_semaphore(%arg15 : memref<!tpu.dma_semaphore, #tpu.memory_space<semaphore_mem>>)
      } else {
      }
      %dma_start3A_190 = arith.constant 1 : i32
      %dma_start3A_191 = arith.constant 0 : i32
      %dma_start3A_192 = tpu.memref_slice %arg9[%dma_start3A_190, %dma_start3A_191] : memref<8x128xi32, #tpu.memory_space<vmem>> -> memref<1x128xi32, #tpu.memory_space<vmem>>
      %dma_start3A_193 = tpu.memref_squeeze %dma_start3A_192 : memref<1x128xi32, #tpu.memory_space<vmem>> -> memref<128xi32, #tpu.memory_space<vmem>>
      %dma_start3A_194 = arith.constant 0 : i32
      %dma_start3A_195 = arith.constant 0 : i32
      %dma_start3A_196 = tpu.memref_slice %arg2[%dma_start3A_194, %dma_start3A_195] : memref<10000x128xf32, #tpu.memory_space<hbm>> -> memref<10000x128xf32, #tpu.memory_space<hbm>>
      tpu.enqueue_indirect_dma source(%dma_start3A_196 : memref<10000x128xf32, #tpu.memory_space<hbm>>) target(%arg12 : memref<128x128xf32, #tpu.memory_space<vmem>>) offsets(%dma_start3A_193 : memref<128xi32, #tpu.memory_space<vmem>>) semaphore(%arg14 : memref<!tpu.dma_semaphore, #tpu.memory_space<semaphore_mem>>)
      %dma_wait3A_197 = arith.constant 0 : i32
      %dma_wait3A_198 = arith.constant 0 : i32
      %dma_wait3A_199 = tpu.memref_slice %arg9[%dma_wait3A_197, %dma_wait3A_198] : memref<8x128xi32, #tpu.memory_space<vmem>> -> memref<1x128xi32, #tpu.memory_space<vmem>>
      %dma_wait3A_200 = tpu.memref_squeeze %dma_wait3A_199 : memref<1x128xi32, #tpu.memory_space<vmem>> -> memref<128xi32, #tpu.memory_space<vmem>>
      %dma_wait3A_201 = arith.constant 0 : i32
      %dma_wait3A_202 = arith.constant 0 : i32
      %dma_wait3A_203 = tpu.memref_slice %arg2[%dma_wait3A_201, %dma_wait3A_202] : memref<10000x128xf32, #tpu.memory_space<hbm>> -> memref<10000x128xf32, #tpu.memory_space<hbm>>
      tpu.wait_indirect_dma semaphore(%arg13 : memref<!tpu.dma_semaphore, #tpu.memory_space<semaphore_mem>>) src(%dma_wait3A_203 : memref<10000x128xf32, #tpu.memory_space<hbm>>) dst(%arg11 : memref<128x128xf32, #tpu.memory_space<vmem>>)
      %run_scoped3A_204 = arith.constant 0 : i32
      "tpu.region"() ({
        %run_scoped3A_308 = tpu.sem_alloc : memref<!tpu.dma_semaphore, #tpu.memory_space<semaphore_mem>>
        %dma_start3A_309 = arith.constant 0 : i32
        %dma_start3A_310 = tpu.memref_slice %arg10[%run_scoped3A_204, %dma_start3A_309] : memref<8x128xi32, #tpu.memory_space<vmem>> -> memref<1x128xi32, #tpu.memory_space<vmem>>
        %dma_start3A_311 = tpu.memref_squeeze %dma_start3A_310 : memref<1x128xi32, #tpu.memory_space<vmem>> -> memref<128xi32, #tpu.memory_space<vmem>>
        %dma_start3A_312 = arith.constant 0 : i32
        %dma_start3A_313 = arith.constant 0 : i32
        %dma_start3A_314 = tpu.memref_slice %arg16[%dma_start3A_312, %dma_start3A_313] : memref<10112x128xf32, #tpu.memory_space<vmem_shared>> -> memref<10112x128xf32, #tpu.memory_space<vmem_shared>>
        tpu.enqueue_indirect_dma source(%arg11 : memref<128x128xf32, #tpu.memory_space<vmem>>) target(%dma_start3A_314 : memref<10112x128xf32, #tpu.memory_space<vmem_shared>>) offsets(%dma_start3A_311 : memref<128xi32, #tpu.memory_space<vmem>>) semaphore(%run_scoped3A_308 : memref<!tpu.dma_semaphore, #tpu.memory_space<semaphore_mem>>) {add = true}
        %dma_wait3A_315 = arith.constant 0 : i32
        %dma_wait3A_316 = tpu.memref_slice %arg10[%run_scoped3A_204, %dma_wait3A_315] : memref<8x128xi32, #tpu.memory_space<vmem>> -> memref<1x128xi32, #tpu.memory_space<vmem>>
        %dma_wait3A_317 = tpu.memref_squeeze %dma_wait3A_316 : memref<1x128xi32, #tpu.memory_space<vmem>> -> memref<128xi32, #tpu.memory_space<vmem>>
        %dma_wait3A_318 = arith.constant 0 : i32
        %dma_wait3A_319 = arith.constant 0 : i32
        %dma_wait3A_320 = tpu.memref_slice %arg16[%dma_wait3A_318, %dma_wait3A_319] : memref<10112x128xf32, #tpu.memory_space<vmem_shared>> -> memref<10112x128xf32, #tpu.memory_space<vmem_shared>>
        tpu.wait_indirect_dma semaphore(%run_scoped3A_308 : memref<!tpu.dma_semaphore, #tpu.memory_space<semaphore_mem>>) src(%arg11 : memref<128x128xf32, #tpu.memory_space<vmem>>) dst(%dma_wait3A_320 : memref<10112x128xf32, #tpu.memory_space<vmem_shared>>)
        tpu.yield
      }) : () -> ()
      %dma_start3A_205 = arith.constant 2 : i32
      %dma_start3A_206 = arith.constant 0 : i32
      %dma_start3A_207 = tpu.memref_slice %arg9[%dma_start3A_205, %dma_start3A_206] : memref<8x128xi32, #tpu.memory_space<vmem>> -> memref<1x128xi32, #tpu.memory_space<vmem>>
      %dma_start3A_208 = tpu.memref_squeeze %dma_start3A_207 : memref<1x128xi32, #tpu.memory_space<vmem>> -> memref<128xi32, #tpu.memory_space<vmem>>
      %dma_start3A_209 = arith.constant 0 : i32
      %dma_start3A_210 = arith.constant 0 : i32
      %dma_start3A_211 = tpu.memref_slice %arg2[%dma_start3A_209, %dma_start3A_210] : memref<10000x128xf32, #tpu.memory_space<hbm>> -> memref<10000x128xf32, #tpu.memory_space<hbm>>
      tpu.enqueue_indirect_dma source(%dma_start3A_211 : memref<10000x128xf32, #tpu.memory_space<hbm>>) target(%arg11 : memref<128x128xf32, #tpu.memory_space<vmem>>) offsets(%dma_start3A_208 : memref<128xi32, #tpu.memory_space<vmem>>) semaphore(%arg13 : memref<!tpu.dma_semaphore, #tpu.memory_space<semaphore_mem>>)
      %dma_wait3A_212 = arith.constant 1 : i32
      %dma_wait3A_213 = arith.constant 0 : i32
      %dma_wait3A_214 = tpu.memref_slice %arg9[%dma_wait3A_212, %dma_wait3A_213] : memref<8x128xi32, #tpu.memory_space<vmem>> -> memref<1x128xi32, #tpu.memory_space<vmem>>
      %dma_wait3A_215 = tpu.memref_squeeze %dma_wait3A_214 : memref<1x128xi32, #tpu.memory_space<vmem>> -> memref<128xi32, #tpu.memory_space<vmem>>
      %dma_wait3A_216 = arith.constant 0 : i32
      %dma_wait3A_217 = arith.constant 0 : i32
      %dma_wait3A_218 = tpu.memref_slice %arg2[%dma_wait3A_216, %dma_wait3A_217] : memref<10000x128xf32, #tpu.memory_space<hbm>> -> memref<10000x128xf32, #tpu.memory_space<hbm>>
      tpu.wait_indirect_dma semaphore(%arg14 : memref<!tpu.dma_semaphore, #tpu.memory_space<semaphore_mem>>) src(%dma_wait3A_218 : memref<10000x128xf32, #tpu.memory_space<hbm>>) dst(%arg12 : memref<128x128xf32, #tpu.memory_space<vmem>>)
      %run_scoped3A_219 = arith.constant 1 : i32
      "tpu.region"() ({
        %run_scoped3A_308 = tpu.sem_alloc : memref<!tpu.dma_semaphore, #tpu.memory_space<semaphore_mem>>
        %dma_start3A_309 = arith.constant 0 : i32
        %dma_start3A_310 = tpu.memref_slice %arg10[%run_scoped3A_219, %dma_start3A_309] : memref<8x128xi32, #tpu.memory_space<vmem>> -> memref<1x128xi32, #tpu.memory_space<vmem>>
        %dma_start3A_311 = tpu.memref_squeeze %dma_start3A_310 : memref<1x128xi32, #tpu.memory_space<vmem>> -> memref<128xi32, #tpu.memory_space<vmem>>
        %dma_start3A_312 = arith.constant 0 : i32
        %dma_start3A_313 = arith.constant 0 : i32
        %dma_start3A_314 = tpu.memref_slice %arg16[%dma_start3A_312, %dma_start3A_313] : memref<10112x128xf32, #tpu.memory_space<vmem_shared>> -> memref<10112x128xf32, #tpu.memory_space<vmem_shared>>
        tpu.enqueue_indirect_dma source(%arg12 : memref<128x128xf32, #tpu.memory_space<vmem>>) target(%dma_start3A_314 : memref<10112x128xf32, #tpu.memory_space<vmem_shared>>) offsets(%dma_start3A_311 : memref<128xi32, #tpu.memory_space<vmem>>) semaphore(%run_scoped3A_308 : memref<!tpu.dma_semaphore, #tpu.memory_space<semaphore_mem>>) {add = true}
        %dma_wait3A_315 = arith.constant 0 : i32
        %dma_wait3A_316 = tpu.memref_slice %arg10[%run_scoped3A_219, %dma_wait3A_315] : memref<8x128xi32, #tpu.memory_space<vmem>> -> memref<1x128xi32, #tpu.memory_space<vmem>>
        %dma_wait3A_317 = tpu.memref_squeeze %dma_wait3A_316 : memref<1x128xi32, #tpu.memory_space<vmem>> -> memref<128xi32, #tpu.memory_space<vmem>>
        %dma_wait3A_318 = arith.constant 0 : i32
        %dma_wait3A_319 = arith.constant 0 : i32
        %dma_wait3A_320 = tpu.memref_slice %arg16[%dma_wait3A_318, %dma_wait3A_319] : memref<10112x128xf32, #tpu.memory_space<vmem_shared>> -> memref<10112x128xf32, #tpu.memory_space<vmem_shared>>
        tpu.wait_indirect_dma semaphore(%run_scoped3A_308 : memref<!tpu.dma_semaphore, #tpu.memory_space<semaphore_mem>>) src(%arg12 : memref<128x128xf32, #tpu.memory_space<vmem>>) dst(%dma_wait3A_320 : memref<10112x128xf32, #tpu.memory_space<vmem_shared>>)
        tpu.yield
      }) : () -> ()
      %dma_start3A_220 = arith.constant 3 : i32
      %dma_start3A_221 = arith.constant 0 : i32
      %dma_start3A_222 = tpu.memref_slice %arg9[%dma_start3A_220, %dma_start3A_221] : memref<8x128xi32, #tpu.memory_space<vmem>> -> memref<1x128xi32, #tpu.memory_space<vmem>>
      %dma_start3A_223 = tpu.memref_squeeze %dma_start3A_222 : memref<1x128xi32, #tpu.memory_space<vmem>> -> memref<128xi32, #tpu.memory_space<vmem>>
      %dma_start3A_224 = arith.constant 0 : i32
      %dma_start3A_225 = arith.constant 0 : i32
      %dma_start3A_226 = tpu.memref_slice %arg2[%dma_start3A_224, %dma_start3A_225] : memref<10000x128xf32, #tpu.memory_space<hbm>> -> memref<10000x128xf32, #tpu.memory_space<hbm>>
      tpu.enqueue_indirect_dma source(%dma_start3A_226 : memref<10000x128xf32, #tpu.memory_space<hbm>>) target(%arg12 : memref<128x128xf32, #tpu.memory_space<vmem>>) offsets(%dma_start3A_223 : memref<128xi32, #tpu.memory_space<vmem>>) semaphore(%arg14 : memref<!tpu.dma_semaphore, #tpu.memory_space<semaphore_mem>>)
      %dma_wait3A_227 = arith.constant 2 : i32
      %dma_wait3A_228 = arith.constant 0 : i32
      %dma_wait3A_229 = tpu.memref_slice %arg9[%dma_wait3A_227, %dma_wait3A_228] : memref<8x128xi32, #tpu.memory_space<vmem>> -> memref<1x128xi32, #tpu.memory_space<vmem>>
      %dma_wait3A_230 = tpu.memref_squeeze %dma_wait3A_229 : memref<1x128xi32, #tpu.memory_space<vmem>> -> memref<128xi32, #tpu.memory_space<vmem>>
      %dma_wait3A_231 = arith.constant 0 : i32
      %dma_wait3A_232 = arith.constant 0 : i32
      %dma_wait3A_233 = tpu.memref_slice %arg2[%dma_wait3A_231, %dma_wait3A_232] : memref<10000x128xf32, #tpu.memory_space<hbm>> -> memref<10000x128xf32, #tpu.memory_space<hbm>>
      tpu.wait_indirect_dma semaphore(%arg13 : memref<!tpu.dma_semaphore, #tpu.memory_space<semaphore_mem>>) src(%dma_wait3A_233 : memref<10000x128xf32, #tpu.memory_space<hbm>>) dst(%arg11 : memref<128x128xf32, #tpu.memory_space<vmem>>)
      %run_scoped3A_234 = arith.constant 2 : i32
      "tpu.region"() ({
        %run_scoped3A_308 = tpu.sem_alloc : memref<!tpu.dma_semaphore, #tpu.memory_space<semaphore_mem>>
        %dma_start3A_309 = arith.constant 0 : i32
        %dma_start3A_310 = tpu.memref_slice %arg10[%run_scoped3A_234, %dma_start3A_309] : memref<8x128xi32, #tpu.memory_space<vmem>> -> memref<1x128xi32, #tpu.memory_space<vmem>>
        %dma_start3A_311 = tpu.memref_squeeze %dma_start3A_310 : memref<1x128xi32, #tpu.memory_space<vmem>> -> memref<128xi32, #tpu.memory_space<vmem>>
        %dma_start3A_312 = arith.constant 0 : i32
        %dma_start3A_313 = arith.constant 0 : i32
        %dma_start3A_314 = tpu.memref_slice %arg16[%dma_start3A_312, %dma_start3A_313] : memref<10112x128xf32, #tpu.memory_space<vmem_shared>> -> memref<10112x128xf32, #tpu.memory_space<vmem_shared>>
        tpu.enqueue_indirect_dma source(%arg11 : memref<128x128xf32, #tpu.memory_space<vmem>>) target(%dma_start3A_314 : memref<10112x128xf32, #tpu.memory_space<vmem_shared>>) offsets(%dma_start3A_311 : memref<128xi32, #tpu.memory_space<vmem>>) semaphore(%run_scoped3A_308 : memref<!tpu.dma_semaphore, #tpu.memory_space<semaphore_mem>>) {add = true}
        %dma_wait3A_315 = arith.constant 0 : i32
        %dma_wait3A_316 = tpu.memref_slice %arg10[%run_scoped3A_234, %dma_wait3A_315] : memref<8x128xi32, #tpu.memory_space<vmem>> -> memref<1x128xi32, #tpu.memory_space<vmem>>
        %dma_wait3A_317 = tpu.memref_squeeze %dma_wait3A_316 : memref<1x128xi32, #tpu.memory_space<vmem>> -> memref<128xi32, #tpu.memory_space<vmem>>
        %dma_wait3A_318 = arith.constant 0 : i32
        %dma_wait3A_319 = arith.constant 0 : i32
        %dma_wait3A_320 = tpu.memref_slice %arg16[%dma_wait3A_318, %dma_wait3A_319] : memref<10112x128xf32, #tpu.memory_space<vmem_shared>> -> memref<10112x128xf32, #tpu.memory_space<vmem_shared>>
        tpu.wait_indirect_dma semaphore(%run_scoped3A_308 : memref<!tpu.dma_semaphore, #tpu.memory_space<semaphore_mem>>) src(%arg11 : memref<128x128xf32, #tpu.memory_space<vmem>>) dst(%dma_wait3A_320 : memref<10112x128xf32, #tpu.memory_space<vmem_shared>>)
        tpu.yield
      }) : () -> ()
      %dma_start3A_235 = arith.constant 4 : i32
      %dma_start3A_236 = arith.constant 0 : i32
      %dma_start3A_237 = tpu.memref_slice %arg9[%dma_start3A_235, %dma_start3A_236] : memref<8x128xi32, #tpu.memory_space<vmem>> -> memref<1x128xi32, #tpu.memory_space<vmem>>
      %dma_start3A_238 = tpu.memref_squeeze %dma_start3A_237 : memref<1x128xi32, #tpu.memory_space<vmem>> -> memref<128xi32, #tpu.memory_space<vmem>>
      %dma_start3A_239 = arith.constant 0 : i32
      %dma_start3A_240 = arith.constant 0 : i32
      %dma_start3A_241 = tpu.memref_slice %arg2[%dma_start3A_239, %dma_start3A_240] : memref<10000x128xf32, #tpu.memory_space<hbm>> -> memref<10000x128xf32, #tpu.memory_space<hbm>>
      tpu.enqueue_indirect_dma source(%dma_start3A_241 : memref<10000x128xf32, #tpu.memory_space<hbm>>) target(%arg11 : memref<128x128xf32, #tpu.memory_space<vmem>>) offsets(%dma_start3A_238 : memref<128xi32, #tpu.memory_space<vmem>>) semaphore(%arg13 : memref<!tpu.dma_semaphore, #tpu.memory_space<semaphore_mem>>)
      %dma_wait3A_242 = arith.constant 3 : i32
      %dma_wait3A_243 = arith.constant 0 : i32
      %dma_wait3A_244 = tpu.memref_slice %arg9[%dma_wait3A_242, %dma_wait3A_243] : memref<8x128xi32, #tpu.memory_space<vmem>> -> memref<1x128xi32, #tpu.memory_space<vmem>>
      %dma_wait3A_245 = tpu.memref_squeeze %dma_wait3A_244 : memref<1x128xi32, #tpu.memory_space<vmem>> -> memref<128xi32, #tpu.memory_space<vmem>>
      %dma_wait3A_246 = arith.constant 0 : i32
      %dma_wait3A_247 = arith.constant 0 : i32
      %dma_wait3A_248 = tpu.memref_slice %arg2[%dma_wait3A_246, %dma_wait3A_247] : memref<10000x128xf32, #tpu.memory_space<hbm>> -> memref<10000x128xf32, #tpu.memory_space<hbm>>
      tpu.wait_indirect_dma semaphore(%arg14 : memref<!tpu.dma_semaphore, #tpu.memory_space<semaphore_mem>>) src(%dma_wait3A_248 : memref<10000x128xf32, #tpu.memory_space<hbm>>) dst(%arg12 : memref<128x128xf32, #tpu.memory_space<vmem>>)
      %run_scoped3A_249 = arith.constant 3 : i32
      "tpu.region"() ({
        %run_scoped3A_308 = tpu.sem_alloc : memref<!tpu.dma_semaphore, #tpu.memory_space<semaphore_mem>>
        %dma_start3A_309 = arith.constant 0 : i32
        %dma_start3A_310 = tpu.memref_slice %arg10[%run_scoped3A_249, %dma_start3A_309] : memref<8x128xi32, #tpu.memory_space<vmem>> -> memref<1x128xi32, #tpu.memory_space<vmem>>
        %dma_start3A_311 = tpu.memref_squeeze %dma_start3A_310 : memref<1x128xi32, #tpu.memory_space<vmem>> -> memref<128xi32, #tpu.memory_space<vmem>>
        %dma_start3A_312 = arith.constant 0 : i32
        %dma_start3A_313 = arith.constant 0 : i32
        %dma_start3A_314 = tpu.memref_slice %arg16[%dma_start3A_312, %dma_start3A_313] : memref<10112x128xf32, #tpu.memory_space<vmem_shared>> -> memref<10112x128xf32, #tpu.memory_space<vmem_shared>>
        tpu.enqueue_indirect_dma source(%arg12 : memref<128x128xf32, #tpu.memory_space<vmem>>) target(%dma_start3A_314 : memref<10112x128xf32, #tpu.memory_space<vmem_shared>>) offsets(%dma_start3A_311 : memref<128xi32, #tpu.memory_space<vmem>>) semaphore(%run_scoped3A_308 : memref<!tpu.dma_semaphore, #tpu.memory_space<semaphore_mem>>) {add = true}
        %dma_wait3A_315 = arith.constant 0 : i32
        %dma_wait3A_316 = tpu.memref_slice %arg10[%run_scoped3A_249, %dma_wait3A_315] : memref<8x128xi32, #tpu.memory_space<vmem>> -> memref<1x128xi32, #tpu.memory_space<vmem>>
        %dma_wait3A_317 = tpu.memref_squeeze %dma_wait3A_316 : memref<1x128xi32, #tpu.memory_space<vmem>> -> memref<128xi32, #tpu.memory_space<vmem>>
        %dma_wait3A_318 = arith.constant 0 : i32
        %dma_wait3A_319 = arith.constant 0 : i32
        %dma_wait3A_320 = tpu.memref_slice %arg16[%dma_wait3A_318, %dma_wait3A_319] : memref<10112x128xf32, #tpu.memory_space<vmem_shared>> -> memref<10112x128xf32, #tpu.memory_space<vmem_shared>>
        tpu.wait_indirect_dma semaphore(%run_scoped3A_308 : memref<!tpu.dma_semaphore, #tpu.memory_space<semaphore_mem>>) src(%arg12 : memref<128x128xf32, #tpu.memory_space<vmem>>) dst(%dma_wait3A_320 : memref<10112x128xf32, #tpu.memory_space<vmem_shared>>)
        tpu.yield
      }) : () -> ()
      %dma_start3A_250 = arith.constant 5 : i32
      %dma_start3A_251 = arith.constant 0 : i32
      %dma_start3A_252 = tpu.memref_slice %arg9[%dma_start3A_250, %dma_start3A_251] : memref<8x128xi32, #tpu.memory_space<vmem>> -> memref<1x128xi32, #tpu.memory_space<vmem>>
      %dma_start3A_253 = tpu.memref_squeeze %dma_start3A_252 : memref<1x128xi32, #tpu.memory_space<vmem>> -> memref<128xi32, #tpu.memory_space<vmem>>
      %dma_start3A_254 = arith.constant 0 : i32
      %dma_start3A_255 = arith.constant 0 : i32
      %dma_start3A_256 = tpu.memref_slice %arg2[%dma_start3A_254, %dma_start3A_255] : memref<10000x128xf32, #tpu.memory_space<hbm>> -> memref<10000x128xf32, #tpu.memory_space<hbm>>
      tpu.enqueue_indirect_dma source(%dma_start3A_256 : memref<10000x128xf32, #tpu.memory_space<hbm>>) target(%arg12 : memref<128x128xf32, #tpu.memory_space<vmem>>) offsets(%dma_start3A_253 : memref<128xi32, #tpu.memory_space<vmem>>) semaphore(%arg14 : memref<!tpu.dma_semaphore, #tpu.memory_space<semaphore_mem>>)
      %dma_wait3A_257 = arith.constant 4 : i32
      %dma_wait3A_258 = arith.constant 0 : i32
      %dma_wait3A_259 = tpu.memref_slice %arg9[%dma_wait3A_257, %dma_wait3A_258] : memref<8x128xi32, #tpu.memory_space<vmem>> -> memref<1x128xi32, #tpu.memory_space<vmem>>
      %dma_wait3A_260 = tpu.memref_squeeze %dma_wait3A_259 : memref<1x128xi32, #tpu.memory_space<vmem>> -> memref<128xi32, #tpu.memory_space<vmem>>
      %dma_wait3A_261 = arith.constant 0 : i32
      %dma_wait3A_262 = arith.constant 0 : i32
      %dma_wait3A_263 = tpu.memref_slice %arg2[%dma_wait3A_261, %dma_wait3A_262] : memref<10000x128xf32, #tpu.memory_space<hbm>> -> memref<10000x128xf32, #tpu.memory_space<hbm>>
      tpu.wait_indirect_dma semaphore(%arg13 : memref<!tpu.dma_semaphore, #tpu.memory_space<semaphore_mem>>) src(%dma_wait3A_263 : memref<10000x128xf32, #tpu.memory_space<hbm>>) dst(%arg11 : memref<128x128xf32, #tpu.memory_space<vmem>>)
      %run_scoped3A_264 = arith.constant 4 : i32
      "tpu.region"() ({
        %run_scoped3A_308 = tpu.sem_alloc : memref<!tpu.dma_semaphore, #tpu.memory_space<semaphore_mem>>
        %dma_start3A_309 = arith.constant 0 : i32
        %dma_start3A_310 = tpu.memref_slice %arg10[%run_scoped3A_264, %dma_start3A_309] : memref<8x128xi32, #tpu.memory_space<vmem>> -> memref<1x128xi32, #tpu.memory_space<vmem>>
        %dma_start3A_311 = tpu.memref_squeeze %dma_start3A_310 : memref<1x128xi32, #tpu.memory_space<vmem>> -> memref<128xi32, #tpu.memory_space<vmem>>
        %dma_start3A_312 = arith.constant 0 : i32
        %dma_start3A_313 = arith.constant 0 : i32
        %dma_start3A_314 = tpu.memref_slice %arg16[%dma_start3A_312, %dma_start3A_313] : memref<10112x128xf32, #tpu.memory_space<vmem_shared>> -> memref<10112x128xf32, #tpu.memory_space<vmem_shared>>
        tpu.enqueue_indirect_dma source(%arg11 : memref<128x128xf32, #tpu.memory_space<vmem>>) target(%dma_start3A_314 : memref<10112x128xf32, #tpu.memory_space<vmem_shared>>) offsets(%dma_start3A_311 : memref<128xi32, #tpu.memory_space<vmem>>) semaphore(%run_scoped3A_308 : memref<!tpu.dma_semaphore, #tpu.memory_space<semaphore_mem>>) {add = true}
        %dma_wait3A_315 = arith.constant 0 : i32
        %dma_wait3A_316 = tpu.memref_slice %arg10[%run_scoped3A_264, %dma_wait3A_315] : memref<8x128xi32, #tpu.memory_space<vmem>> -> memref<1x128xi32, #tpu.memory_space<vmem>>
        %dma_wait3A_317 = tpu.memref_squeeze %dma_wait3A_316 : memref<1x128xi32, #tpu.memory_space<vmem>> -> memref<128xi32, #tpu.memory_space<vmem>>
        %dma_wait3A_318 = arith.constant 0 : i32
        %dma_wait3A_319 = arith.constant 0 : i32
        %dma_wait3A_320 = tpu.memref_slice %arg16[%dma_wait3A_318, %dma_wait3A_319] : memref<10112x128xf32, #tpu.memory_space<vmem_shared>> -> memref<10112x128xf32, #tpu.memory_space<vmem_shared>>
        tpu.wait_indirect_dma semaphore(%run_scoped3A_308 : memref<!tpu.dma_semaphore, #tpu.memory_space<semaphore_mem>>) src(%arg11 : memref<128x128xf32, #tpu.memory_space<vmem>>) dst(%dma_wait3A_320 : memref<10112x128xf32, #tpu.memory_space<vmem_shared>>)
        tpu.yield
      }) : () -> ()
      %dma_start3A_265 = arith.constant 6 : i32
      %dma_start3A_266 = arith.constant 0 : i32
      %dma_start3A_267 = tpu.memref_slice %arg9[%dma_start3A_265, %dma_start3A_266] : memref<8x128xi32, #tpu.memory_space<vmem>> -> memref<1x128xi32, #tpu.memory_space<vmem>>
      %dma_start3A_268 = tpu.memref_squeeze %dma_start3A_267 : memref<1x128xi32, #tpu.memory_space<vmem>> -> memref<128xi32, #tpu.memory_space<vmem>>
      %dma_start3A_269 = arith.constant 0 : i32
      %dma_start3A_270 = arith.constant 0 : i32
      %dma_start3A_271 = tpu.memref_slice %arg2[%dma_start3A_269, %dma_start3A_270] : memref<10000x128xf32, #tpu.memory_space<hbm>> -> memref<10000x128xf32, #tpu.memory_space<hbm>>
      tpu.enqueue_indirect_dma source(%dma_start3A_271 : memref<10000x128xf32, #tpu.memory_space<hbm>>) target(%arg11 : memref<128x128xf32, #tpu.memory_space<vmem>>) offsets(%dma_start3A_268 : memref<128xi32, #tpu.memory_space<vmem>>) semaphore(%arg13 : memref<!tpu.dma_semaphore, #tpu.memory_space<semaphore_mem>>)
      %dma_wait3A_272 = arith.constant 5 : i32
      %dma_wait3A_273 = arith.constant 0 : i32
      %dma_wait3A_274 = tpu.memref_slice %arg9[%dma_wait3A_272, %dma_wait3A_273] : memref<8x128xi32, #tpu.memory_space<vmem>> -> memref<1x128xi32, #tpu.memory_space<vmem>>
      %dma_wait3A_275 = tpu.memref_squeeze %dma_wait3A_274 : memref<1x128xi32, #tpu.memory_space<vmem>> -> memref<128xi32, #tpu.memory_space<vmem>>
      %dma_wait3A_276 = arith.constant 0 : i32
      %dma_wait3A_277 = arith.constant 0 : i32
      %dma_wait3A_278 = tpu.memref_slice %arg2[%dma_wait3A_276, %dma_wait3A_277] : memref<10000x128xf32, #tpu.memory_space<hbm>> -> memref<10000x128xf32, #tpu.memory_space<hbm>>
      tpu.wait_indirect_dma semaphore(%arg14 : memref<!tpu.dma_semaphore, #tpu.memory_space<semaphore_mem>>) src(%dma_wait3A_278 : memref<10000x128xf32, #tpu.memory_space<hbm>>) dst(%arg12 : memref<128x128xf32, #tpu.memory_space<vmem>>)
      %run_scoped3A_279 = arith.constant 5 : i32
      "tpu.region"() ({
        %run_scoped3A_308 = tpu.sem_alloc : memref<!tpu.dma_semaphore, #tpu.memory_space<semaphore_mem>>
        %dma_start3A_309 = arith.constant 0 : i32
        %dma_start3A_310 = tpu.memref_slice %arg10[%run_scoped3A_279, %dma_start3A_309] : memref<8x128xi32, #tpu.memory_space<vmem>> -> memref<1x128xi32, #tpu.memory_space<vmem>>
        %dma_start3A_311 = tpu.memref_squeeze %dma_start3A_310 : memref<1x128xi32, #tpu.memory_space<vmem>> -> memref<128xi32, #tpu.memory_space<vmem>>
        %dma_start3A_312 = arith.constant 0 : i32
        %dma_start3A_313 = arith.constant 0 : i32
        %dma_start3A_314 = tpu.memref_slice %arg16[%dma_start3A_312, %dma_start3A_313] : memref<10112x128xf32, #tpu.memory_space<vmem_shared>> -> memref<10112x128xf32, #tpu.memory_space<vmem_shared>>
        tpu.enqueue_indirect_dma source(%arg12 : memref<128x128xf32, #tpu.memory_space<vmem>>) target(%dma_start3A_314 : memref<10112x128xf32, #tpu.memory_space<vmem_shared>>) offsets(%dma_start3A_311 : memref<128xi32, #tpu.memory_space<vmem>>) semaphore(%run_scoped3A_308 : memref<!tpu.dma_semaphore, #tpu.memory_space<semaphore_mem>>) {add = true}
        %dma_wait3A_315 = arith.constant 0 : i32
        %dma_wait3A_316 = tpu.memref_slice %arg10[%run_scoped3A_279, %dma_wait3A_315] : memref<8x128xi32, #tpu.memory_space<vmem>> -> memref<1x128xi32, #tpu.memory_space<vmem>>
        %dma_wait3A_317 = tpu.memref_squeeze %dma_wait3A_316 : memref<1x128xi32, #tpu.memory_space<vmem>> -> memref<128xi32, #tpu.memory_space<vmem>>
        %dma_wait3A_318 = arith.constant 0 : i32
        %dma_wait3A_319 = arith.constant 0 : i32
        %dma_wait3A_320 = tpu.memref_slice %arg16[%dma_wait3A_318, %dma_wait3A_319] : memref<10112x128xf32, #tpu.memory_space<vmem_shared>> -> memref<10112x128xf32, #tpu.memory_space<vmem_shared>>
        tpu.wait_indirect_dma semaphore(%run_scoped3A_308 : memref<!tpu.dma_semaphore, #tpu.memory_space<semaphore_mem>>) src(%arg12 : memref<128x128xf32, #tpu.memory_space<vmem>>) dst(%dma_wait3A_320 : memref<10112x128xf32, #tpu.memory_space<vmem_shared>>)
        tpu.yield
      }) : () -> ()
      %dma_start3A_280 = arith.constant 7 : i32
      %dma_start3A_281 = arith.constant 0 : i32
      %dma_start3A_282 = tpu.memref_slice %arg9[%dma_start3A_280, %dma_start3A_281] : memref<8x128xi32, #tpu.memory_space<vmem>> -> memref<1x128xi32, #tpu.memory_space<vmem>>
      %dma_start3A_283 = tpu.memref_squeeze %dma_start3A_282 : memref<1x128xi32, #tpu.memory_space<vmem>> -> memref<128xi32, #tpu.memory_space<vmem>>
      %dma_start3A_284 = arith.constant 0 : i32
      %dma_start3A_285 = arith.constant 0 : i32
      %dma_start3A_286 = tpu.memref_slice %arg2[%dma_start3A_284, %dma_start3A_285] : memref<10000x128xf32, #tpu.memory_space<hbm>> -> memref<10000x128xf32, #tpu.memory_space<hbm>>
      tpu.enqueue_indirect_dma source(%dma_start3A_286 : memref<10000x128xf32, #tpu.memory_space<hbm>>) target(%arg12 : memref<128x128xf32, #tpu.memory_space<vmem>>) offsets(%dma_start3A_283 : memref<128xi32, #tpu.memory_space<vmem>>) semaphore(%arg14 : memref<!tpu.dma_semaphore, #tpu.memory_space<semaphore_mem>>)
      %dma_wait3A_287 = arith.constant 6 : i32
      %dma_wait3A_288 = arith.constant 0 : i32
      %dma_wait3A_289 = tpu.memref_slice %arg9[%dma_wait3A_287, %dma_wait3A_288] : memref<8x128xi32, #tpu.memory_space<vmem>> -> memref<1x128xi32, #tpu.memory_space<vmem>>
      %dma_wait3A_290 = tpu.memref_squeeze %dma_wait3A_289 : memref<1x128xi32, #tpu.memory_space<vmem>> -> memref<128xi32, #tpu.memory_space<vmem>>
      %dma_wait3A_291 = arith.constant 0 : i32
      %dma_wait3A_292 = arith.constant 0 : i32
      %dma_wait3A_293 = tpu.memref_slice %arg2[%dma_wait3A_291, %dma_wait3A_292] : memref<10000x128xf32, #tpu.memory_space<hbm>> -> memref<10000x128xf32, #tpu.memory_space<hbm>>
      tpu.wait_indirect_dma semaphore(%arg13 : memref<!tpu.dma_semaphore, #tpu.memory_space<semaphore_mem>>) src(%dma_wait3A_293 : memref<10000x128xf32, #tpu.memory_space<hbm>>) dst(%arg11 : memref<128x128xf32, #tpu.memory_space<vmem>>)
      %run_scoped3A_294 = arith.constant 6 : i32
      "tpu.region"() ({
        %run_scoped3A_308 = tpu.sem_alloc : memref<!tpu.dma_semaphore, #tpu.memory_space<semaphore_mem>>
        %dma_start3A_309 = arith.constant 0 : i32
        %dma_start3A_310 = tpu.memref_slice %arg10[%run_scoped3A_294, %dma_start3A_309] : memref<8x128xi32, #tpu.memory_space<vmem>> -> memref<1x128xi32, #tpu.memory_space<vmem>>
        %dma_start3A_311 = tpu.memref_squeeze %dma_start3A_310 : memref<1x128xi32, #tpu.memory_space<vmem>> -> memref<128xi32, #tpu.memory_space<vmem>>
        %dma_start3A_312 = arith.constant 0 : i32
        %dma_start3A_313 = arith.constant 0 : i32
        %dma_start3A_314 = tpu.memref_slice %arg16[%dma_start3A_312, %dma_start3A_313] : memref<10112x128xf32, #tpu.memory_space<vmem_shared>> -> memref<10112x128xf32, #tpu.memory_space<vmem_shared>>
        tpu.enqueue_indirect_dma source(%arg11 : memref<128x128xf32, #tpu.memory_space<vmem>>) target(%dma_start3A_314 : memref<10112x128xf32, #tpu.memory_space<vmem_shared>>) offsets(%dma_start3A_311 : memref<128xi32, #tpu.memory_space<vmem>>) semaphore(%run_scoped3A_308 : memref<!tpu.dma_semaphore, #tpu.memory_space<semaphore_mem>>) {add = true}
        %dma_wait3A_315 = arith.constant 0 : i32
        %dma_wait3A_316 = tpu.memref_slice %arg10[%run_scoped3A_294, %dma_wait3A_315] : memref<8x128xi32, #tpu.memory_space<vmem>> -> memref<1x128xi32, #tpu.memory_space<vmem>>
        %dma_wait3A_317 = tpu.memref_squeeze %dma_wait3A_316 : memref<1x128xi32, #tpu.memory_space<vmem>> -> memref<128xi32, #tpu.memory_space<vmem>>
        %dma_wait3A_318 = arith.constant 0 : i32
        %dma_wait3A_319 = arith.constant 0 : i32
        %dma_wait3A_320 = tpu.memref_slice %arg16[%dma_wait3A_318, %dma_wait3A_319] : memref<10112x128xf32, #tpu.memory_space<vmem_shared>> -> memref<10112x128xf32, #tpu.memory_space<vmem_shared>>
        tpu.wait_indirect_dma semaphore(%run_scoped3A_308 : memref<!tpu.dma_semaphore, #tpu.memory_space<semaphore_mem>>) src(%arg11 : memref<128x128xf32, #tpu.memory_space<vmem>>) dst(%dma_wait3A_320 : memref<10112x128xf32, #tpu.memory_space<vmem_shared>>)
        tpu.yield
      }) : () -> ()
      %lt3A_295 = arith.constant 4 : i32
      %lt3A_296 = arith.cmpi slt, %scan3A_28, %lt3A_295 : i32
      %convert_element_type3A_297 = arith.extui %lt3A_296 : i1 to i32
      %cond3A_298 = arith.constant 0 : i32
      %cond3A_299 = arith.cmpi ne, %convert_element_type3A_297, %cond3A_298 : i32
      scf.if %cond3A_299 {
        %dma_wait3A_308 = arith.constant 0 : i32
        %dma_wait3A_309 = arith.constant 0 : i32
        %dma_wait3A_310 = arith.constant 0 : i32
        %dma_wait3A_311 = tpu.memref_slice %arg3[%add3A, %dma_wait3A_308, %dma_wait3A_309, %dma_wait3A_310] : memref<32x10x8x128xi32, #tpu.memory_space<hbm>> -> memref<1x1x8x128xi32, #tpu.memory_space<hbm>>
        %dma_wait3A_312 = tpu.memref_squeeze %dma_wait3A_311 : memref<1x1x8x128xi32, #tpu.memory_space<hbm>> -> memref<8x128xi32, #tpu.memory_space<hbm>>
        %dma_wait3A_313 = arith.constant 0 : i32
        %dma_wait3A_314 = arith.constant 0 : i32
        %dma_wait3A_315 = tpu.memref_slice %arg3[%add3A, %dma_wait3A_308, %dma_wait3A_313, %dma_wait3A_314] : memref<32x10x8x128xi32, #tpu.memory_space<hbm>> -> memref<1x1x8x128xi32, #tpu.memory_space<hbm>>
        %dma_wait3A_316 = tpu.memref_squeeze %dma_wait3A_315 : memref<1x1x8x128xi32, #tpu.memory_space<hbm>> -> memref<8x128xi32, #tpu.memory_space<hbm>>
        tpu.wait_dma2 semaphore(%arg15 : memref<!tpu.dma_semaphore, #tpu.memory_space<semaphore_mem>>) src(%dma_wait3A_316 : memref<8x128xi32, #tpu.memory_space<hbm>>) dst(%arg7 : memref<8x128xi32, #tpu.memory_space<vmem>>)
        %dma_wait3A_317 = arith.constant 0 : i32
        %dma_wait3A_318 = arith.constant 0 : i32
        %dma_wait3A_319 = arith.constant 0 : i32
        %dma_wait3A_320 = tpu.memref_slice %arg4[%add3A, %dma_wait3A_317, %dma_wait3A_318, %dma_wait3A_319] : memref<32x10x8x128xi32, #tpu.memory_space<hbm>> -> memref<1x1x8x128xi32, #tpu.memory_space<hbm>>
        %dma_wait3A_321 = tpu.memref_squeeze %dma_wait3A_320 : memref<1x1x8x128xi32, #tpu.memory_space<hbm>> -> memref<8x128xi32, #tpu.memory_space<hbm>>
        %dma_wait3A_322 = arith.constant 0 : i32
        %dma_wait3A_323 = arith.constant 0 : i32
        %dma_wait3A_324 = tpu.memref_slice %arg4[%add3A, %dma_wait3A_317, %dma_wait3A_322, %dma_wait3A_323] : memref<32x10x8x128xi32, #tpu.memory_space<hbm>> -> memref<1x1x8x128xi32, #tpu.memory_space<hbm>>
        %dma_wait3A_325 = tpu.memref_squeeze %dma_wait3A_324 : memref<1x1x8x128xi32, #tpu.memory_space<hbm>> -> memref<8x128xi32, #tpu.memory_space<hbm>>
        tpu.wait_dma2 semaphore(%arg15 : memref<!tpu.dma_semaphore, #tpu.memory_space<semaphore_mem>>) src(%dma_wait3A_325 : memref<8x128xi32, #tpu.memory_space<hbm>>) dst(%arg8 : memref<8x128xi32, #tpu.memory_space<vmem>>)
        %dma_start3A_326 = arith.constant 0 : i32
        %dma_start3A_327 = arith.constant 0 : i32
        %dma_start3A_328 = tpu.memref_slice %arg7[%dma_start3A_326, %dma_start3A_327] : memref<8x128xi32, #tpu.memory_space<vmem>> -> memref<1x128xi32, #tpu.memory_space<vmem>>
        %dma_start3A_329 = tpu.memref_squeeze %dma_start3A_328 : memref<1x128xi32, #tpu.memory_space<vmem>> -> memref<128xi32, #tpu.memory_space<vmem>>
        %dma_start3A_330 = arith.constant 0 : i32
        %dma_start3A_331 = arith.constant 0 : i32
        %dma_start3A_332 = tpu.memref_slice %arg2[%dma_start3A_330, %dma_start3A_331] : memref<10000x128xf32, #tpu.memory_space<hbm>> -> memref<10000x128xf32, #tpu.memory_space<hbm>>
        tpu.enqueue_indirect_dma source(%dma_start3A_332 : memref<10000x128xf32, #tpu.memory_space<hbm>>) target(%arg11 : memref<128x128xf32, #tpu.memory_space<vmem>>) offsets(%dma_start3A_329 : memref<128xi32, #tpu.memory_space<vmem>>) semaphore(%arg13 : memref<!tpu.dma_semaphore, #tpu.memory_space<semaphore_mem>>)
      } else {
      }
      %dma_wait3A_300 = arith.constant 7 : i32
      %dma_wait3A_301 = arith.constant 0 : i32
      %dma_wait3A_302 = tpu.memref_slice %arg9[%dma_wait3A_300, %dma_wait3A_301] : memref<8x128xi32, #tpu.memory_space<vmem>> -> memref<1x128xi32, #tpu.memory_space<vmem>>
      %dma_wait3A_303 = tpu.memref_squeeze %dma_wait3A_302 : memref<1x128xi32, #tpu.memory_space<vmem>> -> memref<128xi32, #tpu.memory_space<vmem>>
      %dma_wait3A_304 = arith.constant 0 : i32
      %dma_wait3A_305 = arith.constant 0 : i32
      %dma_wait3A_306 = tpu.memref_slice %arg2[%dma_wait3A_304, %dma_wait3A_305] : memref<10000x128xf32, #tpu.memory_space<hbm>> -> memref<10000x128xf32, #tpu.memory_space<hbm>>
      tpu.wait_indirect_dma semaphore(%arg14 : memref<!tpu.dma_semaphore, #tpu.memory_space<semaphore_mem>>) src(%dma_wait3A_306 : memref<10000x128xf32, #tpu.memory_space<hbm>>) dst(%arg12 : memref<128x128xf32, #tpu.memory_space<vmem>>)
      %run_scoped3A_307 = arith.constant 7 : i32
      "tpu.region"() ({
        %run_scoped3A_308 = tpu.sem_alloc : memref<!tpu.dma_semaphore, #tpu.memory_space<semaphore_mem>>
        %dma_start3A_309 = arith.constant 0 : i32
        %dma_start3A_310 = tpu.memref_slice %arg10[%run_scoped3A_307, %dma_start3A_309] : memref<8x128xi32, #tpu.memory_space<vmem>> -> memref<1x128xi32, #tpu.memory_space<vmem>>
        %dma_start3A_311 = tpu.memref_squeeze %dma_start3A_310 : memref<1x128xi32, #tpu.memory_space<vmem>> -> memref<128xi32, #tpu.memory_space<vmem>>
        %dma_start3A_312 = arith.constant 0 : i32
        %dma_start3A_313 = arith.constant 0 : i32
        %dma_start3A_314 = tpu.memref_slice %arg16[%dma_start3A_312, %dma_start3A_313] : memref<10112x128xf32, #tpu.memory_space<vmem_shared>> -> memref<10112x128xf32, #tpu.memory_space<vmem_shared>>
        tpu.enqueue_indirect_dma source(%arg12 : memref<128x128xf32, #tpu.memory_space<vmem>>) target(%dma_start3A_314 : memref<10112x128xf32, #tpu.memory_space<vmem_shared>>) offsets(%dma_start3A_311 : memref<128xi32, #tpu.memory_space<vmem>>) semaphore(%run_scoped3A_308 : memref<!tpu.dma_semaphore, #tpu.memory_space<semaphore_mem>>) {add = true}
        %dma_wait3A_315 = arith.constant 0 : i32
        %dma_wait3A_316 = tpu.memref_slice %arg10[%run_scoped3A_307, %dma_wait3A_315] : memref<8x128xi32, #tpu.memory_space<vmem>> -> memref<1x128xi32, #tpu.memory_space<vmem>>
        %dma_wait3A_317 = tpu.memref_squeeze %dma_wait3A_316 : memref<1x128xi32, #tpu.memory_space<vmem>> -> memref<128xi32, #tpu.memory_space<vmem>>
        %dma_wait3A_318 = arith.constant 0 : i32
        %dma_wait3A_319 = arith.constant 0 : i32
        %dma_wait3A_320 = tpu.memref_slice %arg16[%dma_wait3A_318, %dma_wait3A_319] : memref<10112x128xf32, #tpu.memory_space<vmem_shared>> -> memref<10112x128xf32, #tpu.memory_space<vmem_shared>>
        tpu.wait_indirect_dma semaphore(%run_scoped3A_308 : memref<!tpu.dma_semaphore, #tpu.memory_space<semaphore_mem>>) src(%arg12 : memref<128x128xf32, #tpu.memory_space<vmem>>) dst(%dma_wait3A_320 : memref<10112x128xf32, #tpu.memory_space<vmem_shared>>)
        tpu.yield
      }) : () -> ()
    }
    %scan3A_24 = arith.constant 5 : i32
    %barrier3A_25 = arith.constant 0 : index
    tpu.barrier barrier_id(%barrier3A_25)
    %mul3A_26 = arith.constant 632 : i32
    %mul3A_27 = arith.muli %arg1, %mul3A_26 : i32
    "tpu.region"() ({
      %run_scoped3A_28 = tpu.sem_alloc : memref<!tpu.dma_semaphore, #tpu.memory_space<semaphore_mem>>
      %dma_start3A_29 = arith.constant 0 : i32
      %dma_start3A_30 = tpu.memref_slice %arg6[%arg0, %mul3A_27, %dma_start3A_29] : memref<2x10112x128xf32, #tpu.memory_space<hbm>> -> memref<1x632x128xf32, #tpu.memory_space<hbm>>
      %dma_start3A_31 = tpu.memref_squeeze %dma_start3A_30 : memref<1x632x128xf32, #tpu.memory_space<hbm>> -> memref<632x128xf32, #tpu.memory_space<hbm>>
      %dma_start3A_32 = arith.constant 0 : i32
      %dma_start3A_33 = tpu.memref_slice %arg16[%mul3A_27, %dma_start3A_32] : memref<10112x128xf32, #tpu.memory_space<vmem_shared>> -> memref<632x128xf32, #tpu.memory_space<vmem_shared>>
      tpu.enqueue_dma source(%dma_start3A_33 : memref<632x128xf32, #tpu.memory_space<vmem_shared>>) target(%dma_start3A_31 : memref<632x128xf32, #tpu.memory_space<hbm>>) target_semaphore(%run_scoped3A_28 : memref<!tpu.dma_semaphore, #tpu.memory_space<semaphore_mem>>)
      %dma_wait3A = arith.constant 0 : i32
      %dma_wait3A_34 = tpu.memref_slice %arg6[%arg0, %mul3A_27, %dma_wait3A] : memref<2x10112x128xf32, #tpu.memory_space<hbm>> -> memref<1x632x128xf32, #tpu.memory_space<hbm>>
      %dma_wait3A_35 = tpu.memref_squeeze %dma_wait3A_34 : memref<1x632x128xf32, #tpu.memory_space<hbm>> -> memref<632x128xf32, #tpu.memory_space<hbm>>
      %dma_wait3A_36 = arith.constant 0 : i32
      %dma_wait3A_37 = tpu.memref_slice %arg16[%mul3A_27, %dma_wait3A_36] : memref<10112x128xf32, #tpu.memory_space<vmem_shared>> -> memref<632x128xf32, #tpu.memory_space<vmem_shared>>
      tpu.wait_dma2 semaphore(%run_scoped3A_28 : memref<!tpu.dma_semaphore, #tpu.memory_space<semaphore_mem>>) src(%dma_wait3A_37 : memref<632x128xf32, #tpu.memory_space<vmem_shared>>) dst(%dma_wait3A_35 : memref<632x128xf32, #tpu.memory_space<hbm>>)
      tpu.yield
    }) : () -> ()
    return
  }
}

#map = affine_map<(d0, d1) -> (0, 0)>
#map1 = affine_map<(d0, d1) -> (0, 0, 0, 0)>
#map2 = affine_map<(d0, d1) -> (0)>
#map3 = affine_map<(d0, d1) -> (0, 0, 0)>
module attributes {stable_mosaic.version = 14 : i64} {
  func.func @_agg_body(%arg0: i32, %arg1: i32, %arg2: memref<10000x128xf32, #tpu.memory_space<hbm>>, %arg3: memref<32x10x8x128xi32, #tpu.memory_space<hbm>>, %arg4: memref<32x10x8x128xi32, #tpu.memory_space<hbm>>, %arg5: memref<128x128xf32, #tpu.memory_space<hbm>>, %arg6: memref<632xf32, #tpu.memory_space<hbm>>, %arg7: memref<128xf32, #tpu.memory_space<hbm>>, %arg8: memref<2x10112x128xf32, #tpu.memory_space<hbm>>, %arg9: memref<10112xf32, #tpu.memory_space<hbm>>, %arg10: memref<10112xf32, #tpu.memory_space<hbm>>, %arg11: memref<8x128xi32, #tpu.memory_space<vmem>>, %arg12: memref<8x128xi32, #tpu.memory_space<vmem>>, %arg13: memref<8x128xi32, #tpu.memory_space<vmem>>, %arg14: memref<8x128xi32, #tpu.memory_space<vmem>>, %arg15: memref<128x128xf32, #tpu.memory_space<vmem>>, %arg16: memref<128x128xf32, #tpu.memory_space<vmem>>, %arg17: memref<128xf32, #tpu.memory_space<vmem>>, %arg18: memref<632xf32, #tpu.memory_space<vmem>>, %arg19: memref<!tpu.dma_semaphore, #tpu.memory_space<semaphore_mem>>, %arg20: memref<!tpu.dma_semaphore, #tpu.memory_space<semaphore_mem>>, %arg21: memref<!tpu.dma_semaphore, #tpu.memory_space<semaphore_mem>>, %arg22: memref<!tpu.dma_semaphore, #tpu.memory_space<semaphore_mem>>, %arg23: memref<10112x128xf32, #tpu.memory_space<vmem_shared>>, %arg24: memref<10112xf32, #tpu.memory_space<vmem_shared>>) attributes {dimension_semantics = [#tpu.dimension_semantics<core_parallel>, #tpu.dimension_semantics<subcore_parallel>], iteration_bounds = array<i64: 2, 16>, scalar_prefetch = 0 : i64, scratch_operands = 14 : i64, tpu.core_type = #tpu.core_type<sc_vector_subcore>, window_params = [{transform_indices = #map}, {transform_indices = #map1}, {transform_indices = #map1}, {transform_indices = #map}, {transform_indices = #map2}, {transform_indices = #map2}, {transform_indices = #map3}, {transform_indices = #map2}, {transform_indices = #map2}]} {
    %mul3A = arith.constant 16 : i32
    %mul3A_0 = arith.muli %arg0, %mul3A : i32
    %add3A = arith.addi %mul3A_0, %arg1 : i32
    %mul3A_1 = arith.constant 632 : i32
    %mul3A_2 = arith.muli %arg1, %mul3A_1 : i32
    "tpu.region"() ({
      %run_scoped3A_35 = tpu.sem_alloc : memref<!tpu.dma_semaphore, #tpu.memory_space<semaphore_mem>>
      tpu.enqueue_dma source(%arg5 : memref<128x128xf32, #tpu.memory_space<hbm>>) target(%arg15 : memref<128x128xf32, #tpu.memory_space<vmem>>) target_semaphore(%run_scoped3A_35 : memref<!tpu.dma_semaphore, #tpu.memory_space<semaphore_mem>>)
      tpu.wait_dma2 semaphore(%run_scoped3A_35 : memref<!tpu.dma_semaphore, #tpu.memory_space<semaphore_mem>>) src(%arg5 : memref<128x128xf32, #tpu.memory_space<hbm>>) dst(%arg15 : memref<128x128xf32, #tpu.memory_space<vmem>>)
      tpu.yield
    }) : () -> ()
    %add3A_3 = arith.constant 0 : i32
    %add3A_4 = arith.addi %mul3A_2, %add3A_3 : i32
    "tpu.region"() ({
      %run_scoped3A_35 = tpu.sem_alloc : memref<!tpu.dma_semaphore, #tpu.memory_space<semaphore_mem>>
      %dma_start3A_36 = arith.constant 0 : i32
      %dma_start3A_37 = tpu.memref_slice %arg23[%add3A_4, %dma_start3A_36] : memref<10112x128xf32, #tpu.memory_space<vmem_shared>> -> memref<128x128xf32, #tpu.memory_space<vmem_shared>>
      %dma_start3A_38 = arith.constant 0 : i32
      %dma_start3A_39 = tpu.memref_slice %arg23[%add3A_4, %dma_start3A_38] : memref<10112x128xf32, #tpu.memory_space<vmem_shared>> -> memref<128x128xf32, #tpu.memory_space<vmem_shared>>
      tpu.enqueue_dma source(%arg15 : memref<128x128xf32, #tpu.memory_space<vmem>>) target(%dma_start3A_39 : memref<128x128xf32, #tpu.memory_space<vmem_shared>>) target_semaphore(%run_scoped3A_35 : memref<!tpu.dma_semaphore, #tpu.memory_space<semaphore_mem>>)
      %dma_wait3A = arith.constant 0 : i32
      %dma_wait3A_40 = tpu.memref_slice %arg23[%add3A_4, %dma_wait3A] : memref<10112x128xf32, #tpu.memory_space<vmem_shared>> -> memref<128x128xf32, #tpu.memory_space<vmem_shared>>
      %dma_wait3A_41 = arith.constant 0 : i32
      %dma_wait3A_42 = tpu.memref_slice %arg23[%add3A_4, %dma_wait3A_41] : memref<10112x128xf32, #tpu.memory_space<vmem_shared>> -> memref<128x128xf32, #tpu.memory_space<vmem_shared>>
      tpu.wait_dma2 semaphore(%run_scoped3A_35 : memref<!tpu.dma_semaphore, #tpu.memory_space<semaphore_mem>>) src(%arg15 : memref<128x128xf32, #tpu.memory_space<vmem>>) dst(%dma_wait3A_42 : memref<128x128xf32, #tpu.memory_space<vmem_shared>>)
      tpu.yield
    }) : () -> ()
    %add3A_5 = arith.constant 128 : i32
    %add3A_6 = arith.addi %mul3A_2, %add3A_5 : i32
    "tpu.region"() ({
      %run_scoped3A_35 = tpu.sem_alloc : memref<!tpu.dma_semaphore, #tpu.memory_space<semaphore_mem>>
      %dma_start3A_36 = arith.constant 0 : i32
      %dma_start3A_37 = tpu.memref_slice %arg23[%add3A_6, %dma_start3A_36] : memref<10112x128xf32, #tpu.memory_space<vmem_shared>> -> memref<128x128xf32, #tpu.memory_space<vmem_shared>>
      %dma_start3A_38 = arith.constant 0 : i32
      %dma_start3A_39 = tpu.memref_slice %arg23[%add3A_6, %dma_start3A_38] : memref<10112x128xf32, #tpu.memory_space<vmem_shared>> -> memref<128x128xf32, #tpu.memory_space<vmem_shared>>
      tpu.enqueue_dma source(%arg15 : memref<128x128xf32, #tpu.memory_space<vmem>>) target(%dma_start3A_39 : memref<128x128xf32, #tpu.memory_space<vmem_shared>>) target_semaphore(%run_scoped3A_35 : memref<!tpu.dma_semaphore, #tpu.memory_space<semaphore_mem>>)
      %dma_wait3A = arith.constant 0 : i32
      %dma_wait3A_40 = tpu.memref_slice %arg23[%add3A_6, %dma_wait3A] : memref<10112x128xf32, #tpu.memory_space<vmem_shared>> -> memref<128x128xf32, #tpu.memory_space<vmem_shared>>
      %dma_wait3A_41 = arith.constant 0 : i32
      %dma_wait3A_42 = tpu.memref_slice %arg23[%add3A_6, %dma_wait3A_41] : memref<10112x128xf32, #tpu.memory_space<vmem_shared>> -> memref<128x128xf32, #tpu.memory_space<vmem_shared>>
      tpu.wait_dma2 semaphore(%run_scoped3A_35 : memref<!tpu.dma_semaphore, #tpu.memory_space<semaphore_mem>>) src(%arg15 : memref<128x128xf32, #tpu.memory_space<vmem>>) dst(%dma_wait3A_42 : memref<128x128xf32, #tpu.memory_space<vmem_shared>>)
      tpu.yield
    }) : () -> ()
    %add3A_7 = arith.constant 256 : i32
    %add3A_8 = arith.addi %mul3A_2, %add3A_7 : i32
    "tpu.region"() ({
      %run_scoped3A_35 = tpu.sem_alloc : memref<!tpu.dma_semaphore, #tpu.memory_space<semaphore_mem>>
      %dma_start3A_36 = arith.constant 0 : i32
      %dma_start3A_37 = tpu.memref_slice %arg23[%add3A_8, %dma_start3A_36] : memref<10112x128xf32, #tpu.memory_space<vmem_shared>> -> memref<128x128xf32, #tpu.memory_space<vmem_shared>>
      %dma_start3A_38 = arith.constant 0 : i32
      %dma_start3A_39 = tpu.memref_slice %arg23[%add3A_8, %dma_start3A_38] : memref<10112x128xf32, #tpu.memory_space<vmem_shared>> -> memref<128x128xf32, #tpu.memory_space<vmem_shared>>
      tpu.enqueue_dma source(%arg15 : memref<128x128xf32, #tpu.memory_space<vmem>>) target(%dma_start3A_39 : memref<128x128xf32, #tpu.memory_space<vmem_shared>>) target_semaphore(%run_scoped3A_35 : memref<!tpu.dma_semaphore, #tpu.memory_space<semaphore_mem>>)
      %dma_wait3A = arith.constant 0 : i32
      %dma_wait3A_40 = tpu.memref_slice %arg23[%add3A_8, %dma_wait3A] : memref<10112x128xf32, #tpu.memory_space<vmem_shared>> -> memref<128x128xf32, #tpu.memory_space<vmem_shared>>
      %dma_wait3A_41 = arith.constant 0 : i32
      %dma_wait3A_42 = tpu.memref_slice %arg23[%add3A_8, %dma_wait3A_41] : memref<10112x128xf32, #tpu.memory_space<vmem_shared>> -> memref<128x128xf32, #tpu.memory_space<vmem_shared>>
      tpu.wait_dma2 semaphore(%run_scoped3A_35 : memref<!tpu.dma_semaphore, #tpu.memory_space<semaphore_mem>>) src(%arg15 : memref<128x128xf32, #tpu.memory_space<vmem>>) dst(%dma_wait3A_42 : memref<128x128xf32, #tpu.memory_space<vmem_shared>>)
      tpu.yield
    }) : () -> ()
    %add3A_9 = arith.constant 384 : i32
    %add3A_10 = arith.addi %mul3A_2, %add3A_9 : i32
    "tpu.region"() ({
      %run_scoped3A_35 = tpu.sem_alloc : memref<!tpu.dma_semaphore, #tpu.memory_space<semaphore_mem>>
      %dma_start3A_36 = arith.constant 0 : i32
      %dma_start3A_37 = tpu.memref_slice %arg23[%add3A_10, %dma_start3A_36] : memref<10112x128xf32, #tpu.memory_space<vmem_shared>> -> memref<128x128xf32, #tpu.memory_space<vmem_shared>>
      %dma_start3A_38 = arith.constant 0 : i32
      %dma_start3A_39 = tpu.memref_slice %arg23[%add3A_10, %dma_start3A_38] : memref<10112x128xf32, #tpu.memory_space<vmem_shared>> -> memref<128x128xf32, #tpu.memory_space<vmem_shared>>
      tpu.enqueue_dma source(%arg15 : memref<128x128xf32, #tpu.memory_space<vmem>>) target(%dma_start3A_39 : memref<128x128xf32, #tpu.memory_space<vmem_shared>>) target_semaphore(%run_scoped3A_35 : memref<!tpu.dma_semaphore, #tpu.memory_space<semaphore_mem>>)
      %dma_wait3A = arith.constant 0 : i32
      %dma_wait3A_40 = tpu.memref_slice %arg23[%add3A_10, %dma_wait3A] : memref<10112x128xf32, #tpu.memory_space<vmem_shared>> -> memref<128x128xf32, #tpu.memory_space<vmem_shared>>
      %dma_wait3A_41 = arith.constant 0 : i32
      %dma_wait3A_42 = tpu.memref_slice %arg23[%add3A_10, %dma_wait3A_41] : memref<10112x128xf32, #tpu.memory_space<vmem_shared>> -> memref<128x128xf32, #tpu.memory_space<vmem_shared>>
      tpu.wait_dma2 semaphore(%run_scoped3A_35 : memref<!tpu.dma_semaphore, #tpu.memory_space<semaphore_mem>>) src(%arg15 : memref<128x128xf32, #tpu.memory_space<vmem>>) dst(%dma_wait3A_42 : memref<128x128xf32, #tpu.memory_space<vmem_shared>>)
      tpu.yield
    }) : () -> ()
    %add3A_11 = arith.constant 512 : i32
    %add3A_12 = arith.addi %mul3A_2, %add3A_11 : i32
    "tpu.region"() ({
      %run_scoped3A_35 = tpu.sem_alloc : memref<!tpu.dma_semaphore, #tpu.memory_space<semaphore_mem>>
      %dma_start3A_36 = arith.constant 0 : i32
      %dma_start3A_37 = arith.constant 0 : i32
      %dma_start3A_38 = tpu.memref_slice %arg15[%dma_start3A_36, %dma_start3A_37] : memref<128x128xf32, #tpu.memory_space<vmem>> -> memref<120x128xf32, #tpu.memory_space<vmem>>
      %dma_start3A_39 = arith.constant 0 : i32
      %dma_start3A_40 = tpu.memref_slice %arg23[%add3A_12, %dma_start3A_39] : memref<10112x128xf32, #tpu.memory_space<vmem_shared>> -> memref<120x128xf32, #tpu.memory_space<vmem_shared>>
      %dma_start3A_41 = arith.constant 0 : i32
      %dma_start3A_42 = tpu.memref_slice %arg23[%add3A_12, %dma_start3A_41] : memref<10112x128xf32, #tpu.memory_space<vmem_shared>> -> memref<120x128xf32, #tpu.memory_space<vmem_shared>>
      %dma_start3A_43 = arith.constant 0 : i32
      %dma_start3A_44 = arith.constant 0 : i32
      %dma_start3A_45 = tpu.memref_slice %arg15[%dma_start3A_43, %dma_start3A_44] : memref<128x128xf32, #tpu.memory_space<vmem>> -> memref<120x128xf32, #tpu.memory_space<vmem>>
      tpu.enqueue_dma source(%dma_start3A_45 : memref<120x128xf32, #tpu.memory_space<vmem>>) target(%dma_start3A_42 : memref<120x128xf32, #tpu.memory_space<vmem_shared>>) target_semaphore(%run_scoped3A_35 : memref<!tpu.dma_semaphore, #tpu.memory_space<semaphore_mem>>)
      %dma_wait3A = arith.constant 0 : i32
      %dma_wait3A_46 = arith.constant 0 : i32
      %dma_wait3A_47 = tpu.memref_slice %arg15[%dma_wait3A, %dma_wait3A_46] : memref<128x128xf32, #tpu.memory_space<vmem>> -> memref<120x128xf32, #tpu.memory_space<vmem>>
      %dma_wait3A_48 = arith.constant 0 : i32
      %dma_wait3A_49 = tpu.memref_slice %arg23[%add3A_12, %dma_wait3A_48] : memref<10112x128xf32, #tpu.memory_space<vmem_shared>> -> memref<120x128xf32, #tpu.memory_space<vmem_shared>>
      %dma_wait3A_50 = arith.constant 0 : i32
      %dma_wait3A_51 = tpu.memref_slice %arg23[%add3A_12, %dma_wait3A_50] : memref<10112x128xf32, #tpu.memory_space<vmem_shared>> -> memref<120x128xf32, #tpu.memory_space<vmem_shared>>
      %dma_wait3A_52 = arith.constant 0 : i32
      %dma_wait3A_53 = arith.constant 0 : i32
      %dma_wait3A_54 = tpu.memref_slice %arg15[%dma_wait3A_52, %dma_wait3A_53] : memref<128x128xf32, #tpu.memory_space<vmem>> -> memref<120x128xf32, #tpu.memory_space<vmem>>
      tpu.wait_dma2 semaphore(%run_scoped3A_35 : memref<!tpu.dma_semaphore, #tpu.memory_space<semaphore_mem>>) src(%dma_wait3A_54 : memref<120x128xf32, #tpu.memory_space<vmem>>) dst(%dma_wait3A_51 : memref<120x128xf32, #tpu.memory_space<vmem_shared>>)
      tpu.yield
    }) : () -> ()
    "tpu.region"() ({
      %run_scoped3A_35 = tpu.sem_alloc : memref<!tpu.dma_semaphore, #tpu.memory_space<semaphore_mem>>
      tpu.enqueue_dma source(%arg6 : memref<632xf32, #tpu.memory_space<hbm>>) target(%arg18 : memref<632xf32, #tpu.memory_space<vmem>>) target_semaphore(%run_scoped3A_35 : memref<!tpu.dma_semaphore, #tpu.memory_space<semaphore_mem>>)
      tpu.wait_dma2 semaphore(%run_scoped3A_35 : memref<!tpu.dma_semaphore, #tpu.memory_space<semaphore_mem>>) src(%arg6 : memref<632xf32, #tpu.memory_space<hbm>>) dst(%arg18 : memref<632xf32, #tpu.memory_space<vmem>>)
      tpu.yield
    }) : () -> ()
    "tpu.region"() ({
      %run_scoped3A_35 = tpu.sem_alloc : memref<!tpu.dma_semaphore, #tpu.memory_space<semaphore_mem>>
      %dma_start3A_36 = tpu.memref_slice %arg24[%mul3A_2] : memref<10112xf32, #tpu.memory_space<vmem_shared>> -> memref<632xf32, #tpu.memory_space<vmem_shared>>
      %dma_start3A_37 = tpu.memref_slice %arg24[%mul3A_2] : memref<10112xf32, #tpu.memory_space<vmem_shared>> -> memref<632xf32, #tpu.memory_space<vmem_shared>>
      tpu.enqueue_dma source(%arg18 : memref<632xf32, #tpu.memory_space<vmem>>) target(%dma_start3A_37 : memref<632xf32, #tpu.memory_space<vmem_shared>>) target_semaphore(%run_scoped3A_35 : memref<!tpu.dma_semaphore, #tpu.memory_space<semaphore_mem>>)
      %dma_wait3A = tpu.memref_slice %arg24[%mul3A_2] : memref<10112xf32, #tpu.memory_space<vmem_shared>> -> memref<632xf32, #tpu.memory_space<vmem_shared>>
      %dma_wait3A_38 = tpu.memref_slice %arg24[%mul3A_2] : memref<10112xf32, #tpu.memory_space<vmem_shared>> -> memref<632xf32, #tpu.memory_space<vmem_shared>>
      tpu.wait_dma2 semaphore(%run_scoped3A_35 : memref<!tpu.dma_semaphore, #tpu.memory_space<semaphore_mem>>) src(%arg18 : memref<632xf32, #tpu.memory_space<vmem>>) dst(%dma_wait3A_38 : memref<632xf32, #tpu.memory_space<vmem_shared>>)
      tpu.yield
    }) : () -> ()
    "tpu.region"() ({
      %run_scoped3A_35 = tpu.sem_alloc : memref<!tpu.dma_semaphore, #tpu.memory_space<semaphore_mem>>
      tpu.enqueue_dma source(%arg7 : memref<128xf32, #tpu.memory_space<hbm>>) target(%arg17 : memref<128xf32, #tpu.memory_space<vmem>>) target_semaphore(%run_scoped3A_35 : memref<!tpu.dma_semaphore, #tpu.memory_space<semaphore_mem>>)
      tpu.wait_dma2 semaphore(%run_scoped3A_35 : memref<!tpu.dma_semaphore, #tpu.memory_space<semaphore_mem>>) src(%arg7 : memref<128xf32, #tpu.memory_space<hbm>>) dst(%arg17 : memref<128xf32, #tpu.memory_space<vmem>>)
      tpu.yield
    }) : () -> ()
    %run_scoped3A = arith.constant 0 : i32
    "tpu.region"() ({
      %run_scoped3A_35 = tpu.sem_alloc : memref<!tpu.dma_semaphore, #tpu.memory_space<semaphore_mem>>
      %dma_start3A_36 = arith.constant 0 : i32
      %dma_start3A_37 = arith.constant 0 : i32
      %dma_start3A_38 = tpu.memref_slice %arg3[%add3A, %run_scoped3A, %dma_start3A_36, %dma_start3A_37] : memref<32x10x8x128xi32, #tpu.memory_space<hbm>> -> memref<1x1x8x128xi32, #tpu.memory_space<hbm>>
      %dma_start3A_39 = tpu.memref_squeeze %dma_start3A_38 : memref<1x1x8x128xi32, #tpu.memory_space<hbm>> -> memref<8x128xi32, #tpu.memory_space<hbm>>
      %dma_start3A_40 = arith.constant 0 : i32
      %dma_start3A_41 = arith.constant 0 : i32
      %dma_start3A_42 = tpu.memref_slice %arg3[%add3A, %run_scoped3A, %dma_start3A_40, %dma_start3A_41] : memref<32x10x8x128xi32, #tpu.memory_space<hbm>> -> memref<1x1x8x128xi32, #tpu.memory_space<hbm>>
      %dma_start3A_43 = tpu.memref_squeeze %dma_start3A_42 : memref<1x1x8x128xi32, #tpu.memory_space<hbm>> -> memref<8x128xi32, #tpu.memory_space<hbm>>
      tpu.enqueue_dma source(%dma_start3A_43 : memref<8x128xi32, #tpu.memory_space<hbm>>) target(%arg11 : memref<8x128xi32, #tpu.memory_space<vmem>>) target_semaphore(%run_scoped3A_35 : memref<!tpu.dma_semaphore, #tpu.memory_space<semaphore_mem>>)
      %dma_wait3A = arith.constant 0 : i32
      %dma_wait3A_44 = arith.constant 0 : i32
      %dma_wait3A_45 = tpu.memref_slice %arg3[%add3A, %run_scoped3A, %dma_wait3A, %dma_wait3A_44] : memref<32x10x8x128xi32, #tpu.memory_space<hbm>> -> memref<1x1x8x128xi32, #tpu.memory_space<hbm>>
      %dma_wait3A_46 = tpu.memref_squeeze %dma_wait3A_45 : memref<1x1x8x128xi32, #tpu.memory_space<hbm>> -> memref<8x128xi32, #tpu.memory_space<hbm>>
      %dma_wait3A_47 = arith.constant 0 : i32
      %dma_wait3A_48 = arith.constant 0 : i32
      %dma_wait3A_49 = tpu.memref_slice %arg3[%add3A, %run_scoped3A, %dma_wait3A_47, %dma_wait3A_48] : memref<32x10x8x128xi32, #tpu.memory_space<hbm>> -> memref<1x1x8x128xi32, #tpu.memory_space<hbm>>
      %dma_wait3A_50 = tpu.memref_squeeze %dma_wait3A_49 : memref<1x1x8x128xi32, #tpu.memory_space<hbm>> -> memref<8x128xi32, #tpu.memory_space<hbm>>
      tpu.wait_dma2 semaphore(%run_scoped3A_35 : memref<!tpu.dma_semaphore, #tpu.memory_space<semaphore_mem>>) src(%dma_wait3A_50 : memref<8x128xi32, #tpu.memory_space<hbm>>) dst(%arg11 : memref<8x128xi32, #tpu.memory_space<vmem>>)
      tpu.yield
    }) : () -> ()
    %run_scoped3A_13 = arith.constant 0 : i32
    "tpu.region"() ({
      %run_scoped3A_35 = tpu.sem_alloc : memref<!tpu.dma_semaphore, #tpu.memory_space<semaphore_mem>>
      %dma_start3A_36 = arith.constant 0 : i32
      %dma_start3A_37 = arith.constant 0 : i32
      %dma_start3A_38 = tpu.memref_slice %arg4[%add3A, %run_scoped3A_13, %dma_start3A_36, %dma_start3A_37] : memref<32x10x8x128xi32, #tpu.memory_space<hbm>> -> memref<1x1x8x128xi32, #tpu.memory_space<hbm>>
      %dma_start3A_39 = tpu.memref_squeeze %dma_start3A_38 : memref<1x1x8x128xi32, #tpu.memory_space<hbm>> -> memref<8x128xi32, #tpu.memory_space<hbm>>
      %dma_start3A_40 = arith.constant 0 : i32
      %dma_start3A_41 = arith.constant 0 : i32
      %dma_start3A_42 = tpu.memref_slice %arg4[%add3A, %run_scoped3A_13, %dma_start3A_40, %dma_start3A_41] : memref<32x10x8x128xi32, #tpu.memory_space<hbm>> -> memref<1x1x8x128xi32, #tpu.memory_space<hbm>>
      %dma_start3A_43 = tpu.memref_squeeze %dma_start3A_42 : memref<1x1x8x128xi32, #tpu.memory_space<hbm>> -> memref<8x128xi32, #tpu.memory_space<hbm>>
      tpu.enqueue_dma source(%dma_start3A_43 : memref<8x128xi32, #tpu.memory_space<hbm>>) target(%arg12 : memref<8x128xi32, #tpu.memory_space<vmem>>) target_semaphore(%run_scoped3A_35 : memref<!tpu.dma_semaphore, #tpu.memory_space<semaphore_mem>>)
      %dma_wait3A = arith.constant 0 : i32
      %dma_wait3A_44 = arith.constant 0 : i32
      %dma_wait3A_45 = tpu.memref_slice %arg4[%add3A, %run_scoped3A_13, %dma_wait3A, %dma_wait3A_44] : memref<32x10x8x128xi32, #tpu.memory_space<hbm>> -> memref<1x1x8x128xi32, #tpu.memory_space<hbm>>
      %dma_wait3A_46 = tpu.memref_squeeze %dma_wait3A_45 : memref<1x1x8x128xi32, #tpu.memory_space<hbm>> -> memref<8x128xi32, #tpu.memory_space<hbm>>
      %dma_wait3A_47 = arith.constant 0 : i32
      %dma_wait3A_48 = arith.constant 0 : i32
      %dma_wait3A_49 = tpu.memref_slice %arg4[%add3A, %run_scoped3A_13, %dma_wait3A_47, %dma_wait3A_48] : memref<32x10x8x128xi32, #tpu.memory_space<hbm>> -> memref<1x1x8x128xi32, #tpu.memory_space<hbm>>
      %dma_wait3A_50 = tpu.memref_squeeze %dma_wait3A_49 : memref<1x1x8x128xi32, #tpu.memory_space<hbm>> -> memref<8x128xi32, #tpu.memory_space<hbm>>
      tpu.wait_dma2 semaphore(%run_scoped3A_35 : memref<!tpu.dma_semaphore, #tpu.memory_space<semaphore_mem>>) src(%dma_wait3A_50 : memref<8x128xi32, #tpu.memory_space<hbm>>) dst(%arg12 : memref<8x128xi32, #tpu.memory_space<vmem>>)
      tpu.yield
    }) : () -> ()
    %barrier3A = arith.constant 0 : index
    tpu.barrier barrier_id(%barrier3A)
    %dma_start3A = arith.constant 0 : i32
    %dma_start3A_14 = arith.constant 0 : i32
    %dma_start3A_15 = tpu.memref_slice %arg11[%dma_start3A, %dma_start3A_14] : memref<8x128xi32, #tpu.memory_space<vmem>> -> memref<1x128xi32, #tpu.memory_space<vmem>>
    %dma_start3A_16 = tpu.memref_squeeze %dma_start3A_15 : memref<1x128xi32, #tpu.memory_space<vmem>> -> memref<128xi32, #tpu.memory_space<vmem>>
    %dma_start3A_17 = arith.constant 0 : i32
    %dma_start3A_18 = arith.constant 0 : i32
    %dma_start3A_19 = tpu.memref_slice %arg2[%dma_start3A_17, %dma_start3A_18] : memref<10000x128xf32, #tpu.memory_space<hbm>> -> memref<10000x128xf32, #tpu.memory_space<hbm>>
    tpu.enqueue_indirect_dma source(%dma_start3A_19 : memref<10000x128xf32, #tpu.memory_space<hbm>>) target(%arg15 : memref<128x128xf32, #tpu.memory_space<vmem>>) offsets(%dma_start3A_16 : memref<128xi32, #tpu.memory_space<vmem>>) semaphore(%arg19 : memref<!tpu.dma_semaphore, #tpu.memory_space<semaphore_mem>>)
    %scan3A = arith.constant 0 : i32
    %scan3A_20 = arith.constant 0 : i32
    %scan3A_21 = arith.constant 5 : i32
    %scan3A_22 = arith.addi %scan3A_20, %scan3A_21 : i32
    %scan3A_23 = arith.constant 1 : i32
    scf.for %scan3A_35 = %scan3A_20 to %scan3A_22 step %scan3A_23  : i32 {
      %mul3A_36 = arith.constant 2 : i32
      %mul3A_37 = arith.muli %mul3A_36, %scan3A_35 : i32
      %add3A_38 = arith.constant 1 : i32
      %add3A_39 = arith.addi %mul3A_37, %add3A_38 : i32
      %dma_start3A_40 = arith.constant 0 : i32
      %dma_start3A_41 = arith.constant 0 : i32
      %dma_start3A_42 = tpu.memref_slice %arg3[%add3A, %add3A_39, %dma_start3A_40, %dma_start3A_41] : memref<32x10x8x128xi32, #tpu.memory_space<hbm>> -> memref<1x1x8x128xi32, #tpu.memory_space<hbm>>
      %dma_start3A_43 = tpu.memref_squeeze %dma_start3A_42 : memref<1x1x8x128xi32, #tpu.memory_space<hbm>> -> memref<8x128xi32, #tpu.memory_space<hbm>>
      %dma_start3A_44 = arith.constant 0 : i32
      %dma_start3A_45 = arith.constant 0 : i32
      %dma_start3A_46 = tpu.memref_slice %arg3[%add3A, %add3A_39, %dma_start3A_44, %dma_start3A_45] : memref<32x10x8x128xi32, #tpu.memory_space<hbm>> -> memref<1x1x8x128xi32, #tpu.memory_space<hbm>>
      %dma_start3A_47 = tpu.memref_squeeze %dma_start3A_46 : memref<1x1x8x128xi32, #tpu.memory_space<hbm>> -> memref<8x128xi32, #tpu.memory_space<hbm>>
      tpu.enqueue_dma source(%dma_start3A_47 : memref<8x128xi32, #tpu.memory_space<hbm>>) target(%arg13 : memref<8x128xi32, #tpu.memory_space<vmem>>) target_semaphore(%arg21 : memref<!tpu.dma_semaphore, #tpu.memory_space<semaphore_mem>>)
      %add3A_48 = arith.constant 1 : i32
      %add3A_49 = arith.addi %mul3A_37, %add3A_48 : i32
      %dma_start3A_50 = arith.constant 0 : i32
      %dma_start3A_51 = arith.constant 0 : i32
      %dma_start3A_52 = tpu.memref_slice %arg4[%add3A, %add3A_49, %dma_start3A_50, %dma_start3A_51] : memref<32x10x8x128xi32, #tpu.memory_space<hbm>> -> memref<1x1x8x128xi32, #tpu.memory_space<hbm>>
      %dma_start3A_53 = tpu.memref_squeeze %dma_start3A_52 : memref<1x1x8x128xi32, #tpu.memory_space<hbm>> -> memref<8x128xi32, #tpu.memory_space<hbm>>
      %dma_start3A_54 = arith.constant 0 : i32
      %dma_start3A_55 = arith.constant 0 : i32
      %dma_start3A_56 = tpu.memref_slice %arg4[%add3A, %add3A_49, %dma_start3A_54, %dma_start3A_55] : memref<32x10x8x128xi32, #tpu.memory_space<hbm>> -> memref<1x1x8x128xi32, #tpu.memory_space<hbm>>
      %dma_start3A_57 = tpu.memref_squeeze %dma_start3A_56 : memref<1x1x8x128xi32, #tpu.memory_space<hbm>> -> memref<8x128xi32, #tpu.memory_space<hbm>>
      tpu.enqueue_dma source(%dma_start3A_57 : memref<8x128xi32, #tpu.memory_space<hbm>>) target(%arg14 : memref<8x128xi32, #tpu.memory_space<vmem>>) target_semaphore(%arg21 : memref<!tpu.dma_semaphore, #tpu.memory_space<semaphore_mem>>)
      %dma_start3A_58 = arith.constant 1 : i32
      %dma_start3A_59 = arith.constant 0 : i32
      %dma_start3A_60 = tpu.memref_slice %arg11[%dma_start3A_58, %dma_start3A_59] : memref<8x128xi32, #tpu.memory_space<vmem>> -> memref<1x128xi32, #tpu.memory_space<vmem>>
      %dma_start3A_61 = tpu.memref_squeeze %dma_start3A_60 : memref<1x128xi32, #tpu.memory_space<vmem>> -> memref<128xi32, #tpu.memory_space<vmem>>
      %dma_start3A_62 = arith.constant 0 : i32
      %dma_start3A_63 = arith.constant 0 : i32
      %dma_start3A_64 = tpu.memref_slice %arg2[%dma_start3A_62, %dma_start3A_63] : memref<10000x128xf32, #tpu.memory_space<hbm>> -> memref<10000x128xf32, #tpu.memory_space<hbm>>
      tpu.enqueue_indirect_dma source(%dma_start3A_64 : memref<10000x128xf32, #tpu.memory_space<hbm>>) target(%arg16 : memref<128x128xf32, #tpu.memory_space<vmem>>) offsets(%dma_start3A_61 : memref<128xi32, #tpu.memory_space<vmem>>) semaphore(%arg20 : memref<!tpu.dma_semaphore, #tpu.memory_space<semaphore_mem>>)
      %dma_start3A_65 = arith.constant 0 : i32
      %dma_start3A_66 = arith.constant 0 : i32
      %dma_start3A_67 = tpu.memref_slice %arg12[%dma_start3A_65, %dma_start3A_66] : memref<8x128xi32, #tpu.memory_space<vmem>> -> memref<1x128xi32, #tpu.memory_space<vmem>>
      %dma_start3A_68 = tpu.memref_squeeze %dma_start3A_67 : memref<1x128xi32, #tpu.memory_space<vmem>> -> memref<128xi32, #tpu.memory_space<vmem>>
      %dma_start3A_69 = arith.constant 0 : i32
      %dma_start3A_70 = tpu.memref_slice %arg24[%dma_start3A_69] : memref<10112xf32, #tpu.memory_space<vmem_shared>> -> memref<10112xf32, #tpu.memory_space<vmem_shared>>
      tpu.enqueue_indirect_dma source(%arg17 : memref<128xf32, #tpu.memory_space<vmem>>) target(%dma_start3A_70 : memref<10112xf32, #tpu.memory_space<vmem_shared>>) offsets(%dma_start3A_68 : memref<128xi32, #tpu.memory_space<vmem>>) semaphore(%arg22 : memref<!tpu.dma_semaphore, #tpu.memory_space<semaphore_mem>>) {add = true}
      %dma_wait3A = arith.constant 0 : i32
      %dma_wait3A_71 = arith.constant 0 : i32
      %dma_wait3A_72 = tpu.memref_slice %arg11[%dma_wait3A, %dma_wait3A_71] : memref<8x128xi32, #tpu.memory_space<vmem>> -> memref<1x128xi32, #tpu.memory_space<vmem>>
      %dma_wait3A_73 = tpu.memref_squeeze %dma_wait3A_72 : memref<1x128xi32, #tpu.memory_space<vmem>> -> memref<128xi32, #tpu.memory_space<vmem>>
      %dma_wait3A_74 = arith.constant 0 : i32
      %dma_wait3A_75 = arith.constant 0 : i32
      %dma_wait3A_76 = tpu.memref_slice %arg2[%dma_wait3A_74, %dma_wait3A_75] : memref<10000x128xf32, #tpu.memory_space<hbm>> -> memref<10000x128xf32, #tpu.memory_space<hbm>>
      tpu.wait_indirect_dma semaphore(%arg19 : memref<!tpu.dma_semaphore, #tpu.memory_space<semaphore_mem>>) src(%dma_wait3A_76 : memref<10000x128xf32, #tpu.memory_space<hbm>>) dst(%arg15 : memref<128x128xf32, #tpu.memory_space<vmem>>)
      %run_scoped3A_77 = arith.constant 0 : i32
      "tpu.region"() ({
        %run_scoped3A_509 = tpu.sem_alloc : memref<!tpu.dma_semaphore, #tpu.memory_space<semaphore_mem>>
        %dma_start3A_510 = arith.constant 0 : i32
        %dma_start3A_511 = tpu.memref_slice %arg12[%run_scoped3A_77, %dma_start3A_510] : memref<8x128xi32, #tpu.memory_space<vmem>> -> memref<1x128xi32, #tpu.memory_space<vmem>>
        %dma_start3A_512 = tpu.memref_squeeze %dma_start3A_511 : memref<1x128xi32, #tpu.memory_space<vmem>> -> memref<128xi32, #tpu.memory_space<vmem>>
        %dma_start3A_513 = arith.constant 0 : i32
        %dma_start3A_514 = arith.constant 0 : i32
        %dma_start3A_515 = tpu.memref_slice %arg23[%dma_start3A_513, %dma_start3A_514] : memref<10112x128xf32, #tpu.memory_space<vmem_shared>> -> memref<10112x128xf32, #tpu.memory_space<vmem_shared>>
        tpu.enqueue_indirect_dma source(%arg15 : memref<128x128xf32, #tpu.memory_space<vmem>>) target(%dma_start3A_515 : memref<10112x128xf32, #tpu.memory_space<vmem_shared>>) offsets(%dma_start3A_512 : memref<128xi32, #tpu.memory_space<vmem>>) semaphore(%run_scoped3A_509 : memref<!tpu.dma_semaphore, #tpu.memory_space<semaphore_mem>>) {add = true}
        %dma_wait3A_516 = arith.constant 0 : i32
        %dma_wait3A_517 = tpu.memref_slice %arg12[%run_scoped3A_77, %dma_wait3A_516] : memref<8x128xi32, #tpu.memory_space<vmem>> -> memref<1x128xi32, #tpu.memory_space<vmem>>
        %dma_wait3A_518 = tpu.memref_squeeze %dma_wait3A_517 : memref<1x128xi32, #tpu.memory_space<vmem>> -> memref<128xi32, #tpu.memory_space<vmem>>
        %dma_wait3A_519 = arith.constant 0 : i32
        %dma_wait3A_520 = arith.constant 0 : i32
        %dma_wait3A_521 = tpu.memref_slice %arg23[%dma_wait3A_519, %dma_wait3A_520] : memref<10112x128xf32, #tpu.memory_space<vmem_shared>> -> memref<10112x128xf32, #tpu.memory_space<vmem_shared>>
        tpu.wait_indirect_dma semaphore(%run_scoped3A_509 : memref<!tpu.dma_semaphore, #tpu.memory_space<semaphore_mem>>) src(%arg15 : memref<128x128xf32, #tpu.memory_space<vmem>>) dst(%dma_wait3A_521 : memref<10112x128xf32, #tpu.memory_space<vmem_shared>>)
        tpu.yield
      }) : () -> ()
      %dma_start3A_78 = arith.constant 2 : i32
      %dma_start3A_79 = arith.constant 0 : i32
      %dma_start3A_80 = tpu.memref_slice %arg11[%dma_start3A_78, %dma_start3A_79] : memref<8x128xi32, #tpu.memory_space<vmem>> -> memref<1x128xi32, #tpu.memory_space<vmem>>
      %dma_start3A_81 = tpu.memref_squeeze %dma_start3A_80 : memref<1x128xi32, #tpu.memory_space<vmem>> -> memref<128xi32, #tpu.memory_space<vmem>>
      %dma_start3A_82 = arith.constant 0 : i32
      %dma_start3A_83 = arith.constant 0 : i32
      %dma_start3A_84 = tpu.memref_slice %arg2[%dma_start3A_82, %dma_start3A_83] : memref<10000x128xf32, #tpu.memory_space<hbm>> -> memref<10000x128xf32, #tpu.memory_space<hbm>>
      tpu.enqueue_indirect_dma source(%dma_start3A_84 : memref<10000x128xf32, #tpu.memory_space<hbm>>) target(%arg15 : memref<128x128xf32, #tpu.memory_space<vmem>>) offsets(%dma_start3A_81 : memref<128xi32, #tpu.memory_space<vmem>>) semaphore(%arg19 : memref<!tpu.dma_semaphore, #tpu.memory_space<semaphore_mem>>)
      %dma_start3A_85 = arith.constant 1 : i32
      %dma_start3A_86 = arith.constant 0 : i32
      %dma_start3A_87 = tpu.memref_slice %arg12[%dma_start3A_85, %dma_start3A_86] : memref<8x128xi32, #tpu.memory_space<vmem>> -> memref<1x128xi32, #tpu.memory_space<vmem>>
      %dma_start3A_88 = tpu.memref_squeeze %dma_start3A_87 : memref<1x128xi32, #tpu.memory_space<vmem>> -> memref<128xi32, #tpu.memory_space<vmem>>
      %dma_start3A_89 = arith.constant 0 : i32
      %dma_start3A_90 = tpu.memref_slice %arg24[%dma_start3A_89] : memref<10112xf32, #tpu.memory_space<vmem_shared>> -> memref<10112xf32, #tpu.memory_space<vmem_shared>>
      tpu.enqueue_indirect_dma source(%arg17 : memref<128xf32, #tpu.memory_space<vmem>>) target(%dma_start3A_90 : memref<10112xf32, #tpu.memory_space<vmem_shared>>) offsets(%dma_start3A_88 : memref<128xi32, #tpu.memory_space<vmem>>) semaphore(%arg22 : memref<!tpu.dma_semaphore, #tpu.memory_space<semaphore_mem>>) {add = true}
      %dma_wait3A_91 = arith.constant 1 : i32
      %dma_wait3A_92 = arith.constant 0 : i32
      %dma_wait3A_93 = tpu.memref_slice %arg11[%dma_wait3A_91, %dma_wait3A_92] : memref<8x128xi32, #tpu.memory_space<vmem>> -> memref<1x128xi32, #tpu.memory_space<vmem>>
      %dma_wait3A_94 = tpu.memref_squeeze %dma_wait3A_93 : memref<1x128xi32, #tpu.memory_space<vmem>> -> memref<128xi32, #tpu.memory_space<vmem>>
      %dma_wait3A_95 = arith.constant 0 : i32
      %dma_wait3A_96 = arith.constant 0 : i32
      %dma_wait3A_97 = tpu.memref_slice %arg2[%dma_wait3A_95, %dma_wait3A_96] : memref<10000x128xf32, #tpu.memory_space<hbm>> -> memref<10000x128xf32, #tpu.memory_space<hbm>>
      tpu.wait_indirect_dma semaphore(%arg20 : memref<!tpu.dma_semaphore, #tpu.memory_space<semaphore_mem>>) src(%dma_wait3A_97 : memref<10000x128xf32, #tpu.memory_space<hbm>>) dst(%arg16 : memref<128x128xf32, #tpu.memory_space<vmem>>)
      %run_scoped3A_98 = arith.constant 1 : i32
      "tpu.region"() ({
        %run_scoped3A_509 = tpu.sem_alloc : memref<!tpu.dma_semaphore, #tpu.memory_space<semaphore_mem>>
        %dma_start3A_510 = arith.constant 0 : i32
        %dma_start3A_511 = tpu.memref_slice %arg12[%run_scoped3A_98, %dma_start3A_510] : memref<8x128xi32, #tpu.memory_space<vmem>> -> memref<1x128xi32, #tpu.memory_space<vmem>>
        %dma_start3A_512 = tpu.memref_squeeze %dma_start3A_511 : memref<1x128xi32, #tpu.memory_space<vmem>> -> memref<128xi32, #tpu.memory_space<vmem>>
        %dma_start3A_513 = arith.constant 0 : i32
        %dma_start3A_514 = arith.constant 0 : i32
        %dma_start3A_515 = tpu.memref_slice %arg23[%dma_start3A_513, %dma_start3A_514] : memref<10112x128xf32, #tpu.memory_space<vmem_shared>> -> memref<10112x128xf32, #tpu.memory_space<vmem_shared>>
        tpu.enqueue_indirect_dma source(%arg16 : memref<128x128xf32, #tpu.memory_space<vmem>>) target(%dma_start3A_515 : memref<10112x128xf32, #tpu.memory_space<vmem_shared>>) offsets(%dma_start3A_512 : memref<128xi32, #tpu.memory_space<vmem>>) semaphore(%run_scoped3A_509 : memref<!tpu.dma_semaphore, #tpu.memory_space<semaphore_mem>>) {add = true}
        %dma_wait3A_516 = arith.constant 0 : i32
        %dma_wait3A_517 = tpu.memref_slice %arg12[%run_scoped3A_98, %dma_wait3A_516] : memref<8x128xi32, #tpu.memory_space<vmem>> -> memref<1x128xi32, #tpu.memory_space<vmem>>
        %dma_wait3A_518 = tpu.memref_squeeze %dma_wait3A_517 : memref<1x128xi32, #tpu.memory_space<vmem>> -> memref<128xi32, #tpu.memory_space<vmem>>
        %dma_wait3A_519 = arith.constant 0 : i32
        %dma_wait3A_520 = arith.constant 0 : i32
        %dma_wait3A_521 = tpu.memref_slice %arg23[%dma_wait3A_519, %dma_wait3A_520] : memref<10112x128xf32, #tpu.memory_space<vmem_shared>> -> memref<10112x128xf32, #tpu.memory_space<vmem_shared>>
        tpu.wait_indirect_dma semaphore(%run_scoped3A_509 : memref<!tpu.dma_semaphore, #tpu.memory_space<semaphore_mem>>) src(%arg16 : memref<128x128xf32, #tpu.memory_space<vmem>>) dst(%dma_wait3A_521 : memref<10112x128xf32, #tpu.memory_space<vmem_shared>>)
        tpu.yield
      }) : () -> ()
      %dma_start3A_99 = arith.constant 3 : i32
      %dma_start3A_100 = arith.constant 0 : i32
      %dma_start3A_101 = tpu.memref_slice %arg11[%dma_start3A_99, %dma_start3A_100] : memref<8x128xi32, #tpu.memory_space<vmem>> -> memref<1x128xi32, #tpu.memory_space<vmem>>
      %dma_start3A_102 = tpu.memref_squeeze %dma_start3A_101 : memref<1x128xi32, #tpu.memory_space<vmem>> -> memref<128xi32, #tpu.memory_space<vmem>>
      %dma_start3A_103 = arith.constant 0 : i32
      %dma_start3A_104 = arith.constant 0 : i32
      %dma_start3A_105 = tpu.memref_slice %arg2[%dma_start3A_103, %dma_start3A_104] : memref<10000x128xf32, #tpu.memory_space<hbm>> -> memref<10000x128xf32, #tpu.memory_space<hbm>>
      tpu.enqueue_indirect_dma source(%dma_start3A_105 : memref<10000x128xf32, #tpu.memory_space<hbm>>) target(%arg16 : memref<128x128xf32, #tpu.memory_space<vmem>>) offsets(%dma_start3A_102 : memref<128xi32, #tpu.memory_space<vmem>>) semaphore(%arg20 : memref<!tpu.dma_semaphore, #tpu.memory_space<semaphore_mem>>)
      %dma_start3A_106 = arith.constant 2 : i32
      %dma_start3A_107 = arith.constant 0 : i32
      %dma_start3A_108 = tpu.memref_slice %arg12[%dma_start3A_106, %dma_start3A_107] : memref<8x128xi32, #tpu.memory_space<vmem>> -> memref<1x128xi32, #tpu.memory_space<vmem>>
      %dma_start3A_109 = tpu.memref_squeeze %dma_start3A_108 : memref<1x128xi32, #tpu.memory_space<vmem>> -> memref<128xi32, #tpu.memory_space<vmem>>
      %dma_start3A_110 = arith.constant 0 : i32
      %dma_start3A_111 = tpu.memref_slice %arg24[%dma_start3A_110] : memref<10112xf32, #tpu.memory_space<vmem_shared>> -> memref<10112xf32, #tpu.memory_space<vmem_shared>>
      tpu.enqueue_indirect_dma source(%arg17 : memref<128xf32, #tpu.memory_space<vmem>>) target(%dma_start3A_111 : memref<10112xf32, #tpu.memory_space<vmem_shared>>) offsets(%dma_start3A_109 : memref<128xi32, #tpu.memory_space<vmem>>) semaphore(%arg22 : memref<!tpu.dma_semaphore, #tpu.memory_space<semaphore_mem>>) {add = true}
      %dma_wait3A_112 = arith.constant 2 : i32
      %dma_wait3A_113 = arith.constant 0 : i32
      %dma_wait3A_114 = tpu.memref_slice %arg11[%dma_wait3A_112, %dma_wait3A_113] : memref<8x128xi32, #tpu.memory_space<vmem>> -> memref<1x128xi32, #tpu.memory_space<vmem>>
      %dma_wait3A_115 = tpu.memref_squeeze %dma_wait3A_114 : memref<1x128xi32, #tpu.memory_space<vmem>> -> memref<128xi32, #tpu.memory_space<vmem>>
      %dma_wait3A_116 = arith.constant 0 : i32
      %dma_wait3A_117 = arith.constant 0 : i32
      %dma_wait3A_118 = tpu.memref_slice %arg2[%dma_wait3A_116, %dma_wait3A_117] : memref<10000x128xf32, #tpu.memory_space<hbm>> -> memref<10000x128xf32, #tpu.memory_space<hbm>>
      tpu.wait_indirect_dma semaphore(%arg19 : memref<!tpu.dma_semaphore, #tpu.memory_space<semaphore_mem>>) src(%dma_wait3A_118 : memref<10000x128xf32, #tpu.memory_space<hbm>>) dst(%arg15 : memref<128x128xf32, #tpu.memory_space<vmem>>)
      %run_scoped3A_119 = arith.constant 2 : i32
      "tpu.region"() ({
        %run_scoped3A_509 = tpu.sem_alloc : memref<!tpu.dma_semaphore, #tpu.memory_space<semaphore_mem>>
        %dma_start3A_510 = arith.constant 0 : i32
        %dma_start3A_511 = tpu.memref_slice %arg12[%run_scoped3A_119, %dma_start3A_510] : memref<8x128xi32, #tpu.memory_space<vmem>> -> memref<1x128xi32, #tpu.memory_space<vmem>>
        %dma_start3A_512 = tpu.memref_squeeze %dma_start3A_511 : memref<1x128xi32, #tpu.memory_space<vmem>> -> memref<128xi32, #tpu.memory_space<vmem>>
        %dma_start3A_513 = arith.constant 0 : i32
        %dma_start3A_514 = arith.constant 0 : i32
        %dma_start3A_515 = tpu.memref_slice %arg23[%dma_start3A_513, %dma_start3A_514] : memref<10112x128xf32, #tpu.memory_space<vmem_shared>> -> memref<10112x128xf32, #tpu.memory_space<vmem_shared>>
        tpu.enqueue_indirect_dma source(%arg15 : memref<128x128xf32, #tpu.memory_space<vmem>>) target(%dma_start3A_515 : memref<10112x128xf32, #tpu.memory_space<vmem_shared>>) offsets(%dma_start3A_512 : memref<128xi32, #tpu.memory_space<vmem>>) semaphore(%run_scoped3A_509 : memref<!tpu.dma_semaphore, #tpu.memory_space<semaphore_mem>>) {add = true}
        %dma_wait3A_516 = arith.constant 0 : i32
        %dma_wait3A_517 = tpu.memref_slice %arg12[%run_scoped3A_119, %dma_wait3A_516] : memref<8x128xi32, #tpu.memory_space<vmem>> -> memref<1x128xi32, #tpu.memory_space<vmem>>
        %dma_wait3A_518 = tpu.memref_squeeze %dma_wait3A_517 : memref<1x128xi32, #tpu.memory_space<vmem>> -> memref<128xi32, #tpu.memory_space<vmem>>
        %dma_wait3A_519 = arith.constant 0 : i32
        %dma_wait3A_520 = arith.constant 0 : i32
        %dma_wait3A_521 = tpu.memref_slice %arg23[%dma_wait3A_519, %dma_wait3A_520] : memref<10112x128xf32, #tpu.memory_space<vmem_shared>> -> memref<10112x128xf32, #tpu.memory_space<vmem_shared>>
        tpu.wait_indirect_dma semaphore(%run_scoped3A_509 : memref<!tpu.dma_semaphore, #tpu.memory_space<semaphore_mem>>) src(%arg15 : memref<128x128xf32, #tpu.memory_space<vmem>>) dst(%dma_wait3A_521 : memref<10112x128xf32, #tpu.memory_space<vmem_shared>>)
        tpu.yield
      }) : () -> ()
      %dma_start3A_120 = arith.constant 4 : i32
      %dma_start3A_121 = arith.constant 0 : i32
      %dma_start3A_122 = tpu.memref_slice %arg11[%dma_start3A_120, %dma_start3A_121] : memref<8x128xi32, #tpu.memory_space<vmem>> -> memref<1x128xi32, #tpu.memory_space<vmem>>
      %dma_start3A_123 = tpu.memref_squeeze %dma_start3A_122 : memref<1x128xi32, #tpu.memory_space<vmem>> -> memref<128xi32, #tpu.memory_space<vmem>>
      %dma_start3A_124 = arith.constant 0 : i32
      %dma_start3A_125 = arith.constant 0 : i32
      %dma_start3A_126 = tpu.memref_slice %arg2[%dma_start3A_124, %dma_start3A_125] : memref<10000x128xf32, #tpu.memory_space<hbm>> -> memref<10000x128xf32, #tpu.memory_space<hbm>>
      tpu.enqueue_indirect_dma source(%dma_start3A_126 : memref<10000x128xf32, #tpu.memory_space<hbm>>) target(%arg15 : memref<128x128xf32, #tpu.memory_space<vmem>>) offsets(%dma_start3A_123 : memref<128xi32, #tpu.memory_space<vmem>>) semaphore(%arg19 : memref<!tpu.dma_semaphore, #tpu.memory_space<semaphore_mem>>)
      %dma_start3A_127 = arith.constant 3 : i32
      %dma_start3A_128 = arith.constant 0 : i32
      %dma_start3A_129 = tpu.memref_slice %arg12[%dma_start3A_127, %dma_start3A_128] : memref<8x128xi32, #tpu.memory_space<vmem>> -> memref<1x128xi32, #tpu.memory_space<vmem>>
      %dma_start3A_130 = tpu.memref_squeeze %dma_start3A_129 : memref<1x128xi32, #tpu.memory_space<vmem>> -> memref<128xi32, #tpu.memory_space<vmem>>
      %dma_start3A_131 = arith.constant 0 : i32
      %dma_start3A_132 = tpu.memref_slice %arg24[%dma_start3A_131] : memref<10112xf32, #tpu.memory_space<vmem_shared>> -> memref<10112xf32, #tpu.memory_space<vmem_shared>>
      tpu.enqueue_indirect_dma source(%arg17 : memref<128xf32, #tpu.memory_space<vmem>>) target(%dma_start3A_132 : memref<10112xf32, #tpu.memory_space<vmem_shared>>) offsets(%dma_start3A_130 : memref<128xi32, #tpu.memory_space<vmem>>) semaphore(%arg22 : memref<!tpu.dma_semaphore, #tpu.memory_space<semaphore_mem>>) {add = true}
      %dma_wait3A_133 = arith.constant 3 : i32
      %dma_wait3A_134 = arith.constant 0 : i32
      %dma_wait3A_135 = tpu.memref_slice %arg11[%dma_wait3A_133, %dma_wait3A_134] : memref<8x128xi32, #tpu.memory_space<vmem>> -> memref<1x128xi32, #tpu.memory_space<vmem>>
      %dma_wait3A_136 = tpu.memref_squeeze %dma_wait3A_135 : memref<1x128xi32, #tpu.memory_space<vmem>> -> memref<128xi32, #tpu.memory_space<vmem>>
      %dma_wait3A_137 = arith.constant 0 : i32
      %dma_wait3A_138 = arith.constant 0 : i32
      %dma_wait3A_139 = tpu.memref_slice %arg2[%dma_wait3A_137, %dma_wait3A_138] : memref<10000x128xf32, #tpu.memory_space<hbm>> -> memref<10000x128xf32, #tpu.memory_space<hbm>>
      tpu.wait_indirect_dma semaphore(%arg20 : memref<!tpu.dma_semaphore, #tpu.memory_space<semaphore_mem>>) src(%dma_wait3A_139 : memref<10000x128xf32, #tpu.memory_space<hbm>>) dst(%arg16 : memref<128x128xf32, #tpu.memory_space<vmem>>)
      %run_scoped3A_140 = arith.constant 3 : i32
      "tpu.region"() ({
        %run_scoped3A_509 = tpu.sem_alloc : memref<!tpu.dma_semaphore, #tpu.memory_space<semaphore_mem>>
        %dma_start3A_510 = arith.constant 0 : i32
        %dma_start3A_511 = tpu.memref_slice %arg12[%run_scoped3A_140, %dma_start3A_510] : memref<8x128xi32, #tpu.memory_space<vmem>> -> memref<1x128xi32, #tpu.memory_space<vmem>>
        %dma_start3A_512 = tpu.memref_squeeze %dma_start3A_511 : memref<1x128xi32, #tpu.memory_space<vmem>> -> memref<128xi32, #tpu.memory_space<vmem>>
        %dma_start3A_513 = arith.constant 0 : i32
        %dma_start3A_514 = arith.constant 0 : i32
        %dma_start3A_515 = tpu.memref_slice %arg23[%dma_start3A_513, %dma_start3A_514] : memref<10112x128xf32, #tpu.memory_space<vmem_shared>> -> memref<10112x128xf32, #tpu.memory_space<vmem_shared>>
        tpu.enqueue_indirect_dma source(%arg16 : memref<128x128xf32, #tpu.memory_space<vmem>>) target(%dma_start3A_515 : memref<10112x128xf32, #tpu.memory_space<vmem_shared>>) offsets(%dma_start3A_512 : memref<128xi32, #tpu.memory_space<vmem>>) semaphore(%run_scoped3A_509 : memref<!tpu.dma_semaphore, #tpu.memory_space<semaphore_mem>>) {add = true}
        %dma_wait3A_516 = arith.constant 0 : i32
        %dma_wait3A_517 = tpu.memref_slice %arg12[%run_scoped3A_140, %dma_wait3A_516] : memref<8x128xi32, #tpu.memory_space<vmem>> -> memref<1x128xi32, #tpu.memory_space<vmem>>
        %dma_wait3A_518 = tpu.memref_squeeze %dma_wait3A_517 : memref<1x128xi32, #tpu.memory_space<vmem>> -> memref<128xi32, #tpu.memory_space<vmem>>
        %dma_wait3A_519 = arith.constant 0 : i32
        %dma_wait3A_520 = arith.constant 0 : i32
        %dma_wait3A_521 = tpu.memref_slice %arg23[%dma_wait3A_519, %dma_wait3A_520] : memref<10112x128xf32, #tpu.memory_space<vmem_shared>> -> memref<10112x128xf32, #tpu.memory_space<vmem_shared>>
        tpu.wait_indirect_dma semaphore(%run_scoped3A_509 : memref<!tpu.dma_semaphore, #tpu.memory_space<semaphore_mem>>) src(%arg16 : memref<128x128xf32, #tpu.memory_space<vmem>>) dst(%dma_wait3A_521 : memref<10112x128xf32, #tpu.memory_space<vmem_shared>>)
        tpu.yield
      }) : () -> ()
      %dma_start3A_141 = arith.constant 5 : i32
      %dma_start3A_142 = arith.constant 0 : i32
      %dma_start3A_143 = tpu.memref_slice %arg11[%dma_start3A_141, %dma_start3A_142] : memref<8x128xi32, #tpu.memory_space<vmem>> -> memref<1x128xi32, #tpu.memory_space<vmem>>
      %dma_start3A_144 = tpu.memref_squeeze %dma_start3A_143 : memref<1x128xi32, #tpu.memory_space<vmem>> -> memref<128xi32, #tpu.memory_space<vmem>>
      %dma_start3A_145 = arith.constant 0 : i32
      %dma_start3A_146 = arith.constant 0 : i32
      %dma_start3A_147 = tpu.memref_slice %arg2[%dma_start3A_145, %dma_start3A_146] : memref<10000x128xf32, #tpu.memory_space<hbm>> -> memref<10000x128xf32, #tpu.memory_space<hbm>>
      tpu.enqueue_indirect_dma source(%dma_start3A_147 : memref<10000x128xf32, #tpu.memory_space<hbm>>) target(%arg16 : memref<128x128xf32, #tpu.memory_space<vmem>>) offsets(%dma_start3A_144 : memref<128xi32, #tpu.memory_space<vmem>>) semaphore(%arg20 : memref<!tpu.dma_semaphore, #tpu.memory_space<semaphore_mem>>)
      %dma_start3A_148 = arith.constant 4 : i32
      %dma_start3A_149 = arith.constant 0 : i32
      %dma_start3A_150 = tpu.memref_slice %arg12[%dma_start3A_148, %dma_start3A_149] : memref<8x128xi32, #tpu.memory_space<vmem>> -> memref<1x128xi32, #tpu.memory_space<vmem>>
      %dma_start3A_151 = tpu.memref_squeeze %dma_start3A_150 : memref<1x128xi32, #tpu.memory_space<vmem>> -> memref<128xi32, #tpu.memory_space<vmem>>
      %dma_start3A_152 = arith.constant 0 : i32
      %dma_start3A_153 = tpu.memref_slice %arg24[%dma_start3A_152] : memref<10112xf32, #tpu.memory_space<vmem_shared>> -> memref<10112xf32, #tpu.memory_space<vmem_shared>>
      tpu.enqueue_indirect_dma source(%arg17 : memref<128xf32, #tpu.memory_space<vmem>>) target(%dma_start3A_153 : memref<10112xf32, #tpu.memory_space<vmem_shared>>) offsets(%dma_start3A_151 : memref<128xi32, #tpu.memory_space<vmem>>) semaphore(%arg22 : memref<!tpu.dma_semaphore, #tpu.memory_space<semaphore_mem>>) {add = true}
      %dma_wait3A_154 = arith.constant 4 : i32
      %dma_wait3A_155 = arith.constant 0 : i32
      %dma_wait3A_156 = tpu.memref_slice %arg11[%dma_wait3A_154, %dma_wait3A_155] : memref<8x128xi32, #tpu.memory_space<vmem>> -> memref<1x128xi32, #tpu.memory_space<vmem>>
      %dma_wait3A_157 = tpu.memref_squeeze %dma_wait3A_156 : memref<1x128xi32, #tpu.memory_space<vmem>> -> memref<128xi32, #tpu.memory_space<vmem>>
      %dma_wait3A_158 = arith.constant 0 : i32
      %dma_wait3A_159 = arith.constant 0 : i32
      %dma_wait3A_160 = tpu.memref_slice %arg2[%dma_wait3A_158, %dma_wait3A_159] : memref<10000x128xf32, #tpu.memory_space<hbm>> -> memref<10000x128xf32, #tpu.memory_space<hbm>>
      tpu.wait_indirect_dma semaphore(%arg19 : memref<!tpu.dma_semaphore, #tpu.memory_space<semaphore_mem>>) src(%dma_wait3A_160 : memref<10000x128xf32, #tpu.memory_space<hbm>>) dst(%arg15 : memref<128x128xf32, #tpu.memory_space<vmem>>)
      %run_scoped3A_161 = arith.constant 4 : i32
      "tpu.region"() ({
        %run_scoped3A_509 = tpu.sem_alloc : memref<!tpu.dma_semaphore, #tpu.memory_space<semaphore_mem>>
        %dma_start3A_510 = arith.constant 0 : i32
        %dma_start3A_511 = tpu.memref_slice %arg12[%run_scoped3A_161, %dma_start3A_510] : memref<8x128xi32, #tpu.memory_space<vmem>> -> memref<1x128xi32, #tpu.memory_space<vmem>>
        %dma_start3A_512 = tpu.memref_squeeze %dma_start3A_511 : memref<1x128xi32, #tpu.memory_space<vmem>> -> memref<128xi32, #tpu.memory_space<vmem>>
        %dma_start3A_513 = arith.constant 0 : i32
        %dma_start3A_514 = arith.constant 0 : i32
        %dma_start3A_515 = tpu.memref_slice %arg23[%dma_start3A_513, %dma_start3A_514] : memref<10112x128xf32, #tpu.memory_space<vmem_shared>> -> memref<10112x128xf32, #tpu.memory_space<vmem_shared>>
        tpu.enqueue_indirect_dma source(%arg15 : memref<128x128xf32, #tpu.memory_space<vmem>>) target(%dma_start3A_515 : memref<10112x128xf32, #tpu.memory_space<vmem_shared>>) offsets(%dma_start3A_512 : memref<128xi32, #tpu.memory_space<vmem>>) semaphore(%run_scoped3A_509 : memref<!tpu.dma_semaphore, #tpu.memory_space<semaphore_mem>>) {add = true}
        %dma_wait3A_516 = arith.constant 0 : i32
        %dma_wait3A_517 = tpu.memref_slice %arg12[%run_scoped3A_161, %dma_wait3A_516] : memref<8x128xi32, #tpu.memory_space<vmem>> -> memref<1x128xi32, #tpu.memory_space<vmem>>
        %dma_wait3A_518 = tpu.memref_squeeze %dma_wait3A_517 : memref<1x128xi32, #tpu.memory_space<vmem>> -> memref<128xi32, #tpu.memory_space<vmem>>
        %dma_wait3A_519 = arith.constant 0 : i32
        %dma_wait3A_520 = arith.constant 0 : i32
        %dma_wait3A_521 = tpu.memref_slice %arg23[%dma_wait3A_519, %dma_wait3A_520] : memref<10112x128xf32, #tpu.memory_space<vmem_shared>> -> memref<10112x128xf32, #tpu.memory_space<vmem_shared>>
        tpu.wait_indirect_dma semaphore(%run_scoped3A_509 : memref<!tpu.dma_semaphore, #tpu.memory_space<semaphore_mem>>) src(%arg15 : memref<128x128xf32, #tpu.memory_space<vmem>>) dst(%dma_wait3A_521 : memref<10112x128xf32, #tpu.memory_space<vmem_shared>>)
        tpu.yield
      }) : () -> ()
      %dma_start3A_162 = arith.constant 6 : i32
      %dma_start3A_163 = arith.constant 0 : i32
      %dma_start3A_164 = tpu.memref_slice %arg11[%dma_start3A_162, %dma_start3A_163] : memref<8x128xi32, #tpu.memory_space<vmem>> -> memref<1x128xi32, #tpu.memory_space<vmem>>
      %dma_start3A_165 = tpu.memref_squeeze %dma_start3A_164 : memref<1x128xi32, #tpu.memory_space<vmem>> -> memref<128xi32, #tpu.memory_space<vmem>>
      %dma_start3A_166 = arith.constant 0 : i32
      %dma_start3A_167 = arith.constant 0 : i32
      %dma_start3A_168 = tpu.memref_slice %arg2[%dma_start3A_166, %dma_start3A_167] : memref<10000x128xf32, #tpu.memory_space<hbm>> -> memref<10000x128xf32, #tpu.memory_space<hbm>>
      tpu.enqueue_indirect_dma source(%dma_start3A_168 : memref<10000x128xf32, #tpu.memory_space<hbm>>) target(%arg15 : memref<128x128xf32, #tpu.memory_space<vmem>>) offsets(%dma_start3A_165 : memref<128xi32, #tpu.memory_space<vmem>>) semaphore(%arg19 : memref<!tpu.dma_semaphore, #tpu.memory_space<semaphore_mem>>)
      %dma_start3A_169 = arith.constant 5 : i32
      %dma_start3A_170 = arith.constant 0 : i32
      %dma_start3A_171 = tpu.memref_slice %arg12[%dma_start3A_169, %dma_start3A_170] : memref<8x128xi32, #tpu.memory_space<vmem>> -> memref<1x128xi32, #tpu.memory_space<vmem>>
      %dma_start3A_172 = tpu.memref_squeeze %dma_start3A_171 : memref<1x128xi32, #tpu.memory_space<vmem>> -> memref<128xi32, #tpu.memory_space<vmem>>
      %dma_start3A_173 = arith.constant 0 : i32
      %dma_start3A_174 = tpu.memref_slice %arg24[%dma_start3A_173] : memref<10112xf32, #tpu.memory_space<vmem_shared>> -> memref<10112xf32, #tpu.memory_space<vmem_shared>>
      tpu.enqueue_indirect_dma source(%arg17 : memref<128xf32, #tpu.memory_space<vmem>>) target(%dma_start3A_174 : memref<10112xf32, #tpu.memory_space<vmem_shared>>) offsets(%dma_start3A_172 : memref<128xi32, #tpu.memory_space<vmem>>) semaphore(%arg22 : memref<!tpu.dma_semaphore, #tpu.memory_space<semaphore_mem>>) {add = true}
      %dma_wait3A_175 = arith.constant 5 : i32
      %dma_wait3A_176 = arith.constant 0 : i32
      %dma_wait3A_177 = tpu.memref_slice %arg11[%dma_wait3A_175, %dma_wait3A_176] : memref<8x128xi32, #tpu.memory_space<vmem>> -> memref<1x128xi32, #tpu.memory_space<vmem>>
      %dma_wait3A_178 = tpu.memref_squeeze %dma_wait3A_177 : memref<1x128xi32, #tpu.memory_space<vmem>> -> memref<128xi32, #tpu.memory_space<vmem>>
      %dma_wait3A_179 = arith.constant 0 : i32
      %dma_wait3A_180 = arith.constant 0 : i32
      %dma_wait3A_181 = tpu.memref_slice %arg2[%dma_wait3A_179, %dma_wait3A_180] : memref<10000x128xf32, #tpu.memory_space<hbm>> -> memref<10000x128xf32, #tpu.memory_space<hbm>>
      tpu.wait_indirect_dma semaphore(%arg20 : memref<!tpu.dma_semaphore, #tpu.memory_space<semaphore_mem>>) src(%dma_wait3A_181 : memref<10000x128xf32, #tpu.memory_space<hbm>>) dst(%arg16 : memref<128x128xf32, #tpu.memory_space<vmem>>)
      %run_scoped3A_182 = arith.constant 5 : i32
      "tpu.region"() ({
        %run_scoped3A_509 = tpu.sem_alloc : memref<!tpu.dma_semaphore, #tpu.memory_space<semaphore_mem>>
        %dma_start3A_510 = arith.constant 0 : i32
        %dma_start3A_511 = tpu.memref_slice %arg12[%run_scoped3A_182, %dma_start3A_510] : memref<8x128xi32, #tpu.memory_space<vmem>> -> memref<1x128xi32, #tpu.memory_space<vmem>>
        %dma_start3A_512 = tpu.memref_squeeze %dma_start3A_511 : memref<1x128xi32, #tpu.memory_space<vmem>> -> memref<128xi32, #tpu.memory_space<vmem>>
        %dma_start3A_513 = arith.constant 0 : i32
        %dma_start3A_514 = arith.constant 0 : i32
        %dma_start3A_515 = tpu.memref_slice %arg23[%dma_start3A_513, %dma_start3A_514] : memref<10112x128xf32, #tpu.memory_space<vmem_shared>> -> memref<10112x128xf32, #tpu.memory_space<vmem_shared>>
        tpu.enqueue_indirect_dma source(%arg16 : memref<128x128xf32, #tpu.memory_space<vmem>>) target(%dma_start3A_515 : memref<10112x128xf32, #tpu.memory_space<vmem_shared>>) offsets(%dma_start3A_512 : memref<128xi32, #tpu.memory_space<vmem>>) semaphore(%run_scoped3A_509 : memref<!tpu.dma_semaphore, #tpu.memory_space<semaphore_mem>>) {add = true}
        %dma_wait3A_516 = arith.constant 0 : i32
        %dma_wait3A_517 = tpu.memref_slice %arg12[%run_scoped3A_182, %dma_wait3A_516] : memref<8x128xi32, #tpu.memory_space<vmem>> -> memref<1x128xi32, #tpu.memory_space<vmem>>
        %dma_wait3A_518 = tpu.memref_squeeze %dma_wait3A_517 : memref<1x128xi32, #tpu.memory_space<vmem>> -> memref<128xi32, #tpu.memory_space<vmem>>
        %dma_wait3A_519 = arith.constant 0 : i32
        %dma_wait3A_520 = arith.constant 0 : i32
        %dma_wait3A_521 = tpu.memref_slice %arg23[%dma_wait3A_519, %dma_wait3A_520] : memref<10112x128xf32, #tpu.memory_space<vmem_shared>> -> memref<10112x128xf32, #tpu.memory_space<vmem_shared>>
        tpu.wait_indirect_dma semaphore(%run_scoped3A_509 : memref<!tpu.dma_semaphore, #tpu.memory_space<semaphore_mem>>) src(%arg16 : memref<128x128xf32, #tpu.memory_space<vmem>>) dst(%dma_wait3A_521 : memref<10112x128xf32, #tpu.memory_space<vmem_shared>>)
        tpu.yield
      }) : () -> ()
      %dma_start3A_183 = arith.constant 7 : i32
      %dma_start3A_184 = arith.constant 0 : i32
      %dma_start3A_185 = tpu.memref_slice %arg11[%dma_start3A_183, %dma_start3A_184] : memref<8x128xi32, #tpu.memory_space<vmem>> -> memref<1x128xi32, #tpu.memory_space<vmem>>
      %dma_start3A_186 = tpu.memref_squeeze %dma_start3A_185 : memref<1x128xi32, #tpu.memory_space<vmem>> -> memref<128xi32, #tpu.memory_space<vmem>>
      %dma_start3A_187 = arith.constant 0 : i32
      %dma_start3A_188 = arith.constant 0 : i32
      %dma_start3A_189 = tpu.memref_slice %arg2[%dma_start3A_187, %dma_start3A_188] : memref<10000x128xf32, #tpu.memory_space<hbm>> -> memref<10000x128xf32, #tpu.memory_space<hbm>>
      tpu.enqueue_indirect_dma source(%dma_start3A_189 : memref<10000x128xf32, #tpu.memory_space<hbm>>) target(%arg16 : memref<128x128xf32, #tpu.memory_space<vmem>>) offsets(%dma_start3A_186 : memref<128xi32, #tpu.memory_space<vmem>>) semaphore(%arg20 : memref<!tpu.dma_semaphore, #tpu.memory_space<semaphore_mem>>)
      %dma_start3A_190 = arith.constant 6 : i32
      %dma_start3A_191 = arith.constant 0 : i32
      %dma_start3A_192 = tpu.memref_slice %arg12[%dma_start3A_190, %dma_start3A_191] : memref<8x128xi32, #tpu.memory_space<vmem>> -> memref<1x128xi32, #tpu.memory_space<vmem>>
      %dma_start3A_193 = tpu.memref_squeeze %dma_start3A_192 : memref<1x128xi32, #tpu.memory_space<vmem>> -> memref<128xi32, #tpu.memory_space<vmem>>
      %dma_start3A_194 = arith.constant 0 : i32
      %dma_start3A_195 = tpu.memref_slice %arg24[%dma_start3A_194] : memref<10112xf32, #tpu.memory_space<vmem_shared>> -> memref<10112xf32, #tpu.memory_space<vmem_shared>>
      tpu.enqueue_indirect_dma source(%arg17 : memref<128xf32, #tpu.memory_space<vmem>>) target(%dma_start3A_195 : memref<10112xf32, #tpu.memory_space<vmem_shared>>) offsets(%dma_start3A_193 : memref<128xi32, #tpu.memory_space<vmem>>) semaphore(%arg22 : memref<!tpu.dma_semaphore, #tpu.memory_space<semaphore_mem>>) {add = true}
      %dma_wait3A_196 = arith.constant 6 : i32
      %dma_wait3A_197 = arith.constant 0 : i32
      %dma_wait3A_198 = tpu.memref_slice %arg11[%dma_wait3A_196, %dma_wait3A_197] : memref<8x128xi32, #tpu.memory_space<vmem>> -> memref<1x128xi32, #tpu.memory_space<vmem>>
      %dma_wait3A_199 = tpu.memref_squeeze %dma_wait3A_198 : memref<1x128xi32, #tpu.memory_space<vmem>> -> memref<128xi32, #tpu.memory_space<vmem>>
      %dma_wait3A_200 = arith.constant 0 : i32
      %dma_wait3A_201 = arith.constant 0 : i32
      %dma_wait3A_202 = tpu.memref_slice %arg2[%dma_wait3A_200, %dma_wait3A_201] : memref<10000x128xf32, #tpu.memory_space<hbm>> -> memref<10000x128xf32, #tpu.memory_space<hbm>>
      tpu.wait_indirect_dma semaphore(%arg19 : memref<!tpu.dma_semaphore, #tpu.memory_space<semaphore_mem>>) src(%dma_wait3A_202 : memref<10000x128xf32, #tpu.memory_space<hbm>>) dst(%arg15 : memref<128x128xf32, #tpu.memory_space<vmem>>)
      %run_scoped3A_203 = arith.constant 6 : i32
      "tpu.region"() ({
        %run_scoped3A_509 = tpu.sem_alloc : memref<!tpu.dma_semaphore, #tpu.memory_space<semaphore_mem>>
        %dma_start3A_510 = arith.constant 0 : i32
        %dma_start3A_511 = tpu.memref_slice %arg12[%run_scoped3A_203, %dma_start3A_510] : memref<8x128xi32, #tpu.memory_space<vmem>> -> memref<1x128xi32, #tpu.memory_space<vmem>>
        %dma_start3A_512 = tpu.memref_squeeze %dma_start3A_511 : memref<1x128xi32, #tpu.memory_space<vmem>> -> memref<128xi32, #tpu.memory_space<vmem>>
        %dma_start3A_513 = arith.constant 0 : i32
        %dma_start3A_514 = arith.constant 0 : i32
        %dma_start3A_515 = tpu.memref_slice %arg23[%dma_start3A_513, %dma_start3A_514] : memref<10112x128xf32, #tpu.memory_space<vmem_shared>> -> memref<10112x128xf32, #tpu.memory_space<vmem_shared>>
        tpu.enqueue_indirect_dma source(%arg15 : memref<128x128xf32, #tpu.memory_space<vmem>>) target(%dma_start3A_515 : memref<10112x128xf32, #tpu.memory_space<vmem_shared>>) offsets(%dma_start3A_512 : memref<128xi32, #tpu.memory_space<vmem>>) semaphore(%run_scoped3A_509 : memref<!tpu.dma_semaphore, #tpu.memory_space<semaphore_mem>>) {add = true}
        %dma_wait3A_516 = arith.constant 0 : i32
        %dma_wait3A_517 = tpu.memref_slice %arg12[%run_scoped3A_203, %dma_wait3A_516] : memref<8x128xi32, #tpu.memory_space<vmem>> -> memref<1x128xi32, #tpu.memory_space<vmem>>
        %dma_wait3A_518 = tpu.memref_squeeze %dma_wait3A_517 : memref<1x128xi32, #tpu.memory_space<vmem>> -> memref<128xi32, #tpu.memory_space<vmem>>
        %dma_wait3A_519 = arith.constant 0 : i32
        %dma_wait3A_520 = arith.constant 0 : i32
        %dma_wait3A_521 = tpu.memref_slice %arg23[%dma_wait3A_519, %dma_wait3A_520] : memref<10112x128xf32, #tpu.memory_space<vmem_shared>> -> memref<10112x128xf32, #tpu.memory_space<vmem_shared>>
        tpu.wait_indirect_dma semaphore(%run_scoped3A_509 : memref<!tpu.dma_semaphore, #tpu.memory_space<semaphore_mem>>) src(%arg15 : memref<128x128xf32, #tpu.memory_space<vmem>>) dst(%dma_wait3A_521 : memref<10112x128xf32, #tpu.memory_space<vmem_shared>>)
        tpu.yield
      }) : () -> ()
      %dma_wait3A_204 = arith.constant 0 : i32
      %dma_wait3A_205 = arith.constant 0 : i32
      %dma_wait3A_206 = arith.constant 0 : i32
      %dma_wait3A_207 = tpu.memref_slice %arg3[%add3A, %dma_wait3A_204, %dma_wait3A_205, %dma_wait3A_206] : memref<32x10x8x128xi32, #tpu.memory_space<hbm>> -> memref<1x1x8x128xi32, #tpu.memory_space<hbm>>
      %dma_wait3A_208 = tpu.memref_squeeze %dma_wait3A_207 : memref<1x1x8x128xi32, #tpu.memory_space<hbm>> -> memref<8x128xi32, #tpu.memory_space<hbm>>
      %dma_wait3A_209 = arith.constant 0 : i32
      %dma_wait3A_210 = arith.constant 0 : i32
      %dma_wait3A_211 = tpu.memref_slice %arg3[%add3A, %dma_wait3A_204, %dma_wait3A_209, %dma_wait3A_210] : memref<32x10x8x128xi32, #tpu.memory_space<hbm>> -> memref<1x1x8x128xi32, #tpu.memory_space<hbm>>
      %dma_wait3A_212 = tpu.memref_squeeze %dma_wait3A_211 : memref<1x1x8x128xi32, #tpu.memory_space<hbm>> -> memref<8x128xi32, #tpu.memory_space<hbm>>
      tpu.wait_dma2 semaphore(%arg21 : memref<!tpu.dma_semaphore, #tpu.memory_space<semaphore_mem>>) src(%dma_wait3A_212 : memref<8x128xi32, #tpu.memory_space<hbm>>) dst(%arg13 : memref<8x128xi32, #tpu.memory_space<vmem>>)
      %dma_wait3A_213 = arith.constant 0 : i32
      %dma_wait3A_214 = arith.constant 0 : i32
      %dma_wait3A_215 = arith.constant 0 : i32
      %dma_wait3A_216 = tpu.memref_slice %arg4[%add3A, %dma_wait3A_213, %dma_wait3A_214, %dma_wait3A_215] : memref<32x10x8x128xi32, #tpu.memory_space<hbm>> -> memref<1x1x8x128xi32, #tpu.memory_space<hbm>>
      %dma_wait3A_217 = tpu.memref_squeeze %dma_wait3A_216 : memref<1x1x8x128xi32, #tpu.memory_space<hbm>> -> memref<8x128xi32, #tpu.memory_space<hbm>>
      %dma_wait3A_218 = arith.constant 0 : i32
      %dma_wait3A_219 = arith.constant 0 : i32
      %dma_wait3A_220 = tpu.memref_slice %arg4[%add3A, %dma_wait3A_213, %dma_wait3A_218, %dma_wait3A_219] : memref<32x10x8x128xi32, #tpu.memory_space<hbm>> -> memref<1x1x8x128xi32, #tpu.memory_space<hbm>>
      %dma_wait3A_221 = tpu.memref_squeeze %dma_wait3A_220 : memref<1x1x8x128xi32, #tpu.memory_space<hbm>> -> memref<8x128xi32, #tpu.memory_space<hbm>>
      tpu.wait_dma2 semaphore(%arg21 : memref<!tpu.dma_semaphore, #tpu.memory_space<semaphore_mem>>) src(%dma_wait3A_221 : memref<8x128xi32, #tpu.memory_space<hbm>>) dst(%arg14 : memref<8x128xi32, #tpu.memory_space<vmem>>)
      %dma_start3A_222 = arith.constant 0 : i32
      %dma_start3A_223 = arith.constant 0 : i32
      %dma_start3A_224 = tpu.memref_slice %arg13[%dma_start3A_222, %dma_start3A_223] : memref<8x128xi32, #tpu.memory_space<vmem>> -> memref<1x128xi32, #tpu.memory_space<vmem>>
      %dma_start3A_225 = tpu.memref_squeeze %dma_start3A_224 : memref<1x128xi32, #tpu.memory_space<vmem>> -> memref<128xi32, #tpu.memory_space<vmem>>
      %dma_start3A_226 = arith.constant 0 : i32
      %dma_start3A_227 = arith.constant 0 : i32
      %dma_start3A_228 = tpu.memref_slice %arg2[%dma_start3A_226, %dma_start3A_227] : memref<10000x128xf32, #tpu.memory_space<hbm>> -> memref<10000x128xf32, #tpu.memory_space<hbm>>
      tpu.enqueue_indirect_dma source(%dma_start3A_228 : memref<10000x128xf32, #tpu.memory_space<hbm>>) target(%arg15 : memref<128x128xf32, #tpu.memory_space<vmem>>) offsets(%dma_start3A_225 : memref<128xi32, #tpu.memory_space<vmem>>) semaphore(%arg19 : memref<!tpu.dma_semaphore, #tpu.memory_space<semaphore_mem>>)
      %dma_start3A_229 = arith.constant 7 : i32
      %dma_start3A_230 = arith.constant 0 : i32
      %dma_start3A_231 = tpu.memref_slice %arg12[%dma_start3A_229, %dma_start3A_230] : memref<8x128xi32, #tpu.memory_space<vmem>> -> memref<1x128xi32, #tpu.memory_space<vmem>>
      %dma_start3A_232 = tpu.memref_squeeze %dma_start3A_231 : memref<1x128xi32, #tpu.memory_space<vmem>> -> memref<128xi32, #tpu.memory_space<vmem>>
      %dma_start3A_233 = arith.constant 0 : i32
      %dma_start3A_234 = tpu.memref_slice %arg24[%dma_start3A_233] : memref<10112xf32, #tpu.memory_space<vmem_shared>> -> memref<10112xf32, #tpu.memory_space<vmem_shared>>
      tpu.enqueue_indirect_dma source(%arg17 : memref<128xf32, #tpu.memory_space<vmem>>) target(%dma_start3A_234 : memref<10112xf32, #tpu.memory_space<vmem_shared>>) offsets(%dma_start3A_232 : memref<128xi32, #tpu.memory_space<vmem>>) semaphore(%arg22 : memref<!tpu.dma_semaphore, #tpu.memory_space<semaphore_mem>>) {add = true}
      %dma_wait3A_235 = arith.constant 7 : i32
      %dma_wait3A_236 = arith.constant 0 : i32
      %dma_wait3A_237 = tpu.memref_slice %arg11[%dma_wait3A_235, %dma_wait3A_236] : memref<8x128xi32, #tpu.memory_space<vmem>> -> memref<1x128xi32, #tpu.memory_space<vmem>>
      %dma_wait3A_238 = tpu.memref_squeeze %dma_wait3A_237 : memref<1x128xi32, #tpu.memory_space<vmem>> -> memref<128xi32, #tpu.memory_space<vmem>>
      %dma_wait3A_239 = arith.constant 0 : i32
      %dma_wait3A_240 = arith.constant 0 : i32
      %dma_wait3A_241 = tpu.memref_slice %arg2[%dma_wait3A_239, %dma_wait3A_240] : memref<10000x128xf32, #tpu.memory_space<hbm>> -> memref<10000x128xf32, #tpu.memory_space<hbm>>
      tpu.wait_indirect_dma semaphore(%arg20 : memref<!tpu.dma_semaphore, #tpu.memory_space<semaphore_mem>>) src(%dma_wait3A_241 : memref<10000x128xf32, #tpu.memory_space<hbm>>) dst(%arg16 : memref<128x128xf32, #tpu.memory_space<vmem>>)
      %run_scoped3A_242 = arith.constant 7 : i32
      "tpu.region"() ({
        %run_scoped3A_509 = tpu.sem_alloc : memref<!tpu.dma_semaphore, #tpu.memory_space<semaphore_mem>>
        %dma_start3A_510 = arith.constant 0 : i32
        %dma_start3A_511 = tpu.memref_slice %arg12[%run_scoped3A_242, %dma_start3A_510] : memref<8x128xi32, #tpu.memory_space<vmem>> -> memref<1x128xi32, #tpu.memory_space<vmem>>
        %dma_start3A_512 = tpu.memref_squeeze %dma_start3A_511 : memref<1x128xi32, #tpu.memory_space<vmem>> -> memref<128xi32, #tpu.memory_space<vmem>>
        %dma_start3A_513 = arith.constant 0 : i32
        %dma_start3A_514 = arith.constant 0 : i32
        %dma_start3A_515 = tpu.memref_slice %arg23[%dma_start3A_513, %dma_start3A_514] : memref<10112x128xf32, #tpu.memory_space<vmem_shared>> -> memref<10112x128xf32, #tpu.memory_space<vmem_shared>>
        tpu.enqueue_indirect_dma source(%arg16 : memref<128x128xf32, #tpu.memory_space<vmem>>) target(%dma_start3A_515 : memref<10112x128xf32, #tpu.memory_space<vmem_shared>>) offsets(%dma_start3A_512 : memref<128xi32, #tpu.memory_space<vmem>>) semaphore(%run_scoped3A_509 : memref<!tpu.dma_semaphore, #tpu.memory_space<semaphore_mem>>) {add = true}
        %dma_wait3A_516 = arith.constant 0 : i32
        %dma_wait3A_517 = tpu.memref_slice %arg12[%run_scoped3A_242, %dma_wait3A_516] : memref<8x128xi32, #tpu.memory_space<vmem>> -> memref<1x128xi32, #tpu.memory_space<vmem>>
        %dma_wait3A_518 = tpu.memref_squeeze %dma_wait3A_517 : memref<1x128xi32, #tpu.memory_space<vmem>> -> memref<128xi32, #tpu.memory_space<vmem>>
        %dma_wait3A_519 = arith.constant 0 : i32
        %dma_wait3A_520 = arith.constant 0 : i32
        %dma_wait3A_521 = tpu.memref_slice %arg23[%dma_wait3A_519, %dma_wait3A_520] : memref<10112x128xf32, #tpu.memory_space<vmem_shared>> -> memref<10112x128xf32, #tpu.memory_space<vmem_shared>>
        tpu.wait_indirect_dma semaphore(%run_scoped3A_509 : memref<!tpu.dma_semaphore, #tpu.memory_space<semaphore_mem>>) src(%arg16 : memref<128x128xf32, #tpu.memory_space<vmem>>) dst(%dma_wait3A_521 : memref<10112x128xf32, #tpu.memory_space<vmem_shared>>)
        tpu.yield
      }) : () -> ()
      %dma_wait3A_243 = arith.constant 0 : i32
      %dma_wait3A_244 = arith.constant 0 : i32
      %dma_wait3A_245 = tpu.memref_slice %arg12[%dma_wait3A_243, %dma_wait3A_244] : memref<8x128xi32, #tpu.memory_space<vmem>> -> memref<1x128xi32, #tpu.memory_space<vmem>>
      %dma_wait3A_246 = tpu.memref_squeeze %dma_wait3A_245 : memref<1x128xi32, #tpu.memory_space<vmem>> -> memref<128xi32, #tpu.memory_space<vmem>>
      %dma_wait3A_247 = arith.constant 0 : i32
      %dma_wait3A_248 = tpu.memref_slice %arg24[%dma_wait3A_247] : memref<10112xf32, #tpu.memory_space<vmem_shared>> -> memref<10112xf32, #tpu.memory_space<vmem_shared>>
      tpu.wait_indirect_dma semaphore(%arg22 : memref<!tpu.dma_semaphore, #tpu.memory_space<semaphore_mem>>) src(%arg17 : memref<128xf32, #tpu.memory_space<vmem>>) dst(%dma_wait3A_248 : memref<10112xf32, #tpu.memory_space<vmem_shared>>)
      %dma_wait3A_249 = arith.constant 1 : i32
      %dma_wait3A_250 = arith.constant 0 : i32
      %dma_wait3A_251 = tpu.memref_slice %arg12[%dma_wait3A_249, %dma_wait3A_250] : memref<8x128xi32, #tpu.memory_space<vmem>> -> memref<1x128xi32, #tpu.memory_space<vmem>>
      %dma_wait3A_252 = tpu.memref_squeeze %dma_wait3A_251 : memref<1x128xi32, #tpu.memory_space<vmem>> -> memref<128xi32, #tpu.memory_space<vmem>>
      %dma_wait3A_253 = arith.constant 0 : i32
      %dma_wait3A_254 = tpu.memref_slice %arg24[%dma_wait3A_253] : memref<10112xf32, #tpu.memory_space<vmem_shared>> -> memref<10112xf32, #tpu.memory_space<vmem_shared>>
      tpu.wait_indirect_dma semaphore(%arg22 : memref<!tpu.dma_semaphore, #tpu.memory_space<semaphore_mem>>) src(%arg17 : memref<128xf32, #tpu.memory_space<vmem>>) dst(%dma_wait3A_254 : memref<10112xf32, #tpu.memory_space<vmem_shared>>)
      %dma_wait3A_255 = arith.constant 2 : i32
      %dma_wait3A_256 = arith.constant 0 : i32
      %dma_wait3A_257 = tpu.memref_slice %arg12[%dma_wait3A_255, %dma_wait3A_256] : memref<8x128xi32, #tpu.memory_space<vmem>> -> memref<1x128xi32, #tpu.memory_space<vmem>>
      %dma_wait3A_258 = tpu.memref_squeeze %dma_wait3A_257 : memref<1x128xi32, #tpu.memory_space<vmem>> -> memref<128xi32, #tpu.memory_space<vmem>>
      %dma_wait3A_259 = arith.constant 0 : i32
      %dma_wait3A_260 = tpu.memref_slice %arg24[%dma_wait3A_259] : memref<10112xf32, #tpu.memory_space<vmem_shared>> -> memref<10112xf32, #tpu.memory_space<vmem_shared>>
      tpu.wait_indirect_dma semaphore(%arg22 : memref<!tpu.dma_semaphore, #tpu.memory_space<semaphore_mem>>) src(%arg17 : memref<128xf32, #tpu.memory_space<vmem>>) dst(%dma_wait3A_260 : memref<10112xf32, #tpu.memory_space<vmem_shared>>)
      %dma_wait3A_261 = arith.constant 3 : i32
      %dma_wait3A_262 = arith.constant 0 : i32
      %dma_wait3A_263 = tpu.memref_slice %arg12[%dma_wait3A_261, %dma_wait3A_262] : memref<8x128xi32, #tpu.memory_space<vmem>> -> memref<1x128xi32, #tpu.memory_space<vmem>>
      %dma_wait3A_264 = tpu.memref_squeeze %dma_wait3A_263 : memref<1x128xi32, #tpu.memory_space<vmem>> -> memref<128xi32, #tpu.memory_space<vmem>>
      %dma_wait3A_265 = arith.constant 0 : i32
      %dma_wait3A_266 = tpu.memref_slice %arg24[%dma_wait3A_265] : memref<10112xf32, #tpu.memory_space<vmem_shared>> -> memref<10112xf32, #tpu.memory_space<vmem_shared>>
      tpu.wait_indirect_dma semaphore(%arg22 : memref<!tpu.dma_semaphore, #tpu.memory_space<semaphore_mem>>) src(%arg17 : memref<128xf32, #tpu.memory_space<vmem>>) dst(%dma_wait3A_266 : memref<10112xf32, #tpu.memory_space<vmem_shared>>)
      %dma_wait3A_267 = arith.constant 4 : i32
      %dma_wait3A_268 = arith.constant 0 : i32
      %dma_wait3A_269 = tpu.memref_slice %arg12[%dma_wait3A_267, %dma_wait3A_268] : memref<8x128xi32, #tpu.memory_space<vmem>> -> memref<1x128xi32, #tpu.memory_space<vmem>>
      %dma_wait3A_270 = tpu.memref_squeeze %dma_wait3A_269 : memref<1x128xi32, #tpu.memory_space<vmem>> -> memref<128xi32, #tpu.memory_space<vmem>>
      %dma_wait3A_271 = arith.constant 0 : i32
      %dma_wait3A_272 = tpu.memref_slice %arg24[%dma_wait3A_271] : memref<10112xf32, #tpu.memory_space<vmem_shared>> -> memref<10112xf32, #tpu.memory_space<vmem_shared>>
      tpu.wait_indirect_dma semaphore(%arg22 : memref<!tpu.dma_semaphore, #tpu.memory_space<semaphore_mem>>) src(%arg17 : memref<128xf32, #tpu.memory_space<vmem>>) dst(%dma_wait3A_272 : memref<10112xf32, #tpu.memory_space<vmem_shared>>)
      %dma_wait3A_273 = arith.constant 5 : i32
      %dma_wait3A_274 = arith.constant 0 : i32
      %dma_wait3A_275 = tpu.memref_slice %arg12[%dma_wait3A_273, %dma_wait3A_274] : memref<8x128xi32, #tpu.memory_space<vmem>> -> memref<1x128xi32, #tpu.memory_space<vmem>>
      %dma_wait3A_276 = tpu.memref_squeeze %dma_wait3A_275 : memref<1x128xi32, #tpu.memory_space<vmem>> -> memref<128xi32, #tpu.memory_space<vmem>>
      %dma_wait3A_277 = arith.constant 0 : i32
      %dma_wait3A_278 = tpu.memref_slice %arg24[%dma_wait3A_277] : memref<10112xf32, #tpu.memory_space<vmem_shared>> -> memref<10112xf32, #tpu.memory_space<vmem_shared>>
      tpu.wait_indirect_dma semaphore(%arg22 : memref<!tpu.dma_semaphore, #tpu.memory_space<semaphore_mem>>) src(%arg17 : memref<128xf32, #tpu.memory_space<vmem>>) dst(%dma_wait3A_278 : memref<10112xf32, #tpu.memory_space<vmem_shared>>)
      %dma_wait3A_279 = arith.constant 6 : i32
      %dma_wait3A_280 = arith.constant 0 : i32
      %dma_wait3A_281 = tpu.memref_slice %arg12[%dma_wait3A_279, %dma_wait3A_280] : memref<8x128xi32, #tpu.memory_space<vmem>> -> memref<1x128xi32, #tpu.memory_space<vmem>>
      %dma_wait3A_282 = tpu.memref_squeeze %dma_wait3A_281 : memref<1x128xi32, #tpu.memory_space<vmem>> -> memref<128xi32, #tpu.memory_space<vmem>>
      %dma_wait3A_283 = arith.constant 0 : i32
      %dma_wait3A_284 = tpu.memref_slice %arg24[%dma_wait3A_283] : memref<10112xf32, #tpu.memory_space<vmem_shared>> -> memref<10112xf32, #tpu.memory_space<vmem_shared>>
      tpu.wait_indirect_dma semaphore(%arg22 : memref<!tpu.dma_semaphore, #tpu.memory_space<semaphore_mem>>) src(%arg17 : memref<128xf32, #tpu.memory_space<vmem>>) dst(%dma_wait3A_284 : memref<10112xf32, #tpu.memory_space<vmem_shared>>)
      %dma_wait3A_285 = arith.constant 7 : i32
      %dma_wait3A_286 = arith.constant 0 : i32
      %dma_wait3A_287 = tpu.memref_slice %arg12[%dma_wait3A_285, %dma_wait3A_286] : memref<8x128xi32, #tpu.memory_space<vmem>> -> memref<1x128xi32, #tpu.memory_space<vmem>>
      %dma_wait3A_288 = tpu.memref_squeeze %dma_wait3A_287 : memref<1x128xi32, #tpu.memory_space<vmem>> -> memref<128xi32, #tpu.memory_space<vmem>>
      %dma_wait3A_289 = arith.constant 0 : i32
      %dma_wait3A_290 = tpu.memref_slice %arg24[%dma_wait3A_289] : memref<10112xf32, #tpu.memory_space<vmem_shared>> -> memref<10112xf32, #tpu.memory_space<vmem_shared>>
      tpu.wait_indirect_dma semaphore(%arg22 : memref<!tpu.dma_semaphore, #tpu.memory_space<semaphore_mem>>) src(%arg17 : memref<128xf32, #tpu.memory_space<vmem>>) dst(%dma_wait3A_290 : memref<10112xf32, #tpu.memory_space<vmem_shared>>)
      %lt3A = arith.constant 4 : i32
      %lt3A_291 = arith.cmpi slt, %scan3A_35, %lt3A : i32
      %convert_element_type3A_292 = arith.extui %lt3A_291 : i1 to i32
      %cond3A_293 = arith.constant 0 : i32
      %cond3A_294 = arith.cmpi ne, %convert_element_type3A_292, %cond3A_293 : i32
      scf.if %cond3A_294 {
        %add3A_509 = arith.constant 2 : i32
        %add3A_510 = arith.addi %mul3A_37, %add3A_509 : i32
        %dma_start3A_511 = arith.constant 0 : i32
        %dma_start3A_512 = arith.constant 0 : i32
        %dma_start3A_513 = tpu.memref_slice %arg3[%add3A, %add3A_510, %dma_start3A_511, %dma_start3A_512] : memref<32x10x8x128xi32, #tpu.memory_space<hbm>> -> memref<1x1x8x128xi32, #tpu.memory_space<hbm>>
        %dma_start3A_514 = tpu.memref_squeeze %dma_start3A_513 : memref<1x1x8x128xi32, #tpu.memory_space<hbm>> -> memref<8x128xi32, #tpu.memory_space<hbm>>
        %dma_start3A_515 = arith.constant 0 : i32
        %dma_start3A_516 = arith.constant 0 : i32
        %dma_start3A_517 = tpu.memref_slice %arg3[%add3A, %add3A_510, %dma_start3A_515, %dma_start3A_516] : memref<32x10x8x128xi32, #tpu.memory_space<hbm>> -> memref<1x1x8x128xi32, #tpu.memory_space<hbm>>
        %dma_start3A_518 = tpu.memref_squeeze %dma_start3A_517 : memref<1x1x8x128xi32, #tpu.memory_space<hbm>> -> memref<8x128xi32, #tpu.memory_space<hbm>>
        tpu.enqueue_dma source(%dma_start3A_518 : memref<8x128xi32, #tpu.memory_space<hbm>>) target(%arg11 : memref<8x128xi32, #tpu.memory_space<vmem>>) target_semaphore(%arg21 : memref<!tpu.dma_semaphore, #tpu.memory_space<semaphore_mem>>)
        %add3A_519 = arith.constant 2 : i32
        %add3A_520 = arith.addi %mul3A_37, %add3A_519 : i32
        %dma_start3A_521 = arith.constant 0 : i32
        %dma_start3A_522 = arith.constant 0 : i32
        %dma_start3A_523 = tpu.memref_slice %arg4[%add3A, %add3A_520, %dma_start3A_521, %dma_start3A_522] : memref<32x10x8x128xi32, #tpu.memory_space<hbm>> -> memref<1x1x8x128xi32, #tpu.memory_space<hbm>>
        %dma_start3A_524 = tpu.memref_squeeze %dma_start3A_523 : memref<1x1x8x128xi32, #tpu.memory_space<hbm>> -> memref<8x128xi32, #tpu.memory_space<hbm>>
        %dma_start3A_525 = arith.constant 0 : i32
        %dma_start3A_526 = arith.constant 0 : i32
        %dma_start3A_527 = tpu.memref_slice %arg4[%add3A, %add3A_520, %dma_start3A_525, %dma_start3A_526] : memref<32x10x8x128xi32, #tpu.memory_space<hbm>> -> memref<1x1x8x128xi32, #tpu.memory_space<hbm>>
        %dma_start3A_528 = tpu.memref_squeeze %dma_start3A_527 : memref<1x1x8x128xi32, #tpu.memory_space<hbm>> -> memref<8x128xi32, #tpu.memory_space<hbm>>
        tpu.enqueue_dma source(%dma_start3A_528 : memref<8x128xi32, #tpu.memory_space<hbm>>) target(%arg12 : memref<8x128xi32, #tpu.memory_space<vmem>>) target_semaphore(%arg21 : memref<!tpu.dma_semaphore, #tpu.memory_space<semaphore_mem>>)
      } else {
      }
      %dma_start3A_295 = arith.constant 1 : i32
      %dma_start3A_296 = arith.constant 0 : i32
      %dma_start3A_297 = tpu.memref_slice %arg13[%dma_start3A_295, %dma_start3A_296] : memref<8x128xi32, #tpu.memory_space<vmem>> -> memref<1x128xi32, #tpu.memory_space<vmem>>
      %dma_start3A_298 = tpu.memref_squeeze %dma_start3A_297 : memref<1x128xi32, #tpu.memory_space<vmem>> -> memref<128xi32, #tpu.memory_space<vmem>>
      %dma_start3A_299 = arith.constant 0 : i32
      %dma_start3A_300 = arith.constant 0 : i32
      %dma_start3A_301 = tpu.memref_slice %arg2[%dma_start3A_299, %dma_start3A_300] : memref<10000x128xf32, #tpu.memory_space<hbm>> -> memref<10000x128xf32, #tpu.memory_space<hbm>>
      tpu.enqueue_indirect_dma source(%dma_start3A_301 : memref<10000x128xf32, #tpu.memory_space<hbm>>) target(%arg16 : memref<128x128xf32, #tpu.memory_space<vmem>>) offsets(%dma_start3A_298 : memref<128xi32, #tpu.memory_space<vmem>>) semaphore(%arg20 : memref<!tpu.dma_semaphore, #tpu.memory_space<semaphore_mem>>)
      %dma_start3A_302 = arith.constant 0 : i32
      %dma_start3A_303 = arith.constant 0 : i32
      %dma_start3A_304 = tpu.memref_slice %arg14[%dma_start3A_302, %dma_start3A_303] : memref<8x128xi32, #tpu.memory_space<vmem>> -> memref<1x128xi32, #tpu.memory_space<vmem>>
      %dma_start3A_305 = tpu.memref_squeeze %dma_start3A_304 : memref<1x128xi32, #tpu.memory_space<vmem>> -> memref<128xi32, #tpu.memory_space<vmem>>
      %dma_start3A_306 = arith.constant 0 : i32
      %dma_start3A_307 = tpu.memref_slice %arg24[%dma_start3A_306] : memref<10112xf32, #tpu.memory_space<vmem_shared>> -> memref<10112xf32, #tpu.memory_space<vmem_shared>>
      tpu.enqueue_indirect_dma source(%arg17 : memref<128xf32, #tpu.memory_space<vmem>>) target(%dma_start3A_307 : memref<10112xf32, #tpu.memory_space<vmem_shared>>) offsets(%dma_start3A_305 : memref<128xi32, #tpu.memory_space<vmem>>) semaphore(%arg22 : memref<!tpu.dma_semaphore, #tpu.memory_space<semaphore_mem>>) {add = true}
      %dma_wait3A_308 = arith.constant 0 : i32
      %dma_wait3A_309 = arith.constant 0 : i32
      %dma_wait3A_310 = tpu.memref_slice %arg13[%dma_wait3A_308, %dma_wait3A_309] : memref<8x128xi32, #tpu.memory_space<vmem>> -> memref<1x128xi32, #tpu.memory_space<vmem>>
      %dma_wait3A_311 = tpu.memref_squeeze %dma_wait3A_310 : memref<1x128xi32, #tpu.memory_space<vmem>> -> memref<128xi32, #tpu.memory_space<vmem>>
      %dma_wait3A_312 = arith.constant 0 : i32
      %dma_wait3A_313 = arith.constant 0 : i32
      %dma_wait3A_314 = tpu.memref_slice %arg2[%dma_wait3A_312, %dma_wait3A_313] : memref<10000x128xf32, #tpu.memory_space<hbm>> -> memref<10000x128xf32, #tpu.memory_space<hbm>>
      tpu.wait_indirect_dma semaphore(%arg19 : memref<!tpu.dma_semaphore, #tpu.memory_space<semaphore_mem>>) src(%dma_wait3A_314 : memref<10000x128xf32, #tpu.memory_space<hbm>>) dst(%arg15 : memref<128x128xf32, #tpu.memory_space<vmem>>)
      %run_scoped3A_315 = arith.constant 0 : i32
      "tpu.region"() ({
        %run_scoped3A_509 = tpu.sem_alloc : memref<!tpu.dma_semaphore, #tpu.memory_space<semaphore_mem>>
        %dma_start3A_510 = arith.constant 0 : i32
        %dma_start3A_511 = tpu.memref_slice %arg14[%run_scoped3A_315, %dma_start3A_510] : memref<8x128xi32, #tpu.memory_space<vmem>> -> memref<1x128xi32, #tpu.memory_space<vmem>>
        %dma_start3A_512 = tpu.memref_squeeze %dma_start3A_511 : memref<1x128xi32, #tpu.memory_space<vmem>> -> memref<128xi32, #tpu.memory_space<vmem>>
        %dma_start3A_513 = arith.constant 0 : i32
        %dma_start3A_514 = arith.constant 0 : i32
        %dma_start3A_515 = tpu.memref_slice %arg23[%dma_start3A_513, %dma_start3A_514] : memref<10112x128xf32, #tpu.memory_space<vmem_shared>> -> memref<10112x128xf32, #tpu.memory_space<vmem_shared>>
        tpu.enqueue_indirect_dma source(%arg15 : memref<128x128xf32, #tpu.memory_space<vmem>>) target(%dma_start3A_515 : memref<10112x128xf32, #tpu.memory_space<vmem_shared>>) offsets(%dma_start3A_512 : memref<128xi32, #tpu.memory_space<vmem>>) semaphore(%run_scoped3A_509 : memref<!tpu.dma_semaphore, #tpu.memory_space<semaphore_mem>>) {add = true}
        %dma_wait3A_516 = arith.constant 0 : i32
        %dma_wait3A_517 = tpu.memref_slice %arg14[%run_scoped3A_315, %dma_wait3A_516] : memref<8x128xi32, #tpu.memory_space<vmem>> -> memref<1x128xi32, #tpu.memory_space<vmem>>
        %dma_wait3A_518 = tpu.memref_squeeze %dma_wait3A_517 : memref<1x128xi32, #tpu.memory_space<vmem>> -> memref<128xi32, #tpu.memory_space<vmem>>
        %dma_wait3A_519 = arith.constant 0 : i32
        %dma_wait3A_520 = arith.constant 0 : i32
        %dma_wait3A_521 = tpu.memref_slice %arg23[%dma_wait3A_519, %dma_wait3A_520] : memref<10112x128xf32, #tpu.memory_space<vmem_shared>> -> memref<10112x128xf32, #tpu.memory_space<vmem_shared>>
        tpu.wait_indirect_dma semaphore(%run_scoped3A_509 : memref<!tpu.dma_semaphore, #tpu.memory_space<semaphore_mem>>) src(%arg15 : memref<128x128xf32, #tpu.memory_space<vmem>>) dst(%dma_wait3A_521 : memref<10112x128xf32, #tpu.memory_space<vmem_shared>>)
        tpu.yield
      }) : () -> ()
      %dma_start3A_316 = arith.constant 2 : i32
      %dma_start3A_317 = arith.constant 0 : i32
      %dma_start3A_318 = tpu.memref_slice %arg13[%dma_start3A_316, %dma_start3A_317] : memref<8x128xi32, #tpu.memory_space<vmem>> -> memref<1x128xi32, #tpu.memory_space<vmem>>
      %dma_start3A_319 = tpu.memref_squeeze %dma_start3A_318 : memref<1x128xi32, #tpu.memory_space<vmem>> -> memref<128xi32, #tpu.memory_space<vmem>>
      %dma_start3A_320 = arith.constant 0 : i32
      %dma_start3A_321 = arith.constant 0 : i32
      %dma_start3A_322 = tpu.memref_slice %arg2[%dma_start3A_320, %dma_start3A_321] : memref<10000x128xf32, #tpu.memory_space<hbm>> -> memref<10000x128xf32, #tpu.memory_space<hbm>>
      tpu.enqueue_indirect_dma source(%dma_start3A_322 : memref<10000x128xf32, #tpu.memory_space<hbm>>) target(%arg15 : memref<128x128xf32, #tpu.memory_space<vmem>>) offsets(%dma_start3A_319 : memref<128xi32, #tpu.memory_space<vmem>>) semaphore(%arg19 : memref<!tpu.dma_semaphore, #tpu.memory_space<semaphore_mem>>)
      %dma_start3A_323 = arith.constant 1 : i32
      %dma_start3A_324 = arith.constant 0 : i32
      %dma_start3A_325 = tpu.memref_slice %arg14[%dma_start3A_323, %dma_start3A_324] : memref<8x128xi32, #tpu.memory_space<vmem>> -> memref<1x128xi32, #tpu.memory_space<vmem>>
      %dma_start3A_326 = tpu.memref_squeeze %dma_start3A_325 : memref<1x128xi32, #tpu.memory_space<vmem>> -> memref<128xi32, #tpu.memory_space<vmem>>
      %dma_start3A_327 = arith.constant 0 : i32
      %dma_start3A_328 = tpu.memref_slice %arg24[%dma_start3A_327] : memref<10112xf32, #tpu.memory_space<vmem_shared>> -> memref<10112xf32, #tpu.memory_space<vmem_shared>>
      tpu.enqueue_indirect_dma source(%arg17 : memref<128xf32, #tpu.memory_space<vmem>>) target(%dma_start3A_328 : memref<10112xf32, #tpu.memory_space<vmem_shared>>) offsets(%dma_start3A_326 : memref<128xi32, #tpu.memory_space<vmem>>) semaphore(%arg22 : memref<!tpu.dma_semaphore, #tpu.memory_space<semaphore_mem>>) {add = true}
      %dma_wait3A_329 = arith.constant 1 : i32
      %dma_wait3A_330 = arith.constant 0 : i32
      %dma_wait3A_331 = tpu.memref_slice %arg13[%dma_wait3A_329, %dma_wait3A_330] : memref<8x128xi32, #tpu.memory_space<vmem>> -> memref<1x128xi32, #tpu.memory_space<vmem>>
      %dma_wait3A_332 = tpu.memref_squeeze %dma_wait3A_331 : memref<1x128xi32, #tpu.memory_space<vmem>> -> memref<128xi32, #tpu.memory_space<vmem>>
      %dma_wait3A_333 = arith.constant 0 : i32
      %dma_wait3A_334 = arith.constant 0 : i32
      %dma_wait3A_335 = tpu.memref_slice %arg2[%dma_wait3A_333, %dma_wait3A_334] : memref<10000x128xf32, #tpu.memory_space<hbm>> -> memref<10000x128xf32, #tpu.memory_space<hbm>>
      tpu.wait_indirect_dma semaphore(%arg20 : memref<!tpu.dma_semaphore, #tpu.memory_space<semaphore_mem>>) src(%dma_wait3A_335 : memref<10000x128xf32, #tpu.memory_space<hbm>>) dst(%arg16 : memref<128x128xf32, #tpu.memory_space<vmem>>)
      %run_scoped3A_336 = arith.constant 1 : i32
      "tpu.region"() ({
        %run_scoped3A_509 = tpu.sem_alloc : memref<!tpu.dma_semaphore, #tpu.memory_space<semaphore_mem>>
        %dma_start3A_510 = arith.constant 0 : i32
        %dma_start3A_511 = tpu.memref_slice %arg14[%run_scoped3A_336, %dma_start3A_510] : memref<8x128xi32, #tpu.memory_space<vmem>> -> memref<1x128xi32, #tpu.memory_space<vmem>>
        %dma_start3A_512 = tpu.memref_squeeze %dma_start3A_511 : memref<1x128xi32, #tpu.memory_space<vmem>> -> memref<128xi32, #tpu.memory_space<vmem>>
        %dma_start3A_513 = arith.constant 0 : i32
        %dma_start3A_514 = arith.constant 0 : i32
        %dma_start3A_515 = tpu.memref_slice %arg23[%dma_start3A_513, %dma_start3A_514] : memref<10112x128xf32, #tpu.memory_space<vmem_shared>> -> memref<10112x128xf32, #tpu.memory_space<vmem_shared>>
        tpu.enqueue_indirect_dma source(%arg16 : memref<128x128xf32, #tpu.memory_space<vmem>>) target(%dma_start3A_515 : memref<10112x128xf32, #tpu.memory_space<vmem_shared>>) offsets(%dma_start3A_512 : memref<128xi32, #tpu.memory_space<vmem>>) semaphore(%run_scoped3A_509 : memref<!tpu.dma_semaphore, #tpu.memory_space<semaphore_mem>>) {add = true}
        %dma_wait3A_516 = arith.constant 0 : i32
        %dma_wait3A_517 = tpu.memref_slice %arg14[%run_scoped3A_336, %dma_wait3A_516] : memref<8x128xi32, #tpu.memory_space<vmem>> -> memref<1x128xi32, #tpu.memory_space<vmem>>
        %dma_wait3A_518 = tpu.memref_squeeze %dma_wait3A_517 : memref<1x128xi32, #tpu.memory_space<vmem>> -> memref<128xi32, #tpu.memory_space<vmem>>
        %dma_wait3A_519 = arith.constant 0 : i32
        %dma_wait3A_520 = arith.constant 0 : i32
        %dma_wait3A_521 = tpu.memref_slice %arg23[%dma_wait3A_519, %dma_wait3A_520] : memref<10112x128xf32, #tpu.memory_space<vmem_shared>> -> memref<10112x128xf32, #tpu.memory_space<vmem_shared>>
        tpu.wait_indirect_dma semaphore(%run_scoped3A_509 : memref<!tpu.dma_semaphore, #tpu.memory_space<semaphore_mem>>) src(%arg16 : memref<128x128xf32, #tpu.memory_space<vmem>>) dst(%dma_wait3A_521 : memref<10112x128xf32, #tpu.memory_space<vmem_shared>>)
        tpu.yield
      }) : () -> ()
      %dma_start3A_337 = arith.constant 3 : i32
      %dma_start3A_338 = arith.constant 0 : i32
      %dma_start3A_339 = tpu.memref_slice %arg13[%dma_start3A_337, %dma_start3A_338] : memref<8x128xi32, #tpu.memory_space<vmem>> -> memref<1x128xi32, #tpu.memory_space<vmem>>
      %dma_start3A_340 = tpu.memref_squeeze %dma_start3A_339 : memref<1x128xi32, #tpu.memory_space<vmem>> -> memref<128xi32, #tpu.memory_space<vmem>>
      %dma_start3A_341 = arith.constant 0 : i32
      %dma_start3A_342 = arith.constant 0 : i32
      %dma_start3A_343 = tpu.memref_slice %arg2[%dma_start3A_341, %dma_start3A_342] : memref<10000x128xf32, #tpu.memory_space<hbm>> -> memref<10000x128xf32, #tpu.memory_space<hbm>>
      tpu.enqueue_indirect_dma source(%dma_start3A_343 : memref<10000x128xf32, #tpu.memory_space<hbm>>) target(%arg16 : memref<128x128xf32, #tpu.memory_space<vmem>>) offsets(%dma_start3A_340 : memref<128xi32, #tpu.memory_space<vmem>>) semaphore(%arg20 : memref<!tpu.dma_semaphore, #tpu.memory_space<semaphore_mem>>)
      %dma_start3A_344 = arith.constant 2 : i32
      %dma_start3A_345 = arith.constant 0 : i32
      %dma_start3A_346 = tpu.memref_slice %arg14[%dma_start3A_344, %dma_start3A_345] : memref<8x128xi32, #tpu.memory_space<vmem>> -> memref<1x128xi32, #tpu.memory_space<vmem>>
      %dma_start3A_347 = tpu.memref_squeeze %dma_start3A_346 : memref<1x128xi32, #tpu.memory_space<vmem>> -> memref<128xi32, #tpu.memory_space<vmem>>
      %dma_start3A_348 = arith.constant 0 : i32
      %dma_start3A_349 = tpu.memref_slice %arg24[%dma_start3A_348] : memref<10112xf32, #tpu.memory_space<vmem_shared>> -> memref<10112xf32, #tpu.memory_space<vmem_shared>>
      tpu.enqueue_indirect_dma source(%arg17 : memref<128xf32, #tpu.memory_space<vmem>>) target(%dma_start3A_349 : memref<10112xf32, #tpu.memory_space<vmem_shared>>) offsets(%dma_start3A_347 : memref<128xi32, #tpu.memory_space<vmem>>) semaphore(%arg22 : memref<!tpu.dma_semaphore, #tpu.memory_space<semaphore_mem>>) {add = true}
      %dma_wait3A_350 = arith.constant 2 : i32
      %dma_wait3A_351 = arith.constant 0 : i32
      %dma_wait3A_352 = tpu.memref_slice %arg13[%dma_wait3A_350, %dma_wait3A_351] : memref<8x128xi32, #tpu.memory_space<vmem>> -> memref<1x128xi32, #tpu.memory_space<vmem>>
      %dma_wait3A_353 = tpu.memref_squeeze %dma_wait3A_352 : memref<1x128xi32, #tpu.memory_space<vmem>> -> memref<128xi32, #tpu.memory_space<vmem>>
      %dma_wait3A_354 = arith.constant 0 : i32
      %dma_wait3A_355 = arith.constant 0 : i32
      %dma_wait3A_356 = tpu.memref_slice %arg2[%dma_wait3A_354, %dma_wait3A_355] : memref<10000x128xf32, #tpu.memory_space<hbm>> -> memref<10000x128xf32, #tpu.memory_space<hbm>>
      tpu.wait_indirect_dma semaphore(%arg19 : memref<!tpu.dma_semaphore, #tpu.memory_space<semaphore_mem>>) src(%dma_wait3A_356 : memref<10000x128xf32, #tpu.memory_space<hbm>>) dst(%arg15 : memref<128x128xf32, #tpu.memory_space<vmem>>)
      %run_scoped3A_357 = arith.constant 2 : i32
      "tpu.region"() ({
        %run_scoped3A_509 = tpu.sem_alloc : memref<!tpu.dma_semaphore, #tpu.memory_space<semaphore_mem>>
        %dma_start3A_510 = arith.constant 0 : i32
        %dma_start3A_511 = tpu.memref_slice %arg14[%run_scoped3A_357, %dma_start3A_510] : memref<8x128xi32, #tpu.memory_space<vmem>> -> memref<1x128xi32, #tpu.memory_space<vmem>>
        %dma_start3A_512 = tpu.memref_squeeze %dma_start3A_511 : memref<1x128xi32, #tpu.memory_space<vmem>> -> memref<128xi32, #tpu.memory_space<vmem>>
        %dma_start3A_513 = arith.constant 0 : i32
        %dma_start3A_514 = arith.constant 0 : i32
        %dma_start3A_515 = tpu.memref_slice %arg23[%dma_start3A_513, %dma_start3A_514] : memref<10112x128xf32, #tpu.memory_space<vmem_shared>> -> memref<10112x128xf32, #tpu.memory_space<vmem_shared>>
        tpu.enqueue_indirect_dma source(%arg15 : memref<128x128xf32, #tpu.memory_space<vmem>>) target(%dma_start3A_515 : memref<10112x128xf32, #tpu.memory_space<vmem_shared>>) offsets(%dma_start3A_512 : memref<128xi32, #tpu.memory_space<vmem>>) semaphore(%run_scoped3A_509 : memref<!tpu.dma_semaphore, #tpu.memory_space<semaphore_mem>>) {add = true}
        %dma_wait3A_516 = arith.constant 0 : i32
        %dma_wait3A_517 = tpu.memref_slice %arg14[%run_scoped3A_357, %dma_wait3A_516] : memref<8x128xi32, #tpu.memory_space<vmem>> -> memref<1x128xi32, #tpu.memory_space<vmem>>
        %dma_wait3A_518 = tpu.memref_squeeze %dma_wait3A_517 : memref<1x128xi32, #tpu.memory_space<vmem>> -> memref<128xi32, #tpu.memory_space<vmem>>
        %dma_wait3A_519 = arith.constant 0 : i32
        %dma_wait3A_520 = arith.constant 0 : i32
        %dma_wait3A_521 = tpu.memref_slice %arg23[%dma_wait3A_519, %dma_wait3A_520] : memref<10112x128xf32, #tpu.memory_space<vmem_shared>> -> memref<10112x128xf32, #tpu.memory_space<vmem_shared>>
        tpu.wait_indirect_dma semaphore(%run_scoped3A_509 : memref<!tpu.dma_semaphore, #tpu.memory_space<semaphore_mem>>) src(%arg15 : memref<128x128xf32, #tpu.memory_space<vmem>>) dst(%dma_wait3A_521 : memref<10112x128xf32, #tpu.memory_space<vmem_shared>>)
        tpu.yield
      }) : () -> ()
      %dma_start3A_358 = arith.constant 4 : i32
      %dma_start3A_359 = arith.constant 0 : i32
      %dma_start3A_360 = tpu.memref_slice %arg13[%dma_start3A_358, %dma_start3A_359] : memref<8x128xi32, #tpu.memory_space<vmem>> -> memref<1x128xi32, #tpu.memory_space<vmem>>
      %dma_start3A_361 = tpu.memref_squeeze %dma_start3A_360 : memref<1x128xi32, #tpu.memory_space<vmem>> -> memref<128xi32, #tpu.memory_space<vmem>>
      %dma_start3A_362 = arith.constant 0 : i32
      %dma_start3A_363 = arith.constant 0 : i32
      %dma_start3A_364 = tpu.memref_slice %arg2[%dma_start3A_362, %dma_start3A_363] : memref<10000x128xf32, #tpu.memory_space<hbm>> -> memref<10000x128xf32, #tpu.memory_space<hbm>>
      tpu.enqueue_indirect_dma source(%dma_start3A_364 : memref<10000x128xf32, #tpu.memory_space<hbm>>) target(%arg15 : memref<128x128xf32, #tpu.memory_space<vmem>>) offsets(%dma_start3A_361 : memref<128xi32, #tpu.memory_space<vmem>>) semaphore(%arg19 : memref<!tpu.dma_semaphore, #tpu.memory_space<semaphore_mem>>)
      %dma_start3A_365 = arith.constant 3 : i32
      %dma_start3A_366 = arith.constant 0 : i32
      %dma_start3A_367 = tpu.memref_slice %arg14[%dma_start3A_365, %dma_start3A_366] : memref<8x128xi32, #tpu.memory_space<vmem>> -> memref<1x128xi32, #tpu.memory_space<vmem>>
      %dma_start3A_368 = tpu.memref_squeeze %dma_start3A_367 : memref<1x128xi32, #tpu.memory_space<vmem>> -> memref<128xi32, #tpu.memory_space<vmem>>
      %dma_start3A_369 = arith.constant 0 : i32
      %dma_start3A_370 = tpu.memref_slice %arg24[%dma_start3A_369] : memref<10112xf32, #tpu.memory_space<vmem_shared>> -> memref<10112xf32, #tpu.memory_space<vmem_shared>>
      tpu.enqueue_indirect_dma source(%arg17 : memref<128xf32, #tpu.memory_space<vmem>>) target(%dma_start3A_370 : memref<10112xf32, #tpu.memory_space<vmem_shared>>) offsets(%dma_start3A_368 : memref<128xi32, #tpu.memory_space<vmem>>) semaphore(%arg22 : memref<!tpu.dma_semaphore, #tpu.memory_space<semaphore_mem>>) {add = true}
      %dma_wait3A_371 = arith.constant 3 : i32
      %dma_wait3A_372 = arith.constant 0 : i32
      %dma_wait3A_373 = tpu.memref_slice %arg13[%dma_wait3A_371, %dma_wait3A_372] : memref<8x128xi32, #tpu.memory_space<vmem>> -> memref<1x128xi32, #tpu.memory_space<vmem>>
      %dma_wait3A_374 = tpu.memref_squeeze %dma_wait3A_373 : memref<1x128xi32, #tpu.memory_space<vmem>> -> memref<128xi32, #tpu.memory_space<vmem>>
      %dma_wait3A_375 = arith.constant 0 : i32
      %dma_wait3A_376 = arith.constant 0 : i32
      %dma_wait3A_377 = tpu.memref_slice %arg2[%dma_wait3A_375, %dma_wait3A_376] : memref<10000x128xf32, #tpu.memory_space<hbm>> -> memref<10000x128xf32, #tpu.memory_space<hbm>>
      tpu.wait_indirect_dma semaphore(%arg20 : memref<!tpu.dma_semaphore, #tpu.memory_space<semaphore_mem>>) src(%dma_wait3A_377 : memref<10000x128xf32, #tpu.memory_space<hbm>>) dst(%arg16 : memref<128x128xf32, #tpu.memory_space<vmem>>)
      %run_scoped3A_378 = arith.constant 3 : i32
      "tpu.region"() ({
        %run_scoped3A_509 = tpu.sem_alloc : memref<!tpu.dma_semaphore, #tpu.memory_space<semaphore_mem>>
        %dma_start3A_510 = arith.constant 0 : i32
        %dma_start3A_511 = tpu.memref_slice %arg14[%run_scoped3A_378, %dma_start3A_510] : memref<8x128xi32, #tpu.memory_space<vmem>> -> memref<1x128xi32, #tpu.memory_space<vmem>>
        %dma_start3A_512 = tpu.memref_squeeze %dma_start3A_511 : memref<1x128xi32, #tpu.memory_space<vmem>> -> memref<128xi32, #tpu.memory_space<vmem>>
        %dma_start3A_513 = arith.constant 0 : i32
        %dma_start3A_514 = arith.constant 0 : i32
        %dma_start3A_515 = tpu.memref_slice %arg23[%dma_start3A_513, %dma_start3A_514] : memref<10112x128xf32, #tpu.memory_space<vmem_shared>> -> memref<10112x128xf32, #tpu.memory_space<vmem_shared>>
        tpu.enqueue_indirect_dma source(%arg16 : memref<128x128xf32, #tpu.memory_space<vmem>>) target(%dma_start3A_515 : memref<10112x128xf32, #tpu.memory_space<vmem_shared>>) offsets(%dma_start3A_512 : memref<128xi32, #tpu.memory_space<vmem>>) semaphore(%run_scoped3A_509 : memref<!tpu.dma_semaphore, #tpu.memory_space<semaphore_mem>>) {add = true}
        %dma_wait3A_516 = arith.constant 0 : i32
        %dma_wait3A_517 = tpu.memref_slice %arg14[%run_scoped3A_378, %dma_wait3A_516] : memref<8x128xi32, #tpu.memory_space<vmem>> -> memref<1x128xi32, #tpu.memory_space<vmem>>
        %dma_wait3A_518 = tpu.memref_squeeze %dma_wait3A_517 : memref<1x128xi32, #tpu.memory_space<vmem>> -> memref<128xi32, #tpu.memory_space<vmem>>
        %dma_wait3A_519 = arith.constant 0 : i32
        %dma_wait3A_520 = arith.constant 0 : i32
        %dma_wait3A_521 = tpu.memref_slice %arg23[%dma_wait3A_519, %dma_wait3A_520] : memref<10112x128xf32, #tpu.memory_space<vmem_shared>> -> memref<10112x128xf32, #tpu.memory_space<vmem_shared>>
        tpu.wait_indirect_dma semaphore(%run_scoped3A_509 : memref<!tpu.dma_semaphore, #tpu.memory_space<semaphore_mem>>) src(%arg16 : memref<128x128xf32, #tpu.memory_space<vmem>>) dst(%dma_wait3A_521 : memref<10112x128xf32, #tpu.memory_space<vmem_shared>>)
        tpu.yield
      }) : () -> ()
      %dma_start3A_379 = arith.constant 5 : i32
      %dma_start3A_380 = arith.constant 0 : i32
      %dma_start3A_381 = tpu.memref_slice %arg13[%dma_start3A_379, %dma_start3A_380] : memref<8x128xi32, #tpu.memory_space<vmem>> -> memref<1x128xi32, #tpu.memory_space<vmem>>
      %dma_start3A_382 = tpu.memref_squeeze %dma_start3A_381 : memref<1x128xi32, #tpu.memory_space<vmem>> -> memref<128xi32, #tpu.memory_space<vmem>>
      %dma_start3A_383 = arith.constant 0 : i32
      %dma_start3A_384 = arith.constant 0 : i32
      %dma_start3A_385 = tpu.memref_slice %arg2[%dma_start3A_383, %dma_start3A_384] : memref<10000x128xf32, #tpu.memory_space<hbm>> -> memref<10000x128xf32, #tpu.memory_space<hbm>>
      tpu.enqueue_indirect_dma source(%dma_start3A_385 : memref<10000x128xf32, #tpu.memory_space<hbm>>) target(%arg16 : memref<128x128xf32, #tpu.memory_space<vmem>>) offsets(%dma_start3A_382 : memref<128xi32, #tpu.memory_space<vmem>>) semaphore(%arg20 : memref<!tpu.dma_semaphore, #tpu.memory_space<semaphore_mem>>)
      %dma_start3A_386 = arith.constant 4 : i32
      %dma_start3A_387 = arith.constant 0 : i32
      %dma_start3A_388 = tpu.memref_slice %arg14[%dma_start3A_386, %dma_start3A_387] : memref<8x128xi32, #tpu.memory_space<vmem>> -> memref<1x128xi32, #tpu.memory_space<vmem>>
      %dma_start3A_389 = tpu.memref_squeeze %dma_start3A_388 : memref<1x128xi32, #tpu.memory_space<vmem>> -> memref<128xi32, #tpu.memory_space<vmem>>
      %dma_start3A_390 = arith.constant 0 : i32
      %dma_start3A_391 = tpu.memref_slice %arg24[%dma_start3A_390] : memref<10112xf32, #tpu.memory_space<vmem_shared>> -> memref<10112xf32, #tpu.memory_space<vmem_shared>>
      tpu.enqueue_indirect_dma source(%arg17 : memref<128xf32, #tpu.memory_space<vmem>>) target(%dma_start3A_391 : memref<10112xf32, #tpu.memory_space<vmem_shared>>) offsets(%dma_start3A_389 : memref<128xi32, #tpu.memory_space<vmem>>) semaphore(%arg22 : memref<!tpu.dma_semaphore, #tpu.memory_space<semaphore_mem>>) {add = true}
      %dma_wait3A_392 = arith.constant 4 : i32
      %dma_wait3A_393 = arith.constant 0 : i32
      %dma_wait3A_394 = tpu.memref_slice %arg13[%dma_wait3A_392, %dma_wait3A_393] : memref<8x128xi32, #tpu.memory_space<vmem>> -> memref<1x128xi32, #tpu.memory_space<vmem>>
      %dma_wait3A_395 = tpu.memref_squeeze %dma_wait3A_394 : memref<1x128xi32, #tpu.memory_space<vmem>> -> memref<128xi32, #tpu.memory_space<vmem>>
      %dma_wait3A_396 = arith.constant 0 : i32
      %dma_wait3A_397 = arith.constant 0 : i32
      %dma_wait3A_398 = tpu.memref_slice %arg2[%dma_wait3A_396, %dma_wait3A_397] : memref<10000x128xf32, #tpu.memory_space<hbm>> -> memref<10000x128xf32, #tpu.memory_space<hbm>>
      tpu.wait_indirect_dma semaphore(%arg19 : memref<!tpu.dma_semaphore, #tpu.memory_space<semaphore_mem>>) src(%dma_wait3A_398 : memref<10000x128xf32, #tpu.memory_space<hbm>>) dst(%arg15 : memref<128x128xf32, #tpu.memory_space<vmem>>)
      %run_scoped3A_399 = arith.constant 4 : i32
      "tpu.region"() ({
        %run_scoped3A_509 = tpu.sem_alloc : memref<!tpu.dma_semaphore, #tpu.memory_space<semaphore_mem>>
        %dma_start3A_510 = arith.constant 0 : i32
        %dma_start3A_511 = tpu.memref_slice %arg14[%run_scoped3A_399, %dma_start3A_510] : memref<8x128xi32, #tpu.memory_space<vmem>> -> memref<1x128xi32, #tpu.memory_space<vmem>>
        %dma_start3A_512 = tpu.memref_squeeze %dma_start3A_511 : memref<1x128xi32, #tpu.memory_space<vmem>> -> memref<128xi32, #tpu.memory_space<vmem>>
        %dma_start3A_513 = arith.constant 0 : i32
        %dma_start3A_514 = arith.constant 0 : i32
        %dma_start3A_515 = tpu.memref_slice %arg23[%dma_start3A_513, %dma_start3A_514] : memref<10112x128xf32, #tpu.memory_space<vmem_shared>> -> memref<10112x128xf32, #tpu.memory_space<vmem_shared>>
        tpu.enqueue_indirect_dma source(%arg15 : memref<128x128xf32, #tpu.memory_space<vmem>>) target(%dma_start3A_515 : memref<10112x128xf32, #tpu.memory_space<vmem_shared>>) offsets(%dma_start3A_512 : memref<128xi32, #tpu.memory_space<vmem>>) semaphore(%run_scoped3A_509 : memref<!tpu.dma_semaphore, #tpu.memory_space<semaphore_mem>>) {add = true}
        %dma_wait3A_516 = arith.constant 0 : i32
        %dma_wait3A_517 = tpu.memref_slice %arg14[%run_scoped3A_399, %dma_wait3A_516] : memref<8x128xi32, #tpu.memory_space<vmem>> -> memref<1x128xi32, #tpu.memory_space<vmem>>
        %dma_wait3A_518 = tpu.memref_squeeze %dma_wait3A_517 : memref<1x128xi32, #tpu.memory_space<vmem>> -> memref<128xi32, #tpu.memory_space<vmem>>
        %dma_wait3A_519 = arith.constant 0 : i32
        %dma_wait3A_520 = arith.constant 0 : i32
        %dma_wait3A_521 = tpu.memref_slice %arg23[%dma_wait3A_519, %dma_wait3A_520] : memref<10112x128xf32, #tpu.memory_space<vmem_shared>> -> memref<10112x128xf32, #tpu.memory_space<vmem_shared>>
        tpu.wait_indirect_dma semaphore(%run_scoped3A_509 : memref<!tpu.dma_semaphore, #tpu.memory_space<semaphore_mem>>) src(%arg15 : memref<128x128xf32, #tpu.memory_space<vmem>>) dst(%dma_wait3A_521 : memref<10112x128xf32, #tpu.memory_space<vmem_shared>>)
        tpu.yield
      }) : () -> ()
      %dma_start3A_400 = arith.constant 6 : i32
      %dma_start3A_401 = arith.constant 0 : i32
      %dma_start3A_402 = tpu.memref_slice %arg13[%dma_start3A_400, %dma_start3A_401] : memref<8x128xi32, #tpu.memory_space<vmem>> -> memref<1x128xi32, #tpu.memory_space<vmem>>
      %dma_start3A_403 = tpu.memref_squeeze %dma_start3A_402 : memref<1x128xi32, #tpu.memory_space<vmem>> -> memref<128xi32, #tpu.memory_space<vmem>>
      %dma_start3A_404 = arith.constant 0 : i32
      %dma_start3A_405 = arith.constant 0 : i32
      %dma_start3A_406 = tpu.memref_slice %arg2[%dma_start3A_404, %dma_start3A_405] : memref<10000x128xf32, #tpu.memory_space<hbm>> -> memref<10000x128xf32, #tpu.memory_space<hbm>>
      tpu.enqueue_indirect_dma source(%dma_start3A_406 : memref<10000x128xf32, #tpu.memory_space<hbm>>) target(%arg15 : memref<128x128xf32, #tpu.memory_space<vmem>>) offsets(%dma_start3A_403 : memref<128xi32, #tpu.memory_space<vmem>>) semaphore(%arg19 : memref<!tpu.dma_semaphore, #tpu.memory_space<semaphore_mem>>)
      %dma_start3A_407 = arith.constant 5 : i32
      %dma_start3A_408 = arith.constant 0 : i32
      %dma_start3A_409 = tpu.memref_slice %arg14[%dma_start3A_407, %dma_start3A_408] : memref<8x128xi32, #tpu.memory_space<vmem>> -> memref<1x128xi32, #tpu.memory_space<vmem>>
      %dma_start3A_410 = tpu.memref_squeeze %dma_start3A_409 : memref<1x128xi32, #tpu.memory_space<vmem>> -> memref<128xi32, #tpu.memory_space<vmem>>
      %dma_start3A_411 = arith.constant 0 : i32
      %dma_start3A_412 = tpu.memref_slice %arg24[%dma_start3A_411] : memref<10112xf32, #tpu.memory_space<vmem_shared>> -> memref<10112xf32, #tpu.memory_space<vmem_shared>>
      tpu.enqueue_indirect_dma source(%arg17 : memref<128xf32, #tpu.memory_space<vmem>>) target(%dma_start3A_412 : memref<10112xf32, #tpu.memory_space<vmem_shared>>) offsets(%dma_start3A_410 : memref<128xi32, #tpu.memory_space<vmem>>) semaphore(%arg22 : memref<!tpu.dma_semaphore, #tpu.memory_space<semaphore_mem>>) {add = true}
      %dma_wait3A_413 = arith.constant 5 : i32
      %dma_wait3A_414 = arith.constant 0 : i32
      %dma_wait3A_415 = tpu.memref_slice %arg13[%dma_wait3A_413, %dma_wait3A_414] : memref<8x128xi32, #tpu.memory_space<vmem>> -> memref<1x128xi32, #tpu.memory_space<vmem>>
      %dma_wait3A_416 = tpu.memref_squeeze %dma_wait3A_415 : memref<1x128xi32, #tpu.memory_space<vmem>> -> memref<128xi32, #tpu.memory_space<vmem>>
      %dma_wait3A_417 = arith.constant 0 : i32
      %dma_wait3A_418 = arith.constant 0 : i32
      %dma_wait3A_419 = tpu.memref_slice %arg2[%dma_wait3A_417, %dma_wait3A_418] : memref<10000x128xf32, #tpu.memory_space<hbm>> -> memref<10000x128xf32, #tpu.memory_space<hbm>>
      tpu.wait_indirect_dma semaphore(%arg20 : memref<!tpu.dma_semaphore, #tpu.memory_space<semaphore_mem>>) src(%dma_wait3A_419 : memref<10000x128xf32, #tpu.memory_space<hbm>>) dst(%arg16 : memref<128x128xf32, #tpu.memory_space<vmem>>)
      %run_scoped3A_420 = arith.constant 5 : i32
      "tpu.region"() ({
        %run_scoped3A_509 = tpu.sem_alloc : memref<!tpu.dma_semaphore, #tpu.memory_space<semaphore_mem>>
        %dma_start3A_510 = arith.constant 0 : i32
        %dma_start3A_511 = tpu.memref_slice %arg14[%run_scoped3A_420, %dma_start3A_510] : memref<8x128xi32, #tpu.memory_space<vmem>> -> memref<1x128xi32, #tpu.memory_space<vmem>>
        %dma_start3A_512 = tpu.memref_squeeze %dma_start3A_511 : memref<1x128xi32, #tpu.memory_space<vmem>> -> memref<128xi32, #tpu.memory_space<vmem>>
        %dma_start3A_513 = arith.constant 0 : i32
        %dma_start3A_514 = arith.constant 0 : i32
        %dma_start3A_515 = tpu.memref_slice %arg23[%dma_start3A_513, %dma_start3A_514] : memref<10112x128xf32, #tpu.memory_space<vmem_shared>> -> memref<10112x128xf32, #tpu.memory_space<vmem_shared>>
        tpu.enqueue_indirect_dma source(%arg16 : memref<128x128xf32, #tpu.memory_space<vmem>>) target(%dma_start3A_515 : memref<10112x128xf32, #tpu.memory_space<vmem_shared>>) offsets(%dma_start3A_512 : memref<128xi32, #tpu.memory_space<vmem>>) semaphore(%run_scoped3A_509 : memref<!tpu.dma_semaphore, #tpu.memory_space<semaphore_mem>>) {add = true}
        %dma_wait3A_516 = arith.constant 0 : i32
        %dma_wait3A_517 = tpu.memref_slice %arg14[%run_scoped3A_420, %dma_wait3A_516] : memref<8x128xi32, #tpu.memory_space<vmem>> -> memref<1x128xi32, #tpu.memory_space<vmem>>
        %dma_wait3A_518 = tpu.memref_squeeze %dma_wait3A_517 : memref<1x128xi32, #tpu.memory_space<vmem>> -> memref<128xi32, #tpu.memory_space<vmem>>
        %dma_wait3A_519 = arith.constant 0 : i32
        %dma_wait3A_520 = arith.constant 0 : i32
        %dma_wait3A_521 = tpu.memref_slice %arg23[%dma_wait3A_519, %dma_wait3A_520] : memref<10112x128xf32, #tpu.memory_space<vmem_shared>> -> memref<10112x128xf32, #tpu.memory_space<vmem_shared>>
        tpu.wait_indirect_dma semaphore(%run_scoped3A_509 : memref<!tpu.dma_semaphore, #tpu.memory_space<semaphore_mem>>) src(%arg16 : memref<128x128xf32, #tpu.memory_space<vmem>>) dst(%dma_wait3A_521 : memref<10112x128xf32, #tpu.memory_space<vmem_shared>>)
        tpu.yield
      }) : () -> ()
      %dma_start3A_421 = arith.constant 7 : i32
      %dma_start3A_422 = arith.constant 0 : i32
      %dma_start3A_423 = tpu.memref_slice %arg13[%dma_start3A_421, %dma_start3A_422] : memref<8x128xi32, #tpu.memory_space<vmem>> -> memref<1x128xi32, #tpu.memory_space<vmem>>
      %dma_start3A_424 = tpu.memref_squeeze %dma_start3A_423 : memref<1x128xi32, #tpu.memory_space<vmem>> -> memref<128xi32, #tpu.memory_space<vmem>>
      %dma_start3A_425 = arith.constant 0 : i32
      %dma_start3A_426 = arith.constant 0 : i32
      %dma_start3A_427 = tpu.memref_slice %arg2[%dma_start3A_425, %dma_start3A_426] : memref<10000x128xf32, #tpu.memory_space<hbm>> -> memref<10000x128xf32, #tpu.memory_space<hbm>>
      tpu.enqueue_indirect_dma source(%dma_start3A_427 : memref<10000x128xf32, #tpu.memory_space<hbm>>) target(%arg16 : memref<128x128xf32, #tpu.memory_space<vmem>>) offsets(%dma_start3A_424 : memref<128xi32, #tpu.memory_space<vmem>>) semaphore(%arg20 : memref<!tpu.dma_semaphore, #tpu.memory_space<semaphore_mem>>)
      %dma_start3A_428 = arith.constant 6 : i32
      %dma_start3A_429 = arith.constant 0 : i32
      %dma_start3A_430 = tpu.memref_slice %arg14[%dma_start3A_428, %dma_start3A_429] : memref<8x128xi32, #tpu.memory_space<vmem>> -> memref<1x128xi32, #tpu.memory_space<vmem>>
      %dma_start3A_431 = tpu.memref_squeeze %dma_start3A_430 : memref<1x128xi32, #tpu.memory_space<vmem>> -> memref<128xi32, #tpu.memory_space<vmem>>
      %dma_start3A_432 = arith.constant 0 : i32
      %dma_start3A_433 = tpu.memref_slice %arg24[%dma_start3A_432] : memref<10112xf32, #tpu.memory_space<vmem_shared>> -> memref<10112xf32, #tpu.memory_space<vmem_shared>>
      tpu.enqueue_indirect_dma source(%arg17 : memref<128xf32, #tpu.memory_space<vmem>>) target(%dma_start3A_433 : memref<10112xf32, #tpu.memory_space<vmem_shared>>) offsets(%dma_start3A_431 : memref<128xi32, #tpu.memory_space<vmem>>) semaphore(%arg22 : memref<!tpu.dma_semaphore, #tpu.memory_space<semaphore_mem>>) {add = true}
      %dma_wait3A_434 = arith.constant 6 : i32
      %dma_wait3A_435 = arith.constant 0 : i32
      %dma_wait3A_436 = tpu.memref_slice %arg13[%dma_wait3A_434, %dma_wait3A_435] : memref<8x128xi32, #tpu.memory_space<vmem>> -> memref<1x128xi32, #tpu.memory_space<vmem>>
      %dma_wait3A_437 = tpu.memref_squeeze %dma_wait3A_436 : memref<1x128xi32, #tpu.memory_space<vmem>> -> memref<128xi32, #tpu.memory_space<vmem>>
      %dma_wait3A_438 = arith.constant 0 : i32
      %dma_wait3A_439 = arith.constant 0 : i32
      %dma_wait3A_440 = tpu.memref_slice %arg2[%dma_wait3A_438, %dma_wait3A_439] : memref<10000x128xf32, #tpu.memory_space<hbm>> -> memref<10000x128xf32, #tpu.memory_space<hbm>>
      tpu.wait_indirect_dma semaphore(%arg19 : memref<!tpu.dma_semaphore, #tpu.memory_space<semaphore_mem>>) src(%dma_wait3A_440 : memref<10000x128xf32, #tpu.memory_space<hbm>>) dst(%arg15 : memref<128x128xf32, #tpu.memory_space<vmem>>)
      %run_scoped3A_441 = arith.constant 6 : i32
      "tpu.region"() ({
        %run_scoped3A_509 = tpu.sem_alloc : memref<!tpu.dma_semaphore, #tpu.memory_space<semaphore_mem>>
        %dma_start3A_510 = arith.constant 0 : i32
        %dma_start3A_511 = tpu.memref_slice %arg14[%run_scoped3A_441, %dma_start3A_510] : memref<8x128xi32, #tpu.memory_space<vmem>> -> memref<1x128xi32, #tpu.memory_space<vmem>>
        %dma_start3A_512 = tpu.memref_squeeze %dma_start3A_511 : memref<1x128xi32, #tpu.memory_space<vmem>> -> memref<128xi32, #tpu.memory_space<vmem>>
        %dma_start3A_513 = arith.constant 0 : i32
        %dma_start3A_514 = arith.constant 0 : i32
        %dma_start3A_515 = tpu.memref_slice %arg23[%dma_start3A_513, %dma_start3A_514] : memref<10112x128xf32, #tpu.memory_space<vmem_shared>> -> memref<10112x128xf32, #tpu.memory_space<vmem_shared>>
        tpu.enqueue_indirect_dma source(%arg15 : memref<128x128xf32, #tpu.memory_space<vmem>>) target(%dma_start3A_515 : memref<10112x128xf32, #tpu.memory_space<vmem_shared>>) offsets(%dma_start3A_512 : memref<128xi32, #tpu.memory_space<vmem>>) semaphore(%run_scoped3A_509 : memref<!tpu.dma_semaphore, #tpu.memory_space<semaphore_mem>>) {add = true}
        %dma_wait3A_516 = arith.constant 0 : i32
        %dma_wait3A_517 = tpu.memref_slice %arg14[%run_scoped3A_441, %dma_wait3A_516] : memref<8x128xi32, #tpu.memory_space<vmem>> -> memref<1x128xi32, #tpu.memory_space<vmem>>
        %dma_wait3A_518 = tpu.memref_squeeze %dma_wait3A_517 : memref<1x128xi32, #tpu.memory_space<vmem>> -> memref<128xi32, #tpu.memory_space<vmem>>
        %dma_wait3A_519 = arith.constant 0 : i32
        %dma_wait3A_520 = arith.constant 0 : i32
        %dma_wait3A_521 = tpu.memref_slice %arg23[%dma_wait3A_519, %dma_wait3A_520] : memref<10112x128xf32, #tpu.memory_space<vmem_shared>> -> memref<10112x128xf32, #tpu.memory_space<vmem_shared>>
        tpu.wait_indirect_dma semaphore(%run_scoped3A_509 : memref<!tpu.dma_semaphore, #tpu.memory_space<semaphore_mem>>) src(%arg15 : memref<128x128xf32, #tpu.memory_space<vmem>>) dst(%dma_wait3A_521 : memref<10112x128xf32, #tpu.memory_space<vmem_shared>>)
        tpu.yield
      }) : () -> ()
      %lt3A_442 = arith.constant 4 : i32
      %lt3A_443 = arith.cmpi slt, %scan3A_35, %lt3A_442 : i32
      %convert_element_type3A_444 = arith.extui %lt3A_443 : i1 to i32
      %cond3A_445 = arith.constant 0 : i32
      %cond3A_446 = arith.cmpi ne, %convert_element_type3A_444, %cond3A_445 : i32
      scf.if %cond3A_446 {
        %dma_wait3A_509 = arith.constant 0 : i32
        %dma_wait3A_510 = arith.constant 0 : i32
        %dma_wait3A_511 = arith.constant 0 : i32
        %dma_wait3A_512 = tpu.memref_slice %arg3[%add3A, %dma_wait3A_509, %dma_wait3A_510, %dma_wait3A_511] : memref<32x10x8x128xi32, #tpu.memory_space<hbm>> -> memref<1x1x8x128xi32, #tpu.memory_space<hbm>>
        %dma_wait3A_513 = tpu.memref_squeeze %dma_wait3A_512 : memref<1x1x8x128xi32, #tpu.memory_space<hbm>> -> memref<8x128xi32, #tpu.memory_space<hbm>>
        %dma_wait3A_514 = arith.constant 0 : i32
        %dma_wait3A_515 = arith.constant 0 : i32
        %dma_wait3A_516 = tpu.memref_slice %arg3[%add3A, %dma_wait3A_509, %dma_wait3A_514, %dma_wait3A_515] : memref<32x10x8x128xi32, #tpu.memory_space<hbm>> -> memref<1x1x8x128xi32, #tpu.memory_space<hbm>>
        %dma_wait3A_517 = tpu.memref_squeeze %dma_wait3A_516 : memref<1x1x8x128xi32, #tpu.memory_space<hbm>> -> memref<8x128xi32, #tpu.memory_space<hbm>>
        tpu.wait_dma2 semaphore(%arg21 : memref<!tpu.dma_semaphore, #tpu.memory_space<semaphore_mem>>) src(%dma_wait3A_517 : memref<8x128xi32, #tpu.memory_space<hbm>>) dst(%arg11 : memref<8x128xi32, #tpu.memory_space<vmem>>)
        %dma_wait3A_518 = arith.constant 0 : i32
        %dma_wait3A_519 = arith.constant 0 : i32
        %dma_wait3A_520 = arith.constant 0 : i32
        %dma_wait3A_521 = tpu.memref_slice %arg4[%add3A, %dma_wait3A_518, %dma_wait3A_519, %dma_wait3A_520] : memref<32x10x8x128xi32, #tpu.memory_space<hbm>> -> memref<1x1x8x128xi32, #tpu.memory_space<hbm>>
        %dma_wait3A_522 = tpu.memref_squeeze %dma_wait3A_521 : memref<1x1x8x128xi32, #tpu.memory_space<hbm>> -> memref<8x128xi32, #tpu.memory_space<hbm>>
        %dma_wait3A_523 = arith.constant 0 : i32
        %dma_wait3A_524 = arith.constant 0 : i32
        %dma_wait3A_525 = tpu.memref_slice %arg4[%add3A, %dma_wait3A_518, %dma_wait3A_523, %dma_wait3A_524] : memref<32x10x8x128xi32, #tpu.memory_space<hbm>> -> memref<1x1x8x128xi32, #tpu.memory_space<hbm>>
        %dma_wait3A_526 = tpu.memref_squeeze %dma_wait3A_525 : memref<1x1x8x128xi32, #tpu.memory_space<hbm>> -> memref<8x128xi32, #tpu.memory_space<hbm>>
        tpu.wait_dma2 semaphore(%arg21 : memref<!tpu.dma_semaphore, #tpu.memory_space<semaphore_mem>>) src(%dma_wait3A_526 : memref<8x128xi32, #tpu.memory_space<hbm>>) dst(%arg12 : memref<8x128xi32, #tpu.memory_space<vmem>>)
        %dma_start3A_527 = arith.constant 0 : i32
        %dma_start3A_528 = arith.constant 0 : i32
        %dma_start3A_529 = tpu.memref_slice %arg11[%dma_start3A_527, %dma_start3A_528] : memref<8x128xi32, #tpu.memory_space<vmem>> -> memref<1x128xi32, #tpu.memory_space<vmem>>
        %dma_start3A_530 = tpu.memref_squeeze %dma_start3A_529 : memref<1x128xi32, #tpu.memory_space<vmem>> -> memref<128xi32, #tpu.memory_space<vmem>>
        %dma_start3A_531 = arith.constant 0 : i32
        %dma_start3A_532 = arith.constant 0 : i32
        %dma_start3A_533 = tpu.memref_slice %arg2[%dma_start3A_531, %dma_start3A_532] : memref<10000x128xf32, #tpu.memory_space<hbm>> -> memref<10000x128xf32, #tpu.memory_space<hbm>>
        tpu.enqueue_indirect_dma source(%dma_start3A_533 : memref<10000x128xf32, #tpu.memory_space<hbm>>) target(%arg15 : memref<128x128xf32, #tpu.memory_space<vmem>>) offsets(%dma_start3A_530 : memref<128xi32, #tpu.memory_space<vmem>>) semaphore(%arg19 : memref<!tpu.dma_semaphore, #tpu.memory_space<semaphore_mem>>)
      } else {
      }
      %dma_start3A_447 = arith.constant 7 : i32
      %dma_start3A_448 = arith.constant 0 : i32
      %dma_start3A_449 = tpu.memref_slice %arg14[%dma_start3A_447, %dma_start3A_448] : memref<8x128xi32, #tpu.memory_space<vmem>> -> memref<1x128xi32, #tpu.memory_space<vmem>>
      %dma_start3A_450 = tpu.memref_squeeze %dma_start3A_449 : memref<1x128xi32, #tpu.memory_space<vmem>> -> memref<128xi32, #tpu.memory_space<vmem>>
      %dma_start3A_451 = arith.constant 0 : i32
      %dma_start3A_452 = tpu.memref_slice %arg24[%dma_start3A_451] : memref<10112xf32, #tpu.memory_space<vmem_shared>> -> memref<10112xf32, #tpu.memory_space<vmem_shared>>
      tpu.enqueue_indirect_dma source(%arg17 : memref<128xf32, #tpu.memory_space<vmem>>) target(%dma_start3A_452 : memref<10112xf32, #tpu.memory_space<vmem_shared>>) offsets(%dma_start3A_450 : memref<128xi32, #tpu.memory_space<vmem>>) semaphore(%arg22 : memref<!tpu.dma_semaphore, #tpu.memory_space<semaphore_mem>>) {add = true}
      %dma_wait3A_453 = arith.constant 7 : i32
      %dma_wait3A_454 = arith.constant 0 : i32
      %dma_wait3A_455 = tpu.memref_slice %arg13[%dma_wait3A_453, %dma_wait3A_454] : memref<8x128xi32, #tpu.memory_space<vmem>> -> memref<1x128xi32, #tpu.memory_space<vmem>>
      %dma_wait3A_456 = tpu.memref_squeeze %dma_wait3A_455 : memref<1x128xi32, #tpu.memory_space<vmem>> -> memref<128xi32, #tpu.memory_space<vmem>>
      %dma_wait3A_457 = arith.constant 0 : i32
      %dma_wait3A_458 = arith.constant 0 : i32
      %dma_wait3A_459 = tpu.memref_slice %arg2[%dma_wait3A_457, %dma_wait3A_458] : memref<10000x128xf32, #tpu.memory_space<hbm>> -> memref<10000x128xf32, #tpu.memory_space<hbm>>
      tpu.wait_indirect_dma semaphore(%arg20 : memref<!tpu.dma_semaphore, #tpu.memory_space<semaphore_mem>>) src(%dma_wait3A_459 : memref<10000x128xf32, #tpu.memory_space<hbm>>) dst(%arg16 : memref<128x128xf32, #tpu.memory_space<vmem>>)
      %run_scoped3A_460 = arith.constant 7 : i32
      "tpu.region"() ({
        %run_scoped3A_509 = tpu.sem_alloc : memref<!tpu.dma_semaphore, #tpu.memory_space<semaphore_mem>>
        %dma_start3A_510 = arith.constant 0 : i32
        %dma_start3A_511 = tpu.memref_slice %arg14[%run_scoped3A_460, %dma_start3A_510] : memref<8x128xi32, #tpu.memory_space<vmem>> -> memref<1x128xi32, #tpu.memory_space<vmem>>
        %dma_start3A_512 = tpu.memref_squeeze %dma_start3A_511 : memref<1x128xi32, #tpu.memory_space<vmem>> -> memref<128xi32, #tpu.memory_space<vmem>>
        %dma_start3A_513 = arith.constant 0 : i32
        %dma_start3A_514 = arith.constant 0 : i32
        %dma_start3A_515 = tpu.memref_slice %arg23[%dma_start3A_513, %dma_start3A_514] : memref<10112x128xf32, #tpu.memory_space<vmem_shared>> -> memref<10112x128xf32, #tpu.memory_space<vmem_shared>>
        tpu.enqueue_indirect_dma source(%arg16 : memref<128x128xf32, #tpu.memory_space<vmem>>) target(%dma_start3A_515 : memref<10112x128xf32, #tpu.memory_space<vmem_shared>>) offsets(%dma_start3A_512 : memref<128xi32, #tpu.memory_space<vmem>>) semaphore(%run_scoped3A_509 : memref<!tpu.dma_semaphore, #tpu.memory_space<semaphore_mem>>) {add = true}
        %dma_wait3A_516 = arith.constant 0 : i32
        %dma_wait3A_517 = tpu.memref_slice %arg14[%run_scoped3A_460, %dma_wait3A_516] : memref<8x128xi32, #tpu.memory_space<vmem>> -> memref<1x128xi32, #tpu.memory_space<vmem>>
        %dma_wait3A_518 = tpu.memref_squeeze %dma_wait3A_517 : memref<1x128xi32, #tpu.memory_space<vmem>> -> memref<128xi32, #tpu.memory_space<vmem>>
        %dma_wait3A_519 = arith.constant 0 : i32
        %dma_wait3A_520 = arith.constant 0 : i32
        %dma_wait3A_521 = tpu.memref_slice %arg23[%dma_wait3A_519, %dma_wait3A_520] : memref<10112x128xf32, #tpu.memory_space<vmem_shared>> -> memref<10112x128xf32, #tpu.memory_space<vmem_shared>>
        tpu.wait_indirect_dma semaphore(%run_scoped3A_509 : memref<!tpu.dma_semaphore, #tpu.memory_space<semaphore_mem>>) src(%arg16 : memref<128x128xf32, #tpu.memory_space<vmem>>) dst(%dma_wait3A_521 : memref<10112x128xf32, #tpu.memory_space<vmem_shared>>)
        tpu.yield
      }) : () -> ()
      %dma_wait3A_461 = arith.constant 0 : i32
      %dma_wait3A_462 = arith.constant 0 : i32
      %dma_wait3A_463 = tpu.memref_slice %arg14[%dma_wait3A_461, %dma_wait3A_462] : memref<8x128xi32, #tpu.memory_space<vmem>> -> memref<1x128xi32, #tpu.memory_space<vmem>>
      %dma_wait3A_464 = tpu.memref_squeeze %dma_wait3A_463 : memref<1x128xi32, #tpu.memory_space<vmem>> -> memref<128xi32, #tpu.memory_space<vmem>>
      %dma_wait3A_465 = arith.constant 0 : i32
      %dma_wait3A_466 = tpu.memref_slice %arg24[%dma_wait3A_465] : memref<10112xf32, #tpu.memory_space<vmem_shared>> -> memref<10112xf32, #tpu.memory_space<vmem_shared>>
      tpu.wait_indirect_dma semaphore(%arg22 : memref<!tpu.dma_semaphore, #tpu.memory_space<semaphore_mem>>) src(%arg17 : memref<128xf32, #tpu.memory_space<vmem>>) dst(%dma_wait3A_466 : memref<10112xf32, #tpu.memory_space<vmem_shared>>)
      %dma_wait3A_467 = arith.constant 1 : i32
      %dma_wait3A_468 = arith.constant 0 : i32
      %dma_wait3A_469 = tpu.memref_slice %arg14[%dma_wait3A_467, %dma_wait3A_468] : memref<8x128xi32, #tpu.memory_space<vmem>> -> memref<1x128xi32, #tpu.memory_space<vmem>>
      %dma_wait3A_470 = tpu.memref_squeeze %dma_wait3A_469 : memref<1x128xi32, #tpu.memory_space<vmem>> -> memref<128xi32, #tpu.memory_space<vmem>>
      %dma_wait3A_471 = arith.constant 0 : i32
      %dma_wait3A_472 = tpu.memref_slice %arg24[%dma_wait3A_471] : memref<10112xf32, #tpu.memory_space<vmem_shared>> -> memref<10112xf32, #tpu.memory_space<vmem_shared>>
      tpu.wait_indirect_dma semaphore(%arg22 : memref<!tpu.dma_semaphore, #tpu.memory_space<semaphore_mem>>) src(%arg17 : memref<128xf32, #tpu.memory_space<vmem>>) dst(%dma_wait3A_472 : memref<10112xf32, #tpu.memory_space<vmem_shared>>)
      %dma_wait3A_473 = arith.constant 2 : i32
      %dma_wait3A_474 = arith.constant 0 : i32
      %dma_wait3A_475 = tpu.memref_slice %arg14[%dma_wait3A_473, %dma_wait3A_474] : memref<8x128xi32, #tpu.memory_space<vmem>> -> memref<1x128xi32, #tpu.memory_space<vmem>>
      %dma_wait3A_476 = tpu.memref_squeeze %dma_wait3A_475 : memref<1x128xi32, #tpu.memory_space<vmem>> -> memref<128xi32, #tpu.memory_space<vmem>>
      %dma_wait3A_477 = arith.constant 0 : i32
      %dma_wait3A_478 = tpu.memref_slice %arg24[%dma_wait3A_477] : memref<10112xf32, #tpu.memory_space<vmem_shared>> -> memref<10112xf32, #tpu.memory_space<vmem_shared>>
      tpu.wait_indirect_dma semaphore(%arg22 : memref<!tpu.dma_semaphore, #tpu.memory_space<semaphore_mem>>) src(%arg17 : memref<128xf32, #tpu.memory_space<vmem>>) dst(%dma_wait3A_478 : memref<10112xf32, #tpu.memory_space<vmem_shared>>)
      %dma_wait3A_479 = arith.constant 3 : i32
      %dma_wait3A_480 = arith.constant 0 : i32
      %dma_wait3A_481 = tpu.memref_slice %arg14[%dma_wait3A_479, %dma_wait3A_480] : memref<8x128xi32, #tpu.memory_space<vmem>> -> memref<1x128xi32, #tpu.memory_space<vmem>>
      %dma_wait3A_482 = tpu.memref_squeeze %dma_wait3A_481 : memref<1x128xi32, #tpu.memory_space<vmem>> -> memref<128xi32, #tpu.memory_space<vmem>>
      %dma_wait3A_483 = arith.constant 0 : i32
      %dma_wait3A_484 = tpu.memref_slice %arg24[%dma_wait3A_483] : memref<10112xf32, #tpu.memory_space<vmem_shared>> -> memref<10112xf32, #tpu.memory_space<vmem_shared>>
      tpu.wait_indirect_dma semaphore(%arg22 : memref<!tpu.dma_semaphore, #tpu.memory_space<semaphore_mem>>) src(%arg17 : memref<128xf32, #tpu.memory_space<vmem>>) dst(%dma_wait3A_484 : memref<10112xf32, #tpu.memory_space<vmem_shared>>)
      %dma_wait3A_485 = arith.constant 4 : i32
      %dma_wait3A_486 = arith.constant 0 : i32
      %dma_wait3A_487 = tpu.memref_slice %arg14[%dma_wait3A_485, %dma_wait3A_486] : memref<8x128xi32, #tpu.memory_space<vmem>> -> memref<1x128xi32, #tpu.memory_space<vmem>>
      %dma_wait3A_488 = tpu.memref_squeeze %dma_wait3A_487 : memref<1x128xi32, #tpu.memory_space<vmem>> -> memref<128xi32, #tpu.memory_space<vmem>>
      %dma_wait3A_489 = arith.constant 0 : i32
      %dma_wait3A_490 = tpu.memref_slice %arg24[%dma_wait3A_489] : memref<10112xf32, #tpu.memory_space<vmem_shared>> -> memref<10112xf32, #tpu.memory_space<vmem_shared>>
      tpu.wait_indirect_dma semaphore(%arg22 : memref<!tpu.dma_semaphore, #tpu.memory_space<semaphore_mem>>) src(%arg17 : memref<128xf32, #tpu.memory_space<vmem>>) dst(%dma_wait3A_490 : memref<10112xf32, #tpu.memory_space<vmem_shared>>)
      %dma_wait3A_491 = arith.constant 5 : i32
      %dma_wait3A_492 = arith.constant 0 : i32
      %dma_wait3A_493 = tpu.memref_slice %arg14[%dma_wait3A_491, %dma_wait3A_492] : memref<8x128xi32, #tpu.memory_space<vmem>> -> memref<1x128xi32, #tpu.memory_space<vmem>>
      %dma_wait3A_494 = tpu.memref_squeeze %dma_wait3A_493 : memref<1x128xi32, #tpu.memory_space<vmem>> -> memref<128xi32, #tpu.memory_space<vmem>>
      %dma_wait3A_495 = arith.constant 0 : i32
      %dma_wait3A_496 = tpu.memref_slice %arg24[%dma_wait3A_495] : memref<10112xf32, #tpu.memory_space<vmem_shared>> -> memref<10112xf32, #tpu.memory_space<vmem_shared>>
      tpu.wait_indirect_dma semaphore(%arg22 : memref<!tpu.dma_semaphore, #tpu.memory_space<semaphore_mem>>) src(%arg17 : memref<128xf32, #tpu.memory_space<vmem>>) dst(%dma_wait3A_496 : memref<10112xf32, #tpu.memory_space<vmem_shared>>)
      %dma_wait3A_497 = arith.constant 6 : i32
      %dma_wait3A_498 = arith.constant 0 : i32
      %dma_wait3A_499 = tpu.memref_slice %arg14[%dma_wait3A_497, %dma_wait3A_498] : memref<8x128xi32, #tpu.memory_space<vmem>> -> memref<1x128xi32, #tpu.memory_space<vmem>>
      %dma_wait3A_500 = tpu.memref_squeeze %dma_wait3A_499 : memref<1x128xi32, #tpu.memory_space<vmem>> -> memref<128xi32, #tpu.memory_space<vmem>>
      %dma_wait3A_501 = arith.constant 0 : i32
      %dma_wait3A_502 = tpu.memref_slice %arg24[%dma_wait3A_501] : memref<10112xf32, #tpu.memory_space<vmem_shared>> -> memref<10112xf32, #tpu.memory_space<vmem_shared>>
      tpu.wait_indirect_dma semaphore(%arg22 : memref<!tpu.dma_semaphore, #tpu.memory_space<semaphore_mem>>) src(%arg17 : memref<128xf32, #tpu.memory_space<vmem>>) dst(%dma_wait3A_502 : memref<10112xf32, #tpu.memory_space<vmem_shared>>)
      %dma_wait3A_503 = arith.constant 7 : i32
      %dma_wait3A_504 = arith.constant 0 : i32
      %dma_wait3A_505 = tpu.memref_slice %arg14[%dma_wait3A_503, %dma_wait3A_504] : memref<8x128xi32, #tpu.memory_space<vmem>> -> memref<1x128xi32, #tpu.memory_space<vmem>>
      %dma_wait3A_506 = tpu.memref_squeeze %dma_wait3A_505 : memref<1x128xi32, #tpu.memory_space<vmem>> -> memref<128xi32, #tpu.memory_space<vmem>>
      %dma_wait3A_507 = arith.constant 0 : i32
      %dma_wait3A_508 = tpu.memref_slice %arg24[%dma_wait3A_507] : memref<10112xf32, #tpu.memory_space<vmem_shared>> -> memref<10112xf32, #tpu.memory_space<vmem_shared>>
      tpu.wait_indirect_dma semaphore(%arg22 : memref<!tpu.dma_semaphore, #tpu.memory_space<semaphore_mem>>) src(%arg17 : memref<128xf32, #tpu.memory_space<vmem>>) dst(%dma_wait3A_508 : memref<10112xf32, #tpu.memory_space<vmem_shared>>)
    }
    %scan3A_24 = arith.constant 5 : i32
    %barrier3A_25 = arith.constant 0 : index
    tpu.barrier barrier_id(%barrier3A_25)
    %mul3A_26 = arith.constant 632 : i32
    %mul3A_27 = arith.muli %arg1, %mul3A_26 : i32
    "tpu.region"() ({
      %run_scoped3A_35 = tpu.sem_alloc : memref<!tpu.dma_semaphore, #tpu.memory_space<semaphore_mem>>
      %dma_start3A_36 = arith.constant 0 : i32
      %dma_start3A_37 = tpu.memref_slice %arg8[%arg0, %mul3A_27, %dma_start3A_36] : memref<2x10112x128xf32, #tpu.memory_space<hbm>> -> memref<1x632x128xf32, #tpu.memory_space<hbm>>
      %dma_start3A_38 = tpu.memref_squeeze %dma_start3A_37 : memref<1x632x128xf32, #tpu.memory_space<hbm>> -> memref<632x128xf32, #tpu.memory_space<hbm>>
      %dma_start3A_39 = arith.constant 0 : i32
      %dma_start3A_40 = tpu.memref_slice %arg23[%mul3A_27, %dma_start3A_39] : memref<10112x128xf32, #tpu.memory_space<vmem_shared>> -> memref<632x128xf32, #tpu.memory_space<vmem_shared>>
      tpu.enqueue_dma source(%dma_start3A_40 : memref<632x128xf32, #tpu.memory_space<vmem_shared>>) target(%dma_start3A_38 : memref<632x128xf32, #tpu.memory_space<hbm>>) target_semaphore(%run_scoped3A_35 : memref<!tpu.dma_semaphore, #tpu.memory_space<semaphore_mem>>)
      %dma_wait3A = arith.constant 0 : i32
      %dma_wait3A_41 = tpu.memref_slice %arg8[%arg0, %mul3A_27, %dma_wait3A] : memref<2x10112x128xf32, #tpu.memory_space<hbm>> -> memref<1x632x128xf32, #tpu.memory_space<hbm>>
      %dma_wait3A_42 = tpu.memref_squeeze %dma_wait3A_41 : memref<1x632x128xf32, #tpu.memory_space<hbm>> -> memref<632x128xf32, #tpu.memory_space<hbm>>
      %dma_wait3A_43 = arith.constant 0 : i32
      %dma_wait3A_44 = tpu.memref_slice %arg23[%mul3A_27, %dma_wait3A_43] : memref<10112x128xf32, #tpu.memory_space<vmem_shared>> -> memref<632x128xf32, #tpu.memory_space<vmem_shared>>
      tpu.wait_dma2 semaphore(%run_scoped3A_35 : memref<!tpu.dma_semaphore, #tpu.memory_space<semaphore_mem>>) src(%dma_wait3A_44 : memref<632x128xf32, #tpu.memory_space<vmem_shared>>) dst(%dma_wait3A_42 : memref<632x128xf32, #tpu.memory_space<hbm>>)
      tpu.yield
    }) : () -> ()
    "tpu.region"() ({
      %run_scoped3A_35 = tpu.sem_alloc : memref<!tpu.dma_semaphore, #tpu.memory_space<semaphore_mem>>
      %dma_start3A_36 = tpu.memref_slice %arg24[%mul3A_27] : memref<10112xf32, #tpu.memory_space<vmem_shared>> -> memref<632xf32, #tpu.memory_space<vmem_shared>>
      %dma_start3A_37 = tpu.memref_slice %arg24[%mul3A_27] : memref<10112xf32, #tpu.memory_space<vmem_shared>> -> memref<632xf32, #tpu.memory_space<vmem_shared>>
      tpu.enqueue_dma source(%dma_start3A_37 : memref<632xf32, #tpu.memory_space<vmem_shared>>) target(%arg18 : memref<632xf32, #tpu.memory_space<vmem>>) target_semaphore(%run_scoped3A_35 : memref<!tpu.dma_semaphore, #tpu.memory_space<semaphore_mem>>)
      %dma_wait3A = tpu.memref_slice %arg24[%mul3A_27] : memref<10112xf32, #tpu.memory_space<vmem_shared>> -> memref<632xf32, #tpu.memory_space<vmem_shared>>
      %dma_wait3A_38 = tpu.memref_slice %arg24[%mul3A_27] : memref<10112xf32, #tpu.memory_space<vmem_shared>> -> memref<632xf32, #tpu.memory_space<vmem_shared>>
      tpu.wait_dma2 semaphore(%run_scoped3A_35 : memref<!tpu.dma_semaphore, #tpu.memory_space<semaphore_mem>>) src(%dma_wait3A_38 : memref<632xf32, #tpu.memory_space<vmem_shared>>) dst(%arg18 : memref<632xf32, #tpu.memory_space<vmem>>)
      tpu.yield
    }) : () -> ()
    %eq3A = arith.constant 0 : i32
    %eq3A_28 = arith.cmpi eq, %arg0, %eq3A : i32
    %convert_element_type3A = arith.extui %eq3A_28 : i1 to i32
    %cond3A = arith.constant 0 : i32
    %cond3A_29 = arith.cmpi ne, %convert_element_type3A, %cond3A : i32
    scf.if %cond3A_29 {
      "tpu.region"() ({
        %run_scoped3A_35 = tpu.sem_alloc : memref<!tpu.dma_semaphore, #tpu.memory_space<semaphore_mem>>
        %dma_start3A_36 = tpu.memref_slice %arg9[%mul3A_27] : memref<10112xf32, #tpu.memory_space<hbm>> -> memref<632xf32, #tpu.memory_space<hbm>>
        %dma_start3A_37 = tpu.memref_slice %arg9[%mul3A_27] : memref<10112xf32, #tpu.memory_space<hbm>> -> memref<632xf32, #tpu.memory_space<hbm>>
        tpu.enqueue_dma source(%arg18 : memref<632xf32, #tpu.memory_space<vmem>>) target(%dma_start3A_37 : memref<632xf32, #tpu.memory_space<hbm>>) target_semaphore(%run_scoped3A_35 : memref<!tpu.dma_semaphore, #tpu.memory_space<semaphore_mem>>)
        %dma_wait3A = tpu.memref_slice %arg9[%mul3A_27] : memref<10112xf32, #tpu.memory_space<hbm>> -> memref<632xf32, #tpu.memory_space<hbm>>
        %dma_wait3A_38 = tpu.memref_slice %arg9[%mul3A_27] : memref<10112xf32, #tpu.memory_space<hbm>> -> memref<632xf32, #tpu.memory_space<hbm>>
        tpu.wait_dma2 semaphore(%run_scoped3A_35 : memref<!tpu.dma_semaphore, #tpu.memory_space<semaphore_mem>>) src(%arg18 : memref<632xf32, #tpu.memory_space<vmem>>) dst(%dma_wait3A_38 : memref<632xf32, #tpu.memory_space<hbm>>)
        tpu.yield
      }) : () -> ()
    } else {
    }
    %eq3A_30 = arith.constant 1 : i32
    %eq3A_31 = arith.cmpi eq, %arg0, %eq3A_30 : i32
    %convert_element_type3A_32 = arith.extui %eq3A_31 : i1 to i32
    %cond3A_33 = arith.constant 0 : i32
    %cond3A_34 = arith.cmpi ne, %convert_element_type3A_32, %cond3A_33 : i32
    scf.if %cond3A_34 {
      "tpu.region"() ({
        %run_scoped3A_35 = tpu.sem_alloc : memref<!tpu.dma_semaphore, #tpu.memory_space<semaphore_mem>>
        %dma_start3A_36 = tpu.memref_slice %arg10[%mul3A_27] : memref<10112xf32, #tpu.memory_space<hbm>> -> memref<632xf32, #tpu.memory_space<hbm>>
        %dma_start3A_37 = tpu.memref_slice %arg10[%mul3A_27] : memref<10112xf32, #tpu.memory_space<hbm>> -> memref<632xf32, #tpu.memory_space<hbm>>
        tpu.enqueue_dma source(%arg18 : memref<632xf32, #tpu.memory_space<vmem>>) target(%dma_start3A_37 : memref<632xf32, #tpu.memory_space<hbm>>) target_semaphore(%run_scoped3A_35 : memref<!tpu.dma_semaphore, #tpu.memory_space<semaphore_mem>>)
        %dma_wait3A = tpu.memref_slice %arg10[%mul3A_27] : memref<10112xf32, #tpu.memory_space<hbm>> -> memref<632xf32, #tpu.memory_space<hbm>>
        %dma_wait3A_38 = tpu.memref_slice %arg10[%mul3A_27] : memref<10112xf32, #tpu.memory_space<hbm>> -> memref<632xf32, #tpu.memory_space<hbm>>
        tpu.wait_dma2 semaphore(%run_scoped3A_35 : memref<!tpu.dma_semaphore, #tpu.memory_space<semaphore_mem>>) src(%arg18 : memref<632xf32, #tpu.memory_space<vmem>>) dst(%dma_wait3A_38 : memref<632xf32, #tpu.memory_space<hbm>>)
        tpu.yield
      }) : () -> ()
    } else {
    }
    return
  }
}

module attributes {stable_mosaic.version = 14 : i64} {
  func.func @_dense_body(%arg0: i32, %arg1: memref<1x2000x128xf32, #tpu.memory_space<vmem>>, %arg2: memref<1x2000x128xf32, #tpu.memory_space<vmem>>, %arg3: memref<2000x1xf32, #tpu.memory_space<vmem>>, %arg4: memref<2000x128xf32, #tpu.memory_space<vmem>>, %arg5: memref<128x128xf32, #tpu.memory_space<vmem>>, %arg6: memref<1x128xf32, #tpu.memory_space<vmem>>, %arg7: memref<128x128xf32, #tpu.memory_space<vmem>>, %arg8: memref<2000x128xf32, #tpu.memory_space<vmem>>) attributes {dimension_semantics = [#tpu.dimension_semantics<arbitrary>], iteration_bounds = array<i64: 5>, scalar_prefetch = 0 : i64, scratch_operands = 0 : i64, tpu.core_type = #tpu.core_type<tc>, window_params = [{transform_indices = @transform_0, window_bounds = array<i64: 1, 2000, 128>}, {transform_indices = @transform_1, window_bounds = array<i64: 1, 2000, 128>}, {transform_indices = @transform_2, window_bounds = array<i64: 2000, 1>}, {transform_indices = @transform_3, window_bounds = array<i64: 2000, 128>}, {pipeline_mode = #tpu.pipeline_mode<synchronous>, transform_indices = @transform_4, window_bounds = array<i64: 128, 128>}, {pipeline_mode = #tpu.pipeline_mode<synchronous>, transform_indices = @transform_5, window_bounds = array<i64: 1, 128>}, {pipeline_mode = #tpu.pipeline_mode<synchronous>, transform_indices = @transform_6, window_bounds = array<i64: 128, 128>}, {transform_indices = @transform_7, window_bounds = array<i64: 2000, 128>}]} {
    %get3A = arith.constant 0 : index
    %get3A_0 = arith.constant 0 : index
    %get3A_1 = arith.constant 0 : index
    %get3A_2 = vector.load %arg1[%get3A, %get3A_0, %get3A_1] : memref<1x2000x128xf32, #tpu.memory_space<vmem>>, vector<1x2000x128xf32>
    %get3A_3 = vector.shape_cast %get3A_2 : vector<1x2000x128xf32> to vector<2000x128xf32>
    %get3A_4 = arith.constant 0 : index
    %get3A_5 = arith.constant 0 : index
    %get3A_6 = arith.constant 0 : index
    %get3A_7 = vector.load %arg2[%get3A_4, %get3A_5, %get3A_6] : memref<1x2000x128xf32, #tpu.memory_space<vmem>>, vector<1x2000x128xf32>
    %get3A_8 = vector.shape_cast %get3A_7 : vector<1x2000x128xf32> to vector<2000x128xf32>
    %add3A = arith.addf %get3A_3, %get3A_8 : vector<2000x128xf32>
    %get3A_9 = arith.constant 0 : index
    %get3A_10 = arith.constant 0 : index
    %get3A_11 = vector.load %arg3[%get3A_9, %get3A_10] : memref<2000x1xf32, #tpu.memory_space<vmem>>, vector<2000x1xf32>
    %max3A = arith.constant 1.000000e+00 : f32
    %max3A_12 = vector.broadcast %max3A : f32 to vector<2000x1xf32>
    %max3A_13 = arith.maximumf %get3A_11, %max3A_12 : vector<2000x1xf32>
    %div3A = vector.broadcast %max3A_13 : vector<2000x1xf32> to vector<2000x128xf32>
    %div3A_14 = arith.divf %add3A, %div3A : vector<2000x128xf32>
    %get3A_15 = arith.constant 0 : index
    %get3A_16 = arith.constant 0 : index
    %get3A_17 = vector.load %arg5[%get3A_15, %get3A_16] : memref<128x128xf32, #tpu.memory_space<vmem>>, vector<128x128xf32>
    %dot_general3A = arith.constant dense<0.000000e+00> : vector<2000x128xf32>
    %dot_general3A_18 = tpu.matmul %div3A_14, %get3A_17, %dot_general3A {dimension_numbers = #tpu.dot_dimension_numbers<[1], [1], [0], [0], [0, 0, 1, 0], [], []>, precision = #tpu.contract_precision<fp32>, transpose_lhs_hint = false} : vector<2000x128xf32>, vector<128x128xf32>, vector<2000x128xf32> -> vector<2000x128xf32>
    %get3A_19 = arith.constant 0 : index
    %get3A_20 = arith.constant 0 : index
    %get3A_21 = vector.load %arg4[%get3A_19, %get3A_20] : memref<2000x128xf32, #tpu.memory_space<vmem>>, vector<2000x128xf32>
    %get3A_22 = arith.constant 0 : index
    %get3A_23 = arith.constant 0 : index
    %get3A_24 = vector.load %arg7[%get3A_22, %get3A_23] : memref<128x128xf32, #tpu.memory_space<vmem>>, vector<128x128xf32>
    %dot_general3A_25 = arith.constant dense<0.000000e+00> : vector<2000x128xf32>
    %dot_general3A_26 = tpu.matmul %get3A_21, %get3A_24, %dot_general3A_25 {dimension_numbers = #tpu.dot_dimension_numbers<[1], [1], [0], [0], [0, 0, 1, 0], [], []>, precision = #tpu.contract_precision<fp32>, transpose_lhs_hint = false} : vector<2000x128xf32>, vector<128x128xf32>, vector<2000x128xf32> -> vector<2000x128xf32>
    %add3A_27 = arith.addf %dot_general3A_18, %dot_general3A_26 : vector<2000x128xf32>
    %get3A_28 = arith.constant 0 : index
    %get3A_29 = arith.constant 0 : index
    %get3A_30 = vector.load %arg6[%get3A_28, %get3A_29] : memref<1x128xf32, #tpu.memory_space<vmem>>, vector<1x128xf32>
    %add3A_31 = vector.broadcast %get3A_30 : vector<1x128xf32> to vector<2000x128xf32>
    %add3A_32 = arith.addf %add3A_27, %add3A_31 : vector<2000x128xf32>
    %max3A_33 = arith.constant 0.000000e+00 : f32
    %max3A_34 = vector.broadcast %max3A_33 : f32 to vector<2000x128xf32>
    %max3A_35 = arith.maximumf %add3A_32, %max3A_34 : vector<2000x128xf32>
    %swap3A = arith.constant 0 : index
    %swap3A_36 = arith.constant 0 : index
    %swap3A_37 = vector.load %arg8[%swap3A, %swap3A_36] : memref<2000x128xf32, #tpu.memory_space<vmem>>, vector<2000x128xf32>
    tpu.vector_store %arg8[%swap3A, %swap3A_36], %max3A_35 {strides = array<i32>} : memref<2000x128xf32, #tpu.memory_space<vmem>>, vector<2000x128xf32>,
    return
  }
  func.func @transform_0(%arg0: i32) -> (i32, i32, i32) {
    %c0_i32 = arith.constant 0 : i32
    %c0_i32_0 = arith.constant 0 : i32
    %c0_i32_1 = arith.constant 0 : i32
    return %c0_i32, %arg0, %c0_i32_0 : i32, i32, i32
  }
  func.func @transform_1(%arg0: i32) -> (i32, i32, i32) {
    %c1_i32 = arith.constant 1 : i32
    %c0_i32 = arith.constant 0 : i32
    %c0_i32_0 = arith.constant 0 : i32
    return %c1_i32, %arg0, %c0_i32 : i32, i32, i32
  }
  func.func @transform_2(%arg0: i32) -> (i32, i32) {
    %c0_i32 = arith.constant 0 : i32
    %c0_i32_0 = arith.constant 0 : i32
    return %arg0, %c0_i32 : i32, i32
  }
  func.func @transform_3(%arg0: i32) -> (i32, i32) {
    %c0_i32 = arith.constant 0 : i32
    %c0_i32_0 = arith.constant 0 : i32
    return %arg0, %c0_i32 : i32, i32
  }
  func.func @transform_4(%arg0: i32) -> (i32, i32) {
    %c0_i32 = arith.constant 0 : i32
    %c0_i32_0 = arith.constant 0 : i32
    %c0_i32_1 = arith.constant 0 : i32
    return %c0_i32, %c0_i32_0 : i32, i32
  }
  func.func @transform_5(%arg0: i32) -> (i32, i32) {
    %c0_i32 = arith.constant 0 : i32
    %c0_i32_0 = arith.constant 0 : i32
    %c0_i32_1 = arith.constant 0 : i32
    return %c0_i32, %c0_i32_0 : i32, i32
  }
  func.func @transform_6(%arg0: i32) -> (i32, i32) {
    %c0_i32 = arith.constant 0 : i32
    %c0_i32_0 = arith.constant 0 : i32
    %c0_i32_1 = arith.constant 0 : i32
    return %c0_i32, %c0_i32_0 : i32, i32
  }
  func.func @transform_7(%arg0: i32) -> (i32, i32) {
    %c0_i32 = arith.constant 0 : i32
    %c0_i32_0 = arith.constant 0 : i32
    return %arg0, %c0_i32 : i32, i32
  }
}

module attributes {stable_mosaic.version = 14 : i64} {
  func.func @_dense_body(%arg0: i32, %arg1: memref<1x2000x128xf32, #tpu.memory_space<vmem>>, %arg2: memref<1x2000x128xf32, #tpu.memory_space<vmem>>, %arg3: memref<2000x1xf32, #tpu.memory_space<vmem>>, %arg4: memref<2000x128xf32, #tpu.memory_space<vmem>>, %arg5: memref<128x128xf32, #tpu.memory_space<vmem>>, %arg6: memref<1x128xf32, #tpu.memory_space<vmem>>, %arg7: memref<128x128xf32, #tpu.memory_space<vmem>>, %arg8: memref<2000x128xf32, #tpu.memory_space<vmem>>) attributes {dimension_semantics = [#tpu.dimension_semantics<arbitrary>], iteration_bounds = array<i64: 5>, scalar_prefetch = 0 : i64, scratch_operands = 0 : i64, tpu.core_type = #tpu.core_type<tc>, window_params = [{transform_indices = @transform_0, window_bounds = array<i64: 1, 2000, 128>}, {transform_indices = @transform_1, window_bounds = array<i64: 1, 2000, 128>}, {transform_indices = @transform_2, window_bounds = array<i64: 2000, 1>}, {transform_indices = @transform_3, window_bounds = array<i64: 2000, 128>}, {pipeline_mode = #tpu.pipeline_mode<synchronous>, transform_indices = @transform_4, window_bounds = array<i64: 128, 128>}, {pipeline_mode = #tpu.pipeline_mode<synchronous>, transform_indices = @transform_5, window_bounds = array<i64: 1, 128>}, {pipeline_mode = #tpu.pipeline_mode<synchronous>, transform_indices = @transform_6, window_bounds = array<i64: 128, 128>}, {transform_indices = @transform_7, window_bounds = array<i64: 2000, 128>}]} {
    %get3A = arith.constant 0 : index
    %get3A_0 = arith.constant 0 : index
    %get3A_1 = arith.constant 0 : index
    %get3A_2 = vector.load %arg1[%get3A, %get3A_0, %get3A_1] : memref<1x2000x128xf32, #tpu.memory_space<vmem>>, vector<1x2000x128xf32>
    %get3A_3 = vector.shape_cast %get3A_2 : vector<1x2000x128xf32> to vector<2000x128xf32>
    %get3A_4 = arith.constant 0 : index
    %get3A_5 = arith.constant 0 : index
    %get3A_6 = arith.constant 0 : index
    %get3A_7 = vector.load %arg2[%get3A_4, %get3A_5, %get3A_6] : memref<1x2000x128xf32, #tpu.memory_space<vmem>>, vector<1x2000x128xf32>
    %get3A_8 = vector.shape_cast %get3A_7 : vector<1x2000x128xf32> to vector<2000x128xf32>
    %add3A = arith.addf %get3A_3, %get3A_8 : vector<2000x128xf32>
    %get3A_9 = arith.constant 0 : index
    %get3A_10 = arith.constant 0 : index
    %get3A_11 = vector.load %arg3[%get3A_9, %get3A_10] : memref<2000x1xf32, #tpu.memory_space<vmem>>, vector<2000x1xf32>
    %max3A = arith.constant 1.000000e+00 : f32
    %max3A_12 = vector.broadcast %max3A : f32 to vector<2000x1xf32>
    %max3A_13 = arith.maximumf %get3A_11, %max3A_12 : vector<2000x1xf32>
    %div3A = vector.broadcast %max3A_13 : vector<2000x1xf32> to vector<2000x128xf32>
    %div3A_14 = arith.divf %add3A, %div3A : vector<2000x128xf32>
    %get3A_15 = arith.constant 0 : index
    %get3A_16 = arith.constant 0 : index
    %get3A_17 = vector.load %arg5[%get3A_15, %get3A_16] : memref<128x128xf32, #tpu.memory_space<vmem>>, vector<128x128xf32>
    %dot_general3A = arith.constant dense<0.000000e+00> : vector<2000x128xf32>
    %dot_general3A_18 = tpu.matmul %div3A_14, %get3A_17, %dot_general3A {dimension_numbers = #tpu.dot_dimension_numbers<[1], [1], [0], [0], [0, 0, 1, 0], [], []>, precision = #tpu.contract_precision<fp32>, transpose_lhs_hint = false} : vector<2000x128xf32>, vector<128x128xf32>, vector<2000x128xf32> -> vector<2000x128xf32>
    %get3A_19 = arith.constant 0 : index
    %get3A_20 = arith.constant 0 : index
    %get3A_21 = vector.load %arg4[%get3A_19, %get3A_20] : memref<2000x128xf32, #tpu.memory_space<vmem>>, vector<2000x128xf32>
    %get3A_22 = arith.constant 0 : index
    %get3A_23 = arith.constant 0 : index
    %get3A_24 = vector.load %arg7[%get3A_22, %get3A_23] : memref<128x128xf32, #tpu.memory_space<vmem>>, vector<128x128xf32>
    %dot_general3A_25 = arith.constant dense<0.000000e+00> : vector<2000x128xf32>
    %dot_general3A_26 = tpu.matmul %get3A_21, %get3A_24, %dot_general3A_25 {dimension_numbers = #tpu.dot_dimension_numbers<[1], [1], [0], [0], [0, 0, 1, 0], [], []>, precision = #tpu.contract_precision<fp32>, transpose_lhs_hint = false} : vector<2000x128xf32>, vector<128x128xf32>, vector<2000x128xf32> -> vector<2000x128xf32>
    %add3A_27 = arith.addf %dot_general3A_18, %dot_general3A_26 : vector<2000x128xf32>
    %get3A_28 = arith.constant 0 : index
    %get3A_29 = arith.constant 0 : index
    %get3A_30 = vector.load %arg6[%get3A_28, %get3A_29] : memref<1x128xf32, #tpu.memory_space<vmem>>, vector<1x128xf32>
    %add3A_31 = vector.broadcast %get3A_30 : vector<1x128xf32> to vector<2000x128xf32>
    %add3A_32 = arith.addf %add3A_27, %add3A_31 : vector<2000x128xf32>
    %swap3A = arith.constant 0 : index
    %swap3A_33 = arith.constant 0 : index
    %swap3A_34 = vector.load %arg8[%swap3A, %swap3A_33] : memref<2000x128xf32, #tpu.memory_space<vmem>>, vector<2000x128xf32>
    tpu.vector_store %arg8[%swap3A, %swap3A_33], %add3A_32 {strides = array<i32>} : memref<2000x128xf32, #tpu.memory_space<vmem>>, vector<2000x128xf32>,
    return
  }
  func.func @transform_0(%arg0: i32) -> (i32, i32, i32) {
    %c0_i32 = arith.constant 0 : i32
    %c0_i32_0 = arith.constant 0 : i32
    %c0_i32_1 = arith.constant 0 : i32
    return %c0_i32, %arg0, %c0_i32_0 : i32, i32, i32
  }
  func.func @transform_1(%arg0: i32) -> (i32, i32, i32) {
    %c1_i32 = arith.constant 1 : i32
    %c0_i32 = arith.constant 0 : i32
    %c0_i32_0 = arith.constant 0 : i32
    return %c1_i32, %arg0, %c0_i32 : i32, i32, i32
  }
  func.func @transform_2(%arg0: i32) -> (i32, i32) {
    %c0_i32 = arith.constant 0 : i32
    %c0_i32_0 = arith.constant 0 : i32
    return %arg0, %c0_i32 : i32, i32
  }
  func.func @transform_3(%arg0: i32) -> (i32, i32) {
    %c0_i32 = arith.constant 0 : i32
    %c0_i32_0 = arith.constant 0 : i32
    return %arg0, %c0_i32 : i32, i32
  }
  func.func @transform_4(%arg0: i32) -> (i32, i32) {
    %c0_i32 = arith.constant 0 : i32
    %c0_i32_0 = arith.constant 0 : i32
    %c0_i32_1 = arith.constant 0 : i32
    return %c0_i32, %c0_i32_0 : i32, i32
  }
  func.func @transform_5(%arg0: i32) -> (i32, i32) {
    %c0_i32 = arith.constant 0 : i32
    %c0_i32_0 = arith.constant 0 : i32
    %c0_i32_1 = arith.constant 0 : i32
    return %c0_i32, %c0_i32_0 : i32, i32
  }
  func.func @transform_6(%arg0: i32) -> (i32, i32) {
    %c0_i32 = arith.constant 0 : i32
    %c0_i32_0 = arith.constant 0 : i32
    %c0_i32_1 = arith.constant 0 : i32
    return %c0_i32, %c0_i32_0 : i32, i32
  }
  func.func @transform_7(%arg0: i32) -> (i32, i32) {
    %c0_i32 = arith.constant 0 : i32
    %c0_i32_0 = arith.constant 0 : i32
    return %arg0, %c0_i32 : i32, i32
  }
}

</mosaic_0001>

<sc_bundles>
// kernel: kernel.6.cloned.1.call-start
scs
__scs_entry_jumppad:
0x0: {  	(pc) =	sbr.rel $0x88, $3  }
0x1: {  	(tag) =	ssettag $0x0;
	lr =	simm.s32 $0x1  }
0x2: {  	[smem:$0x3F99] =	sst lr;
	_ =	strace $0xD0000000  }
0x3: {  	_ = 	snop  }
0x4: {  	_ = 	snop  }
0x5: {  	_ = 	snop  }
0x6: {  	_ = 	snop  }
0x7: {  	_ = 	snop  }
__scs_overlays_trampoline_lowered:
0x8: {  	[smem:$0x3FA8] =	sst s0  }
0x9: {  	[smem:$0x3FA9] =	sst s1  }
0xa: {  	[smem:$0x3FAA] =	sst s2  }
0xb: {  	[smem:$0x3FAB] =	sst s3  }
0xc: {  	[smem:$0x3FAC] =	sst s4  }
0xd: {  	[smem:$0x3FAD] =	sst s5  }
0xe: {  	[smem:$0x3FAE] =	sst s6  }
0xf: {  	[smem:$0x3FAF] =	sst s7  }
0x10: {  	[smem:$0x3FB0] =	sst s8  }
0x11: {  	[smem:$0x3FB1] =	sst s9;
	s0 =	simm.s32 @!p0 $0x0  }
0x12: {  	s1 =	sld [smem:$0x3F97];
	s0 =	simm.s32 @p0 $0x1  }
0x13: {  	[smem:$0x3FB2] =	sst s0;
	s0 =	simm.s32 @!p1 $0x0  }
0x14: {  	s2 =	sld [smem:$0x3F96];
	s0 =	simm.s32 @p1 $0x1  }
0x15: {  	[smem:$0x3FB3] =	sst s0;
	s0 =	simm.s32 @!p2 $0x0  }
0x16: {  	s3 =	sld [smem:$0x3FDB];
	s0 =	simm.s32 @p2 $0x1  }
0x17: {  	s4 =	simm.s32 $0x1BF5;
	[smem:$0x3FB5] =	sst s0  }
0x18: {  	s0 =	sld [smem:$0x3F98];
	_ =	swait.ge [sflag:s4], $0x0  }
0x19: {  	s7 =	sld [smem:$0x3F99]  }
0x1a: {  	s8 =	sadd.s32 $0xFFFFE003, lr  }
0x1b: {  	s9 =	sadd.s32 $0xFFFFFEF7, lr;
	s5 =	simm.s32 $0xFFFFFFFF;
	p2 =	slt.u32 s8, $0xFFFFF086  }
0x1c: {  	p1 =	slt.u32 s9, $0xF7A;
	s5 =	simm.s32 @!p2 $0x0  }
0x1d: {  	s5 =	simm.s32 @p1 $0x1;
	p0 =	seq.s32 s7, s2  }
0x1e: {  	s7 =	smul.u32 @!p0 $0xF7A, s2;
	p2 =	seq.s32 @!p0 s5, $0x0  }
0x1f: {  	s9 =	smul.u32 $0xF7A, s1;
	s8 =	simm.s32 @!p0 $0x1BF5;
	p2 =	por !p2, p0  }
0x20: {  	[sflag:s8] =	ssyncset.s32 @!p0 $0xFFFFF086;
	s6 =	sadd.s32 @!p0 s3, s7;
	s7 =	simm.s32 @!p0 $0x108  }
0x21: {  	s3 =	sadd.s32 s3, s9;
	s6 =	sadd.s32 @!p0 $0x88, s6;
	s7 =	simm.s32 @p2 $0x1082  }
0x22: {  	[simem:s7], [sflag:s8] =	dma.local @!p0 [hbm:s6], $0xF7A  }
0x23: {  	s9 =	sor.u32 $0xD0000000, s2;
	s6 =	simm.s32 $0x108;
	_ =	swait.ge @!p0 [sflag:s8], $0x0  }
0x24: {  	s3 =	sadd.s32 $0x88, s3;
	s6 =	simm.s32 @!p1 $0x1082;
	[sflag:s4] =	ssyncset.s32 $0xFFFFF086  }
0x25: {  	[simem:s6], [sflag:s4] =	dma.local [hbm:s3], $0xF7A  }
0x26: {  	[smem:$0x3F99] =	sst s1;
	(tag) =	ssettag s2;
	_ =	strace s9  }
0x27: {  	s1 =	sld [smem:$0x3FA9]  }
0x28: {  	s2 =	sld [smem:$0x3FAA]  }
0x29: {  	s4 =	sld [smem:$0x3FAC]  }
0x2a: {  	p0 =	seq.s32 s5, $0x0;
	s5 =	sld [smem:$0x3FAD]  }
0x2b: {  	s6 =	sld [smem:$0x3FAE]  }
0x2c: {  	s7 =	sld [smem:$0x3FAF]  }
0x2d: {  	s3 =	simm.s32 $0x108;
	s8 =	sld [smem:$0x3FB0]  }
0x2e: {  	s3 =	simm.s32 @!p0 $0x1082;
	s9 =	sld [smem:$0x3FB1]  }
0x2f: {  	lr =	sadd.s32 s0, s3;
	s0 =	sld [smem:$0x3FA8]  }
0x30: {  	s3 =	sld [smem:$0x3FAB]  }
0x31: {  	[smem:$0x3FB4] =	sst s10  }
0x32: {  	s10 =	sld [smem:$0x3FB2];
	_ =	sdelay $0x3  }
0x33: {  	p0 =	seq.s32 s10, $0x1;
	s10 =	sld [smem:$0x3FB4];
	_ =	sdelay $0x3  }
0x34: {  	[smem:$0x3FB4] =	sst s10  }
0x35: {  	s10 =	sld [smem:$0x3FB3];
	_ =	sdelay $0x3  }
0x36: {  	p1 =	seq.s32 s10, $0x1;
	s10 =	sld [smem:$0x3FB4];
	_ =	sdelay $0x3  }
0x37: {  	[smem:$0x3FB4] =	sst s10  }
0x38: {  	s10 =	sld [smem:$0x3FB5]  }
0x39: {  	_ = 	snop;
	(pc) =	sbr.ind lr, $3  }
0x3a: {  	_ = 	snop  }
0x3b: {  	_ = 	snop  }
0x3c: {  	p2 =	seq.s32 s10, $0x1;
	s10 =	sld [smem:$0x3FB4]  }
0x3d: {  	_ =	shalt  }
0x3e: {  	_ =	shalt  }
0x3f: {  	_ =	shalt  }
0x40: {  	_ =	shalt  }
0x41: {  	_ =	shalt  }
0x42: {  	_ =	shalt  }
0x43: {  	_ =	shalt  }
0x44: {  	_ =	shalt  }
0x45: {  	_ =	shalt  }
0x46: {  	_ =	shalt  }
0x47: {  	_ =	shalt  }
0x48: {  	_ =	shalt  }
0x49: {  	_ =	shalt  }
0x4a: {  	_ =	shalt  }
0x4b: {  	_ =	shalt  }
0x4c: {  	_ =	shalt  }
0x4d: {  	_ =	shalt  }
0x4e: {  	_ =	shalt  }
0x4f: {  	_ =	shalt  }
0x50: {  	_ =	shalt  }
0x51: {  	_ =	shalt  }
0x52: {  	_ =	shalt  }
0x53: {  	_ =	shalt  }
0x54: {  	_ =	shalt  }
0x55: {  	_ =	shalt  }
0x56: {  	_ =	shalt  }
0x57: {  	_ =	shalt  }
0x58: {  	_ =	shalt  }
0x59: {  	_ =	shalt  }
0x5a: {  	_ =	shalt  }
0x5b: {  	_ =	shalt  }
0x5c: {  	_ =	shalt  }
0x5d: {  	_ =	shalt  }
0x5e: {  	_ =	shalt  }
0x5f: {  	_ =	shalt  }
0x60: {  	_ =	shalt  }
0x61: {  	_ =	shalt  }
0x62: {  	_ =	shalt  }
0x63: {  	_ =	shalt  }
0x64: {  	_ =	shalt  }
0x65: {  	_ =	shalt  }
0x66: {  	_ =	shalt  }
0x67: {  	_ =	shalt  }
0x68: {  	_ =	shalt  }
0x69: {  	_ =	shalt  }
0x6a: {  	_ =	shalt  }
0x6b: {  	_ =	shalt  }
0x6c: {  	_ =	shalt  }
0x6d: {  	_ =	shalt  }
0x6e: {  	_ =	shalt  }
0x6f: {  	_ =	shalt  }
0x70: {  	_ =	shalt  }
0x71: {  	_ =	shalt  }
0x72: {  	_ =	shalt  }
0x73: {  	_ =	shalt  }
0x74: {  	_ =	shalt  }
0x75: {  	_ =	shalt  }
0x76: {  	_ =	shalt  }
0x77: {  	_ =	shalt  }
0x78: {  	_ =	shalt  }
0x79: {  	_ =	shalt  }
0x7a: {  	_ =	shalt  }
0x7b: {  	_ =	shalt  }
0x7c: {  	_ =	shalt  }
0x7d: {  	_ =	shalt  }
0x7e: {  	_ =	shalt  }
0x7f: {  	_ =	shalt  }
0x80: {  	_ =	shalt  }
0x81: {  	_ =	shalt  }
0x82: {  	_ =	shalt  }
0x83: {  	_ =	shalt  }
0x84: {  	_ =	shalt  }
0x85: {  	_ =	shalt  }
0x86: {  	_ =	shalt  }
0x87: {  	_ =	shalt  }
.Lfunc_end0:
.L_simem_size_0:
called_computation_lowered:
.L_overlay_start_0:
0x88: {  	s2 =	sld [smem:$0x3FD9]  }
0x89: {  	s3 =	sld [smem:$0x3FFE];
	_ =	sdelay $0x1  }
0x8a: {  	s1 =	srdreg.scid  }
0x8b: {  	s0 =	sand.u32 $0x1, s1  }
0x8c: {  	s17 =	sshll.u32 s0, $0xA;
	s2 =	sadd.s32 s3, s2  }
0x8d: {  	s2 =	sadd.s32 s2, s17  }
0x8e: {  	[smem:$0x3FC0] =	sst s2  }
0x8f: {  	_ = 	snop  }
0x90: {  	s2 =	sld [smem:$0x3FC9]  }
0x91: {  	s18 =	sld [smem:$0x3FD0];
	(tm) =	ssettm $0x1  }
0x92: {  	s4 =	sld [smem:$0x3FFB];
	_ =	sdelay $0x3  }
0x93: {  	_ =	strace s4  }
0x94: {  	s4 =	sld [smem:$0x3FFC];
	_ =	sdelay $0x3  }
0x95: {  	_ =	strace s4  }
0x96: {  	s4 =	sld [smem:$0x3FFD];
	_ =	sdelay $0x3  }
0x97: {  	_ =	strace s4  }
0x98: {  	_ =	strace $0x8FFFFFFF  }
0x99: {  	s19 =	sld [smem:$0x3FDB];
	_ =	sdelay $0x1  }
0x9a: {  	s5 =	simm.s32 $_scs_section_size  }
0x9b: {  	s6 =	simm.s32 $_size__tile_overlayer_lowered;
	s7 =	simm.s32 $_tile_overlayer_lowered  }
0x9c: {  	s22 =	simm.s32 $0x1BFF;
	s21 =	sshll.u32 s7, $0x1;
	s4 =	sadd.s32 s5, s19  }
0x9d: {  	s8 =	simm.s32 $0x0;
	s20 =	sshll.u32 s6, $0x1;
	s6 =	sadd.s32 s21, s4  }
0x9e: {  	[timem:s8], [sflag:s22] =	dma.local [hbm:s6], s20  }
0x9f: {  	_ =	swait.ge [sflag:s22], s20  }
0xa0: {  	s5 =	ssub.s32 $0x0, s20;
	[sflag:s22] =	ssyncset.done $0x0  }
0xa1: {  	[sflag:s22] =	ssyncadd.s32 s5;
	_ =	sdelay $0x1  }
0xa2: {  	s23 =	simm.s32 $0x1B8B  }
0xa3: {  	_ =	swait.ge [sflag:s23], $0x1  }
0xa4: {  	[sflag:s23] =	ssyncset.done $0x0  }
0xa5: {  	s25 =	simm.s32 $0x1B8E;
	s24 =	sld [smem:$0x3FFE];
	[sflag:s23] =	ssyncadd.s32 $0xFFFFFFFF  }
0xa6: {  	s26 =	simm.s32 $execute0_lowered;
	[smem:$0x3FD2] =	sst s25  }
0xa7: {  	s6 =	sshll.u32 s26, $0x1;
	_ =	strace $0x80000046;
	[dreg:$0x1] =	wrdreg $0xFFFFFFFF  }
0xa8: {  	s28 =	simm.s32 $_size_execute0_lowered;
	s4 =	sadd.s32 s4, s6;
	[dreg:$0x0] =	wrdreg $0x0  }
0xa9: {  	s6 =	sshll.u32 s28, $0x1;
	[dreg:$0x2] =	wrdreg s4  }
0xaa: {  	[dreg:$0x3] =	wrdreg s6  }
0xab: {  	[dreg:$0x4] =	wrdreg $0xC0  }
0xac: {  	_ =	task [dreg:s8], $0x5FFFF  }
0xad: {  	[dreg:$0x1] =	wrdreg $0xFFFFFFFF  }
0xae: {  	[dreg:$0x0] =	wrdreg $0x60  }
0xaf: {  	[dreg:$0x2] =	wrdreg s2  }
0xb0: {  	[dreg:$0x3] =	wrdreg s24  }
0xb1: {  	[dreg:$0x4] =	wrdreg s18  }
0xb2: {  	[dreg:$0x5] =	wrdreg $0x93000  }
0xb3: {  	[dreg:$0x6] =	wrdreg $0x1CF000  }
0xb4: {  	[dreg:$0x7] =	wrdreg $0x9  }
0xb5: {  	_ =	task.clear_ibuf [dreg:s8], $0x8FFFF;
	_ =	strace $0x90000046  }
0xb6: {  	s29 =	simm.s32 $0x9;
	_ =	strace $0x80000048  }
0xb7: {  	_ =	swait.ge [sflag:s29], $0x1  }
0xb8: {  	[sflag:s29] =	ssyncadd.s32 $0xFFFFFFFF  }
0xb9: {  	_ =	strace $0x90000048  }
0xba: {  	_ =	sfence  }
0xbb: {  	s30 =	sld [smem:$0x0];
	_ =	sdelay $0x2  }
0xbc: {  	s31 =	sshll.u32 s1, $0xD;
	s1 =	sshrl.u32 s1, $0x2  }
0xbd: {  	s3 =	sand.u32 $0x4000, s31;
	s1 =	sadd.s32 s1, s30  }
0xbe: {  	s0 =	sor.u32 s3, s0;
	s1 =	sshll.u32 s1, $0x11  }
0xbf: {  	s0 =	sor.u32 s1, s0  }
0xc0: {  	s0 =	sadd.s32 $0x8F2B, s0  }
0xc1: {  	[sflag:s0] =	ssyncadd.remote.s32 $0x1  }
0xc2: {  	_ =	sfence.sel $0xFFFF  }
0xc3: {  	[dreg:$0x0] =	wrdreg $0xFFFFFFFF;
	(pc) =	sbr.abs _section_cstart, $3  }
0xc4: {  	[dreg:$0x1] =	wrdreg $0xFFFFFFFF  }
0xc5: {  	_ =	task.clear_ibuf [dreg:s8], $0x2FFFF;
	_ =	strace $0x9FFFFFFF  }
0xc6: {  	(tm) =	ssettm $0x7FFFFFFF  }
0xc7: {  	_ =	shalt  }
tec
execute0_lowered:
.L_overlay_start_1:
0x0: {  	(tag) =	ssettag $0x1  }
0x1: {  	s1 =	rddreg [dreg:$0x0]  }
0x2: {  	s4 =	rddreg [dreg:$0x1]  }
0x3: {  	s0 =	rddreg [dreg:$0x2]  }
0x4: {  	s2 =	rddreg [dreg:$0x3]  }
0x5: {  	s3 =	rddreg [dreg:$0x4];
	s6 =	simm.s32 $0x0;
	s5 =	srdreg.scid  }
0x6: {  	s12 =	stileid.u32;
	s29 =	simm.s32 $0x80;
	s31 =	simm.s32 $0xC00  }
0x7: {  	[smem:$0x7FF] =	sst s6;
	s5 =	sand.u32 $0x1, s5;
	s7 =	smul.u32 $0x13C00, s12  }
0x8: {  	s13 =	sadd.s32 $0xC800, s4;
	s14 =	sadd.s32 $0x2800, s4;
	s26 =	smul.u32 $0x4F000, s12  }
0x9: {  	s8 =	sadd.s32 $0x16C00, s4;
	s24 =	sadd.s32 $0x16A00, s4;
	s11 =	smul.u32 $0x2800, s12  }
0xa: {  	s17 =	smul.u32 $0x278, s12;
	_ =	strace $0x80000047;
	[dreg:$0x17] =	wrdreg s8  }
0xb: {  	s25 =	sadd.s32 $0x16800, s4;
	s23 =	smul.u32 $0x13C000, s5;
	[dreg:$0x18] =	wrdreg s24  }
0xc: {  	[dreg:$0x19] =	wrdreg s25;
	s15 =	ssub.s32 $0x2, s5;
	s9 =	smul.u32 $0x28000, s5  }
0xd: {  	s16 =	sshll.u32 s5, $0x4;
	s24 =	simm.s32 $0x100;
	[dreg:$0x15] =	wrdreg s13  }
0xe: {  	s25 =	simm.s32 $0x180;
	p0 =	seq.s32 s5, $0x1;
	[dreg:$0x16] =	wrdreg s14  }
0xf: {  	s5 =	simm.s32 $0xF80;
	s10 =	sshrl.u32 s15, $0x1;
	[dreg:$0x8] =	wrdreg s24  }
0x10: {  	s30 =	sadd.s32 s17, s3;
	[dreg:$0x9] =	wrdreg s25;
	s17 =	sshrl.u32 s17, $0x3  }
0x11: {  	s24 =	simm.s32 $0xA80;
	s25 =	simm.s32 $0xB00;
	s6 =	sadd.s32 s7, s23  }
0x12: {  	s8 =	ssub.s32 s15, s10;
	s10 =	sor.u32 s12, s16;
	[dreg:$0x12] =	wrdreg s24  }
0x13: {  	s7 =	sshrl.u32 s26, $0x2;
	s9 =	sadd.s32 s11, s9;
	[dreg:$0x13] =	wrdreg s25  }
0x14: {  	s26 =	simm.s32 $0x200;
	s15 =	simm.s32 $0x300;
	[dreg:$0x1f] =	wrdreg s30  }
0x15: {  	s16 =	simm.s32 $0x380;
	s24 =	simm.s32 $0x5;
	[dreg:$0xa] =	wrdreg s26  }
0x16: {  	s25 =	simm.s32 $0xE00;
	s11 =	simm.s32 $0xF00;
	[dreg:$0xc] =	wrdreg s15  }
0x17: {  	s6 =	sshrl.u32 s6, $0x3;
	[dreg:$0xd] =	wrdreg s16;
	s26 =	simm.s32 $0xB80  }
0x18: {  	s28 =	sadd.s32 s7, s2;
	s18 =	sor.u32 $0x400, s9;
	[dreg:$0x14] =	wrdreg s26  }
0x19: {  	s10 =	smul.u32 $0x2800, s10;
	s19 =	sadd.s32 $0x4000, s28;
	[dreg:$0x1a] =	wrdreg s28  }
0x1a: {  	s15 =	simm.s32 $0x700;
	s20 =	sadd.s32 $0x8000, s28;
	[dreg:$0x1b] =	wrdreg s19  }
0x1b: {  	s16 =	simm.s32 $0xD80;
	s21 =	sadd.s32 $0xC000, s28;
	[dreg:$0x1c] =	wrdreg s20  }
0x1c: {  	s6 =	sadd.s32 s6, s4;
	s22 =	sadd.s32 $0x10000, s28;
	[dreg:$0x1d] =	wrdreg s21  }
0x1d: {  	s7 =	sshrl.u32 s18, $0x3;
	s18 =	simm.s32 $0x880;
	[dreg:$0x1e] =	wrdreg s22  }
0x1e: {  	s4 =	sadd.s32 $0x17400, s4;
	s23 =	sadd.s32 s7, s14;
	[dreg:$0xe] =	wrdreg s18  }
0x1f: {  	s26 =	simm.s32 $0x9000;
	s7 =	sadd.s32 s7, s13;
	[dreg:$0x6] =	wrdreg s23  }
0x20: {  	s10 =	sshrl.u32 s10, $0x3;
	s6 =	sadd.s32 $0x17A00, s6;
	[dreg:$0x7] =	wrdreg s7  }
0x21: {  	s19 =	smax.u32 s8, $0x1;
	s20 =	simm.s32 $0x900;
	[smem:$0x7FA] =	sst s6  }
0x22: {  	s0 =	smov.u32 @p0 s4;
	s21 =	simm.s32 $0x980;
	[smem:$0x7FB] =	sst s19  }
0x23: {  	s22 =	simm.s32 $0xA00;
	s4 =	simm.s32 $0x1;
	[dreg:$0xf] =	wrdreg s20  }
0x24: {  	s18 =	simm.s32 $0x780;
	s8 =	simm.s32 $0x0;
	[dreg:$0x10] =	wrdreg s21  }
0x25: {  	s12 =	sadd.s32 s13, s10;
	s13 =	simm.s32 $0x280;
	[dreg:$0x11] =	wrdreg s22  }
0x26: {  	s14 =	sadd.s32 s14, s10;
	s0 =	sadd.s32 s0, s17;
	[smem:$0x7F8] =	sst s12  }
0x27: {  	s23 =	sadd.s32 $0x800, s9;
	s7 =	simm.s32 $0x9080;
	[smem:$0x7F9] =	sst s14  }
0x28: {  	s9 =	simm.s32 $0x2;
	s17 =	simm.s32 $0x3;
	[dreg:$0xb] =	wrdreg s13  }
0x29: {  	s19 =	simm.s32 $0x4;
	s20 =	simm.s32 $0xC80;
	[smem:$0x7FC] =	sst s0  }
0x2a: {  	s21 =	simm.s32 $0xD00;
	s22 =	simm.s32 $0xE80;
	[smem:$0x7FD] =	sst s23  }
0x2b: {  	s23 =	simm.s32 $0x1000;
	s0 =	simm.s32 $0x5000;
	s14 =	simm.s32 $0x680  }
.LBB2_1:
0x2c: {  	[smem:$0x7F7] =	sst s8  }
0x2d: {  	s8 =	simm.s32 $0x0;
	s6 =	rddreg [dreg:$0x17]  }
0x2e: {  	[tilespmem:s23], [sflag:$0x5] =	stream.linear.gather [hbm4b:s6+s8], $0x4000, $0x38;
	[tilespmem:$0x1D178] =	vst v63  }
0x2f: {  	_ =	swait.ge [sflag:s24], $0x4000  }
0x30: {  	[sflag:s24] =	ssyncset.done $0x0  }
0x31: {  	[sflag:s24] =	ssyncadd.s32 $0xFFFFC000  }
0x32: {  	[spmem:s28] =	stream.linear.scatter [tilespmem:s23], [sflag:$0x5], $0x4000, $0x38;
	[tilespmem:$0x1D178] =	vst v63  }
0x33: {  	_ =	swait.ge [sflag:s24], $0x4000  }
0x34: {  	[sflag:s24] =	ssyncset.done $0x0  }
0x35: {  	s12 =	rddreg [dreg:$0x1b];
	[sflag:s24] =	ssyncadd.s32 $0xFFFFC000  }
0x36: {  	[spmem:s12] =	stream.linear.scatter [tilespmem:s23], [sflag:$0x5], $0x4000, $0x38;
	[tilespmem:$0x1D178] =	vst v63  }
0x37: {  	_ =	swait.ge [sflag:s24], $0x4000  }
0x38: {  	[sflag:s24] =	ssyncset.done $0x0  }
0x39: {  	s13 =	rddreg [dreg:$0x1c];
	[sflag:s24] =	ssyncadd.s32 $0xFFFFC000  }
0x3a: {  	[spmem:s13] =	stream.linear.scatter [tilespmem:s23], [sflag:$0x5], $0x4000, $0x38;
	[tilespmem:$0x1D178] =	vst v63  }
0x3b: {  	_ =	swait.ge [sflag:s24], $0x4000  }
0x3c: {  	[sflag:s24] =	ssyncset.done $0x0  }
0x3d: {  	s10 =	rddreg [dreg:$0x1d];
	[sflag:s24] =	ssyncadd.s32 $0xFFFFC000  }
0x3e: {  	[spmem:s10] =	stream.linear.scatter [tilespmem:s23], [sflag:$0x5], $0x4000, $0x38;
	[tilespmem:$0x1D178] =	vst v63  }
0x3f: {  	_ =	swait.ge [sflag:s24], $0x4000  }
0x40: {  	[sflag:s24] =	ssyncset.done $0x0  }
0x41: {  	s12 =	rddreg [dreg:$0x1e];
	[sflag:s24] =	ssyncadd.s32 $0xFFFFC000  }
0x42: {  	[spmem:s12] =	stream.linear.scatter [tilespmem:s23], [sflag:$0x5], $0x3C00, $0x38;
	[tilespmem:$0x1D178] =	vst v63  }
0x43: {  	_ =	swait.ge [sflag:s24], $0x3C00  }
0x44: {  	[sflag:s24] =	ssyncset.done $0x0  }
0x45: {  	s13 =	rddreg [dreg:$0x18];
	[sflag:s24] =	ssyncadd.s32 $0xFFFFC400  }
0x46: {  	[tilespmem:s7], [sflag:$0x5] =	stream.linear.gather [hbm4b:s13+s8], $0x280, $0x38;
	[tilespmem:$0x1D178] =	vst v63  }
0x47: {  	_ =	swait.ge [sflag:s24], $0x280  }
0x48: {  	[sflag:s24] =	ssyncset.done $0x0  }
0x49: {  	[sflag:s24] =	ssyncadd.s32 $0xFFFFFD80  }
0x4a: {  	[spmem:s30] =	stream.linear.scatter [tilespmem:s7], [sflag:$0x5], $0x278, $0x38;
	[tilespmem:$0x1D178] =	vst v63  }
0x4b: {  	_ =	swait.ge [sflag:s24], $0x278  }
0x4c: {  	[sflag:s24] =	ssyncset.done $0x0  }
0x4d: {  	s7 =	rddreg [dreg:$0x19];
	[sflag:s24] =	ssyncadd.s32 $0xFFFFFD88  }
0x4e: {  	[tilespmem:s26], [sflag:$0x5] =	stream.linear.gather [hbm4b:s7+s8], $0x80, $0x38;
	[tilespmem:$0x1D178] =	vst v63  }
0x4f: {  	_ =	swait.ge [sflag:s24], $0x80  }
0x50: {  	s10 =	sld [smem:$0x7F8]  }
0x51: {  	[sflag:s24] =	ssyncset.done $0x0  }
0x52: {  	[sflag:s24] =	ssyncadd.s32 $0xFFFFFF80  }
0x53: {  	[tilespmem:s8], [sflag:$0x5] =	stream.linear.gather [hbm4b:s10+s8], $0x400, $0x38;
	[tilespmem:$0x1D178] =	vst v63  }
0x54: {  	_ =	swait.ge [sflag:s24], $0x400  }
0x55: {  	s12 =	sld [smem:$0x7F9]  }
0x56: {  	[sflag:s24] =	ssyncset.done $0x0  }
0x57: {  	s10 =	simm.s32 $0x400;
	[sflag:s24] =	ssyncadd.s32 $0xFFFFFC00  }
0x58: {  	[tilespmem:s10], [sflag:$0x5] =	stream.linear.gather [hbm4b:s12+s8], $0x400, $0x38;
	[tilespmem:$0x1D178] =	vst v63  }
0x59: {  	_ =	swait.ge [sflag:s24], $0x400  }
0x5a: {  	[sflag:s24] =	ssyncset.done $0x0  }
0x5b: {  	[sflag:s24] =	ssyncadd.s32 $0xFFFFFC00  }
0x5c: {  	[bflag:$0x0] =	sbarrier.arrive $0xFFFF  }
0x5d: {  	s13 =	rddreg [dreg:$0x7]  }
0x5e: {  	[tilespmem:s23], [sflag:$0x1] =	stream.indirect.gather [hbm4b:s1+s29], $0x80, s8, s29, $0xb8;
	[tilespmem:$0x1D178] =	vst v63  }
0x5f: {  	s12 =	simm.s32 $0x800;
	s30 =	rddreg [dreg:$0x6];
	s6 =	sadd.s32 $0x0, s13  }
0x60: {  	[tilespmem:s12], [sflag:$0x3] =	stream.linear.gather [hbm4b:s6+s8], $0x400, $0x38;
	[tilespmem:$0x1D178] =	vst v63  }
0x61: {  	s7 =	sadd.s32 $0x0, s30  }
0x62: {  	[tilespmem:s31], [sflag:$0x3] =	stream.linear.gather [hbm4b:s7+s8], $0x400, $0x38;
	[tilespmem:$0x1D178] =	vst v63  }
0x63: {  	_ = 	snop  }
0x64: {  	[tilespmem:s0], [sflag:$0x2] =	stream.indirect.gather [hbm4b:s1+s29], $0x80, s29, s29, $0xb8;
	[tilespmem:$0x1D178] =	vst v63  }
0x65: {  	_ = 	snop  }
0x66: {  	[spmem:s3] =	stream.indirect.scatter.add.f32 [tilespmem:s26], [sflag:$0x4], $0x1, s10, s29, $0xb8;
	[tilespmem:$0x1D178] =	vst v63  }
0x67: {  	_ =	swait.ge [sflag:s4], $0x4000  }
0x68: {  	[sflag:s4] =	ssyncset.done $0x0  }
0x69: {  	[sflag:s4] =	ssyncadd.s32 $0xFFFFC000  }
0x6a: {  	[spmem:s2] =	stream.indirect.scatter.add.f32 [tilespmem:s23], [sflag:$0x5], $0x80, s10, s29, $0xb8;
	[tilespmem:$0x1D178] =	vst v63  }
0x6b: {  	_ =	swait.ge [sflag:s24], $0x4000  }
0x6c: {  	[sflag:s24] =	ssyncset.done $0x0  }
0x6d: {  	s13 =	rddreg [dreg:$0x8];
	[sflag:s24] =	ssyncadd.s32 $0xFFFFC000  }
0x6e: {  	[tilespmem:s23], [sflag:$0x1] =	stream.indirect.gather [hbm4b:s1+s29], $0x80, s13, s29, $0xb8;
	[tilespmem:$0x1D178] =	vst v63  }
0x6f: {  	s30 =	simm.s32 $0x480  }
0x70: {  	[spmem:s3] =	stream.indirect.scatter.add.f32 [tilespmem:s26], [sflag:$0x4], $0x1, s30, s29, $0xb8;
	[tilespmem:$0x1D178] =	vst v63  }
0x71: {  	_ =	swait.ge [sflag:s9], $0x4000  }
0x72: {  	[sflag:s9] =	ssyncset.done $0x0  }
0x73: {  	[sflag:s9] =	ssyncadd.s32 $0xFFFFC000  }
0x74: {  	[spmem:s2] =	stream.indirect.scatter.add.f32 [tilespmem:s0], [sflag:$0x5], $0x80, s30, s29, $0xb8;
	[tilespmem:$0x1D178] =	vst v63  }
0x75: {  	_ =	swait.ge [sflag:s24], $0x4000  }
0x76: {  	[sflag:s24] =	ssyncset.done $0x0  }
0x77: {  	s7 =	rddreg [dreg:$0x9];
	[sflag:s24] =	ssyncadd.s32 $0xFFFFC000  }
0x78: {  	[tilespmem:s0], [sflag:$0x2] =	stream.indirect.gather [hbm4b:s1+s29], $0x80, s7, s29, $0xb8;
	[tilespmem:$0x1D178] =	vst v63  }
0x79: {  	s8 =	simm.s32 $0x500  }
0x7a: {  	[spmem:s3] =	stream.indirect.scatter.add.f32 [tilespmem:s26], [sflag:$0x4], $0x1, s8, s29, $0xb8;
	[tilespmem:$0x1D178] =	vst v63  }
0x7b: {  	_ =	swait.ge [sflag:s4], $0x4000  }
0x7c: {  	[sflag:s4] =	ssyncset.done $0x0  }
0x7d: {  	[sflag:s4] =	ssyncadd.s32 $0xFFFFC000  }
0x7e: {  	[spmem:s2] =	stream.indirect.scatter.add.f32 [tilespmem:s23], [sflag:$0x5], $0x80, s8, s29, $0xb8;
	[tilespmem:$0x1D178] =	vst v63  }
0x7f: {  	_ =	swait.ge [sflag:s24], $0x4000  }
0x80: {  	[sflag:s24] =	ssyncset.done $0x0  }
0x81: {  	s10 =	rddreg [dreg:$0xa];
	[sflag:s24] =	ssyncadd.s32 $0xFFFFC000  }
0x82: {  	[tilespmem:s23], [sflag:$0x1] =	stream.indirect.gather [hbm4b:s1+s29], $0x80, s10, s29, $0xb8;
	[tilespmem:$0x1D178] =	vst v63  }
0x83: {  	s13 =	simm.s32 $0x580  }
0x84: {  	[spmem:s3] =	stream.indirect.scatter.add.f32 [tilespmem:s26], [sflag:$0x4], $0x1, s13, s29, $0xb8;
	[tilespmem:$0x1D178] =	vst v63  }
0x85: {  	_ =	swait.ge [sflag:s9], $0x4000  }
0x86: {  	[sflag:s9] =	ssyncset.done $0x0  }
0x87: {  	[sflag:s9] =	ssyncadd.s32 $0xFFFFC000  }
0x88: {  	[spmem:s2] =	stream.indirect.scatter.add.f32 [tilespmem:s0], [sflag:$0x5], $0x80, s13, s29, $0xb8;
	[tilespmem:$0x1D178] =	vst v63  }
0x89: {  	_ =	swait.ge [sflag:s24], $0x4000  }
0x8a: {  	[sflag:s24] =	ssyncset.done $0x0  }
0x8b: {  	s30 =	rddreg [dreg:$0xb];
	[sflag:s24] =	ssyncadd.s32 $0xFFFFC000  }
0x8c: {  	[tilespmem:s0], [sflag:$0x2] =	stream.indirect.gather [hbm4b:s1+s29], $0x80, s30, s29, $0xb8;
	[tilespmem:$0x1D178] =	vst v63  }
0x8d: {  	s7 =	simm.s32 $0x600  }
0x8e: {  	[spmem:s3] =	stream.indirect.scatter.add.f32 [tilespmem:s26], [sflag:$0x4], $0x1, s7, s29, $0xb8;
	[tilespmem:$0x1D178] =	vst v63  }
0x8f: {  	_ =	swait.ge [sflag:s4], $0x4000  }
0x90: {  	[sflag:s4] =	ssyncset.done $0x0  }
0x91: {  	[sflag:s4] =	ssyncadd.s32 $0xFFFFC000  }
0x92: {  	[spmem:s2] =	stream.indirect.scatter.add.f32 [tilespmem:s23], [sflag:$0x5], $0x80, s7, s29, $0xb8;
	[tilespmem:$0x1D178] =	vst v63  }
0x93: {  	_ =	swait.ge [sflag:s24], $0x4000  }
0x94: {  	[sflag:s24] =	ssyncset.done $0x0  }
0x95: {  	s8 =	rddreg [dreg:$0xc];
	[sflag:s24] =	ssyncadd.s32 $0xFFFFC000  }
0x96: {  	[tilespmem:s23], [sflag:$0x1] =	stream.indirect.gather [hbm4b:s1+s29], $0x80, s8, s29, $0xb8;
	[tilespmem:$0x1D178] =	vst v63  }
0x97: {  	_ = 	snop  }
0x98: {  	[spmem:s3] =	stream.indirect.scatter.add.f32 [tilespmem:s26], [sflag:$0x4], $0x1, s14, s29, $0xb8;
	[tilespmem:$0x1D178] =	vst v63  }
0x99: {  	_ =	swait.ge [sflag:s9], $0x4000  }
0x9a: {  	[sflag:s9] =	ssyncset.done $0x0  }
0x9b: {  	[sflag:s9] =	ssyncadd.s32 $0xFFFFC000  }
0x9c: {  	[spmem:s2] =	stream.indirect.scatter.add.f32 [tilespmem:s0], [sflag:$0x5], $0x80, s14, s29, $0xb8;
	[tilespmem:$0x1D178] =	vst v63  }
0x9d: {  	_ =	swait.ge [sflag:s24], $0x4000  }
0x9e: {  	[sflag:s24] =	ssyncset.done $0x0  }
0x9f: {  	s10 =	rddreg [dreg:$0xd];
	[sflag:s24] =	ssyncadd.s32 $0xFFFFC000  }
0xa0: {  	[tilespmem:s0], [sflag:$0x2] =	stream.indirect.gather [hbm4b:s1+s29], $0x80, s10, s29, $0xb8;
	[tilespmem:$0x1D178] =	vst v63  }
0xa1: {  	_ = 	snop  }
0xa2: {  	[spmem:s3] =	stream.indirect.scatter.add.f32 [tilespmem:s26], [sflag:$0x4], $0x1, s15, s29, $0xb8;
	[tilespmem:$0x1D178] =	vst v63  }
0xa3: {  	_ =	swait.ge [sflag:s4], $0x4000  }
0xa4: {  	[sflag:s4] =	ssyncset.done $0x0  }
0xa5: {  	[sflag:s4] =	ssyncadd.s32 $0xFFFFC000  }
0xa6: {  	[spmem:s2] =	stream.indirect.scatter.add.f32 [tilespmem:s23], [sflag:$0x5], $0x80, s15, s29, $0xb8;
	[tilespmem:$0x1D178] =	vst v63  }
0xa7: {  	_ =	swait.ge [sflag:s24], $0x4000  }
0xa8: {  	[sflag:s24] =	ssyncset.done $0x0  }
0xa9: {  	[sflag:s24] =	ssyncadd.s32 $0xFFFFC000  }
0xaa: {  	_ =	swait.ge [sflag:s17], $0x400  }
0xab: {  	[sflag:s17] =	ssyncset.done $0x0  }
0xac: {  	[sflag:s17] =	ssyncadd.s32 $0xFFFFFC00  }
0xad: {  	_ =	swait.ge [sflag:s17], $0x400  }
0xae: {  	[sflag:s17] =	ssyncset.done $0x0  }
0xaf: {  	[sflag:s17] =	ssyncadd.s32 $0xFFFFFC00  }
0xb0: {  	[tilespmem:s23], [sflag:$0x1] =	stream.indirect.gather [hbm4b:s1+s29], $0x80, s12, s29, $0xb8;
	[tilespmem:$0x1D178] =	vst v63  }
0xb1: {  	_ = 	snop  }
0xb2: {  	[spmem:s3] =	stream.indirect.scatter.add.f32 [tilespmem:s26], [sflag:$0x4], $0x1, s18, s29, $0xb8;
	[tilespmem:$0x1D178] =	vst v63  }
0xb3: {  	_ =	swait.ge [sflag:s9], $0x4000  }
0xb4: {  	[sflag:s9] =	ssyncset.done $0x0  }
0xb5: {  	[sflag:s9] =	ssyncadd.s32 $0xFFFFC000  }
0xb6: {  	[spmem:s2] =	stream.indirect.scatter.add.f32 [tilespmem:s0], [sflag:$0x5], $0x80, s18, s29, $0xb8;
	[tilespmem:$0x1D178] =	vst v63  }
0xb7: {  	_ =	swait.ge [sflag:s24], $0x4000  }
0xb8: {  	[sflag:s24] =	ssyncset.done $0x0  }
0xb9: {  	[sflag:s24] =	ssyncadd.s32 $0xFFFFC000  }
0xba: {  	_ =	swait.ge [sflag:s19], $0x80  }
0xbb: {  	[sflag:s19] =	ssyncset.done $0x0  }
0xbc: {  	[sflag:s19] =	ssyncadd.s32 $0xFFFFFF80  }
0xbd: {  	_ =	swait.ge [sflag:s19], $0x80  }
0xbe: {  	[sflag:s19] =	ssyncset.done $0x0  }
0xbf: {  	[sflag:s19] =	ssyncadd.s32 $0xFFFFFF80  }
0xc0: {  	_ =	swait.ge [sflag:s19], $0x80  }
0xc1: {  	[sflag:s19] =	ssyncset.done $0x0  }
0xc2: {  	[sflag:s19] =	ssyncadd.s32 $0xFFFFFF80  }
0xc3: {  	_ =	swait.ge [sflag:s19], $0x80  }
0xc4: {  	[sflag:s19] =	ssyncset.done $0x0  }
0xc5: {  	[sflag:s19] =	ssyncadd.s32 $0xFFFFFF80  }
0xc6: {  	_ =	swait.ge [sflag:s19], $0x80  }
0xc7: {  	[sflag:s19] =	ssyncset.done $0x0  }
0xc8: {  	[sflag:s19] =	ssyncadd.s32 $0xFFFFFF80  }
0xc9: {  	_ =	swait.ge [sflag:s19], $0x80  }
0xca: {  	[sflag:s19] =	ssyncset.done $0x0  }
0xcb: {  	[sflag:s19] =	ssyncadd.s32 $0xFFFFFF80  }
0xcc: {  	_ =	swait.ge [sflag:s19], $0x80  }
0xcd: {  	[sflag:s19] =	ssyncset.done $0x0  }
0xce: {  	[sflag:s19] =	ssyncadd.s32 $0xFFFFFF80  }
0xcf: {  	_ =	swait.ge [sflag:s19], $0x80  }
0xd0: {  	s10 =	sld [smem:$0x7FD];
	_ =	sdelay $0x1  }
0xd1: {  	p0 =	por $0x0, $0x0  }
0xd2: {  	[sflag:s19] =	ssyncset.done $0x0;
	s6 =	rddreg [dreg:$0x15];
	s7 =	sshrl.u32 @!p0 s10, $0x3  }
0xd3: {  	[sflag:s19] =	ssyncadd.s32 $0xFFFFFF80;
	s8 =	sadd.s32 @!p0 s6, s7;
	s6 =	simm.s32 @!p0 $0x0  }
0xd4: {  	[tilespmem:s6], [sflag:$0x3] =	stream.linear.gather @!p0 [hbm4b:s8+s6], $0x400, $0x38;
	[tilespmem:$0x1D178] =	vst v63  }
0xd5: {  	s8 =	rddreg [dreg:$0x16]  }
0xd6: {  	s7 =	sadd.s32 @!p0 s8, s7;
	s8 =	simm.s32 @!p0 $0x400  }
0xd7: {  	[tilespmem:s8], [sflag:$0x3] =	stream.linear.gather @!p0 [hbm4b:s7+s6], $0x400, $0x38;
	[tilespmem:$0x1D178] =	vst v63  }
0xd8: {  	s28 =	rddreg [dreg:$0xe]  }
0xd9: {  	[tilespmem:s0], [sflag:$0x2] =	stream.indirect.gather [hbm4b:s1+s29], $0x80, s28, s29, $0xb8;
	[tilespmem:$0x1D178] =	vst v63  }
0xda: {  	_ = 	snop  }
0xdb: {  	[spmem:s3] =	stream.indirect.scatter.add.f32 [tilespmem:s26], [sflag:$0x4], $0x1, s31, s29, $0xb8;
	[tilespmem:$0x1D178] =	vst v63  }
0xdc: {  	_ =	swait.ge [sflag:s4], $0x4000  }
0xdd: {  	[sflag:s4] =	ssyncset.done $0x0  }
0xde: {  	[sflag:s4] =	ssyncadd.s32 $0xFFFFC000  }
0xdf: {  	[spmem:s2] =	stream.indirect.scatter.add.f32 [tilespmem:s23], [sflag:$0x5], $0x80, s31, s29, $0xb8;
	[tilespmem:$0x1D178] =	vst v63  }
0xe0: {  	_ =	swait.ge [sflag:s24], $0x4000  }
0xe1: {  	[sflag:s24] =	ssyncset.done $0x0  }
0xe2: {  	s13 =	rddreg [dreg:$0xf];
	[sflag:s24] =	ssyncadd.s32 $0xFFFFC000  }
0xe3: {  	[tilespmem:s23], [sflag:$0x1] =	stream.indirect.gather [hbm4b:s1+s29], $0x80, s13, s29, $0xb8;
	[tilespmem:$0x1D178] =	vst v63  }
0xe4: {  	_ = 	snop  }
0xe5: {  	[spmem:s3] =	stream.indirect.scatter.add.f32 [tilespmem:s26], [sflag:$0x4], $0x1, s20, s29, $0xb8;
	[tilespmem:$0x1D178] =	vst v63  }
0xe6: {  	_ =	swait.ge [sflag:s9], $0x4000  }
0xe7: {  	[sflag:s9] =	ssyncset.done $0x0  }
0xe8: {  	[sflag:s9] =	ssyncadd.s32 $0xFFFFC000  }
0xe9: {  	[spmem:s2] =	stream.indirect.scatter.add.f32 [tilespmem:s0], [sflag:$0x5], $0x80, s20, s29, $0xb8;
	[tilespmem:$0x1D178] =	vst v63  }
0xea: {  	_ =	swait.ge [sflag:s24], $0x4000  }
0xeb: {  	[sflag:s24] =	ssyncset.done $0x0  }
0xec: {  	s30 =	rddreg [dreg:$0x10];
	[sflag:s24] =	ssyncadd.s32 $0xFFFFC000  }
0xed: {  	[tilespmem:s0], [sflag:$0x2] =	stream.indirect.gather [hbm4b:s1+s29], $0x80, s30, s29, $0xb8;
	[tilespmem:$0x1D178] =	vst v63  }
0xee: {  	_ = 	snop  }
0xef: {  	[spmem:s3] =	stream.indirect.scatter.add.f32 [tilespmem:s26], [sflag:$0x4], $0x1, s21, s29, $0xb8;
	[tilespmem:$0x1D178] =	vst v63  }
0xf0: {  	_ =	swait.ge [sflag:s4], $0x4000  }
0xf1: {  	[sflag:s4] =	ssyncset.done $0x0  }
0xf2: {  	[sflag:s4] =	ssyncadd.s32 $0xFFFFC000  }
0xf3: {  	[spmem:s2] =	stream.indirect.scatter.add.f32 [tilespmem:s23], [sflag:$0x5], $0x80, s21, s29, $0xb8;
	[tilespmem:$0x1D178] =	vst v63  }
0xf4: {  	_ =	swait.ge [sflag:s24], $0x4000  }
0xf5: {  	[sflag:s24] =	ssyncset.done $0x0  }
0xf6: {  	s8 =	rddreg [dreg:$0x11];
	[sflag:s24] =	ssyncadd.s32 $0xFFFFC000  }
0xf7: {  	[tilespmem:s23], [sflag:$0x1] =	stream.indirect.gather [hbm4b:s1+s29], $0x80, s8, s29, $0xb8;
	[tilespmem:$0x1D178] =	vst v63  }
0xf8: {  	_ = 	snop  }
0xf9: {  	[spmem:s3] =	stream.indirect.scatter.add.f32 [tilespmem:s26], [sflag:$0x4], $0x1, s16, s29, $0xb8;
	[tilespmem:$0x1D178] =	vst v63  }
0xfa: {  	_ =	swait.ge [sflag:s9], $0x4000  }
0xfb: {  	[sflag:s9] =	ssyncset.done $0x0  }
0xfc: {  	[sflag:s9] =	ssyncadd.s32 $0xFFFFC000  }
0xfd: {  	[spmem:s2] =	stream.indirect.scatter.add.f32 [tilespmem:s0], [sflag:$0x5], $0x80, s16, s29, $0xb8;
	[tilespmem:$0x1D178] =	vst v63  }
0xfe: {  	_ =	swait.ge [sflag:s24], $0x4000  }
0xff: {  	[sflag:s24] =	ssyncset.done $0x0  }
0x100: {  	s12 =	rddreg [dreg:$0x12];
	[sflag:s24] =	ssyncadd.s32 $0xFFFFC000  }
0x101: {  	[tilespmem:s0], [sflag:$0x2] =	stream.indirect.gather [hbm4b:s1+s29], $0x80, s12, s29, $0xb8;
	[tilespmem:$0x1D178] =	vst v63  }
0x102: {  	_ = 	snop  }
0x103: {  	[spmem:s3] =	stream.indirect.scatter.add.f32 [tilespmem:s26], [sflag:$0x4], $0x1, s25, s29, $0xb8;
	[tilespmem:$0x1D178] =	vst v63  }
0x104: {  	_ =	swait.ge [sflag:s4], $0x4000  }
0x105: {  	[sflag:s4] =	ssyncset.done $0x0  }
0x106: {  	[sflag:s4] =	ssyncadd.s32 $0xFFFFC000  }
0x107: {  	[spmem:s2] =	stream.indirect.scatter.add.f32 [tilespmem:s23], [sflag:$0x5], $0x80, s25, s29, $0xb8;
	[tilespmem:$0x1D178] =	vst v63  }
0x108: {  	_ =	swait.ge [sflag:s24], $0x4000  }
0x109: {  	[sflag:s24] =	ssyncset.done $0x0  }
0x10a: {  	s13 =	rddreg [dreg:$0x13];
	[sflag:s24] =	ssyncadd.s32 $0xFFFFC000  }
0x10b: {  	[tilespmem:s23], [sflag:$0x1] =	stream.indirect.gather [hbm4b:s1+s29], $0x80, s13, s29, $0xb8;
	[tilespmem:$0x1D178] =	vst v63  }
0x10c: {  	_ = 	snop  }
0x10d: {  	[spmem:s3] =	stream.indirect.scatter.add.f32 [tilespmem:s26], [sflag:$0x4], $0x1, s22, s29, $0xb8;
	[tilespmem:$0x1D178] =	vst v63  }
0x10e: {  	_ =	swait.ge [sflag:s9], $0x4000  }
0x10f: {  	[sflag:s9] =	ssyncset.done $0x0  }
0x110: {  	[sflag:s9] =	ssyncadd.s32 $0xFFFFC000  }
0x111: {  	[spmem:s2] =	stream.indirect.scatter.add.f32 [tilespmem:s0], [sflag:$0x5], $0x80, s22, s29, $0xb8;
	[tilespmem:$0x1D178] =	vst v63  }
0x112: {  	_ =	swait.ge [sflag:s24], $0x4000  }
0x113: {  	[sflag:s24] =	ssyncset.done $0x0  }
0x114: {  	s30 =	rddreg [dreg:$0x14];
	[sflag:s24] =	ssyncadd.s32 $0xFFFFC000  }
0x115: {  	[tilespmem:s0], [sflag:$0x2] =	stream.indirect.gather [hbm4b:s1+s29], $0x80, s30, s29, $0xb8;
	[tilespmem:$0x1D178] =	vst v63  }
0x116: {  	_ = 	snop  }
0x117: {  	[spmem:s3] =	stream.indirect.scatter.add.f32 [tilespmem:s26], [sflag:$0x4], $0x1, s11, s29, $0xb8;
	[tilespmem:$0x1D178] =	vst v63  }
0x118: {  	_ =	swait.ge [sflag:s4], $0x4000  }
0x119: {  	[sflag:s4] =	ssyncset.done $0x0  }
0x11a: {  	[sflag:s4] =	ssyncadd.s32 $0xFFFFC000  }
0x11b: {  	[spmem:s2] =	stream.indirect.scatter.add.f32 [tilespmem:s23], [sflag:$0x5], $0x80, s11, s29, $0xb8;
	[tilespmem:$0x1D178] =	vst v63  }
0x11c: {  	_ =	swait.ge [sflag:s24], $0x4000  }
0x11d: {  	[sflag:s24] =	ssyncset.done $0x0  }
0x11e: {  	s7 =	simm.s32 @!p0 $0x3;
	[sflag:s24] =	ssyncadd.s32 $0xFFFFC000  }
0x11f: {  	_ =	swait.ge @!p0 [sflag:s7], $0x400  }
0x120: {  	[sflag:s7] =	ssyncset.done @!p0 $0x0  }
0x121: {  	[sflag:s7] =	ssyncadd.s32 @!p0 $0xFFFFFC00  }
0x122: {  	_ =	swait.ge @!p0 [sflag:s7], $0x400  }
0x123: {  	[sflag:s7] =	ssyncset.done @!p0 $0x0  }
0x124: {  	s8 =	simm.s32 @!p0 $0x1000;
	[sflag:s7] =	ssyncadd.s32 @!p0 $0xFFFFFC00;
	s7 =	simm.s32 @!p0 $0x80  }
0x125: {  	[tilespmem:s8], [sflag:$0x1] =	stream.indirect.gather @!p0 [hbm4b:s1+s7], $0x80, s6, s7, $0xb8;
	[tilespmem:$0x1D178] =	vst v63  }
0x126: {  	_ = 	snop  }
0x127: {  	[spmem:s3] =	stream.indirect.scatter.add.f32 [tilespmem:s26], [sflag:$0x4], $0x1, s5, s29, $0xb8;
	[tilespmem:$0x1D178] =	vst v63  }
0x128: {  	_ =	swait.ge [sflag:s9], $0x4000  }
0x129: {  	[sflag:s9] =	ssyncset.done $0x0  }
0x12a: {  	[sflag:s9] =	ssyncadd.s32 $0xFFFFC000  }
0x12b: {  	[spmem:s2] =	stream.indirect.scatter.add.f32 [tilespmem:s0], [sflag:$0x5], $0x80, s5, s29, $0xb8;
	[tilespmem:$0x1D178] =	vst v63  }
0x12c: {  	_ =	swait.ge [sflag:s24], $0x4000  }
0x12d: {  	[sflag:s24] =	ssyncset.done $0x0  }
0x12e: {  	[sflag:s24] =	ssyncadd.s32 $0xFFFFC000  }
0x12f: {  	_ =	swait.ge [sflag:s19], $0x80  }
0x130: {  	[sflag:s19] =	ssyncset.done $0x0  }
0x131: {  	[sflag:s19] =	ssyncadd.s32 $0xFFFFFF80  }
0x132: {  	_ =	swait.ge [sflag:s19], $0x80  }
0x133: {  	[sflag:s19] =	ssyncset.done $0x0  }
0x134: {  	[sflag:s19] =	ssyncadd.s32 $0xFFFFFF80  }
0x135: {  	_ =	swait.ge [sflag:s19], $0x80  }
0x136: {  	[sflag:s19] =	ssyncset.done $0x0  }
0x137: {  	[sflag:s19] =	ssyncadd.s32 $0xFFFFFF80  }
0x138: {  	_ =	swait.ge [sflag:s19], $0x80  }
0x139: {  	[sflag:s19] =	ssyncset.done $0x0  }
0x13a: {  	[sflag:s19] =	ssyncadd.s32 $0xFFFFFF80  }
0x13b: {  	_ =	swait.ge [sflag:s19], $0x80  }
0x13c: {  	[sflag:s19] =	ssyncset.done $0x0  }
0x13d: {  	[sflag:s19] =	ssyncadd.s32 $0xFFFFFF80  }
0x13e: {  	_ =	swait.ge [sflag:s19], $0x80  }
0x13f: {  	[sflag:s19] =	ssyncset.done $0x0  }
0x140: {  	[sflag:s19] =	ssyncadd.s32 $0xFFFFFF80  }
0x141: {  	_ =	swait.ge [sflag:s19], $0x80  }
0x142: {  	[sflag:s19] =	ssyncset.done $0x0  }
0x143: {  	[sflag:s19] =	ssyncadd.s32 $0xFFFFFF80  }
0x144: {  	s28 =	simm.s32 $0x200;
	s6 =	simm.s32 $0x100;
	_ =	swait.ge [sflag:s19], $0x80  }
0x145: {  	s7 =	smov.u32 s10;
	s8 =	rddreg [dreg:$0x7];
	[sflag:s19] =	ssyncset.done $0x0  }
.LBB2_2:
0x146: {  	[sflag:s19] =	ssyncadd.s32 $0xFFFFFF80;
	s10 =	rddreg [dreg:$0x6]  }
0x147: {  	s8 =	sadd.s32 s6, s8;
	s12 =	simm.s32 $0x0;
	s13 =	simm.s32 $0x800  }
0x148: {  	[tilespmem:s13], [sflag:$0x3] =	stream.linear.gather [hbm4b:s8+s12], $0x400, $0x38;
	[tilespmem:$0x1D178] =	vst v63  }
0x149: {  	s10 =	sadd.s32 s6, s10  }
0x14a: {  	[tilespmem:s31], [sflag:$0x3] =	stream.linear.gather [hbm4b:s10+s12], $0x400, $0x38;
	[tilespmem:$0x1D178] =	vst v63  }
0x14b: {  	_ = 	snop  }
0x14c: {  	[tilespmem:s0], [sflag:$0x2] =	stream.indirect.gather [hbm4b:s1+s29], $0x80, s29, s29, $0xb8;
	[tilespmem:$0x1D178] =	vst v63  }
0x14d: {  	s12 =	simm.s32 $0x400  }
0x14e: {  	[spmem:s3] =	stream.indirect.scatter.add.f32 [tilespmem:s26], [sflag:$0x4], $0x1, s12, s29, $0xb8;
	[tilespmem:$0x1D178] =	vst v63  }
0x14f: {  	_ =	swait.ge [sflag:s4], $0x4000  }
0x150: {  	[sflag:s4] =	ssyncset.done $0x0  }
0x151: {  	[sflag:s4] =	ssyncadd.s32 $0xFFFFC000  }
0x152: {  	[spmem:s2] =	stream.indirect.scatter.add.f32 [tilespmem:s23], [sflag:$0x5], $0x80, s12, s29, $0xb8;
	[tilespmem:$0x1D178] =	vst v63  }
0x153: {  	_ =	swait.ge [sflag:s24], $0x4000  }
0x154: {  	[sflag:s24] =	ssyncset.done $0x0  }
0x155: {  	s10 =	rddreg [dreg:$0x8];
	[sflag:s24] =	ssyncadd.s32 $0xFFFFC000  }
0x156: {  	[tilespmem:s23], [sflag:$0x1] =	stream.indirect.gather [hbm4b:s1+s29], $0x80, s10, s29, $0xb8;
	[tilespmem:$0x1D178] =	vst v63  }
0x157: {  	s12 =	simm.s32 $0x480  }
0x158: {  	[spmem:s3] =	stream.indirect.scatter.add.f32 [tilespmem:s26], [sflag:$0x4], $0x1, s12, s29, $0xb8;
	[tilespmem:$0x1D178] =	vst v63  }
0x159: {  	_ =	swait.ge [sflag:s9], $0x4000  }
0x15a: {  	[sflag:s9] =	ssyncset.done $0x0  }
0x15b: {  	[sflag:s9] =	ssyncadd.s32 $0xFFFFC000  }
0x15c: {  	[spmem:s2] =	stream.indirect.scatter.add.f32 [tilespmem:s0], [sflag:$0x5], $0x80, s12, s29, $0xb8;
	[tilespmem:$0x1D178] =	vst v63  }
0x15d: {  	_ =	swait.ge [sflag:s24], $0x4000  }
0x15e: {  	[sflag:s24] =	ssyncset.done $0x0  }
0x15f: {  	s10 =	rddreg [dreg:$0x9];
	[sflag:s24] =	ssyncadd.s32 $0xFFFFC000  }
0x160: {  	[tilespmem:s0], [sflag:$0x2] =	stream.indirect.gather [hbm4b:s1+s29], $0x80, s10, s29, $0xb8;
	[tilespmem:$0x1D178] =	vst v63  }
0x161: {  	s12 =	simm.s32 $0x500  }
0x162: {  	[spmem:s3] =	stream.indirect.scatter.add.f32 [tilespmem:s26], [sflag:$0x4], $0x1, s12, s29, $0xb8;
	[tilespmem:$0x1D178] =	vst v63  }
0x163: {  	_ =	swait.ge [sflag:s4], $0x4000  }
0x164: {  	[sflag:s4] =	ssyncset.done $0x0  }
0x165: {  	[sflag:s4] =	ssyncadd.s32 $0xFFFFC000  }
0x166: {  	[spmem:s2] =	stream.indirect.scatter.add.f32 [tilespmem:s23], [sflag:$0x5], $0x80, s12, s29, $0xb8;
	[tilespmem:$0x1D178] =	vst v63  }
0x167: {  	_ =	swait.ge [sflag:s24], $0x4000  }
0x168: {  	[sflag:s24] =	ssyncset.done $0x0  }
0x169: {  	s10 =	rddreg [dreg:$0xa];
	[sflag:s24] =	ssyncadd.s32 $0xFFFFC000  }
0x16a: {  	[tilespmem:s23], [sflag:$0x1] =	stream.indirect.gather [hbm4b:s1+s29], $0x80, s10, s29, $0xb8;
	[tilespmem:$0x1D178] =	vst v63  }
0x16b: {  	s12 =	simm.s32 $0x580  }
0x16c: {  	[spmem:s3] =	stream.indirect.scatter.add.f32 [tilespmem:s26], [sflag:$0x4], $0x1, s12, s29, $0xb8;
	[tilespmem:$0x1D178] =	vst v63  }
0x16d: {  	_ =	swait.ge [sflag:s9], $0x4000  }
0x16e: {  	[sflag:s9] =	ssyncset.done $0x0  }
0x16f: {  	[sflag:s9] =	ssyncadd.s32 $0xFFFFC000  }
0x170: {  	[spmem:s2] =	stream.indirect.scatter.add.f32 [tilespmem:s0], [sflag:$0x5], $0x80, s12, s29, $0xb8;
	[tilespmem:$0x1D178] =	vst v63  }
0x171: {  	_ =	swait.ge [sflag:s24], $0x4000  }
0x172: {  	[sflag:s24] =	ssyncset.done $0x0  }
0x173: {  	s10 =	rddreg [dreg:$0xb];
	[sflag:s24] =	ssyncadd.s32 $0xFFFFC000  }
0x174: {  	[tilespmem:s0], [sflag:$0x2] =	stream.indirect.gather [hbm4b:s1+s29], $0x80, s10, s29, $0xb8;
	[tilespmem:$0x1D178] =	vst v63  }
0x175: {  	s12 =	simm.s32 $0x600  }
0x176: {  	[spmem:s3] =	stream.indirect.scatter.add.f32 [tilespmem:s26], [sflag:$0x4], $0x1, s12, s29, $0xb8;
	[tilespmem:$0x1D178] =	vst v63  }
0x177: {  	_ =	swait.ge [sflag:s4], $0x4000  }
0x178: {  	[sflag:s4] =	ssyncset.done $0x0  }
0x179: {  	[sflag:s4] =	ssyncadd.s32 $0xFFFFC000  }
0x17a: {  	[spmem:s2] =	stream.indirect.scatter.add.f32 [tilespmem:s23], [sflag:$0x5], $0x80, s12, s29, $0xb8;
	[tilespmem:$0x1D178] =	vst v63  }
0x17b: {  	_ =	swait.ge [sflag:s24], $0x4000  }
0x17c: {  	[sflag:s24] =	ssyncset.done $0x0  }
0x17d: {  	s10 =	rddreg [dreg:$0xc];
	[sflag:s24] =	ssyncadd.s32 $0xFFFFC000  }
0x17e: {  	[tilespmem:s23], [sflag:$0x1] =	stream.indirect.gather [hbm4b:s1+s29], $0x80, s10, s29, $0xb8;
	[tilespmem:$0x1D178] =	vst v63  }
0x17f: {  	_ = 	snop  }
0x180: {  	[spmem:s3] =	stream.indirect.scatter.add.f32 [tilespmem:s26], [sflag:$0x4], $0x1, s14, s29, $0xb8;
	[tilespmem:$0x1D178] =	vst v63  }
0x181: {  	_ =	swait.ge [sflag:s9], $0x4000  }
0x182: {  	[sflag:s9] =	ssyncset.done $0x0  }
0x183: {  	[sflag:s9] =	ssyncadd.s32 $0xFFFFC000  }
0x184: {  	[spmem:s2] =	stream.indirect.scatter.add.f32 [tilespmem:s0], [sflag:$0x5], $0x80, s14, s29, $0xb8;
	[tilespmem:$0x1D178] =	vst v63  }
0x185: {  	_ =	swait.ge [sflag:s24], $0x4000  }
0x186: {  	[sflag:s24] =	ssyncset.done $0x0  }
0x187: {  	s12 =	rddreg [dreg:$0xd];
	[sflag:s24] =	ssyncadd.s32 $0xFFFFC000  }
0x188: {  	[tilespmem:s0], [sflag:$0x2] =	stream.indirect.gather [hbm4b:s1+s29], $0x80, s12, s29, $0xb8;
	[tilespmem:$0x1D178] =	vst v63  }
0x189: {  	_ = 	snop  }
0x18a: {  	[spmem:s3] =	stream.indirect.scatter.add.f32 [tilespmem:s26], [sflag:$0x4], $0x1, s15, s29, $0xb8;
	[tilespmem:$0x1D178] =	vst v63  }
0x18b: {  	_ =	swait.ge [sflag:s4], $0x4000  }
0x18c: {  	[sflag:s4] =	ssyncset.done $0x0  }
0x18d: {  	[sflag:s4] =	ssyncadd.s32 $0xFFFFC000  }
0x18e: {  	[spmem:s2] =	stream.indirect.scatter.add.f32 [tilespmem:s23], [sflag:$0x5], $0x80, s15, s29, $0xb8;
	[tilespmem:$0x1D178] =	vst v63  }
0x18f: {  	_ =	swait.ge [sflag:s24], $0x4000  }
0x190: {  	[sflag:s24] =	ssyncset.done $0x0  }
0x191: {  	[sflag:s24] =	ssyncadd.s32 $0xFFFFC000  }
0x192: {  	_ =	swait.ge [sflag:s17], $0x400  }
0x193: {  	[sflag:s17] =	ssyncset.done $0x0  }
0x194: {  	[sflag:s17] =	ssyncadd.s32 $0xFFFFFC00  }
0x195: {  	_ =	swait.ge [sflag:s17], $0x400  }
0x196: {  	[sflag:s17] =	ssyncset.done $0x0  }
0x197: {  	[sflag:s17] =	ssyncadd.s32 $0xFFFFFC00  }
0x198: {  	[tilespmem:s23], [sflag:$0x1] =	stream.indirect.gather [hbm4b:s1+s29], $0x80, s13, s29, $0xb8;
	[tilespmem:$0x1D178] =	vst v63  }
0x199: {  	_ = 	snop  }
0x19a: {  	[spmem:s3] =	stream.indirect.scatter.add.f32 [tilespmem:s26], [sflag:$0x4], $0x1, s18, s29, $0xb8;
	[tilespmem:$0x1D178] =	vst v63  }
0x19b: {  	_ =	swait.ge [sflag:s9], $0x4000  }
0x19c: {  	[sflag:s9] =	ssyncset.done $0x0  }
0x19d: {  	[sflag:s9] =	ssyncadd.s32 $0xFFFFC000  }
0x19e: {  	[spmem:s2] =	stream.indirect.scatter.add.f32 [tilespmem:s0], [sflag:$0x5], $0x80, s18, s29, $0xb8;
	[tilespmem:$0x1D178] =	vst v63  }
0x19f: {  	_ =	swait.ge [sflag:s24], $0x4000  }
0x1a0: {  	[sflag:s24] =	ssyncset.done $0x0  }
0x1a1: {  	[sflag:s24] =	ssyncadd.s32 $0xFFFFC000  }
0x1a2: {  	_ =	swait.ge [sflag:s19], $0x80  }
0x1a3: {  	[sflag:s19] =	ssyncset.done $0x0  }
0x1a4: {  	[sflag:s19] =	ssyncadd.s32 $0xFFFFFF80  }
0x1a5: {  	_ =	swait.ge [sflag:s19], $0x80  }
0x1a6: {  	[sflag:s19] =	ssyncset.done $0x0  }
0x1a7: {  	[sflag:s19] =	ssyncadd.s32 $0xFFFFFF80  }
0x1a8: {  	_ =	swait.ge [sflag:s19], $0x80  }
0x1a9: {  	[sflag:s19] =	ssyncset.done $0x0  }
0x1aa: {  	[sflag:s19] =	ssyncadd.s32 $0xFFFFFF80  }
0x1ab: {  	_ =	swait.ge [sflag:s19], $0x80  }
0x1ac: {  	[sflag:s19] =	ssyncset.done $0x0  }
0x1ad: {  	[sflag:s19] =	ssyncadd.s32 $0xFFFFFF80  }
0x1ae: {  	_ =	swait.ge [sflag:s19], $0x80  }
0x1af: {  	[sflag:s19] =	ssyncset.done $0x0  }
0x1b0: {  	[sflag:s19] =	ssyncadd.s32 $0xFFFFFF80  }
0x1b1: {  	_ =	swait.ge [sflag:s19], $0x80  }
0x1b2: {  	[sflag:s19] =	ssyncset.done $0x0  }
0x1b3: {  	[sflag:s19] =	ssyncadd.s32 $0xFFFFFF80  }
0x1b4: {  	_ =	swait.ge [sflag:s19], $0x80  }
0x1b5: {  	[sflag:s19] =	ssyncset.done $0x0  }
0x1b6: {  	s7 =	sadd.s32 $0x800, s7;
	s30 =	smov.u32 s28;
	[sflag:s19] =	ssyncadd.s32 $0xFFFFFF80  }
0x1b7: {  	p1 =	seq.s32 s6, $0x400;
	s6 =	smov.u32 s30;
	_ =	swait.ge [sflag:s19], $0x80  }
0x1b8: {  	s8 =	sshrl.u32 @!p1 s7, $0x3;
	[sflag:s19] =	ssyncset.done $0x0;
	s10 =	rddreg [dreg:$0x15]  }
0x1b9: {  	s30 =	simm.s32 @!p1 $0x0;
	[sflag:s19] =	ssyncadd.s32 $0xFFFFFF80;
	s10 =	sadd.s32 @!p1 s10, s8  }
0x1ba: {  	[tilespmem:s30], [sflag:$0x3] =	stream.linear.gather @!p1 [hbm4b:s10+s30], $0x400, $0x38;
	[tilespmem:$0x1D178] =	vst v63  }
0x1bb: {  	s10 =	rddreg [dreg:$0x16]  }
0x1bc: {  	s8 =	sadd.s32 @!p1 s10, s8;
	s10 =	simm.s32 @!p1 $0x400  }
0x1bd: {  	[tilespmem:s10], [sflag:$0x3] =	stream.linear.gather @!p1 [hbm4b:s8+s30], $0x400, $0x38;
	[tilespmem:$0x1D178] =	vst v63  }
0x1be: {  	s13 =	rddreg [dreg:$0xe]  }
0x1bf: {  	[tilespmem:s0], [sflag:$0x2] =	stream.indirect.gather [hbm4b:s1+s29], $0x80, s13, s29, $0xb8;
	[tilespmem:$0x1D178] =	vst v63  }
0x1c0: {  	_ = 	snop  }
0x1c1: {  	[spmem:s3] =	stream.indirect.scatter.add.f32 [tilespmem:s26], [sflag:$0x4], $0x1, s31, s29, $0xb8;
	[tilespmem:$0x1D178] =	vst v63  }
0x1c2: {  	_ =	swait.ge [sflag:s4], $0x4000  }
0x1c3: {  	[sflag:s4] =	ssyncset.done $0x0  }
0x1c4: {  	[sflag:s4] =	ssyncadd.s32 $0xFFFFC000  }
0x1c5: {  	[spmem:s2] =	stream.indirect.scatter.add.f32 [tilespmem:s23], [sflag:$0x5], $0x80, s31, s29, $0xb8;
	[tilespmem:$0x1D178] =	vst v63  }
0x1c6: {  	_ =	swait.ge [sflag:s24], $0x4000  }
0x1c7: {  	[sflag:s24] =	ssyncset.done $0x0  }
0x1c8: {  	s10 =	rddreg [dreg:$0xf];
	[sflag:s24] =	ssyncadd.s32 $0xFFFFC000  }
0x1c9: {  	[tilespmem:s23], [sflag:$0x1] =	stream.indirect.gather [hbm4b:s1+s29], $0x80, s10, s29, $0xb8;
	[tilespmem:$0x1D178] =	vst v63  }
0x1ca: {  	_ = 	snop  }
0x1cb: {  	[spmem:s3] =	stream.indirect.scatter.add.f32 [tilespmem:s26], [sflag:$0x4], $0x1, s20, s29, $0xb8;
	[tilespmem:$0x1D178] =	vst v63  }
0x1cc: {  	_ =	swait.ge [sflag:s9], $0x4000  }
0x1cd: {  	[sflag:s9] =	ssyncset.done $0x0  }
0x1ce: {  	[sflag:s9] =	ssyncadd.s32 $0xFFFFC000  }
0x1cf: {  	[spmem:s2] =	stream.indirect.scatter.add.f32 [tilespmem:s0], [sflag:$0x5], $0x80, s20, s29, $0xb8;
	[tilespmem:$0x1D178] =	vst v63  }
0x1d0: {  	_ =	swait.ge [sflag:s24], $0x4000  }
0x1d1: {  	[sflag:s24] =	ssyncset.done $0x0  }
0x1d2: {  	s12 =	rddreg [dreg:$0x10];
	[sflag:s24] =	ssyncadd.s32 $0xFFFFC000  }
0x1d3: {  	[tilespmem:s0], [sflag:$0x2] =	stream.indirect.gather [hbm4b:s1+s29], $0x80, s12, s29, $0xb8;
	[tilespmem:$0x1D178] =	vst v63  }
0x1d4: {  	_ = 	snop  }
0x1d5: {  	[spmem:s3] =	stream.indirect.scatter.add.f32 [tilespmem:s26], [sflag:$0x4], $0x1, s21, s29, $0xb8;
	[tilespmem:$0x1D178] =	vst v63  }
0x1d6: {  	_ =	swait.ge [sflag:s4], $0x4000  }
0x1d7: {  	[sflag:s4] =	ssyncset.done $0x0  }
0x1d8: {  	[sflag:s4] =	ssyncadd.s32 $0xFFFFC000  }
0x1d9: {  	[spmem:s2] =	stream.indirect.scatter.add.f32 [tilespmem:s23], [sflag:$0x5], $0x80, s21, s29, $0xb8;
	[tilespmem:$0x1D178] =	vst v63  }
0x1da: {  	_ =	swait.ge [sflag:s24], $0x4000  }
0x1db: {  	[sflag:s24] =	ssyncset.done $0x0  }
0x1dc: {  	s13 =	rddreg [dreg:$0x11];
	[sflag:s24] =	ssyncadd.s32 $0xFFFFC000  }
0x1dd: {  	[tilespmem:s23], [sflag:$0x1] =	stream.indirect.gather [hbm4b:s1+s29], $0x80, s13, s29, $0xb8;
	[tilespmem:$0x1D178] =	vst v63  }
0x1de: {  	_ = 	snop  }
0x1df: {  	[spmem:s3] =	stream.indirect.scatter.add.f32 [tilespmem:s26], [sflag:$0x4], $0x1, s16, s29, $0xb8;
	[tilespmem:$0x1D178] =	vst v63  }
0x1e0: {  	_ =	swait.ge [sflag:s9], $0x4000  }
0x1e1: {  	[sflag:s9] =	ssyncset.done $0x0  }
0x1e2: {  	[sflag:s9] =	ssyncadd.s32 $0xFFFFC000  }
0x1e3: {  	[spmem:s2] =	stream.indirect.scatter.add.f32 [tilespmem:s0], [sflag:$0x5], $0x80, s16, s29, $0xb8;
	[tilespmem:$0x1D178] =	vst v63  }
0x1e4: {  	_ =	swait.ge [sflag:s24], $0x4000  }
0x1e5: {  	[sflag:s24] =	ssyncset.done $0x0  }
0x1e6: {  	s10 =	rddreg [dreg:$0x12];
	[sflag:s24] =	ssyncadd.s32 $0xFFFFC000  }
0x1e7: {  	[tilespmem:s0], [sflag:$0x2] =	stream.indirect.gather [hbm4b:s1+s29], $0x80, s10, s29, $0xb8;
	[tilespmem:$0x1D178] =	vst v63  }
0x1e8: {  	_ = 	snop  }
0x1e9: {  	[spmem:s3] =	stream.indirect.scatter.add.f32 [tilespmem:s26], [sflag:$0x4], $0x1, s25, s29, $0xb8;
	[tilespmem:$0x1D178] =	vst v63  }
0x1ea: {  	_ =	swait.ge [sflag:s4], $0x4000  }
0x1eb: {  	[sflag:s4] =	ssyncset.done $0x0  }
0x1ec: {  	[sflag:s4] =	ssyncadd.s32 $0xFFFFC000  }
0x1ed: {  	[spmem:s2] =	stream.indirect.scatter.add.f32 [tilespmem:s23], [sflag:$0x5], $0x80, s25, s29, $0xb8;
	[tilespmem:$0x1D178] =	vst v63  }
0x1ee: {  	_ =	swait.ge [sflag:s24], $0x4000  }
0x1ef: {  	[sflag:s24] =	ssyncset.done $0x0  }
0x1f0: {  	s12 =	rddreg [dreg:$0x13];
	[sflag:s24] =	ssyncadd.s32 $0xFFFFC000  }
0x1f1: {  	[tilespmem:s23], [sflag:$0x1] =	stream.indirect.gather [hbm4b:s1+s29], $0x80, s12, s29, $0xb8;
	[tilespmem:$0x1D178] =	vst v63  }
0x1f2: {  	_ = 	snop  }
0x1f3: {  	[spmem:s3] =	stream.indirect.scatter.add.f32 [tilespmem:s26], [sflag:$0x4], $0x1, s22, s29, $0xb8;
	[tilespmem:$0x1D178] =	vst v63  }
0x1f4: {  	_ =	swait.ge [sflag:s9], $0x4000  }
0x1f5: {  	[sflag:s9] =	ssyncset.done $0x0  }
0x1f6: {  	[sflag:s9] =	ssyncadd.s32 $0xFFFFC000  }
0x1f7: {  	[spmem:s2] =	stream.indirect.scatter.add.f32 [tilespmem:s0], [sflag:$0x5], $0x80, s22, s29, $0xb8;
	[tilespmem:$0x1D178] =	vst v63  }
0x1f8: {  	_ =	swait.ge [sflag:s24], $0x4000  }
0x1f9: {  	[sflag:s24] =	ssyncset.done $0x0  }
0x1fa: {  	s13 =	rddreg [dreg:$0x14];
	[sflag:s24] =	ssyncadd.s32 $0xFFFFC000  }
0x1fb: {  	[tilespmem:s0], [sflag:$0x2] =	stream.indirect.gather [hbm4b:s1+s29], $0x80, s13, s29, $0xb8;
	[tilespmem:$0x1D178] =	vst v63  }
0x1fc: {  	_ = 	snop  }
0x1fd: {  	[spmem:s3] =	stream.indirect.scatter.add.f32 [tilespmem:s26], [sflag:$0x4], $0x1, s11, s29, $0xb8;
	[tilespmem:$0x1D178] =	vst v63  }
0x1fe: {  	_ =	swait.ge [sflag:s4], $0x4000  }
0x1ff: {  	[sflag:s4] =	ssyncset.done $0x0  }
0x200: {  	[sflag:s4] =	ssyncadd.s32 $0xFFFFC000  }
0x201: {  	[spmem:s2] =	stream.indirect.scatter.add.f32 [tilespmem:s23], [sflag:$0x5], $0x80, s11, s29, $0xb8;
	[tilespmem:$0x1D178] =	vst v63  }
0x202: {  	_ =	swait.ge [sflag:s24], $0x4000  }
0x203: {  	[sflag:s24] =	ssyncset.done $0x0  }
0x204: {  	s8 =	simm.s32 @!p1 $0x3;
	[sflag:s24] =	ssyncadd.s32 $0xFFFFC000  }
0x205: {  	_ =	swait.ge @!p1 [sflag:s8], $0x400  }
0x206: {  	[sflag:s8] =	ssyncset.done @!p1 $0x0  }
0x207: {  	[sflag:s8] =	ssyncadd.s32 @!p1 $0xFFFFFC00  }
0x208: {  	_ =	swait.ge @!p1 [sflag:s8], $0x400  }
0x209: {  	[sflag:s8] =	ssyncset.done @!p1 $0x0  }
0x20a: {  	s10 =	simm.s32 @!p1 $0x1000;
	[sflag:s8] =	ssyncadd.s32 @!p1 $0xFFFFFC00;
	s8 =	simm.s32 @!p1 $0x80  }
0x20b: {  	[tilespmem:s10], [sflag:$0x1] =	stream.indirect.gather @!p1 [hbm4b:s1+s8], $0x80, s30, s8, $0xb8;
	[tilespmem:$0x1D178] =	vst v63  }
0x20c: {  	_ = 	snop  }
0x20d: {  	[spmem:s3] =	stream.indirect.scatter.add.f32 [tilespmem:s26], [sflag:$0x4], $0x1, s5, s29, $0xb8;
	[tilespmem:$0x1D178] =	vst v63  }
0x20e: {  	_ =	swait.ge [sflag:s9], $0x4000  }
0x20f: {  	[sflag:s9] =	ssyncset.done $0x0  }
0x210: {  	[sflag:s9] =	ssyncadd.s32 $0xFFFFC000  }
0x211: {  	[spmem:s2] =	stream.indirect.scatter.add.f32 [tilespmem:s0], [sflag:$0x5], $0x80, s5, s29, $0xb8;
	[tilespmem:$0x1D178] =	vst v63  }
0x212: {  	_ =	swait.ge [sflag:s24], $0x4000  }
0x213: {  	[sflag:s24] =	ssyncset.done $0x0  }
0x214: {  	[sflag:s24] =	ssyncadd.s32 $0xFFFFC000  }
0x215: {  	_ =	swait.ge [sflag:s19], $0x80  }
0x216: {  	[sflag:s19] =	ssyncset.done $0x0  }
0x217: {  	[sflag:s19] =	ssyncadd.s32 $0xFFFFFF80  }
0x218: {  	_ =	swait.ge [sflag:s19], $0x80  }
0x219: {  	[sflag:s19] =	ssyncset.done $0x0  }
0x21a: {  	[sflag:s19] =	ssyncadd.s32 $0xFFFFFF80  }
0x21b: {  	_ =	swait.ge [sflag:s19], $0x80  }
0x21c: {  	[sflag:s19] =	ssyncset.done $0x0  }
0x21d: {  	[sflag:s19] =	ssyncadd.s32 $0xFFFFFF80  }
0x21e: {  	_ =	swait.ge [sflag:s19], $0x80  }
0x21f: {  	[sflag:s19] =	ssyncset.done $0x0  }
0x220: {  	[sflag:s19] =	ssyncadd.s32 $0xFFFFFF80  }
0x221: {  	_ =	swait.ge [sflag:s19], $0x80  }
0x222: {  	[sflag:s19] =	ssyncset.done $0x0  }
0x223: {  	[sflag:s19] =	ssyncadd.s32 $0xFFFFFF80  }
0x224: {  	_ =	swait.ge [sflag:s19], $0x80  }
0x225: {  	s28 =	sadd.s32 $0x100, s28;
	[sflag:s19] =	ssyncset.done $0x0  }
0x226: {  	p0 =	sne.s32 s28, $0x500;
	[sflag:s19] =	ssyncadd.s32 $0xFFFFFF80  }
.Ltmp0:
0x227: {  	_ =	swait.ge [sflag:s19], $0x80;
	(pc) =	sbr.rel @p0 .LBB2_2-.Ltmp0, $4  }
0x228: {  	[sflag:s19] =	ssyncset.done $0x0  }
0x229: {  	[sflag:s19] =	ssyncadd.s32 $0xFFFFFF80  }
0x22a: {  	_ =	swait.ge [sflag:s19], $0x80  }
0x22b: {  	s8 =	rddreg [dreg:$0x7];
	[sflag:s19] =	ssyncset.done $0x0  }
0x22c: {  	s10 =	rddreg [dreg:$0x6];
	[sflag:s19] =	ssyncadd.s32 $0xFFFFFF80  }
0x22d: {  	s8 =	sadd.s32 s6, s8;
	s12 =	simm.s32 $0x0;
	s13 =	simm.s32 $0x800  }
0x22e: {  	[tilespmem:s13], [sflag:$0x3] =	stream.linear.gather [hbm4b:s8+s12], $0x400, $0x38;
	[tilespmem:$0x1D178] =	vst v63  }
0x22f: {  	s10 =	sadd.s32 s6, s10  }
0x230: {  	[tilespmem:s31], [sflag:$0x3] =	stream.linear.gather [hbm4b:s10+s12], $0x400, $0x38;
	[tilespmem:$0x1D178] =	vst v63  }
0x231: {  	_ = 	snop  }
0x232: {  	[tilespmem:s0], [sflag:$0x2] =	stream.indirect.gather [hbm4b:s1+s29], $0x80, s29, s29, $0xb8;
	[tilespmem:$0x1D178] =	vst v63  }
0x233: {  	s10 =	simm.s32 $0x400  }
0x234: {  	[spmem:s3] =	stream.indirect.scatter.add.f32 [tilespmem:s26], [sflag:$0x4], $0x1, s10, s29, $0xb8;
	[tilespmem:$0x1D178] =	vst v63  }
0x235: {  	_ =	swait.ge [sflag:s4], $0x4000  }
0x236: {  	[sflag:s4] =	ssyncset.done $0x0  }
0x237: {  	[sflag:s4] =	ssyncadd.s32 $0xFFFFC000  }
0x238: {  	[spmem:s2] =	stream.indirect.scatter.add.f32 [tilespmem:s23], [sflag:$0x5], $0x80, s10, s29, $0xb8;
	[tilespmem:$0x1D178] =	vst v63  }
0x239: {  	_ =	swait.ge [sflag:s24], $0x4000  }
0x23a: {  	[sflag:s24] =	ssyncset.done $0x0  }
0x23b: {  	s10 =	rddreg [dreg:$0x8];
	[sflag:s24] =	ssyncadd.s32 $0xFFFFC000  }
0x23c: {  	[tilespmem:s23], [sflag:$0x1] =	stream.indirect.gather [hbm4b:s1+s29], $0x80, s10, s29, $0xb8;
	[tilespmem:$0x1D178] =	vst v63  }
0x23d: {  	s10 =	simm.s32 $0x480  }
0x23e: {  	[spmem:s3] =	stream.indirect.scatter.add.f32 [tilespmem:s26], [sflag:$0x4], $0x1, s10, s29, $0xb8;
	[tilespmem:$0x1D178] =	vst v63  }
0x23f: {  	_ =	swait.ge [sflag:s9], $0x4000  }
0x240: {  	[sflag:s9] =	ssyncset.done $0x0  }
0x241: {  	[sflag:s9] =	ssyncadd.s32 $0xFFFFC000  }
0x242: {  	[spmem:s2] =	stream.indirect.scatter.add.f32 [tilespmem:s0], [sflag:$0x5], $0x80, s10, s29, $0xb8;
	[tilespmem:$0x1D178] =	vst v63  }
0x243: {  	_ =	swait.ge [sflag:s24], $0x4000  }
0x244: {  	[sflag:s24] =	ssyncset.done $0x0  }
0x245: {  	s10 =	rddreg [dreg:$0x9];
	[sflag:s24] =	ssyncadd.s32 $0xFFFFC000  }
0x246: {  	[tilespmem:s0], [sflag:$0x2] =	stream.indirect.gather [hbm4b:s1+s29], $0x80, s10, s29, $0xb8;
	[tilespmem:$0x1D178] =	vst v63  }
0x247: {  	s10 =	simm.s32 $0x500  }
0x248: {  	[spmem:s3] =	stream.indirect.scatter.add.f32 [tilespmem:s26], [sflag:$0x4], $0x1, s10, s29, $0xb8;
	[tilespmem:$0x1D178] =	vst v63  }
0x249: {  	_ =	swait.ge [sflag:s4], $0x4000  }
0x24a: {  	[sflag:s4] =	ssyncset.done $0x0  }
0x24b: {  	[sflag:s4] =	ssyncadd.s32 $0xFFFFC000  }
0x24c: {  	[spmem:s2] =	stream.indirect.scatter.add.f32 [tilespmem:s23], [sflag:$0x5], $0x80, s10, s29, $0xb8;
	[tilespmem:$0x1D178] =	vst v63  }
0x24d: {  	_ =	swait.ge [sflag:s24], $0x4000  }
0x24e: {  	[sflag:s24] =	ssyncset.done $0x0  }
0x24f: {  	s10 =	rddreg [dreg:$0xa];
	[sflag:s24] =	ssyncadd.s32 $0xFFFFC000  }
0x250: {  	[tilespmem:s23], [sflag:$0x1] =	stream.indirect.gather [hbm4b:s1+s29], $0x80, s10, s29, $0xb8;
	[tilespmem:$0x1D178] =	vst v63  }
0x251: {  	s10 =	simm.s32 $0x580  }
0x252: {  	[spmem:s3] =	stream.indirect.scatter.add.f32 [tilespmem:s26], [sflag:$0x4], $0x1, s10, s29, $0xb8;
	[tilespmem:$0x1D178] =	vst v63  }
0x253: {  	_ =	swait.ge [sflag:s9], $0x4000  }
0x254: {  	[sflag:s9] =	ssyncset.done $0x0  }
0x255: {  	[sflag:s9] =	ssyncadd.s32 $0xFFFFC000  }
0x256: {  	[spmem:s2] =	stream.indirect.scatter.add.f32 [tilespmem:s0], [sflag:$0x5], $0x80, s10, s29, $0xb8;
	[tilespmem:$0x1D178] =	vst v63  }
0x257: {  	_ =	swait.ge [sflag:s24], $0x4000  }
0x258: {  	[sflag:s24] =	ssyncset.done $0x0  }
0x259: {  	s10 =	rddreg [dreg:$0xb];
	[sflag:s24] =	ssyncadd.s32 $0xFFFFC000  }
0x25a: {  	[tilespmem:s0], [sflag:$0x2] =	stream.indirect.gather [hbm4b:s1+s29], $0x80, s10, s29, $0xb8;
	[tilespmem:$0x1D178] =	vst v63  }
0x25b: {  	s10 =	simm.s32 $0x600  }
0x25c: {  	[spmem:s3] =	stream.indirect.scatter.add.f32 [tilespmem:s26], [sflag:$0x4], $0x1, s10, s29, $0xb8;
	[tilespmem:$0x1D178] =	vst v63  }
0x25d: {  	_ =	swait.ge [sflag:s4], $0x4000  }
0x25e: {  	[sflag:s4] =	ssyncset.done $0x0  }
0x25f: {  	[sflag:s4] =	ssyncadd.s32 $0xFFFFC000  }
0x260: {  	[spmem:s2] =	stream.indirect.scatter.add.f32 [tilespmem:s23], [sflag:$0x5], $0x80, s10, s29, $0xb8;
	[tilespmem:$0x1D178] =	vst v63  }
0x261: {  	_ =	swait.ge [sflag:s24], $0x4000  }
0x262: {  	[sflag:s24] =	ssyncset.done $0x0  }
0x263: {  	s10 =	rddreg [dreg:$0xc];
	[sflag:s24] =	ssyncadd.s32 $0xFFFFC000  }
0x264: {  	[tilespmem:s23], [sflag:$0x1] =	stream.indirect.gather [hbm4b:s1+s29], $0x80, s10, s29, $0xb8;
	[tilespmem:$0x1D178] =	vst v63  }
0x265: {  	_ = 	snop  }
0x266: {  	[spmem:s3] =	stream.indirect.scatter.add.f32 [tilespmem:s26], [sflag:$0x4], $0x1, s14, s29, $0xb8;
	[tilespmem:$0x1D178] =	vst v63  }
0x267: {  	_ =	swait.ge [sflag:s9], $0x4000  }
0x268: {  	[sflag:s9] =	ssyncset.done $0x0  }
0x269: {  	[sflag:s9] =	ssyncadd.s32 $0xFFFFC000  }
0x26a: {  	[spmem:s2] =	stream.indirect.scatter.add.f32 [tilespmem:s0], [sflag:$0x5], $0x80, s14, s29, $0xb8;
	[tilespmem:$0x1D178] =	vst v63  }
0x26b: {  	_ =	swait.ge [sflag:s24], $0x4000  }
0x26c: {  	[sflag:s24] =	ssyncset.done $0x0  }
0x26d: {  	s10 =	rddreg [dreg:$0xd];
	[sflag:s24] =	ssyncadd.s32 $0xFFFFC000  }
0x26e: {  	[tilespmem:s0], [sflag:$0x2] =	stream.indirect.gather [hbm4b:s1+s29], $0x80, s10, s29, $0xb8;
	[tilespmem:$0x1D178] =	vst v63  }
0x26f: {  	_ = 	snop  }
0x270: {  	[spmem:s3] =	stream.indirect.scatter.add.f32 [tilespmem:s26], [sflag:$0x4], $0x1, s15, s29, $0xb8;
	[tilespmem:$0x1D178] =	vst v63  }
0x271: {  	_ =	swait.ge [sflag:s4], $0x4000  }
0x272: {  	[sflag:s4] =	ssyncset.done $0x0  }
0x273: {  	[sflag:s4] =	ssyncadd.s32 $0xFFFFC000  }
0x274: {  	[spmem:s2] =	stream.indirect.scatter.add.f32 [tilespmem:s23], [sflag:$0x5], $0x80, s15, s29, $0xb8;
	[tilespmem:$0x1D178] =	vst v63  }
0x275: {  	_ =	swait.ge [sflag:s24], $0x4000  }
0x276: {  	[sflag:s24] =	ssyncset.done $0x0  }
0x277: {  	[sflag:s24] =	ssyncadd.s32 $0xFFFFC000  }
0x278: {  	_ =	swait.ge [sflag:s17], $0x400  }
0x279: {  	[sflag:s17] =	ssyncset.done $0x0  }
0x27a: {  	[sflag:s17] =	ssyncadd.s32 $0xFFFFFC00  }
0x27b: {  	_ =	swait.ge [sflag:s17], $0x400  }
0x27c: {  	[sflag:s17] =	ssyncset.done $0x0  }
0x27d: {  	[sflag:s17] =	ssyncadd.s32 $0xFFFFFC00  }
0x27e: {  	[tilespmem:s23], [sflag:$0x1] =	stream.indirect.gather [hbm4b:s1+s29], $0x80, s13, s29, $0xb8;
	[tilespmem:$0x1D178] =	vst v63  }
0x27f: {  	_ = 	snop  }
0x280: {  	[spmem:s3] =	stream.indirect.scatter.add.f32 [tilespmem:s26], [sflag:$0x4], $0x1, s18, s29, $0xb8;
	[tilespmem:$0x1D178] =	vst v63  }
0x281: {  	_ =	swait.ge [sflag:s9], $0x4000  }
0x282: {  	[sflag:s9] =	ssyncset.done $0x0  }
0x283: {  	[sflag:s9] =	ssyncadd.s32 $0xFFFFC000  }
0x284: {  	[spmem:s2] =	stream.indirect.scatter.add.f32 [tilespmem:s0], [sflag:$0x5], $0x80, s18, s29, $0xb8;
	[tilespmem:$0x1D178] =	vst v63  }
0x285: {  	_ =	swait.ge [sflag:s24], $0x4000  }
0x286: {  	[sflag:s24] =	ssyncset.done $0x0  }
0x287: {  	[sflag:s24] =	ssyncadd.s32 $0xFFFFC000  }
0x288: {  	_ =	swait.ge [sflag:s19], $0x80  }
0x289: {  	[sflag:s19] =	ssyncset.done $0x0  }
0x28a: {  	[sflag:s19] =	ssyncadd.s32 $0xFFFFFF80  }
0x28b: {  	_ =	swait.ge [sflag:s19], $0x80  }
0x28c: {  	[sflag:s19] =	ssyncset.done $0x0  }
0x28d: {  	[sflag:s19] =	ssyncadd.s32 $0xFFFFFF80  }
0x28e: {  	_ =	swait.ge [sflag:s19], $0x80  }
0x28f: {  	[sflag:s19] =	ssyncset.done $0x0  }
0x290: {  	[sflag:s19] =	ssyncadd.s32 $0xFFFFFF80  }
0x291: {  	_ =	swait.ge [sflag:s19], $0x80  }
0x292: {  	[sflag:s19] =	ssyncset.done $0x0  }
0x293: {  	[sflag:s19] =	ssyncadd.s32 $0xFFFFFF80  }
0x294: {  	_ =	swait.ge [sflag:s19], $0x80  }
0x295: {  	[sflag:s19] =	ssyncset.done $0x0  }
0x296: {  	[sflag:s19] =	ssyncadd.s32 $0xFFFFFF80  }
0x297: {  	_ =	swait.ge [sflag:s19], $0x80  }
0x298: {  	[sflag:s19] =	ssyncset.done $0x0  }
0x299: {  	[sflag:s19] =	ssyncadd.s32 $0xFFFFFF80  }
0x29a: {  	_ =	swait.ge [sflag:s19], $0x80  }
0x29b: {  	[sflag:s19] =	ssyncset.done $0x0  }
0x29c: {  	[sflag:s19] =	ssyncadd.s32 $0xFFFFFF80  }
0x29d: {  	s7 =	sadd.s32 $0x800, s7;
	p0 =	seq.s32 s6, $0x400;
	_ =	swait.ge [sflag:s19], $0x80  }
0x29e: {  	s7 =	sshrl.u32 @!p0 s7, $0x3;
	[sflag:s19] =	ssyncset.done $0x0;
	s6 =	rddreg [dreg:$0x15]  }
0x29f: {  	[sflag:s19] =	ssyncadd.s32 $0xFFFFFF80;
	s8 =	sadd.s32 @!p0 s6, s7;
	s6 =	simm.s32 @!p0 $0x0  }
0x2a0: {  	[tilespmem:s6], [sflag:$0x3] =	stream.linear.gather @!p0 [hbm4b:s8+s6], $0x400, $0x38;
	[tilespmem:$0x1D178] =	vst v63  }
0x2a1: {  	s8 =	rddreg [dreg:$0x16]  }
0x2a2: {  	s7 =	sadd.s32 @!p0 s8, s7;
	s8 =	simm.s32 @!p0 $0x400  }
0x2a3: {  	[tilespmem:s8], [sflag:$0x3] =	stream.linear.gather @!p0 [hbm4b:s7+s6], $0x400, $0x38;
	[tilespmem:$0x1D178] =	vst v63  }
0x2a4: {  	s13 =	rddreg [dreg:$0xe]  }
0x2a5: {  	[tilespmem:s0], [sflag:$0x2] =	stream.indirect.gather [hbm4b:s1+s29], $0x80, s13, s29, $0xb8;
	[tilespmem:$0x1D178] =	vst v63  }
0x2a6: {  	_ = 	snop  }
0x2a7: {  	[spmem:s3] =	stream.indirect.scatter.add.f32 [tilespmem:s26], [sflag:$0x4], $0x1, s31, s29, $0xb8;
	[tilespmem:$0x1D178] =	vst v63  }
0x2a8: {  	_ =	swait.ge [sflag:s4], $0x4000  }
0x2a9: {  	[sflag:s4] =	ssyncset.done $0x0  }
0x2aa: {  	[sflag:s4] =	ssyncadd.s32 $0xFFFFC000  }
0x2ab: {  	[spmem:s2] =	stream.indirect.scatter.add.f32 [tilespmem:s23], [sflag:$0x5], $0x80, s31, s29, $0xb8;
	[tilespmem:$0x1D178] =	vst v63  }
0x2ac: {  	_ =	swait.ge [sflag:s24], $0x4000  }
0x2ad: {  	[sflag:s24] =	ssyncset.done $0x0  }
0x2ae: {  	s8 =	rddreg [dreg:$0xf];
	[sflag:s24] =	ssyncadd.s32 $0xFFFFC000  }
0x2af: {  	[tilespmem:s23], [sflag:$0x1] =	stream.indirect.gather [hbm4b:s1+s29], $0x80, s8, s29, $0xb8;
	[tilespmem:$0x1D178] =	vst v63  }
0x2b0: {  	_ = 	snop  }
0x2b1: {  	[spmem:s3] =	stream.indirect.scatter.add.f32 [tilespmem:s26], [sflag:$0x4], $0x1, s20, s29, $0xb8;
	[tilespmem:$0x1D178] =	vst v63  }
0x2b2: {  	_ =	swait.ge [sflag:s9], $0x4000  }
0x2b3: {  	[sflag:s9] =	ssyncset.done $0x0  }
0x2b4: {  	[sflag:s9] =	ssyncadd.s32 $0xFFFFC000  }
0x2b5: {  	[spmem:s2] =	stream.indirect.scatter.add.f32 [tilespmem:s0], [sflag:$0x5], $0x80, s20, s29, $0xb8;
	[tilespmem:$0x1D178] =	vst v63  }
0x2b6: {  	_ =	swait.ge [sflag:s24], $0x4000  }
0x2b7: {  	[sflag:s24] =	ssyncset.done $0x0  }
0x2b8: {  	s10 =	rddreg [dreg:$0x10];
	[sflag:s24] =	ssyncadd.s32 $0xFFFFC000  }
0x2b9: {  	[tilespmem:s0], [sflag:$0x2] =	stream.indirect.gather [hbm4b:s1+s29], $0x80, s10, s29, $0xb8;
	[tilespmem:$0x1D178] =	vst v63  }
0x2ba: {  	_ = 	snop  }
0x2bb: {  	[spmem:s3] =	stream.indirect.scatter.add.f32 [tilespmem:s26], [sflag:$0x4], $0x1, s21, s29, $0xb8;
	[tilespmem:$0x1D178] =	vst v63  }
0x2bc: {  	_ =	swait.ge [sflag:s4], $0x4000  }
0x2bd: {  	[sflag:s4] =	ssyncset.done $0x0  }
0x2be: {  	[sflag:s4] =	ssyncadd.s32 $0xFFFFC000  }
0x2bf: {  	[spmem:s2] =	stream.indirect.scatter.add.f32 [tilespmem:s23], [sflag:$0x5], $0x80, s21, s29, $0xb8;
	[tilespmem:$0x1D178] =	vst v63  }
0x2c0: {  	_ =	swait.ge [sflag:s24], $0x4000  }
0x2c1: {  	[sflag:s24] =	ssyncset.done $0x0  }
0x2c2: {  	s13 =	rddreg [dreg:$0x11];
	[sflag:s24] =	ssyncadd.s32 $0xFFFFC000  }
0x2c3: {  	[tilespmem:s23], [sflag:$0x1] =	stream.indirect.gather [hbm4b:s1+s29], $0x80, s13, s29, $0xb8;
	[tilespmem:$0x1D178] =	vst v63  }
0x2c4: {  	_ = 	snop  }
0x2c5: {  	[spmem:s3] =	stream.indirect.scatter.add.f32 [tilespmem:s26], [sflag:$0x4], $0x1, s16, s29, $0xb8;
	[tilespmem:$0x1D178] =	vst v63  }
0x2c6: {  	_ =	swait.ge [sflag:s9], $0x4000  }
0x2c7: {  	[sflag:s9] =	ssyncset.done $0x0  }
0x2c8: {  	[sflag:s9] =	ssyncadd.s32 $0xFFFFC000  }
0x2c9: {  	[spmem:s2] =	stream.indirect.scatter.add.f32 [tilespmem:s0], [sflag:$0x5], $0x80, s16, s29, $0xb8;
	[tilespmem:$0x1D178] =	vst v63  }
0x2ca: {  	_ =	swait.ge [sflag:s24], $0x4000  }
0x2cb: {  	[sflag:s24] =	ssyncset.done $0x0  }
0x2cc: {  	s8 =	rddreg [dreg:$0x12];
	[sflag:s24] =	ssyncadd.s32 $0xFFFFC000  }
0x2cd: {  	[tilespmem:s0], [sflag:$0x2] =	stream.indirect.gather [hbm4b:s1+s29], $0x80, s8, s29, $0xb8;
	[tilespmem:$0x1D178] =	vst v63  }
0x2ce: {  	_ = 	snop  }
0x2cf: {  	[spmem:s3] =	stream.indirect.scatter.add.f32 [tilespmem:s26], [sflag:$0x4], $0x1, s25, s29, $0xb8;
	[tilespmem:$0x1D178] =	vst v63  }
0x2d0: {  	_ =	swait.ge [sflag:s4], $0x4000  }
0x2d1: {  	[sflag:s4] =	ssyncset.done $0x0  }
0x2d2: {  	[sflag:s4] =	ssyncadd.s32 $0xFFFFC000  }
0x2d3: {  	[spmem:s2] =	stream.indirect.scatter.add.f32 [tilespmem:s23], [sflag:$0x5], $0x80, s25, s29, $0xb8;
	[tilespmem:$0x1D178] =	vst v63  }
0x2d4: {  	_ =	swait.ge [sflag:s24], $0x4000  }
0x2d5: {  	[sflag:s24] =	ssyncset.done $0x0  }
0x2d6: {  	s10 =	rddreg [dreg:$0x13];
	[sflag:s24] =	ssyncadd.s32 $0xFFFFC000  }
0x2d7: {  	[tilespmem:s23], [sflag:$0x1] =	stream.indirect.gather [hbm4b:s1+s29], $0x80, s10, s29, $0xb8;
	[tilespmem:$0x1D178] =	vst v63  }
0x2d8: {  	_ = 	snop  }
0x2d9: {  	[spmem:s3] =	stream.indirect.scatter.add.f32 [tilespmem:s26], [sflag:$0x4], $0x1, s22, s29, $0xb8;
	[tilespmem:$0x1D178] =	vst v63  }
0x2da: {  	_ =	swait.ge [sflag:s9], $0x4000  }
0x2db: {  	[sflag:s9] =	ssyncset.done $0x0  }
0x2dc: {  	[sflag:s9] =	ssyncadd.s32 $0xFFFFC000  }
0x2dd: {  	[spmem:s2] =	stream.indirect.scatter.add.f32 [tilespmem:s0], [sflag:$0x5], $0x80, s22, s29, $0xb8;
	[tilespmem:$0x1D178] =	vst v63  }
0x2de: {  	_ =	swait.ge [sflag:s24], $0x4000  }
0x2df: {  	[sflag:s24] =	ssyncset.done $0x0  }
0x2e0: {  	s13 =	rddreg [dreg:$0x14];
	[sflag:s24] =	ssyncadd.s32 $0xFFFFC000  }
0x2e1: {  	[tilespmem:s0], [sflag:$0x2] =	stream.indirect.gather [hbm4b:s1+s29], $0x80, s13, s29, $0xb8;
	[tilespmem:$0x1D178] =	vst v63  }
0x2e2: {  	_ = 	snop  }
0x2e3: {  	[spmem:s3] =	stream.indirect.scatter.add.f32 [tilespmem:s26], [sflag:$0x4], $0x1, s11, s29, $0xb8;
	[tilespmem:$0x1D178] =	vst v63  }
0x2e4: {  	_ =	swait.ge [sflag:s4], $0x4000  }
0x2e5: {  	[sflag:s4] =	ssyncset.done $0x0  }
0x2e6: {  	[sflag:s4] =	ssyncadd.s32 $0xFFFFC000  }
0x2e7: {  	[spmem:s2] =	stream.indirect.scatter.add.f32 [tilespmem:s23], [sflag:$0x5], $0x80, s11, s29, $0xb8;
	[tilespmem:$0x1D178] =	vst v63  }
0x2e8: {  	_ =	swait.ge [sflag:s24], $0x4000  }
0x2e9: {  	[sflag:s24] =	ssyncset.done $0x0  }
0x2ea: {  	s7 =	simm.s32 @!p0 $0x3;
	[sflag:s24] =	ssyncadd.s32 $0xFFFFC000  }
0x2eb: {  	_ =	swait.ge @!p0 [sflag:s7], $0x400  }
0x2ec: {  	[sflag:s7] =	ssyncset.done @!p0 $0x0  }
0x2ed: {  	[sflag:s7] =	ssyncadd.s32 @!p0 $0xFFFFFC00  }
0x2ee: {  	_ =	swait.ge @!p0 [sflag:s7], $0x400  }
0x2ef: {  	[sflag:s7] =	ssyncset.done @!p0 $0x0  }
0x2f0: {  	s8 =	simm.s32 @!p0 $0x1000;
	[sflag:s7] =	ssyncadd.s32 @!p0 $0xFFFFFC00;
	s7 =	simm.s32 @!p0 $0x80  }
0x2f1: {  	[tilespmem:s8], [sflag:$0x1] =	stream.indirect.gather @!p0 [hbm4b:s1+s7], $0x80, s6, s7, $0xb8;
	[tilespmem:$0x1D178] =	vst v63  }
0x2f2: {  	_ = 	snop  }
0x2f3: {  	[spmem:s3] =	stream.indirect.scatter.add.f32 [tilespmem:s26], [sflag:$0x4], $0x1, s5, s29, $0xb8;
	[tilespmem:$0x1D178] =	vst v63  }
0x2f4: {  	_ =	swait.ge [sflag:s9], $0x4000  }
0x2f5: {  	[sflag:s9] =	ssyncset.done $0x0  }
0x2f6: {  	[sflag:s9] =	ssyncadd.s32 $0xFFFFC000  }
0x2f7: {  	[spmem:s2] =	stream.indirect.scatter.add.f32 [tilespmem:s0], [sflag:$0x5], $0x80, s5, s29, $0xb8;
	[tilespmem:$0x1D178] =	vst v63  }
0x2f8: {  	_ =	swait.ge [sflag:s24], $0x4000  }
0x2f9: {  	[sflag:s24] =	ssyncset.done $0x0  }
0x2fa: {  	[sflag:s24] =	ssyncadd.s32 $0xFFFFC000  }
0x2fb: {  	_ =	swait.ge [sflag:s19], $0x80  }
0x2fc: {  	[sflag:s19] =	ssyncset.done $0x0  }
0x2fd: {  	[sflag:s19] =	ssyncadd.s32 $0xFFFFFF80  }
0x2fe: {  	_ =	swait.ge [sflag:s19], $0x80  }
0x2ff: {  	[sflag:s19] =	ssyncset.done $0x0  }
0x300: {  	[sflag:s19] =	ssyncadd.s32 $0xFFFFFF80  }
0x301: {  	_ =	swait.ge [sflag:s19], $0x80  }
0x302: {  	[sflag:s19] =	ssyncset.done $0x0  }
0x303: {  	[sflag:s19] =	ssyncadd.s32 $0xFFFFFF80  }
0x304: {  	_ =	swait.ge [sflag:s19], $0x80  }
0x305: {  	[sflag:s19] =	ssyncset.done $0x0  }
0x306: {  	[sflag:s19] =	ssyncadd.s32 $0xFFFFFF80  }
0x307: {  	_ =	swait.ge [sflag:s19], $0x80  }
0x308: {  	[sflag:s19] =	ssyncset.done $0x0  }
0x309: {  	[sflag:s19] =	ssyncadd.s32 $0xFFFFFF80  }
0x30a: {  	_ =	swait.ge [sflag:s19], $0x80  }
0x30b: {  	[sflag:s19] =	ssyncset.done $0x0  }
0x30c: {  	[sflag:s19] =	ssyncadd.s32 $0xFFFFFF80  }
0x30d: {  	_ =	swait.ge [sflag:s19], $0x80  }
0x30e: {  	[sflag:s19] =	ssyncset.done $0x0  }
0x30f: {  	[sflag:s19] =	ssyncadd.s32 $0xFFFFFF80  }
0x310: {  	_ =	swait.ge [sflag:s19], $0x80  }
0x311: {  	[sflag:s19] =	ssyncset.done $0x0  }
0x312: {  	[sflag:s19] =	ssyncadd.s32 $0xFFFFFF80  }
0x313: {  	[bflag:$0x0] =	sbarrier.arrive $0xFFFF  }
0x314: {  	s8 =	stileid.u32;
	s13 =	sld [smem:$0x7FA]  }
0x315: {  	s6 =	sshll.u32 s8, $0x6;
	s28 =	rddreg [dreg:$0x1a]  }
0x316: {  	s6 =	sor.u32 $0x1C05, s6;
	s10 =	sshrl.u32 s28, $0x3  }
0x317: {  	[hbm:s13], [sflag:s6] =	dma.local [spmem:s10], $0x2780  }
0x318: {  	_ =	swait.ge [sflag:s24], $0x2780  }
0x319: {  	[sflag:s24] =	ssyncset.done $0x0  }
0x31a: {  	s7 =	simm.s32 $0x9080;
	s30 =	rddreg [dreg:$0x1f];
	[sflag:s24] =	ssyncadd.s32 $0xFFFFD880  }
0x31b: {  	[tilespmem:s7], [sflag:$0x5] =	stream.linear.gather [spmem:s30], $0x278, $0x38;
	[tilespmem:$0x1D178] =	vst v63  }
0x31c: {  	_ =	swait.ge [sflag:s24], $0x278  }
0x31d: {  	s10 =	sld [smem:$0x7FC]  }
0x31e: {  	[sflag:s24] =	ssyncset.done $0x0  }
0x31f: {  	[sflag:s24] =	ssyncadd.s32 $0xFFFFFD88  }
0x320: {  	[hbm4b:s10+s12] =	stream.linear.scatter [tilespmem:s7], [sflag:$0x5], $0x278, $0x38;
	[tilespmem:$0x1D178] =	vst v63  }
0x321: {  	_ =	swait.ge [sflag:s24], $0x278  }
0x322: {  	s12 =	sld [smem:$0x7F7]  }
0x323: {  	s13 =	sld [smem:$0x7FB];
	_ =	sdelay $0x1  }
0x324: {  	s8 =	sadd.s32 $0x1, s12  }
0x325: {  	p0 =	sne.s32 s8, s13  }
.Ltmp1:
0x326: {  	_ = 	snop;
	(pc) =	sbr.rel @p0 .LBB2_1-.Ltmp1, $3  }
0x327: {  	_ =	sdelay $0x1  }
0x328: {  	[sflag:s24] =	ssyncset.done $0x0  }
0x329: {  	[sflag:s24] =	ssyncadd.s32 $0xFFFFFD88  }
0x32a: {  	_ =	sfence.sel $0x180000  }
0x32b: {  	[bflag:$0x0] =	sbarrier.arrive $0xFFFF  }
0x32c: {  	_ =	strace $0x90000047  }
0x32d: {  	s0 =	stileid.u32;
	[bflag:$0x2] =	sbarrier.arrive $0xFFFF  }
0x32e: {  	p0 =	sne.s32 s0, $0x0;
	s0 =	rddreg [dreg:$0x5]  }
0x32f: {  	s0 =	sadd.s32 @!p0 $0x100000, s0  }
0x330: {  	[sflag:s0] =	ssyncadd.tile.s32 @!p0 $0x1;
	_ =	shalt  }
.Lfunc_end2:
_tile_overlayer_lowered:
.L_overlay_start_2:
0x331: {  	(tag) =	ssettag $0x2  }
0x332: {  	s0 =	rddreg [dreg:$0x0];
	s2 =	stileid.u32  }
0x333: {  	s1 =	rddreg [dreg:$0x1];
	p0 =	sne.s32 s2, $0x0  }
0x334: {  	s3 =	rddreg [dreg:$0x2];
	[bflag:$0x3] =	sbarrier.arrive $0xFFFF;
	s2 =	simm.s32 @!p0 $0x1C05  }
0x335: {  	[timem:s3], [sflag:s2] =	dma.local @!p0 [hbm:s0], s1  }
0x336: {  	s0 =	simm.s32 @!p0 $0x5  }
0x337: {  	_ =	swait.ge @!p0 [sflag:s0], s1  }
0x338: {  	s1 =	ssub.s32 @!p0 $0x0, s1;
	[sflag:s0] =	ssyncset.done @!p0 $0x0  }
0x339: {  	[sflag:s0] =	ssyncadd.s32 @!p0 s1  }
0x33a: {  	[bflag:$0x3] =	sbarrier.arrive $0xFFFF  }
0x33b: {  	_ =	shalt  }

// kernel: kernel.9.cloned.1.call-start
scs
__scs_entry_jumppad:
0x0: {  	(pc) =	sbr.rel $0x88, $3  }
0x1: {  	(tag) =	ssettag $0x0;
	lr =	simm.s32 $0x1  }
0x2: {  	[smem:$0x3F99] =	sst lr;
	_ =	strace $0xD0000000  }
0x3: {  	_ = 	snop  }
0x4: {  	_ = 	snop  }
0x5: {  	_ = 	snop  }
0x6: {  	_ = 	snop  }
0x7: {  	_ = 	snop  }
__scs_overlays_trampoline_lowered:
0x8: {  	[smem:$0x3FA8] =	sst s0  }
0x9: {  	[smem:$0x3FA9] =	sst s1  }
0xa: {  	[smem:$0x3FAA] =	sst s2  }
0xb: {  	[smem:$0x3FAB] =	sst s3  }
0xc: {  	[smem:$0x3FAC] =	sst s4  }
0xd: {  	[smem:$0x3FAD] =	sst s5  }
0xe: {  	[smem:$0x3FAE] =	sst s6  }
0xf: {  	[smem:$0x3FAF] =	sst s7  }
0x10: {  	[smem:$0x3FB0] =	sst s8  }
0x11: {  	[smem:$0x3FB1] =	sst s9;
	s0 =	simm.s32 @!p0 $0x0  }
0x12: {  	s1 =	sld [smem:$0x3F97];
	s0 =	simm.s32 @p0 $0x1  }
0x13: {  	[smem:$0x3FB2] =	sst s0;
	s0 =	simm.s32 @!p1 $0x0  }
0x14: {  	s2 =	sld [smem:$0x3F96];
	s0 =	simm.s32 @p1 $0x1  }
0x15: {  	[smem:$0x3FB3] =	sst s0;
	s0 =	simm.s32 @!p2 $0x0  }
0x16: {  	s3 =	sld [smem:$0x3FDB];
	s0 =	simm.s32 @p2 $0x1  }
0x17: {  	s4 =	simm.s32 $0x1BF5;
	[smem:$0x3FB5] =	sst s0  }
0x18: {  	s0 =	sld [smem:$0x3F98];
	_ =	swait.ge [sflag:s4], $0x0  }
0x19: {  	s7 =	sld [smem:$0x3F99]  }
0x1a: {  	s8 =	sadd.s32 $0xFFFFE003, lr  }
0x1b: {  	s9 =	sadd.s32 $0xFFFFFEF7, lr;
	s5 =	simm.s32 $0xFFFFFFFF;
	p2 =	slt.u32 s8, $0xFFFFF086  }
0x1c: {  	p1 =	slt.u32 s9, $0xF7A;
	s5 =	simm.s32 @!p2 $0x0  }
0x1d: {  	s5 =	simm.s32 @p1 $0x1;
	p0 =	seq.s32 s7, s2  }
0x1e: {  	s7 =	smul.u32 @!p0 $0xF7A, s2;
	p2 =	seq.s32 @!p0 s5, $0x0  }
0x1f: {  	s9 =	smul.u32 $0xF7A, s1;
	s8 =	simm.s32 @!p0 $0x1BF5;
	p2 =	por !p2, p0  }
0x20: {  	[sflag:s8] =	ssyncset.s32 @!p0 $0xFFFFF086;
	s6 =	sadd.s32 @!p0 s3, s7;
	s7 =	simm.s32 @!p0 $0x108  }
0x21: {  	s3 =	sadd.s32 s3, s9;
	s6 =	sadd.s32 @!p0 $0x88, s6;
	s7 =	simm.s32 @p2 $0x1082  }
0x22: {  	[simem:s7], [sflag:s8] =	dma.local @!p0 [hbm:s6], $0xF7A  }
0x23: {  	s9 =	sor.u32 $0xD0000000, s2;
	s6 =	simm.s32 $0x108;
	_ =	swait.ge @!p0 [sflag:s8], $0x0  }
0x24: {  	s3 =	sadd.s32 $0x88, s3;
	s6 =	simm.s32 @!p1 $0x1082;
	[sflag:s4] =	ssyncset.s32 $0xFFFFF086  }
0x25: {  	[simem:s6], [sflag:s4] =	dma.local [hbm:s3], $0xF7A  }
0x26: {  	[smem:$0x3F99] =	sst s1;
	(tag) =	ssettag s2;
	_ =	strace s9  }
0x27: {  	s1 =	sld [smem:$0x3FA9]  }
0x28: {  	s2 =	sld [smem:$0x3FAA]  }
0x29: {  	s4 =	sld [smem:$0x3FAC]  }
0x2a: {  	p0 =	seq.s32 s5, $0x0;
	s5 =	sld [smem:$0x3FAD]  }
0x2b: {  	s6 =	sld [smem:$0x3FAE]  }
0x2c: {  	s7 =	sld [smem:$0x3FAF]  }
0x2d: {  	s3 =	simm.s32 $0x108;
	s8 =	sld [smem:$0x3FB0]  }
0x2e: {  	s3 =	simm.s32 @!p0 $0x1082;
	s9 =	sld [smem:$0x3FB1]  }
0x2f: {  	lr =	sadd.s32 s0, s3;
	s0 =	sld [smem:$0x3FA8]  }
0x30: {  	s3 =	sld [smem:$0x3FAB]  }
0x31: {  	[smem:$0x3FB4] =	sst s10  }
0x32: {  	s10 =	sld [smem:$0x3FB2];
	_ =	sdelay $0x3  }
0x33: {  	p0 =	seq.s32 s10, $0x1;
	s10 =	sld [smem:$0x3FB4];
	_ =	sdelay $0x3  }
0x34: {  	[smem:$0x3FB4] =	sst s10  }
0x35: {  	s10 =	sld [smem:$0x3FB3];
	_ =	sdelay $0x3  }
0x36: {  	p1 =	seq.s32 s10, $0x1;
	s10 =	sld [smem:$0x3FB4];
	_ =	sdelay $0x3  }
0x37: {  	[smem:$0x3FB4] =	sst s10  }
0x38: {  	s10 =	sld [smem:$0x3FB5]  }
0x39: {  	_ = 	snop;
	(pc) =	sbr.ind lr, $3  }
0x3a: {  	_ = 	snop  }
0x3b: {  	_ = 	snop  }
0x3c: {  	p2 =	seq.s32 s10, $0x1;
	s10 =	sld [smem:$0x3FB4]  }
0x3d: {  	_ =	shalt  }
0x3e: {  	_ =	shalt  }
0x3f: {  	_ =	shalt  }
0x40: {  	_ =	shalt  }
0x41: {  	_ =	shalt  }
0x42: {  	_ =	shalt  }
0x43: {  	_ =	shalt  }
0x44: {  	_ =	shalt  }
0x45: {  	_ =	shalt  }
0x46: {  	_ =	shalt  }
0x47: {  	_ =	shalt  }
0x48: {  	_ =	shalt  }
0x49: {  	_ =	shalt  }
0x4a: {  	_ =	shalt  }
0x4b: {  	_ =	shalt  }
0x4c: {  	_ =	shalt  }
0x4d: {  	_ =	shalt  }
0x4e: {  	_ =	shalt  }
0x4f: {  	_ =	shalt  }
0x50: {  	_ =	shalt  }
0x51: {  	_ =	shalt  }
0x52: {  	_ =	shalt  }
0x53: {  	_ =	shalt  }
0x54: {  	_ =	shalt  }
0x55: {  	_ =	shalt  }
0x56: {  	_ =	shalt  }
0x57: {  	_ =	shalt  }
0x58: {  	_ =	shalt  }
0x59: {  	_ =	shalt  }
0x5a: {  	_ =	shalt  }
0x5b: {  	_ =	shalt  }
0x5c: {  	_ =	shalt  }
0x5d: {  	_ =	shalt  }
0x5e: {  	_ =	shalt  }
0x5f: {  	_ =	shalt  }
0x60: {  	_ =	shalt  }
0x61: {  	_ =	shalt  }
0x62: {  	_ =	shalt  }
0x63: {  	_ =	shalt  }
0x64: {  	_ =	shalt  }
0x65: {  	_ =	shalt  }
0x66: {  	_ =	shalt  }
0x67: {  	_ =	shalt  }
0x68: {  	_ =	shalt  }
0x69: {  	_ =	shalt  }
0x6a: {  	_ =	shalt  }
0x6b: {  	_ =	shalt  }
0x6c: {  	_ =	shalt  }
0x6d: {  	_ =	shalt  }
0x6e: {  	_ =	shalt  }
0x6f: {  	_ =	shalt  }
0x70: {  	_ =	shalt  }
0x71: {  	_ =	shalt  }
0x72: {  	_ =	shalt  }
0x73: {  	_ =	shalt  }
0x74: {  	_ =	shalt  }
0x75: {  	_ =	shalt  }
0x76: {  	_ =	shalt  }
0x77: {  	_ =	shalt  }
0x78: {  	_ =	shalt  }
0x79: {  	_ =	shalt  }
0x7a: {  	_ =	shalt  }
0x7b: {  	_ =	shalt  }
0x7c: {  	_ =	shalt  }
0x7d: {  	_ =	shalt  }
0x7e: {  	_ =	shalt  }
0x7f: {  	_ =	shalt  }
0x80: {  	_ =	shalt  }
0x81: {  	_ =	shalt  }
0x82: {  	_ =	shalt  }
0x83: {  	_ =	shalt  }
0x84: {  	_ =	shalt  }
0x85: {  	_ =	shalt  }
0x86: {  	_ =	shalt  }
0x87: {  	_ =	shalt  }
.Lfunc_end0:
.L_simem_size_0:
called_computation.1_lowered:
.L_overlay_start_0:
0x88: {  	s2 =	sld [smem:$0x3FD9]  }
0x89: {  	s3 =	sld [smem:$0x3FFE];
	_ =	sdelay $0x1  }
0x8a: {  	s1 =	srdreg.scid  }
0x8b: {  	s0 =	sand.u32 $0x1, s1  }
0x8c: {  	s17 =	sshll.u32 s0, $0xA;
	s2 =	sadd.s32 s3, s2  }
0x8d: {  	s2 =	sadd.s32 s2, s17  }
0x8e: {  	[smem:$0x3FC0] =	sst s2  }
0x8f: {  	_ = 	snop  }
0x90: {  	s2 =	sld [smem:$0x3FD0];
	(tm) =	ssettm $0x1  }
0x91: {  	s18 =	sld [smem:$0x3FFB];
	_ =	sdelay $0x3  }
0x92: {  	_ =	strace s18  }
0x93: {  	s3 =	sld [smem:$0x3FFC];
	_ =	sdelay $0x3  }
0x94: {  	_ =	strace s3  }
0x95: {  	s3 =	sld [smem:$0x3FFD];
	_ =	sdelay $0x3  }
0x96: {  	_ =	strace s3  }
0x97: {  	_ =	strace $0x8FFFFFFF  }
0x98: {  	s19 =	sld [smem:$0x3FDB];
	_ =	sdelay $0x1  }
0x99: {  	s4 =	simm.s32 $_scs_section_size  }
0x9a: {  	s5 =	simm.s32 $_size__tile_overlayer_lowered;
	s6 =	simm.s32 $_tile_overlayer_lowered  }
0x9b: {  	s22 =	simm.s32 $0x1BFF;
	s21 =	sshll.u32 s6, $0x1;
	s3 =	sadd.s32 s4, s19  }
0x9c: {  	s7 =	simm.s32 $0x0;
	s20 =	sshll.u32 s5, $0x1;
	s5 =	sadd.s32 s21, s3  }
0x9d: {  	[timem:s7], [sflag:s22] =	dma.local [hbm:s5], s20  }
0x9e: {  	_ =	swait.ge [sflag:s22], s20  }
0x9f: {  	s4 =	ssub.s32 $0x0, s20;
	[sflag:s22] =	ssyncset.done $0x0  }
0xa0: {  	[sflag:s22] =	ssyncadd.s32 s4;
	_ =	sdelay $0x1  }
0xa1: {  	s23 =	simm.s32 $0x1B8B  }
0xa2: {  	_ =	swait.ge [sflag:s23], $0x1  }
0xa3: {  	[sflag:s23] =	ssyncset.done $0x0  }
0xa4: {  	s25 =	simm.s32 $0x1B8E;
	s24 =	sld [smem:$0x3FFE];
	[sflag:s23] =	ssyncadd.s32 $0xFFFFFFFF  }
0xa5: {  	s26 =	simm.s32 $execute0_lowered;
	[smem:$0x3FD2] =	sst s25  }
0xa6: {  	s5 =	sshll.u32 s26, $0x1;
	_ =	strace $0x80000049;
	[dreg:$0x1] =	wrdreg $0xFFFFFFFF  }
0xa7: {  	s28 =	simm.s32 $_size_execute0_lowered;
	s3 =	sadd.s32 s3, s5;
	[dreg:$0x0] =	wrdreg $0x0  }
0xa8: {  	s5 =	sshll.u32 s28, $0x1;
	[dreg:$0x2] =	wrdreg s3  }
0xa9: {  	[dreg:$0x3] =	wrdreg s5  }
0xaa: {  	[dreg:$0x4] =	wrdreg $0xC0  }
0xab: {  	_ =	task [dreg:s7], $0x5FFFF  }
0xac: {  	[dreg:$0x1] =	wrdreg $0xFFFFFFFF  }
0xad: {  	[dreg:$0x0] =	wrdreg $0x60  }
0xae: {  	[dreg:$0x2] =	wrdreg s2  }
0xaf: {  	[dreg:$0x3] =	wrdreg s24  }
0xb0: {  	[dreg:$0x4] =	wrdreg $0x90000  }
0xb1: {  	[dreg:$0x5] =	wrdreg $0x9  }
0xb2: {  	_ =	task.clear_ibuf [dreg:s7], $0x6FFFF;
	_ =	strace $0x90000049  }
0xb3: {  	s29 =	simm.s32 $0x9;
	_ =	strace $0x8000004B  }
0xb4: {  	_ =	swait.ge [sflag:s29], $0x1  }
0xb5: {  	[sflag:s29] =	ssyncadd.s32 $0xFFFFFFFF  }
0xb6: {  	_ =	strace $0x9000004B  }
0xb7: {  	_ =	sfence  }
0xb8: {  	s30 =	sld [smem:$0x0];
	_ =	sdelay $0x2  }
0xb9: {  	s31 =	sshll.u32 s1, $0xD;
	s1 =	sshrl.u32 s1, $0x2  }
0xba: {  	s3 =	sand.u32 $0x4000, s31;
	s1 =	sadd.s32 s1, s30  }
0xbb: {  	s0 =	sor.u32 s3, s0;
	s1 =	sshll.u32 s1, $0x11  }
0xbc: {  	s0 =	sor.u32 s1, s0  }
0xbd: {  	s0 =	sadd.s32 $0x8F2B, s0  }
0xbe: {  	[sflag:s0] =	ssyncadd.remote.s32 $0x1  }
0xbf: {  	_ =	sfence.sel $0xFFFF  }
0xc0: {  	[dreg:$0x0] =	wrdreg $0xFFFFFFFF;
	(pc) =	sbr.abs _section_cstart, $3  }
0xc1: {  	[dreg:$0x1] =	wrdreg $0xFFFFFFFF  }
0xc2: {  	_ =	task.clear_ibuf [dreg:s7], $0x2FFFF;
	_ =	strace $0x9FFFFFFF  }
0xc3: {  	(tm) =	ssettm $0x7FFFFFFF  }
tec
execute0_lowered:
.L_overlay_start_1:
0x0: {  	(tag) =	ssettag $0x1  }
0x1: {  	s1 =	rddreg [dreg:$0x0]  }
0x2: {  	s0 =	rddreg [dreg:$0x1]  }
0x3: {  	s3 =	srdreg.scid;
	s2 =	rddreg [dreg:$0x2];
	s4 =	simm.s32 $0x0  }
0x4: {  	s12 =	stileid.u32;
	s13 =	simm.s32 $0x100;
	s15 =	simm.s32 $0x480  }
0x5: {  	s16 =	simm.s32 $0x180;
	[smem:$0x7FF] =	sst s4;
	s23 =	sadd.s32 $0x16C00, s0  }
0x6: {  	s17 =	simm.s32 $0x500;
	_ =	strace $0x8000004A;
	[dreg:$0x1d] =	wrdreg s23  }
0x7: {  	s18 =	simm.s32 $0x200;
	s20 =	simm.s32 $0x580;
	[dreg:$0x6] =	wrdreg s13  }
0x8: {  	s22 =	simm.s32 $0x280;
	s28 =	simm.s32 $0x3;
	[dreg:$0x7] =	wrdreg s15  }
0x9: {  	s29 =	simm.s32 $0xE80;
	s30 =	simm.s32 $0xB80;
	[dreg:$0x8] =	wrdreg s16  }
0xa: {  	s31 =	simm.s32 $0xF00;
	s9 =	smul.u32 $0x2800, s12;
	[dreg:$0x9] =	wrdreg s17  }
0xb: {  	s3 =	sand.u32 $0x1, s3;
	s10 =	smul.u32 $0x13C00, s12;
	[dreg:$0xa] =	wrdreg s18  }
0xc: {  	s5 =	sadd.s32 $0xC800, s0;
	s6 =	sadd.s32 $0x2800, s0;
	[dreg:$0xb] =	wrdreg s20  }
0xd: {  	s14 =	smul.u32 $0x4F000, s12;
	[dreg:$0xc] =	wrdreg s22;
	s13 =	simm.s32 $0x380  }
0xe: {  	s7 =	smul.u32 $0x13C000, s3;
	s15 =	simm.s32 $0x700;
	[dreg:$0x10] =	wrdreg s13  }
0xf: {  	s8 =	smul.u32 $0x28000, s3;
	s16 =	simm.s32 $0x780;
	[dreg:$0x11] =	wrdreg s15  }
0x10: {  	s25 =	ssub.s32 $0x2, s3;
	s17 =	simm.s32 $0x880;
	[dreg:$0x12] =	wrdreg s16  }
0x11: {  	s3 =	sshll.u32 s3, $0x4;
	s18 =	simm.s32 $0x900;
	[dreg:$0x13] =	wrdreg s17  }
0x12: {  	s20 =	simm.s32 $0x980;
	s22 =	simm.s32 $0xA00;
	[dreg:$0x14] =	wrdreg s18  }
0x13: {  	s26 =	sshrl.u32 s25, $0x1;
	s3 =	sor.u32 s12, s3;
	[dreg:$0x16] =	wrdreg s20  }
0x14: {  	s12 =	simm.s32 $0x680;
	s18 =	simm.s32 $0x1000;
	[dreg:$0x18] =	wrdreg s22  }
0x15: {  	s9 =	sadd.s32 s9, s8;
	s7 =	sadd.s32 s10, s7;
	s3 =	smul.u32 $0x2800, s3  }
0x16: {  	[dreg:$0xf] =	wrdreg s12;
	s24 =	sor.u32 $0x400, s9;
	s7 =	sshrl.u32 s7, $0x3  }
0x17: {  	s8 =	sshrl.u32 s24, $0x3;
	s0 =	sadd.s32 s7, s0;
	s24 =	simm.s32 $0x600  }
0x18: {  	s7 =	ssub.s32 s25, s26;
	s25 =	simm.s32 $0x300;
	[dreg:$0xd] =	wrdreg s24  }
0x19: {  	s20 =	simm.s32 $0x400;
	s11 =	sadd.s32 s8, s6;
	[dreg:$0xe] =	wrdreg s25  }
0x1a: {  	s3 =	sshrl.u32 s3, $0x3;
	s8 =	sadd.s32 s8, s5;
	[dreg:$0x4] =	wrdreg s11  }
0x1b: {  	s10 =	sshrl.u32 s14, $0x2;
	s14 =	sadd.s32 s5, s3;
	[dreg:$0x5] =	wrdreg s8  }
0x1c: {  	s22 =	simm.s32 $0x800;
	s3 =	sadd.s32 s6, s3;
	[smem:$0x7FC] =	sst s14  }
0x1d: {  	s9 =	sadd.s32 $0x800, s9;
	s24 =	simm.s32 $0xA80;
	[smem:$0x7FD] =	sst s3  }
0x1e: {  	s25 =	simm.s32 $0xE00;
	s8 =	sadd.s32 s10, s2;
	[dreg:$0x1a] =	wrdreg s24  }
0x1f: {  	s15 =	sadd.s32 $0x17400, s0;
	[dreg:$0x1b] =	wrdreg s25;
	s19 =	sadd.s32 $0x4000, s8  }
0x20: {  	s16 =	smax.u32 s7, $0x1;
	s21 =	sadd.s32 $0x8000, s8;
	[dreg:$0x1e] =	wrdreg s19  }
0x21: {  	s0 =	simm.s32 $0xF80;
	s23 =	sadd.s32 $0xC000, s8;
	[dreg:$0x1f] =	wrdreg s21  }
0x22: {  	s24 =	simm.s32 $0x5000;
	s26 =	sadd.s32 $0x10000, s8;
	[smem:$0x7FA] =	sst s23  }
0x23: {  	s25 =	simm.s32 $0x1;
	[smem:$0x7FB] =	sst s26;
	s19 =	simm.s32 $0xC80  }
0x24: {  	s3 =	simm.s32 $0x0;
	s21 =	simm.s32 $0xD00;
	[dreg:$0x15] =	wrdreg s19  }
0x25: {  	s23 =	simm.s32 $0xD80;
	s26 =	simm.s32 $0xB00;
	[dreg:$0x17] =	wrdreg s21  }
0x26: {  	s19 =	simm.s32 $0x4;
	s21 =	simm.s32 $0x80;
	[dreg:$0x19] =	wrdreg s23  }
0x27: {  	s23 =	simm.s32 $0xC00;
	[dreg:$0x1c] =	wrdreg s26;
	s26 =	simm.s32 $0x2  }
.LBB2_1:
0x28: {  	s7 =	rddreg [dreg:$0x1d]  }
0x29: {  	[tilespmem:s18], [sflag:$0x4] =	stream.linear.gather [hbm4b:s7+s4], $0x4000, $0x38;
	[tilespmem:$0x1CC00] =	vst v63  }
0x2a: {  	_ =	swait.ge [sflag:s19], $0x4000  }
0x2b: {  	[sflag:s19] =	ssyncset.done $0x0  }
0x2c: {  	[sflag:s19] =	ssyncadd.s32 $0xFFFFC000  }
0x2d: {  	[spmem:s8] =	stream.linear.scatter [tilespmem:s18], [sflag:$0x4], $0x4000, $0x38;
	[tilespmem:$0x1CC00] =	vst v63  }
0x2e: {  	_ =	swait.ge [sflag:s19], $0x4000  }
0x2f: {  	[sflag:s19] =	ssyncset.done $0x0  }
0x30: {  	s17 =	rddreg [dreg:$0x1e];
	[sflag:s19] =	ssyncadd.s32 $0xFFFFC000  }
0x31: {  	[spmem:s17] =	stream.linear.scatter [tilespmem:s18], [sflag:$0x4], $0x4000, $0x38;
	[tilespmem:$0x1CC00] =	vst v63  }
0x32: {  	_ =	swait.ge [sflag:s19], $0x4000  }
0x33: {  	[sflag:s19] =	ssyncset.done $0x0  }
0x34: {  	s10 =	rddreg [dreg:$0x1f];
	[sflag:s19] =	ssyncadd.s32 $0xFFFFC000  }
0x35: {  	[spmem:s10] =	stream.linear.scatter [tilespmem:s18], [sflag:$0x4], $0x4000, $0x38;
	[tilespmem:$0x1CC00] =	vst v63  }
0x36: {  	_ =	swait.ge [sflag:s19], $0x4000  }
0x37: {  	s11 =	sld [smem:$0x7FA]  }
0x38: {  	[sflag:s19] =	ssyncset.done $0x0  }
0x39: {  	[sflag:s19] =	ssyncadd.s32 $0xFFFFC000  }
0x3a: {  	[spmem:s11] =	stream.linear.scatter [tilespmem:s18], [sflag:$0x4], $0x4000, $0x38;
	[tilespmem:$0x1CC00] =	vst v63  }
0x3b: {  	_ =	swait.ge [sflag:s19], $0x4000  }
0x3c: {  	s12 =	sld [smem:$0x7FB]  }
0x3d: {  	[sflag:s19] =	ssyncset.done $0x0  }
0x3e: {  	[sflag:s19] =	ssyncadd.s32 $0xFFFFC000  }
0x3f: {  	[spmem:s12] =	stream.linear.scatter [tilespmem:s18], [sflag:$0x4], $0x3C00, $0x38;
	[tilespmem:$0x1CC00] =	vst v63  }
0x40: {  	_ =	swait.ge [sflag:s19], $0x3C00  }
0x41: {  	s13 =	sld [smem:$0x7FC]  }
0x42: {  	[sflag:s19] =	ssyncset.done $0x0  }
0x43: {  	[sflag:s19] =	ssyncadd.s32 $0xFFFFC400  }
0x44: {  	[tilespmem:s4], [sflag:$0x4] =	stream.linear.gather [hbm4b:s13+s4], $0x400, $0x38;
	[tilespmem:$0x1CC00] =	vst v63  }
0x45: {  	_ =	swait.ge [sflag:s19], $0x400  }
0x46: {  	s14 =	sld [smem:$0x7FD]  }
0x47: {  	[sflag:s19] =	ssyncset.done $0x0  }
0x48: {  	[sflag:s19] =	ssyncadd.s32 $0xFFFFFC00  }
0x49: {  	[tilespmem:s20], [sflag:$0x4] =	stream.linear.gather [hbm4b:s14+s4], $0x400, $0x38;
	[tilespmem:$0x1CC00] =	vst v63  }
0x4a: {  	_ =	swait.ge [sflag:s19], $0x400  }
0x4b: {  	[sflag:s19] =	ssyncset.done $0x0  }
0x4c: {  	[sflag:s19] =	ssyncadd.s32 $0xFFFFFC00  }
0x4d: {  	[bflag:$0x0] =	sbarrier.arrive $0xFFFF  }
0x4e: {  	s17 =	rddreg [dreg:$0x5]  }
0x4f: {  	[tilespmem:s18], [sflag:$0x1] =	stream.indirect.gather [hbm4b:s1+s21], $0x80, s4, s21, $0xb8;
	[tilespmem:$0x1CC00] =	vst v63  }
0x50: {  	s10 =	rddreg [dreg:$0x4];
	s7 =	sadd.s32 $0x0, s17  }
0x51: {  	[tilespmem:s22], [sflag:$0x3] =	stream.linear.gather [hbm4b:s7+s4], $0x400, $0x38;
	[tilespmem:$0x1CC00] =	vst v63  }
0x52: {  	s10 =	sadd.s32 $0x0, s10  }
0x53: {  	[tilespmem:s23], [sflag:$0x3] =	stream.linear.gather [hbm4b:s10+s4], $0x400, $0x38;
	[tilespmem:$0x1CC00] =	vst v63  }
0x54: {  	_ = 	snop  }
0x55: {  	[tilespmem:s24], [sflag:$0x2] =	stream.indirect.gather [hbm4b:s1+s21], $0x80, s21, s21, $0xb8;
	[tilespmem:$0x1CC00] =	vst v63  }
0x56: {  	_ =	swait.ge [sflag:s25], $0x4000  }
0x57: {  	[sflag:s25] =	ssyncset.done $0x0  }
0x58: {  	[sflag:s25] =	ssyncadd.s32 $0xFFFFC000  }
0x59: {  	[spmem:s2] =	stream.indirect.scatter.add.f32 [tilespmem:s18], [sflag:$0x4], $0x80, s20, s21, $0xb8;
	[tilespmem:$0x1CC00] =	vst v63  }
0x5a: {  	_ =	swait.ge [sflag:s19], $0x4000  }
0x5b: {  	[sflag:s19] =	ssyncset.done $0x0  }
0x5c: {  	s11 =	rddreg [dreg:$0x6];
	[sflag:s19] =	ssyncadd.s32 $0xFFFFC000  }
0x5d: {  	[tilespmem:s18], [sflag:$0x1] =	stream.indirect.gather [hbm4b:s1+s21], $0x80, s11, s21, $0xb8;
	[tilespmem:$0x1CC00] =	vst v63  }
0x5e: {  	_ =	swait.ge [sflag:s26], $0x4000  }
0x5f: {  	[sflag:s26] =	ssyncset.done $0x0  }
0x60: {  	s12 =	rddreg [dreg:$0x7];
	[sflag:s26] =	ssyncadd.s32 $0xFFFFC000  }
0x61: {  	[spmem:s2] =	stream.indirect.scatter.add.f32 [tilespmem:s24], [sflag:$0x4], $0x80, s12, s21, $0xb8;
	[tilespmem:$0x1CC00] =	vst v63  }
0x62: {  	_ =	swait.ge [sflag:s19], $0x4000  }
0x63: {  	[sflag:s19] =	ssyncset.done $0x0  }
0x64: {  	s13 =	rddreg [dreg:$0x8];
	[sflag:s19] =	ssyncadd.s32 $0xFFFFC000  }
0x65: {  	[tilespmem:s24], [sflag:$0x2] =	stream.indirect.gather [hbm4b:s1+s21], $0x80, s13, s21, $0xb8;
	[tilespmem:$0x1CC00] =	vst v63  }
0x66: {  	_ =	swait.ge [sflag:s25], $0x4000  }
0x67: {  	[sflag:s25] =	ssyncset.done $0x0  }
0x68: {  	s14 =	rddreg [dreg:$0x9];
	[sflag:s25] =	ssyncadd.s32 $0xFFFFC000  }
0x69: {  	[spmem:s2] =	stream.indirect.scatter.add.f32 [tilespmem:s18], [sflag:$0x4], $0x80, s14, s21, $0xb8;
	[tilespmem:$0x1CC00] =	vst v63  }
0x6a: {  	_ =	swait.ge [sflag:s19], $0x4000  }
0x6b: {  	[sflag:s19] =	ssyncset.done $0x0  }
0x6c: {  	s17 =	rddreg [dreg:$0xa];
	[sflag:s19] =	ssyncadd.s32 $0xFFFFC000  }
0x6d: {  	[tilespmem:s18], [sflag:$0x1] =	stream.indirect.gather [hbm4b:s1+s21], $0x80, s17, s21, $0xb8;
	[tilespmem:$0x1CC00] =	vst v63  }
0x6e: {  	_ =	swait.ge [sflag:s26], $0x4000  }
0x6f: {  	[sflag:s26] =	ssyncset.done $0x0  }
0x70: {  	s10 =	rddreg [dreg:$0xb];
	[sflag:s26] =	ssyncadd.s32 $0xFFFFC000  }
0x71: {  	[spmem:s2] =	stream.indirect.scatter.add.f32 [tilespmem:s24], [sflag:$0x4], $0x80, s10, s21, $0xb8;
	[tilespmem:$0x1CC00] =	vst v63  }
0x72: {  	_ =	swait.ge [sflag:s19], $0x4000  }
0x73: {  	[sflag:s19] =	ssyncset.done $0x0  }
0x74: {  	s11 =	rddreg [dreg:$0xc];
	[sflag:s19] =	ssyncadd.s32 $0xFFFFC000  }
0x75: {  	[tilespmem:s24], [sflag:$0x2] =	stream.indirect.gather [hbm4b:s1+s21], $0x80, s11, s21, $0xb8;
	[tilespmem:$0x1CC00] =	vst v63  }
0x76: {  	_ =	swait.ge [sflag:s25], $0x4000  }
0x77: {  	[sflag:s25] =	ssyncset.done $0x0  }
0x78: {  	s12 =	rddreg [dreg:$0xd];
	[sflag:s25] =	ssyncadd.s32 $0xFFFFC000  }
0x79: {  	[spmem:s2] =	stream.indirect.scatter.add.f32 [tilespmem:s18], [sflag:$0x4], $0x80, s12, s21, $0xb8;
	[tilespmem:$0x1CC00] =	vst v63  }
0x7a: {  	_ =	swait.ge [sflag:s19], $0x4000  }
0x7b: {  	[sflag:s19] =	ssyncset.done $0x0  }
0x7c: {  	s13 =	rddreg [dreg:$0xe];
	[sflag:s19] =	ssyncadd.s32 $0xFFFFC000  }
0x7d: {  	[tilespmem:s18], [sflag:$0x1] =	stream.indirect.gather [hbm4b:s1+s21], $0x80, s13, s21, $0xb8;
	[tilespmem:$0x1CC00] =	vst v63  }
0x7e: {  	_ =	swait.ge [sflag:s26], $0x4000  }
0x7f: {  	[sflag:s26] =	ssyncset.done $0x0  }
0x80: {  	s14 =	rddreg [dreg:$0xf];
	[sflag:s26] =	ssyncadd.s32 $0xFFFFC000  }
0x81: {  	[spmem:s2] =	stream.indirect.scatter.add.f32 [tilespmem:s24], [sflag:$0x4], $0x80, s14, s21, $0xb8;
	[tilespmem:$0x1CC00] =	vst v63  }
0x82: {  	_ =	swait.ge [sflag:s19], $0x4000  }
0x83: {  	[sflag:s19] =	ssyncset.done $0x0  }
0x84: {  	s17 =	rddreg [dreg:$0x10];
	[sflag:s19] =	ssyncadd.s32 $0xFFFFC000  }
0x85: {  	[tilespmem:s24], [sflag:$0x2] =	stream.indirect.gather [hbm4b:s1+s21], $0x80, s17, s21, $0xb8;
	[tilespmem:$0x1CC00] =	vst v63  }
0x86: {  	_ =	swait.ge [sflag:s25], $0x4000  }
0x87: {  	[sflag:s25] =	ssyncset.done $0x0  }
0x88: {  	s10 =	rddreg [dreg:$0x11];
	[sflag:s25] =	ssyncadd.s32 $0xFFFFC000  }
0x89: {  	[spmem:s2] =	stream.indirect.scatter.add.f32 [tilespmem:s18], [sflag:$0x4], $0x80, s10, s21, $0xb8;
	[tilespmem:$0x1CC00] =	vst v63  }
0x8a: {  	_ =	swait.ge [sflag:s19], $0x4000  }
0x8b: {  	[sflag:s19] =	ssyncset.done $0x0  }
0x8c: {  	[sflag:s19] =	ssyncadd.s32 $0xFFFFC000  }
0x8d: {  	_ =	swait.ge [sflag:s28], $0x400  }
0x8e: {  	[sflag:s28] =	ssyncset.done $0x0  }
0x8f: {  	[sflag:s28] =	ssyncadd.s32 $0xFFFFFC00  }
0x90: {  	_ =	swait.ge [sflag:s28], $0x400  }
0x91: {  	[sflag:s28] =	ssyncset.done $0x0  }
0x92: {  	[sflag:s28] =	ssyncadd.s32 $0xFFFFFC00  }
0x93: {  	[tilespmem:s18], [sflag:$0x1] =	stream.indirect.gather [hbm4b:s1+s21], $0x80, s22, s21, $0xb8;
	[tilespmem:$0x1CC00] =	vst v63  }
0x94: {  	_ =	swait.ge [sflag:s26], $0x4000  }
0x95: {  	[sflag:s26] =	ssyncset.done $0x0  }
0x96: {  	s11 =	rddreg [dreg:$0x12];
	[sflag:s26] =	ssyncadd.s32 $0xFFFFC000  }
0x97: {  	[spmem:s2] =	stream.indirect.scatter.add.f32 [tilespmem:s24], [sflag:$0x4], $0x80, s11, s21, $0xb8;
	[tilespmem:$0x1CC00] =	vst v63  }
0x98: {  	p0 =	por $0x0, $0x0;
	_ =	swait.ge [sflag:s19], $0x4000  }
0x99: {  	s10 =	sshrl.u32 @!p0 s9, $0x3;
	[sflag:s19] =	ssyncset.done $0x0  }
0x9a: {  	s7 =	simm.s32 @!p0 $0x0;
	s11 =	sadd.s32 @!p0 s5, s10;
	[sflag:s19] =	ssyncadd.s32 $0xFFFFC000  }
0x9b: {  	[tilespmem:s7], [sflag:$0x3] =	stream.linear.gather @!p0 [hbm4b:s11+s7], $0x400, $0x38;
	[tilespmem:$0x1CC00] =	vst v63  }
0x9c: {  	s10 =	sadd.s32 @!p0 s6, s10;
	s11 =	simm.s32 @!p0 $0x400  }
0x9d: {  	[tilespmem:s11], [sflag:$0x3] =	stream.linear.gather @!p0 [hbm4b:s10+s7], $0x400, $0x38;
	[tilespmem:$0x1CC00] =	vst v63  }
0x9e: {  	s12 =	rddreg [dreg:$0x13]  }
0x9f: {  	[tilespmem:s24], [sflag:$0x2] =	stream.indirect.gather [hbm4b:s1+s21], $0x80, s12, s21, $0xb8;
	[tilespmem:$0x1CC00] =	vst v63  }
0xa0: {  	_ =	swait.ge [sflag:s25], $0x4000  }
0xa1: {  	[sflag:s25] =	ssyncset.done $0x0  }
0xa2: {  	[sflag:s25] =	ssyncadd.s32 $0xFFFFC000  }
0xa3: {  	[spmem:s2] =	stream.indirect.scatter.add.f32 [tilespmem:s18], [sflag:$0x4], $0x80, s23, s21, $0xb8;
	[tilespmem:$0x1CC00] =	vst v63  }
0xa4: {  	_ =	swait.ge [sflag:s19], $0x4000  }
0xa5: {  	[sflag:s19] =	ssyncset.done $0x0  }
0xa6: {  	s12 =	rddreg [dreg:$0x14];
	[sflag:s19] =	ssyncadd.s32 $0xFFFFC000  }
0xa7: {  	[tilespmem:s18], [sflag:$0x1] =	stream.indirect.gather [hbm4b:s1+s21], $0x80, s12, s21, $0xb8;
	[tilespmem:$0x1CC00] =	vst v63  }
0xa8: {  	_ =	swait.ge [sflag:s26], $0x4000  }
0xa9: {  	[sflag:s26] =	ssyncset.done $0x0  }
0xaa: {  	s13 =	rddreg [dreg:$0x15];
	[sflag:s26] =	ssyncadd.s32 $0xFFFFC000  }
0xab: {  	[spmem:s2] =	stream.indirect.scatter.add.f32 [tilespmem:s24], [sflag:$0x4], $0x80, s13, s21, $0xb8;
	[tilespmem:$0x1CC00] =	vst v63  }
0xac: {  	_ =	swait.ge [sflag:s19], $0x4000  }
0xad: {  	[sflag:s19] =	ssyncset.done $0x0  }
0xae: {  	s14 =	rddreg [dreg:$0x16];
	[sflag:s19] =	ssyncadd.s32 $0xFFFFC000  }
0xaf: {  	[tilespmem:s24], [sflag:$0x2] =	stream.indirect.gather [hbm4b:s1+s21], $0x80, s14, s21, $0xb8;
	[tilespmem:$0x1CC00] =	vst v63  }
0xb0: {  	_ =	swait.ge [sflag:s25], $0x4000  }
0xb1: {  	[sflag:s25] =	ssyncset.done $0x0  }
0xb2: {  	s17 =	rddreg [dreg:$0x17];
	[sflag:s25] =	ssyncadd.s32 $0xFFFFC000  }
0xb3: {  	[spmem:s2] =	stream.indirect.scatter.add.f32 [tilespmem:s18], [sflag:$0x4], $0x80, s17, s21, $0xb8;
	[tilespmem:$0x1CC00] =	vst v63  }
0xb4: {  	_ =	swait.ge [sflag:s19], $0x4000  }
0xb5: {  	[sflag:s19] =	ssyncset.done $0x0  }
0xb6: {  	s11 =	rddreg [dreg:$0x18];
	[sflag:s19] =	ssyncadd.s32 $0xFFFFC000  }
0xb7: {  	[tilespmem:s18], [sflag:$0x1] =	stream.indirect.gather [hbm4b:s1+s21], $0x80, s11, s21, $0xb8;
	[tilespmem:$0x1CC00] =	vst v63  }
0xb8: {  	_ =	swait.ge [sflag:s26], $0x4000  }
0xb9: {  	[sflag:s26] =	ssyncset.done $0x0  }
0xba: {  	s12 =	rddreg [dreg:$0x19];
	[sflag:s26] =	ssyncadd.s32 $0xFFFFC000  }
0xbb: {  	[spmem:s2] =	stream.indirect.scatter.add.f32 [tilespmem:s24], [sflag:$0x4], $0x80, s12, s21, $0xb8;
	[tilespmem:$0x1CC00] =	vst v63  }
0xbc: {  	_ =	swait.ge [sflag:s19], $0x4000  }
0xbd: {  	[sflag:s19] =	ssyncset.done $0x0  }
0xbe: {  	s13 =	rddreg [dreg:$0x1a];
	[sflag:s19] =	ssyncadd.s32 $0xFFFFC000  }
0xbf: {  	[tilespmem:s24], [sflag:$0x2] =	stream.indirect.gather [hbm4b:s1+s21], $0x80, s13, s21, $0xb8;
	[tilespmem:$0x1CC00] =	vst v63  }
0xc0: {  	_ =	swait.ge [sflag:s25], $0x4000  }
0xc1: {  	[sflag:s25] =	ssyncset.done $0x0  }
0xc2: {  	s14 =	rddreg [dreg:$0x1b];
	[sflag:s25] =	ssyncadd.s32 $0xFFFFC000  }
0xc3: {  	[spmem:s2] =	stream.indirect.scatter.add.f32 [tilespmem:s18], [sflag:$0x4], $0x80, s14, s21, $0xb8;
	[tilespmem:$0x1CC00] =	vst v63  }
0xc4: {  	_ =	swait.ge [sflag:s19], $0x4000  }
0xc5: {  	[sflag:s19] =	ssyncset.done $0x0  }
0xc6: {  	s17 =	rddreg [dreg:$0x1c];
	[sflag:s19] =	ssyncadd.s32 $0xFFFFC000  }
0xc7: {  	[tilespmem:s18], [sflag:$0x1] =	stream.indirect.gather [hbm4b:s1+s21], $0x80, s17, s21, $0xb8;
	[tilespmem:$0x1CC00] =	vst v63  }
0xc8: {  	_ =	swait.ge [sflag:s26], $0x4000  }
0xc9: {  	[sflag:s26] =	ssyncset.done $0x0  }
0xca: {  	[sflag:s26] =	ssyncadd.s32 $0xFFFFC000  }
0xcb: {  	[spmem:s2] =	stream.indirect.scatter.add.f32 [tilespmem:s24], [sflag:$0x4], $0x80, s29, s21, $0xb8;
	[tilespmem:$0x1CC00] =	vst v63  }
0xcc: {  	_ =	swait.ge [sflag:s19], $0x4000  }
0xcd: {  	[sflag:s19] =	ssyncset.done $0x0  }
0xce: {  	[sflag:s19] =	ssyncadd.s32 $0xFFFFC000  }
0xcf: {  	[tilespmem:s24], [sflag:$0x2] =	stream.indirect.gather [hbm4b:s1+s21], $0x80, s30, s21, $0xb8;
	[tilespmem:$0x1CC00] =	vst v63  }
0xd0: {  	_ =	swait.ge [sflag:s25], $0x4000  }
0xd1: {  	[sflag:s25] =	ssyncset.done $0x0  }
0xd2: {  	[sflag:s25] =	ssyncadd.s32 $0xFFFFC000  }
0xd3: {  	[spmem:s2] =	stream.indirect.scatter.add.f32 [tilespmem:s18], [sflag:$0x4], $0x80, s31, s21, $0xb8;
	[tilespmem:$0x1CC00] =	vst v63  }
0xd4: {  	_ =	swait.ge [sflag:s19], $0x4000  }
0xd5: {  	[sflag:s19] =	ssyncset.done $0x0  }
0xd6: {  	s10 =	simm.s32 @!p0 $0x3;
	[sflag:s19] =	ssyncadd.s32 $0xFFFFC000  }
0xd7: {  	_ =	swait.ge @!p0 [sflag:s10], $0x400  }
0xd8: {  	[sflag:s10] =	ssyncset.done @!p0 $0x0  }
0xd9: {  	[sflag:s10] =	ssyncadd.s32 @!p0 $0xFFFFFC00  }
0xda: {  	_ =	swait.ge @!p0 [sflag:s10], $0x400  }
0xdb: {  	[sflag:s10] =	ssyncset.done @!p0 $0x0  }
0xdc: {  	s11 =	simm.s32 @!p0 $0x1000;
	[sflag:s10] =	ssyncadd.s32 @!p0 $0xFFFFFC00;
	s10 =	simm.s32 @!p0 $0x80  }
0xdd: {  	[tilespmem:s11], [sflag:$0x1] =	stream.indirect.gather @!p0 [hbm4b:s1+s10], $0x80, s7, s10, $0xb8;
	[tilespmem:$0x1CC00] =	vst v63  }
0xde: {  	_ =	swait.ge [sflag:s26], $0x4000  }
0xdf: {  	[sflag:s26] =	ssyncset.done $0x0  }
0xe0: {  	[sflag:s26] =	ssyncadd.s32 $0xFFFFC000  }
0xe1: {  	[spmem:s2] =	stream.indirect.scatter.add.f32 [tilespmem:s24], [sflag:$0x4], $0x80, s0, s21, $0xb8;
	[tilespmem:$0x1CC00] =	vst v63  }
0xe2: {  	s17 =	smov.u32 s9;
	s7 =	simm.s32 $0x100;
	_ =	swait.ge [sflag:s19], $0x4000  }
0xe3: {  	s10 =	simm.s32 $0x200;
	s12 =	rddreg [dreg:$0x5];
	[sflag:s19] =	ssyncset.done $0x0  }
.LBB2_2:
0xe4: {  	[sflag:s19] =	ssyncadd.s32 $0xFFFFC000;
	s13 =	rddreg [dreg:$0x4];
	s12 =	sadd.s32 s7, s12  }
0xe5: {  	[tilespmem:s22], [sflag:$0x3] =	stream.linear.gather [hbm4b:s12+s4], $0x400, $0x38;
	[tilespmem:$0x1CC00] =	vst v63  }
0xe6: {  	s14 =	sadd.s32 s7, s13  }
0xe7: {  	[tilespmem:s23], [sflag:$0x3] =	stream.linear.gather [hbm4b:s14+s4], $0x400, $0x38;
	[tilespmem:$0x1CC00] =	vst v63  }
0xe8: {  	_ = 	snop  }
0xe9: {  	[tilespmem:s24], [sflag:$0x2] =	stream.indirect.gather [hbm4b:s1+s21], $0x80, s21, s21, $0xb8;
	[tilespmem:$0x1CC00] =	vst v63  }
0xea: {  	_ =	swait.ge [sflag:s25], $0x4000  }
0xeb: {  	[sflag:s25] =	ssyncset.done $0x0  }
0xec: {  	[sflag:s25] =	ssyncadd.s32 $0xFFFFC000  }
0xed: {  	[spmem:s2] =	stream.indirect.scatter.add.f32 [tilespmem:s18], [sflag:$0x4], $0x80, s20, s21, $0xb8;
	[tilespmem:$0x1CC00] =	vst v63  }
0xee: {  	_ =	swait.ge [sflag:s19], $0x4000  }
0xef: {  	[sflag:s19] =	ssyncset.done $0x0  }
0xf0: {  	s13 =	rddreg [dreg:$0x6];
	[sflag:s19] =	ssyncadd.s32 $0xFFFFC000  }
0xf1: {  	[tilespmem:s18], [sflag:$0x1] =	stream.indirect.gather [hbm4b:s1+s21], $0x80, s13, s21, $0xb8;
	[tilespmem:$0x1CC00] =	vst v63  }
0xf2: {  	_ =	swait.ge [sflag:s26], $0x4000  }
0xf3: {  	[sflag:s26] =	ssyncset.done $0x0  }
0xf4: {  	s14 =	rddreg [dreg:$0x7];
	[sflag:s26] =	ssyncadd.s32 $0xFFFFC000  }
0xf5: {  	[spmem:s2] =	stream.indirect.scatter.add.f32 [tilespmem:s24], [sflag:$0x4], $0x80, s14, s21, $0xb8;
	[tilespmem:$0x1CC00] =	vst v63  }
0xf6: {  	_ =	swait.ge [sflag:s19], $0x4000  }
0xf7: {  	[sflag:s19] =	ssyncset.done $0x0  }
0xf8: {  	s13 =	rddreg [dreg:$0x8];
	[sflag:s19] =	ssyncadd.s32 $0xFFFFC000  }
0xf9: {  	[tilespmem:s24], [sflag:$0x2] =	stream.indirect.gather [hbm4b:s1+s21], $0x80, s13, s21, $0xb8;
	[tilespmem:$0x1CC00] =	vst v63  }
0xfa: {  	_ =	swait.ge [sflag:s25], $0x4000  }
0xfb: {  	[sflag:s25] =	ssyncset.done $0x0  }
0xfc: {  	s14 =	rddreg [dreg:$0x9];
	[sflag:s25] =	ssyncadd.s32 $0xFFFFC000  }
0xfd: {  	[spmem:s2] =	stream.indirect.scatter.add.f32 [tilespmem:s18], [sflag:$0x4], $0x80, s14, s21, $0xb8;
	[tilespmem:$0x1CC00] =	vst v63  }
0xfe: {  	_ =	swait.ge [sflag:s19], $0x4000  }
0xff: {  	[sflag:s19] =	ssyncset.done $0x0  }
0x100: {  	s13 =	rddreg [dreg:$0xa];
	[sflag:s19] =	ssyncadd.s32 $0xFFFFC000  }
0x101: {  	[tilespmem:s18], [sflag:$0x1] =	stream.indirect.gather [hbm4b:s1+s21], $0x80, s13, s21, $0xb8;
	[tilespmem:$0x1CC00] =	vst v63  }
0x102: {  	_ =	swait.ge [sflag:s26], $0x4000  }
0x103: {  	[sflag:s26] =	ssyncset.done $0x0  }
0x104: {  	s14 =	rddreg [dreg:$0xb];
	[sflag:s26] =	ssyncadd.s32 $0xFFFFC000  }
0x105: {  	[spmem:s2] =	stream.indirect.scatter.add.f32 [tilespmem:s24], [sflag:$0x4], $0x80, s14, s21, $0xb8;
	[tilespmem:$0x1CC00] =	vst v63  }
0x106: {  	_ =	swait.ge [sflag:s19], $0x4000  }
0x107: {  	[sflag:s19] =	ssyncset.done $0x0  }
0x108: {  	s13 =	rddreg [dreg:$0xc];
	[sflag:s19] =	ssyncadd.s32 $0xFFFFC000  }
0x109: {  	[tilespmem:s24], [sflag:$0x2] =	stream.indirect.gather [hbm4b:s1+s21], $0x80, s13, s21, $0xb8;
	[tilespmem:$0x1CC00] =	vst v63  }
0x10a: {  	_ =	swait.ge [sflag:s25], $0x4000  }
0x10b: {  	[sflag:s25] =	ssyncset.done $0x0  }
0x10c: {  	s14 =	rddreg [dreg:$0xd];
	[sflag:s25] =	ssyncadd.s32 $0xFFFFC000  }
0x10d: {  	[spmem:s2] =	stream.indirect.scatter.add.f32 [tilespmem:s18], [sflag:$0x4], $0x80, s14, s21, $0xb8;
	[tilespmem:$0x1CC00] =	vst v63  }
0x10e: {  	_ =	swait.ge [sflag:s19], $0x4000  }
0x10f: {  	[sflag:s19] =	ssyncset.done $0x0  }
0x110: {  	s13 =	rddreg [dreg:$0xe];
	[sflag:s19] =	ssyncadd.s32 $0xFFFFC000  }
0x111: {  	[tilespmem:s18], [sflag:$0x1] =	stream.indirect.gather [hbm4b:s1+s21], $0x80, s13, s21, $0xb8;
	[tilespmem:$0x1CC00] =	vst v63  }
0x112: {  	_ =	swait.ge [sflag:s26], $0x4000  }
0x113: {  	[sflag:s26] =	ssyncset.done $0x0  }
0x114: {  	s14 =	rddreg [dreg:$0xf];
	[sflag:s26] =	ssyncadd.s32 $0xFFFFC000  }
0x115: {  	[spmem:s2] =	stream.indirect.scatter.add.f32 [tilespmem:s24], [sflag:$0x4], $0x80, s14, s21, $0xb8;
	[tilespmem:$0x1CC00] =	vst v63  }
0x116: {  	_ =	swait.ge [sflag:s19], $0x4000  }
0x117: {  	[sflag:s19] =	ssyncset.done $0x0  }
0x118: {  	s13 =	rddreg [dreg:$0x10];
	[sflag:s19] =	ssyncadd.s32 $0xFFFFC000  }
0x119: {  	[tilespmem:s24], [sflag:$0x2] =	stream.indirect.gather [hbm4b:s1+s21], $0x80, s13, s21, $0xb8;
	[tilespmem:$0x1CC00] =	vst v63  }
0x11a: {  	_ =	swait.ge [sflag:s25], $0x4000  }
0x11b: {  	[sflag:s25] =	ssyncset.done $0x0  }
0x11c: {  	s14 =	rddreg [dreg:$0x11];
	[sflag:s25] =	ssyncadd.s32 $0xFFFFC000  }
0x11d: {  	[spmem:s2] =	stream.indirect.scatter.add.f32 [tilespmem:s18], [sflag:$0x4], $0x80, s14, s21, $0xb8;
	[tilespmem:$0x1CC00] =	vst v63  }
0x11e: {  	_ =	swait.ge [sflag:s19], $0x4000  }
0x11f: {  	[sflag:s19] =	ssyncset.done $0x0  }
0x120: {  	[sflag:s19] =	ssyncadd.s32 $0xFFFFC000  }
0x121: {  	_ =	swait.ge [sflag:s28], $0x400  }
0x122: {  	[sflag:s28] =	ssyncset.done $0x0  }
0x123: {  	[sflag:s28] =	ssyncadd.s32 $0xFFFFFC00  }
0x124: {  	_ =	swait.ge [sflag:s28], $0x400  }
0x125: {  	[sflag:s28] =	ssyncset.done $0x0  }
0x126: {  	[sflag:s28] =	ssyncadd.s32 $0xFFFFFC00  }
0x127: {  	[tilespmem:s18], [sflag:$0x1] =	stream.indirect.gather [hbm4b:s1+s21], $0x80, s22, s21, $0xb8;
	[tilespmem:$0x1CC00] =	vst v63  }
0x128: {  	_ =	swait.ge [sflag:s26], $0x4000  }
0x129: {  	[sflag:s26] =	ssyncset.done $0x0  }
0x12a: {  	s17 =	sadd.s32 $0x800, s17;
	s13 =	rddreg [dreg:$0x12];
	[sflag:s26] =	ssyncadd.s32 $0xFFFFC000  }
0x12b: {  	[spmem:s2] =	stream.indirect.scatter.add.f32 [tilespmem:s24], [sflag:$0x4], $0x80, s13, s21, $0xb8;
	[tilespmem:$0x1CC00] =	vst v63  }
0x12c: {  	s11 =	smov.u32 s10;
	p1 =	seq.s32 s7, $0x400;
	_ =	swait.ge [sflag:s19], $0x4000  }
0x12d: {  	s7 =	smov.u32 s11;
	s12 =	sshrl.u32 @!p1 s17, $0x3;
	[sflag:s19] =	ssyncset.done $0x0  }
0x12e: {  	s11 =	simm.s32 @!p1 $0x0;
	s13 =	sadd.s32 @!p1 s5, s12;
	[sflag:s19] =	ssyncadd.s32 $0xFFFFC000  }
0x12f: {  	[tilespmem:s11], [sflag:$0x3] =	stream.linear.gather @!p1 [hbm4b:s13+s11], $0x400, $0x38;
	[tilespmem:$0x1CC00] =	vst v63  }
0x130: {  	s12 =	sadd.s32 @!p1 s6, s12;
	s13 =	simm.s32 @!p1 $0x400  }
0x131: {  	[tilespmem:s13], [sflag:$0x3] =	stream.linear.gather @!p1 [hbm4b:s12+s11], $0x400, $0x38;
	[tilespmem:$0x1CC00] =	vst v63  }
0x132: {  	s14 =	rddreg [dreg:$0x13]  }
0x133: {  	[tilespmem:s24], [sflag:$0x2] =	stream.indirect.gather [hbm4b:s1+s21], $0x80, s14, s21, $0xb8;
	[tilespmem:$0x1CC00] =	vst v63  }
0x134: {  	_ =	swait.ge [sflag:s25], $0x4000  }
0x135: {  	[sflag:s25] =	ssyncset.done $0x0  }
0x136: {  	[sflag:s25] =	ssyncadd.s32 $0xFFFFC000  }
0x137: {  	[spmem:s2] =	stream.indirect.scatter.add.f32 [tilespmem:s18], [sflag:$0x4], $0x80, s23, s21, $0xb8;
	[tilespmem:$0x1CC00] =	vst v63  }
0x138: {  	_ =	swait.ge [sflag:s19], $0x4000  }
0x139: {  	[sflag:s19] =	ssyncset.done $0x0  }
0x13a: {  	s14 =	rddreg [dreg:$0x14];
	[sflag:s19] =	ssyncadd.s32 $0xFFFFC000  }
0x13b: {  	[tilespmem:s18], [sflag:$0x1] =	stream.indirect.gather [hbm4b:s1+s21], $0x80, s14, s21, $0xb8;
	[tilespmem:$0x1CC00] =	vst v63  }
0x13c: {  	_ =	swait.ge [sflag:s26], $0x4000  }
0x13d: {  	[sflag:s26] =	ssyncset.done $0x0  }
0x13e: {  	s13 =	rddreg [dreg:$0x15];
	[sflag:s26] =	ssyncadd.s32 $0xFFFFC000  }
0x13f: {  	[spmem:s2] =	stream.indirect.scatter.add.f32 [tilespmem:s24], [sflag:$0x4], $0x80, s13, s21, $0xb8;
	[tilespmem:$0x1CC00] =	vst v63  }
0x140: {  	_ =	swait.ge [sflag:s19], $0x4000  }
0x141: {  	[sflag:s19] =	ssyncset.done $0x0  }
0x142: {  	s14 =	rddreg [dreg:$0x16];
	[sflag:s19] =	ssyncadd.s32 $0xFFFFC000  }
0x143: {  	[tilespmem:s24], [sflag:$0x2] =	stream.indirect.gather [hbm4b:s1+s21], $0x80, s14, s21, $0xb8;
	[tilespmem:$0x1CC00] =	vst v63  }
0x144: {  	_ =	swait.ge [sflag:s25], $0x4000  }
0x145: {  	[sflag:s25] =	ssyncset.done $0x0  }
0x146: {  	s13 =	rddreg [dreg:$0x17];
	[sflag:s25] =	ssyncadd.s32 $0xFFFFC000  }
0x147: {  	[spmem:s2] =	stream.indirect.scatter.add.f32 [tilespmem:s18], [sflag:$0x4], $0x80, s13, s21, $0xb8;
	[tilespmem:$0x1CC00] =	vst v63  }
0x148: {  	_ =	swait.ge [sflag:s19], $0x4000  }
0x149: {  	[sflag:s19] =	ssyncset.done $0x0  }
0x14a: {  	s14 =	rddreg [dreg:$0x18];
	[sflag:s19] =	ssyncadd.s32 $0xFFFFC000  }
0x14b: {  	[tilespmem:s18], [sflag:$0x1] =	stream.indirect.gather [hbm4b:s1+s21], $0x80, s14, s21, $0xb8;
	[tilespmem:$0x1CC00] =	vst v63  }
0x14c: {  	_ =	swait.ge [sflag:s26], $0x4000  }
0x14d: {  	[sflag:s26] =	ssyncset.done $0x0  }
0x14e: {  	s13 =	rddreg [dreg:$0x19];
	[sflag:s26] =	ssyncadd.s32 $0xFFFFC000  }
0x14f: {  	[spmem:s2] =	stream.indirect.scatter.add.f32 [tilespmem:s24], [sflag:$0x4], $0x80, s13, s21, $0xb8;
	[tilespmem:$0x1CC00] =	vst v63  }
0x150: {  	_ =	swait.ge [sflag:s19], $0x4000  }
0x151: {  	[sflag:s19] =	ssyncset.done $0x0  }
0x152: {  	s14 =	rddreg [dreg:$0x1a];
	[sflag:s19] =	ssyncadd.s32 $0xFFFFC000  }
0x153: {  	[tilespmem:s24], [sflag:$0x2] =	stream.indirect.gather [hbm4b:s1+s21], $0x80, s14, s21, $0xb8;
	[tilespmem:$0x1CC00] =	vst v63  }
0x154: {  	_ =	swait.ge [sflag:s25], $0x4000  }
0x155: {  	[sflag:s25] =	ssyncset.done $0x0  }
0x156: {  	s13 =	rddreg [dreg:$0x1b];
	[sflag:s25] =	ssyncadd.s32 $0xFFFFC000  }
0x157: {  	[spmem:s2] =	stream.indirect.scatter.add.f32 [tilespmem:s18], [sflag:$0x4], $0x80, s13, s21, $0xb8;
	[tilespmem:$0x1CC00] =	vst v63  }
0x158: {  	_ =	swait.ge [sflag:s19], $0x4000  }
0x159: {  	[sflag:s19] =	ssyncset.done $0x0  }
0x15a: {  	s14 =	rddreg [dreg:$0x1c];
	[sflag:s19] =	ssyncadd.s32 $0xFFFFC000  }
0x15b: {  	[tilespmem:s18], [sflag:$0x1] =	stream.indirect.gather [hbm4b:s1+s21], $0x80, s14, s21, $0xb8;
	[tilespmem:$0x1CC00] =	vst v63  }
0x15c: {  	_ =	swait.ge [sflag:s26], $0x4000  }
0x15d: {  	[sflag:s26] =	ssyncset.done $0x0  }
0x15e: {  	[sflag:s26] =	ssyncadd.s32 $0xFFFFC000  }
0x15f: {  	[spmem:s2] =	stream.indirect.scatter.add.f32 [tilespmem:s24], [sflag:$0x4], $0x80, s29, s21, $0xb8;
	[tilespmem:$0x1CC00] =	vst v63  }
0x160: {  	_ =	swait.ge [sflag:s19], $0x4000  }
0x161: {  	[sflag:s19] =	ssyncset.done $0x0  }
0x162: {  	[sflag:s19] =	ssyncadd.s32 $0xFFFFC000  }
0x163: {  	[tilespmem:s24], [sflag:$0x2] =	stream.indirect.gather [hbm4b:s1+s21], $0x80, s30, s21, $0xb8;
	[tilespmem:$0x1CC00] =	vst v63  }
0x164: {  	_ =	swait.ge [sflag:s25], $0x4000  }
0x165: {  	[sflag:s25] =	ssyncset.done $0x0  }
0x166: {  	[sflag:s25] =	ssyncadd.s32 $0xFFFFC000  }
0x167: {  	[spmem:s2] =	stream.indirect.scatter.add.f32 [tilespmem:s18], [sflag:$0x4], $0x80, s31, s21, $0xb8;
	[tilespmem:$0x1CC00] =	vst v63  }
0x168: {  	_ =	swait.ge [sflag:s19], $0x4000  }
0x169: {  	[sflag:s19] =	ssyncset.done $0x0  }
0x16a: {  	s12 =	simm.s32 @!p1 $0x3;
	[sflag:s19] =	ssyncadd.s32 $0xFFFFC000  }
0x16b: {  	_ =	swait.ge @!p1 [sflag:s12], $0x400  }
0x16c: {  	[sflag:s12] =	ssyncset.done @!p1 $0x0  }
0x16d: {  	[sflag:s12] =	ssyncadd.s32 @!p1 $0xFFFFFC00  }
0x16e: {  	_ =	swait.ge @!p1 [sflag:s12], $0x400  }
0x16f: {  	s10 =	sadd.s32 $0x100, s10;
	[sflag:s12] =	ssyncset.done @!p1 $0x0  }
0x170: {  	s13 =	simm.s32 @!p1 $0x1000;
	[sflag:s12] =	ssyncadd.s32 @!p1 $0xFFFFFC00;
	s12 =	simm.s32 @!p1 $0x80  }
0x171: {  	[tilespmem:s13], [sflag:$0x1] =	stream.indirect.gather @!p1 [hbm4b:s1+s12], $0x80, s11, s12, $0xb8;
	[tilespmem:$0x1CC00] =	vst v63  }
0x172: {  	p0 =	sne.s32 s10, $0x500;
	_ =	swait.ge [sflag:s26], $0x4000  }
.Ltmp0:
0x173: {  	[sflag:s26] =	ssyncset.done $0x0;
	(pc) =	sbr.rel @p0 .LBB2_2-.Ltmp0, $4  }
0x174: {  	[sflag:s26] =	ssyncadd.s32 $0xFFFFC000  }
0x175: {  	[spmem:s2] =	stream.indirect.scatter.add.f32 [tilespmem:s24], [sflag:$0x4], $0x80, s0, s21, $0xb8;
	[tilespmem:$0x1CC00] =	vst v63  }
0x176: {  	_ =	swait.ge [sflag:s19], $0x4000  }
0x177: {  	s12 =	rddreg [dreg:$0x5];
	[sflag:s19] =	ssyncset.done $0x0  }
0x178: {  	s10 =	rddreg [dreg:$0x4];
	[sflag:s19] =	ssyncadd.s32 $0xFFFFC000;
	s11 =	sadd.s32 s7, s12  }
0x179: {  	[tilespmem:s22], [sflag:$0x3] =	stream.linear.gather [hbm4b:s11+s4], $0x400, $0x38;
	[tilespmem:$0x1CC00] =	vst v63  }
0x17a: {  	s10 =	sadd.s32 s7, s10  }
0x17b: {  	[tilespmem:s23], [sflag:$0x3] =	stream.linear.gather [hbm4b:s10+s4], $0x400, $0x38;
	[tilespmem:$0x1CC00] =	vst v63  }
0x17c: {  	_ = 	snop  }
0x17d: {  	[tilespmem:s24], [sflag:$0x2] =	stream.indirect.gather [hbm4b:s1+s21], $0x80, s21, s21, $0xb8;
	[tilespmem:$0x1CC00] =	vst v63  }
0x17e: {  	_ =	swait.ge [sflag:s25], $0x4000  }
0x17f: {  	[sflag:s25] =	ssyncset.done $0x0  }
0x180: {  	[sflag:s25] =	ssyncadd.s32 $0xFFFFC000  }
0x181: {  	[spmem:s2] =	stream.indirect.scatter.add.f32 [tilespmem:s18], [sflag:$0x4], $0x80, s20, s21, $0xb8;
	[tilespmem:$0x1CC00] =	vst v63  }
0x182: {  	_ =	swait.ge [sflag:s19], $0x4000  }
0x183: {  	[sflag:s19] =	ssyncset.done $0x0  }
0x184: {  	s13 =	rddreg [dreg:$0x6];
	[sflag:s19] =	ssyncadd.s32 $0xFFFFC000  }
0x185: {  	[tilespmem:s18], [sflag:$0x1] =	stream.indirect.gather [hbm4b:s1+s21], $0x80, s13, s21, $0xb8;
	[tilespmem:$0x1CC00] =	vst v63  }
0x186: {  	_ =	swait.ge [sflag:s26], $0x4000  }
0x187: {  	[sflag:s26] =	ssyncset.done $0x0  }
0x188: {  	s14 =	rddreg [dreg:$0x7];
	[sflag:s26] =	ssyncadd.s32 $0xFFFFC000  }
0x189: {  	[spmem:s2] =	stream.indirect.scatter.add.f32 [tilespmem:s24], [sflag:$0x4], $0x80, s14, s21, $0xb8;
	[tilespmem:$0x1CC00] =	vst v63  }
0x18a: {  	_ =	swait.ge [sflag:s19], $0x4000  }
0x18b: {  	[sflag:s19] =	ssyncset.done $0x0  }
0x18c: {  	s11 =	rddreg [dreg:$0x8];
	[sflag:s19] =	ssyncadd.s32 $0xFFFFC000  }
0x18d: {  	[tilespmem:s24], [sflag:$0x2] =	stream.indirect.gather [hbm4b:s1+s21], $0x80, s11, s21, $0xb8;
	[tilespmem:$0x1CC00] =	vst v63  }
0x18e: {  	_ =	swait.ge [sflag:s25], $0x4000  }
0x18f: {  	[sflag:s25] =	ssyncset.done $0x0  }
0x190: {  	s12 =	rddreg [dreg:$0x9];
	[sflag:s25] =	ssyncadd.s32 $0xFFFFC000  }
0x191: {  	[spmem:s2] =	stream.indirect.scatter.add.f32 [tilespmem:s18], [sflag:$0x4], $0x80, s12, s21, $0xb8;
	[tilespmem:$0x1CC00] =	vst v63  }
0x192: {  	_ =	swait.ge [sflag:s19], $0x4000  }
0x193: {  	[sflag:s19] =	ssyncset.done $0x0  }
0x194: {  	s13 =	rddreg [dreg:$0xa];
	[sflag:s19] =	ssyncadd.s32 $0xFFFFC000  }
0x195: {  	[tilespmem:s18], [sflag:$0x1] =	stream.indirect.gather [hbm4b:s1+s21], $0x80, s13, s21, $0xb8;
	[tilespmem:$0x1CC00] =	vst v63  }
0x196: {  	_ =	swait.ge [sflag:s26], $0x4000  }
0x197: {  	[sflag:s26] =	ssyncset.done $0x0  }
0x198: {  	s14 =	rddreg [dreg:$0xb];
	[sflag:s26] =	ssyncadd.s32 $0xFFFFC000  }
0x199: {  	[spmem:s2] =	stream.indirect.scatter.add.f32 [tilespmem:s24], [sflag:$0x4], $0x80, s14, s21, $0xb8;
	[tilespmem:$0x1CC00] =	vst v63  }
0x19a: {  	_ =	swait.ge [sflag:s19], $0x4000  }
0x19b: {  	[sflag:s19] =	ssyncset.done $0x0  }
0x19c: {  	s11 =	rddreg [dreg:$0xc];
	[sflag:s19] =	ssyncadd.s32 $0xFFFFC000  }
0x19d: {  	[tilespmem:s24], [sflag:$0x2] =	stream.indirect.gather [hbm4b:s1+s21], $0x80, s11, s21, $0xb8;
	[tilespmem:$0x1CC00] =	vst v63  }
0x19e: {  	_ =	swait.ge [sflag:s25], $0x4000  }
0x19f: {  	[sflag:s25] =	ssyncset.done $0x0  }
0x1a0: {  	s12 =	rddreg [dreg:$0xd];
	[sflag:s25] =	ssyncadd.s32 $0xFFFFC000  }
0x1a1: {  	[spmem:s2] =	stream.indirect.scatter.add.f32 [tilespmem:s18], [sflag:$0x4], $0x80, s12, s21, $0xb8;
	[tilespmem:$0x1CC00] =	vst v63  }
0x1a2: {  	_ =	swait.ge [sflag:s19], $0x4000  }
0x1a3: {  	[sflag:s19] =	ssyncset.done $0x0  }
0x1a4: {  	s13 =	rddreg [dreg:$0xe];
	[sflag:s19] =	ssyncadd.s32 $0xFFFFC000  }
0x1a5: {  	[tilespmem:s18], [sflag:$0x1] =	stream.indirect.gather [hbm4b:s1+s21], $0x80, s13, s21, $0xb8;
	[tilespmem:$0x1CC00] =	vst v63  }
0x1a6: {  	_ =	swait.ge [sflag:s26], $0x4000  }
0x1a7: {  	[sflag:s26] =	ssyncset.done $0x0  }
0x1a8: {  	s14 =	rddreg [dreg:$0xf];
	[sflag:s26] =	ssyncadd.s32 $0xFFFFC000  }
0x1a9: {  	[spmem:s2] =	stream.indirect.scatter.add.f32 [tilespmem:s24], [sflag:$0x4], $0x80, s14, s21, $0xb8;
	[tilespmem:$0x1CC00] =	vst v63  }
0x1aa: {  	_ =	swait.ge [sflag:s19], $0x4000  }
0x1ab: {  	[sflag:s19] =	ssyncset.done $0x0  }
0x1ac: {  	s11 =	rddreg [dreg:$0x10];
	[sflag:s19] =	ssyncadd.s32 $0xFFFFC000  }
0x1ad: {  	[tilespmem:s24], [sflag:$0x2] =	stream.indirect.gather [hbm4b:s1+s21], $0x80, s11, s21, $0xb8;
	[tilespmem:$0x1CC00] =	vst v63  }
0x1ae: {  	_ =	swait.ge [sflag:s25], $0x4000  }
0x1af: {  	[sflag:s25] =	ssyncset.done $0x0  }
0x1b0: {  	s12 =	rddreg [dreg:$0x11];
	[sflag:s25] =	ssyncadd.s32 $0xFFFFC000  }
0x1b1: {  	[spmem:s2] =	stream.indirect.scatter.add.f32 [tilespmem:s18], [sflag:$0x4], $0x80, s12, s21, $0xb8;
	[tilespmem:$0x1CC00] =	vst v63  }
0x1b2: {  	_ =	swait.ge [sflag:s19], $0x4000  }
0x1b3: {  	[sflag:s19] =	ssyncset.done $0x0  }
0x1b4: {  	[sflag:s19] =	ssyncadd.s32 $0xFFFFC000  }
0x1b5: {  	_ =	swait.ge [sflag:s28], $0x400  }
0x1b6: {  	[sflag:s28] =	ssyncset.done $0x0  }
0x1b7: {  	[sflag:s28] =	ssyncadd.s32 $0xFFFFFC00  }
0x1b8: {  	_ =	swait.ge [sflag:s28], $0x400  }
0x1b9: {  	[sflag:s28] =	ssyncset.done $0x0  }
0x1ba: {  	[sflag:s28] =	ssyncadd.s32 $0xFFFFFC00  }
0x1bb: {  	[tilespmem:s18], [sflag:$0x1] =	stream.indirect.gather [hbm4b:s1+s21], $0x80, s22, s21, $0xb8;
	[tilespmem:$0x1CC00] =	vst v63  }
0x1bc: {  	_ =	swait.ge [sflag:s26], $0x4000  }
0x1bd: {  	[sflag:s26] =	ssyncset.done $0x0  }
0x1be: {  	s13 =	rddreg [dreg:$0x12];
	[sflag:s26] =	ssyncadd.s32 $0xFFFFC000  }
0x1bf: {  	[spmem:s2] =	stream.indirect.scatter.add.f32 [tilespmem:s24], [sflag:$0x4], $0x80, s13, s21, $0xb8;
	[tilespmem:$0x1CC00] =	vst v63  }
0x1c0: {  	p0 =	seq.s32 s7, $0x400;
	s10 =	sadd.s32 $0x800, s17;
	_ =	swait.ge [sflag:s19], $0x4000  }
0x1c1: {  	s10 =	sshrl.u32 @!p0 s10, $0x3;
	[sflag:s19] =	ssyncset.done $0x0  }
0x1c2: {  	s7 =	simm.s32 @!p0 $0x0;
	s11 =	sadd.s32 @!p0 s5, s10;
	[sflag:s19] =	ssyncadd.s32 $0xFFFFC000  }
0x1c3: {  	[tilespmem:s7], [sflag:$0x3] =	stream.linear.gather @!p0 [hbm4b:s11+s7], $0x400, $0x38;
	[tilespmem:$0x1CC00] =	vst v63  }
0x1c4: {  	s10 =	sadd.s32 @!p0 s6, s10;
	s11 =	simm.s32 @!p0 $0x400  }
0x1c5: {  	[tilespmem:s11], [sflag:$0x3] =	stream.linear.gather @!p0 [hbm4b:s10+s7], $0x400, $0x38;
	[tilespmem:$0x1CC00] =	vst v63  }
0x1c6: {  	s14 =	rddreg [dreg:$0x13]  }
0x1c7: {  	[tilespmem:s24], [sflag:$0x2] =	stream.indirect.gather [hbm4b:s1+s21], $0x80, s14, s21, $0xb8;
	[tilespmem:$0x1CC00] =	vst v63  }
0x1c8: {  	_ =	swait.ge [sflag:s25], $0x4000  }
0x1c9: {  	[sflag:s25] =	ssyncset.done $0x0  }
0x1ca: {  	[sflag:s25] =	ssyncadd.s32 $0xFFFFC000  }
0x1cb: {  	[spmem:s2] =	stream.indirect.scatter.add.f32 [tilespmem:s18], [sflag:$0x4], $0x80, s23, s21, $0xb8;
	[tilespmem:$0x1CC00] =	vst v63  }
0x1cc: {  	_ =	swait.ge [sflag:s19], $0x4000  }
0x1cd: {  	[sflag:s19] =	ssyncset.done $0x0  }
0x1ce: {  	s17 =	rddreg [dreg:$0x14];
	[sflag:s19] =	ssyncadd.s32 $0xFFFFC000  }
0x1cf: {  	[tilespmem:s18], [sflag:$0x1] =	stream.indirect.gather [hbm4b:s1+s21], $0x80, s17, s21, $0xb8;
	[tilespmem:$0x1CC00] =	vst v63  }
0x1d0: {  	_ =	swait.ge [sflag:s26], $0x4000  }
0x1d1: {  	[sflag:s26] =	ssyncset.done $0x0  }
0x1d2: {  	s11 =	rddreg [dreg:$0x15];
	[sflag:s26] =	ssyncadd.s32 $0xFFFFC000  }
0x1d3: {  	[spmem:s2] =	stream.indirect.scatter.add.f32 [tilespmem:s24], [sflag:$0x4], $0x80, s11, s21, $0xb8;
	[tilespmem:$0x1CC00] =	vst v63  }
0x1d4: {  	_ =	swait.ge [sflag:s19], $0x4000  }
0x1d5: {  	[sflag:s19] =	ssyncset.done $0x0  }
0x1d6: {  	s12 =	rddreg [dreg:$0x16];
	[sflag:s19] =	ssyncadd.s32 $0xFFFFC000  }
0x1d7: {  	[tilespmem:s24], [sflag:$0x2] =	stream.indirect.gather [hbm4b:s1+s21], $0x80, s12, s21, $0xb8;
	[tilespmem:$0x1CC00] =	vst v63  }
0x1d8: {  	_ =	swait.ge [sflag:s25], $0x4000  }
0x1d9: {  	[sflag:s25] =	ssyncset.done $0x0  }
0x1da: {  	s13 =	rddreg [dreg:$0x17];
	[sflag:s25] =	ssyncadd.s32 $0xFFFFC000  }
0x1db: {  	[spmem:s2] =	stream.indirect.scatter.add.f32 [tilespmem:s18], [sflag:$0x4], $0x80, s13, s21, $0xb8;
	[tilespmem:$0x1CC00] =	vst v63  }
0x1dc: {  	_ =	swait.ge [sflag:s19], $0x4000  }
0x1dd: {  	[sflag:s19] =	ssyncset.done $0x0  }
0x1de: {  	s14 =	rddreg [dreg:$0x18];
	[sflag:s19] =	ssyncadd.s32 $0xFFFFC000  }
0x1df: {  	[tilespmem:s18], [sflag:$0x1] =	stream.indirect.gather [hbm4b:s1+s21], $0x80, s14, s21, $0xb8;
	[tilespmem:$0x1CC00] =	vst v63  }
0x1e0: {  	_ =	swait.ge [sflag:s26], $0x4000  }
0x1e1: {  	[sflag:s26] =	ssyncset.done $0x0  }
0x1e2: {  	s17 =	rddreg [dreg:$0x19];
	[sflag:s26] =	ssyncadd.s32 $0xFFFFC000  }
0x1e3: {  	[spmem:s2] =	stream.indirect.scatter.add.f32 [tilespmem:s24], [sflag:$0x4], $0x80, s17, s21, $0xb8;
	[tilespmem:$0x1CC00] =	vst v63  }
0x1e4: {  	_ =	swait.ge [sflag:s19], $0x4000  }
0x1e5: {  	[sflag:s19] =	ssyncset.done $0x0  }
0x1e6: {  	s11 =	rddreg [dreg:$0x1a];
	[sflag:s19] =	ssyncadd.s32 $0xFFFFC000  }
0x1e7: {  	[tilespmem:s24], [sflag:$0x2] =	stream.indirect.gather [hbm4b:s1+s21], $0x80, s11, s21, $0xb8;
	[tilespmem:$0x1CC00] =	vst v63  }
0x1e8: {  	_ =	swait.ge [sflag:s25], $0x4000  }
0x1e9: {  	[sflag:s25] =	ssyncset.done $0x0  }
0x1ea: {  	s12 =	rddreg [dreg:$0x1b];
	[sflag:s25] =	ssyncadd.s32 $0xFFFFC000  }
0x1eb: {  	[spmem:s2] =	stream.indirect.scatter.add.f32 [tilespmem:s18], [sflag:$0x4], $0x80, s12, s21, $0xb8;
	[tilespmem:$0x1CC00] =	vst v63  }
0x1ec: {  	_ =	swait.ge [sflag:s19], $0x4000  }
0x1ed: {  	[sflag:s19] =	ssyncset.done $0x0  }
0x1ee: {  	s13 =	rddreg [dreg:$0x1c];
	[sflag:s19] =	ssyncadd.s32 $0xFFFFC000  }
0x1ef: {  	[tilespmem:s18], [sflag:$0x1] =	stream.indirect.gather [hbm4b:s1+s21], $0x80, s13, s21, $0xb8;
	[tilespmem:$0x1CC00] =	vst v63  }
0x1f0: {  	_ =	swait.ge [sflag:s26], $0x4000  }
0x1f1: {  	[sflag:s26] =	ssyncset.done $0x0  }
0x1f2: {  	[sflag:s26] =	ssyncadd.s32 $0xFFFFC000  }
0x1f3: {  	[spmem:s2] =	stream.indirect.scatter.add.f32 [tilespmem:s24], [sflag:$0x4], $0x80, s29, s21, $0xb8;
	[tilespmem:$0x1CC00] =	vst v63  }
0x1f4: {  	_ =	swait.ge [sflag:s19], $0x4000  }
0x1f5: {  	[sflag:s19] =	ssyncset.done $0x0  }
0x1f6: {  	[sflag:s19] =	ssyncadd.s32 $0xFFFFC000  }
0x1f7: {  	[tilespmem:s24], [sflag:$0x2] =	stream.indirect.gather [hbm4b:s1+s21], $0x80, s30, s21, $0xb8;
	[tilespmem:$0x1CC00] =	vst v63  }
0x1f8: {  	_ =	swait.ge [sflag:s25], $0x4000  }
0x1f9: {  	[sflag:s25] =	ssyncset.done $0x0  }
0x1fa: {  	[sflag:s25] =	ssyncadd.s32 $0xFFFFC000  }
0x1fb: {  	[spmem:s2] =	stream.indirect.scatter.add.f32 [tilespmem:s18], [sflag:$0x4], $0x80, s31, s21, $0xb8;
	[tilespmem:$0x1CC00] =	vst v63  }
0x1fc: {  	_ =	swait.ge [sflag:s19], $0x4000  }
0x1fd: {  	[sflag:s19] =	ssyncset.done $0x0  }
0x1fe: {  	s10 =	simm.s32 @!p0 $0x3;
	[sflag:s19] =	ssyncadd.s32 $0xFFFFC000  }
0x1ff: {  	_ =	swait.ge @!p0 [sflag:s10], $0x400  }
0x200: {  	[sflag:s10] =	ssyncset.done @!p0 $0x0  }
0x201: {  	[sflag:s10] =	ssyncadd.s32 @!p0 $0xFFFFFC00  }
0x202: {  	_ =	swait.ge @!p0 [sflag:s10], $0x400  }
0x203: {  	[sflag:s10] =	ssyncset.done @!p0 $0x0  }
0x204: {  	s11 =	simm.s32 @!p0 $0x1000;
	[sflag:s10] =	ssyncadd.s32 @!p0 $0xFFFFFC00;
	s10 =	simm.s32 @!p0 $0x80  }
0x205: {  	[tilespmem:s11], [sflag:$0x1] =	stream.indirect.gather @!p0 [hbm4b:s1+s10], $0x80, s7, s10, $0xb8;
	[tilespmem:$0x1CC00] =	vst v63  }
0x206: {  	_ =	swait.ge [sflag:s26], $0x4000  }
0x207: {  	[sflag:s26] =	ssyncset.done $0x0  }
0x208: {  	[sflag:s26] =	ssyncadd.s32 $0xFFFFC000  }
0x209: {  	[spmem:s2] =	stream.indirect.scatter.add.f32 [tilespmem:s24], [sflag:$0x4], $0x80, s0, s21, $0xb8;
	[tilespmem:$0x1CC00] =	vst v63  }
0x20a: {  	s3 =	sadd.s32 $0x1, s3;
	_ =	swait.ge [sflag:s19], $0x4000  }
0x20b: {  	s14 =	stileid.u32;
	s17 =	sshrl.u32 s8, $0x3;
	[sflag:s19] =	ssyncset.done $0x0  }
0x20c: {  	s7 =	sshll.u32 s14, $0x6;
	p0 =	sne.s32 s3, s16;
	[sflag:s19] =	ssyncadd.s32 $0xFFFFC000  }
.Ltmp1:
0x20d: {  	s7 =	sor.u32 $0x1C04, s7;
	[bflag:$0x0] =	sbarrier.arrive $0xFFFF;
	(pc) =	sbr.rel @p0 .LBB2_1-.Ltmp1, $4  }
0x20e: {  	[hbm:s15], [sflag:s7] =	dma.local [spmem:s17], $0x2780  }
0x20f: {  	_ =	swait.ge [sflag:s19], $0x2780  }
0x210: {  	[sflag:s19] =	ssyncset.done $0x0  }
0x211: {  	[sflag:s19] =	ssyncadd.s32 $0xFFFFD880  }
0x212: {  	_ =	sfence.sel $0x180000  }
0x213: {  	[bflag:$0x0] =	sbarrier.arrive $0xFFFF  }
0x214: {  	_ =	strace $0x9000004A  }
0x215: {  	s0 =	stileid.u32;
	[bflag:$0x2] =	sbarrier.arrive $0xFFFF  }
0x216: {  	p0 =	sne.s32 s0, $0x0;
	s0 =	rddreg [dreg:$0x3]  }
0x217: {  	s0 =	sadd.s32 @!p0 $0x100000, s0  }
0x218: {  	[sflag:s0] =	ssyncadd.tile.s32 @!p0 $0x1;
	_ =	shalt  }
.Lfunc_end2:
_tile_overlayer_lowered:
.L_overlay_start_2:
0x219: {  	(tag) =	ssettag $0x2  }
0x21a: {  	s0 =	rddreg [dreg:$0x0];
	s2 =	stileid.u32  }
0x21b: {  	s1 =	rddreg [dreg:$0x1];
	p0 =	sne.s32 s2, $0x0  }
0x21c: {  	s3 =	rddreg [dreg:$0x2];
	[bflag:$0x3] =	sbarrier.arrive $0xFFFF;
	s2 =	simm.s32 @!p0 $0x1C04  }
0x21d: {  	[timem:s3], [sflag:s2] =	dma.local @!p0 [hbm:s0], s1  }
0x21e: {  	s0 =	simm.s32 @!p0 $0x4  }
0x21f: {  	_ =	swait.ge @!p0 [sflag:s0], s1  }
0x220: {  	s1 =	ssub.s32 @!p0 $0x0, s1;
	[sflag:s0] =	ssyncset.done @!p0 $0x0  }
0x221: {  	[sflag:s0] =	ssyncadd.s32 @!p0 s1  }
0x222: {  	[bflag:$0x3] =	sbarrier.arrive $0xFFFF  }
0x223: {  	_ =	shalt  }

</sc_bundles>
